<compile_context>
chip_gen: v7x
topology: tpu7x:2x2x1
jax: 0.10.2.dev20260603
libtpu: 0.0.44.dev20260713+nightly
codegen_flags: <defaults>
</compile_context>

<pallas_src>
import functools
import math

import jax
import jax.numpy as jnp
from jax import lax
from jax.experimental import pallas as pl
from jax.experimental.pallas import tpu as pltpu, tpu_sc as plsc

B = 16384
E = 384
EP = 256
EH = E - EP
H = 4
DH = E // H
K = 1024
S = 3

NC = 2
NS = 16
NW = NC * NS


def _sc_gather(t0, t1, t2, cb0, cb1, cb2, rows):
    B_PER_W = rows // NW
    CH = min(128, B_PER_W)
    NCHUNK = B_PER_W // CH
    mesh = plsc.VectorSubcoreMesh(
        core_axis_name="c", subcore_axis_name="s",
        num_cores=NC, num_subcores=NS)

    @functools.partial(
        pl.kernel,
        out_type=jax.ShapeDtypeStruct((S, rows, EP), jnp.int32),
        mesh=mesh,
        scratch_types=[
            pltpu.VMEM((B_PER_W,), jnp.int32),
            pltpu.VMEM((B_PER_W,), jnp.int32),
            pltpu.VMEM((B_PER_W,), jnp.int32),
            pltpu.VMEM((CH, EP), jnp.int32),
            pltpu.VMEM((CH, EP), jnp.int32),
            pltpu.SemaphoreType.DMA,
            pltpu.SemaphoreType.DMA,
            pltpu.SemaphoreType.DMA,
            pltpu.SemaphoreType.DMA,
        ],
    )
    def gather_kernel(t0_hbm, t1_hbm, t2_hbm, cb0_hbm, cb1_hbm, cb2_hbm,
                      out_hbm, idx0_v, idx1_v, idx2_v, buf0, buf1,
                      sg0, sg1, sw0, sw1):
        wid = lax.axis_index("s") * NC + lax.axis_index("c")
        base = wid * B_PER_W
        tok_refs = (t0_hbm, t1_hbm, t2_hbm)
        cb_refs = (cb0_hbm, cb1_hbm, cb2_hbm)
        idx_refs = (idx0_v, idx1_v, idx2_v)
        for ti in range(S):
            pltpu.sync_copy(tok_refs[ti].at[pl.ds(base, B_PER_W)],
                            idx_refs[ti])

        bufs = (buf0, buf1)
        gsems = (sg0, sg1)
        wsems = (sw0, sw1)
        chunks = [(ti, c) for ti in range(S) for c in range(NCHUNK)]
        n_total = len(chunks)

        def start_gather(n):
            ti, c = chunks[n]
            return pltpu.async_copy(
                cb_refs[ti].at[idx_refs[ti].at[pl.ds(c * CH, CH)]],
                bufs[n % 2], gsems[n % 2])

        def start_write(n):
            ti, c = chunks[n]
            return pltpu.async_copy(
                bufs[n % 2],
                out_hbm.at[ti, pl.ds(base + c * CH, CH)],
                wsems[n % 2])

        cp_g = start_gather(0)
        cp_w = [None, None]
        for n in range(n_total):
            nxt = None
            if n + 1 < n_total:
                nb = (n + 1) % 2
                if cp_w[nb] is not None:
                    cp_w[nb].wait()
                    cp_w[nb] = None
                nxt = start_gather(n + 1)
            cp_g.wait()
            cp_w[n % 2] = start_write(n)
            cp_g = nxt
        for w in cp_w:
            if w is not None:
                w.wait()

    return gather_kernel(t0, t1, t2, cb0, cb1, cb2)


BB = 1024
EPS = 1e-5
SCALE = 1.0 / math.sqrt(DH)


def _tc_body(g_ref, wlo_ref, whi_ref, bqkv_ref, hm_ref, hmt_ref, wo_ref,
             bo_ref, gamma_ref, beta_ref, prev_ref, out_ref):
    _tc_body_first(g_ref, wlo_ref, whi_ref, bqkv_ref, hm_ref, hmt_ref,
                   wo_ref, bo_ref, gamma_ref, beta_ref, out_ref)


def _tc_body_first(g_ref, wlo_ref, whi_ref, bqkv_ref, hm_ref, hmt_ref, wo_ref,
                   bo_ref, gamma_ref, beta_ref, out_ref):
    gi = g_ref[...].reshape(S * BB, EP)
    elo = lax.bitcast_convert_type(gi << 16, jnp.float32)
    ehi = lax.bitcast_convert_type(gi & jnp.int32(-65536),
                                   jnp.float32)[:, :EH]
    e = jnp.concatenate([elo, ehi], axis=1)
    qkv = (jnp.dot(elo.astype(jnp.bfloat16), wlo_ref[...],
                   preferred_element_type=jnp.float32)
           + jnp.dot(ehi.astype(jnp.bfloat16), whi_ref[...],
                     preferred_element_type=jnp.float32)
           ).astype(jnp.bfloat16) + bqkv_ref[...]
    q = [qkv[i * BB:(i + 1) * BB, 0:E] for i in range(S)]
    k = [qkv[i * BB:(i + 1) * BB, E:2 * E] for i in range(S)]
    v = [qkv[i * BB:(i + 1) * BB, 2 * E:3 * E] for i in range(S)]

    hm = hm_ref[...]
    hmt = hmt_ref[...]
    s = [[jnp.dot(q[i] * k[j], hm, preferred_element_type=jnp.float32)
          for j in range(S)] for i in range(S)]

    acc_y = None
    for i in range(S):
        ex = [jnp.exp(s[i][j]) for j in range(S)]
        inv = 1.0 / (ex[0] + ex[1] + ex[2])
        acc = None
        for j in range(S):
            a = (ex[j] * inv).astype(jnp.bfloat16)
            aexp = jnp.dot(a, hmt,
                           preferred_element_type=jnp.float32
                           ).astype(jnp.bfloat16)
            av = aexp * v[j]
            acc = av if acc is None else acc + av
        x = jnp.dot(acc, wo_ref[...],
                    preferred_element_type=jnp.float32) + bo_ref[...]             + e[i * BB:(i + 1) * BB]
        mu = jnp.mean(x, axis=-1, keepdims=True)
        xc = x - mu
        var = jnp.mean(xc * xc, axis=-1, keepdims=True)
        y = xc * lax.rsqrt(var + EPS) * gamma_ref[...] + beta_ref[...]
        acc_y = y if acc_y is None else acc_y + y
    out_ref[...] = acc_y * (1.0 / 3.0)


def _tc_compute(g, wlo16, whi16, bqkv, hm16, hmt16, wo16, bo2, gamma2, beta2,
                prev, block0):
    rows = g.shape[1]
    n_blocks = rows // BB
    const = lambda b: (0, 0)
    in_specs = [
        pl.BlockSpec((S, BB, EP), lambda b: (0, b, 0)),
        pl.BlockSpec((EP, 3 * E), const),
        pl.BlockSpec((EH, 3 * E), const),
        pl.BlockSpec((1, 3 * E), const),
        pl.BlockSpec((E, H), const),
        pl.BlockSpec((H, E), const),
        pl.BlockSpec((E, E), const),
        pl.BlockSpec((1, E), const),
        pl.BlockSpec((1, E), const),
        pl.BlockSpec((1, E), const),
    ]
    args = [g, wlo16, whi16, bqkv, hm16, hmt16, wo16, bo2, gamma2, beta2]
    aliases = {}
    body = _tc_body_first
    if prev is not None:
        in_specs.append(pl.BlockSpec(memory_space=pltpu.MemorySpace.HBM))
        args.append(prev)
        aliases = {10: 0}
        body = _tc_body
    return pl.pallas_call(
        body,
        grid=(n_blocks,),
        in_specs=in_specs,
        out_specs=pl.BlockSpec((BB, E), lambda b, _b0=block0: (_b0 + b, 0)),
        out_shape=jax.ShapeDtypeStruct((B, E), jnp.float32),
        input_output_aliases=aliases,
        compiler_params=pltpu.CompilerParams(
            dimension_semantics=("parallel",)),
    )(*args)


CHUNKS = (2048, 2048, 4096, 8192)


def _pack(cb):
    cb16 = cb.astype(jnp.bfloat16)
    lo = cb16[:, :EP]
    hi = jnp.pad(cb16[:, EP:], ((0, 0), (0, EP - EH)))
    return lax.bitcast_convert_type(jnp.stack([lo, hi], axis=-1), jnp.int32)


def kernel(tokens, cb0, cb1, cb2, Wq, bq, Wk, bk, Wv, bv, Wo, bo, gamma, beta):
    t0 = tokens[:, 0]
    t1 = tokens[:, 1]
    t2 = tokens[:, 2]
    cb0p = _pack(cb0)
    cb1p = _pack(cb1)
    cb2p = _pack(cb2)

    wqkv16 = jnp.concatenate([Wq.T, Wk.T, Wv.T], axis=1).astype(jnp.bfloat16)
    wlo16 = wqkv16[:EP]
    whi16 = wqkv16[EP:]
    bqkv = jnp.concatenate([bq, bk, bv]).reshape(1, 3 * E).astype(jnp.bfloat16)
    head_of = jnp.arange(E, dtype=jnp.int32) // DH
    hm = (head_of[:, None] == jnp.arange(H, dtype=jnp.int32)[None, :])
    hm16 = (hm.astype(jnp.float32) * SCALE).astype(jnp.bfloat16)
    hmt16 = hm.T.astype(jnp.bfloat16)
    wo16 = Wo.T.astype(jnp.bfloat16)
    bo2 = bo.reshape(1, E)
    gamma2 = gamma.reshape(1, E)
    beta2 = beta.reshape(1, E)

    feat = None
    row0 = 0
    for rows in CHUNKS:
        sl = slice(row0, row0 + rows)
        g = _sc_gather(t0[sl], t1[sl], t2[sl], cb0p, cb1p, cb2p, rows)
        feat = _tc_compute(g, wlo16, whi16, bqkv, hm16, hmt16, wo16,
                           bo2, gamma2, beta2, feat, row0 // BB)
        row0 += rows
    return feat

# --- scband reference (transcript-rebuilt; emitter-appended) ---
"""Pipeline reference for scband-hierarchical-feature-extractor-5145370820715 (READ-ONLY COPY).

The authoritative reference and input builder live on the scoring server;
editing this copy changes nothing except your own understanding.
"""

import jax, jax.numpy as jnp
import numpy as np

B = 16384
E = 384
H = 4
K = 1024


def setup_inputs(seed: int = 0):
    key = jax.random.key(seed)
    ks = jax.random.split(key, 8)
    tokens = jax.random.randint(ks[0], (B, 3), 0, K)
    cb0 = jax.random.normal(ks[1], (K, E), dtype=jnp.float32) * 0.02
    cb1 = jax.random.normal(ks[2], (K, E), dtype=jnp.float32) * 0.02
    cb2 = jax.random.normal(ks[3], (K, E), dtype=jnp.float32) * 0.02
    Wq = jax.random.normal(ks[4], (E, E), dtype=jnp.float32) * 0.02
    Wk = jax.random.normal(ks[5], (E, E), dtype=jnp.float32) * 0.02
    Wv = jax.random.normal(ks[6], (E, E), dtype=jnp.float32) * 0.02
    Wo = jax.random.normal(ks[7], (E, E), dtype=jnp.float32) * 0.02
    bq = jnp.zeros((E,), jnp.float32)
    bk = jnp.zeros((E,), jnp.float32)
    bv = jnp.zeros((E,), jnp.float32)
    bo = jnp.zeros((E,), jnp.float32)
    gamma = jnp.ones((E,), jnp.float32)
    beta = jnp.zeros((E,), jnp.float32)
    return {"tokens": tokens, "cb0": cb0, "cb1": cb1, "cb2": cb2,
            "Wq": Wq, "bq": bq, "Wk": Wk, "bk": bk, "Wv": Wv, "bv": bv,
            "Wo": Wo, "bo": bo, "gamma": gamma, "beta": beta}


def _layer_norm(x, g, b, eps=1e-5):
    m = x.mean(-1, keepdims=True)
    v = ((x - m) ** 2).mean(-1, keepdims=True)
    return (x - m) / jnp.sqrt(v + eps) * g + b


def _mha(seq, Wq, bq, Wk, bk, Wv, bv, Wo, bo):
    Bsz, S, Emb = seq.shape
    Dh = Emb // H
    q = (seq @ Wq.T + bq).reshape(Bsz, S, H, Dh).transpose(0, 2, 1, 3)
    k = (seq @ Wk.T + bk).reshape(Bsz, S, H, Dh).transpose(0, 2, 1, 3)
    v = (seq @ Wv.T + bv).reshape(Bsz, S, H, Dh).transpose(0, 2, 1, 3)
    scores = (q @ k.transpose(0, 1, 3, 2)) / np.sqrt(Dh).astype(np.float32)
    attn = jax.nn.softmax(scores, axis=-1)
    out = (attn @ v).transpose(0, 2, 1, 3).reshape(Bsz, S, Emb)
    return out @ Wo.T + bo


def reference(tokens, cb0, cb1, cb2, Wq, bq, Wk, bk, Wv, bv, Wo, bo, gamma, beta):
    # frozen codebook lookups (torch.no_grad in original)
    e0 = jnp.take(cb0, tokens[:, 0], axis=0)
    e1 = jnp.take(cb1, tokens[:, 1], axis=0)
    e2 = jnp.take(cb2, tokens[:, 2], axis=0)
    seq = jnp.stack([e0, e1, e2], axis=1)  # [B, 3, E]
    attended = _mha(seq, Wq, bq, Wk, bk, Wv, bv, Wo, bo)
    attended = _layer_norm(attended + seq, gamma, beta)
    feat = attended.mean(axis=1)  # [B, E]
    return feat

if __name__ == "__main__":
    import jax
    _d = setup_inputs()
    print(jax.jit(kernel)(*tuple(_d.values())))

</pallas_src>

<mosaic_0001>
#map = affine_map<(d0, d1) -> (0)>
#map1 = affine_map<(d0, d1) -> (0, 0)>
#map2 = affine_map<(d0, d1) -> (0, 0, 0)>
module attributes {stable_mosaic.version = 14 : i64} {
  func.func @gather_kernel(%arg0: i32, %arg1: i32, %arg2: memref<8192xi32, #tpu.memory_space<hbm>>, %arg3: memref<8192xi32, #tpu.memory_space<hbm>>, %arg4: memref<8192xi32, #tpu.memory_space<hbm>>, %arg5: memref<1024x256xi32, #tpu.memory_space<hbm>>, %arg6: memref<1024x256xi32, #tpu.memory_space<hbm>>, %arg7: memref<1024x256xi32, #tpu.memory_space<hbm>>, %arg8: memref<3x8192x256xi32, #tpu.memory_space<hbm>>, %arg9: memref<256xi32, #tpu.memory_space<vmem>>, %arg10: memref<256xi32, #tpu.memory_space<vmem>>, %arg11: memref<256xi32, #tpu.memory_space<vmem>>, %arg12: memref<128x256xi32, #tpu.memory_space<vmem>>, %arg13: memref<128x256xi32, #tpu.memory_space<vmem>>, %arg14: memref<!tpu.dma_semaphore, #tpu.memory_space<semaphore_mem>>, %arg15: memref<!tpu.dma_semaphore, #tpu.memory_space<semaphore_mem>>, %arg16: memref<!tpu.dma_semaphore, #tpu.memory_space<semaphore_mem>>, %arg17: memref<!tpu.dma_semaphore, #tpu.memory_space<semaphore_mem>>) attributes {dimension_semantics = [#tpu.dimension_semantics<core_parallel>, #tpu.dimension_semantics<subcore_parallel>], iteration_bounds = array<i64: 2, 16>, scalar_prefetch = 0 : i64, scratch_operands = 9 : i64, tpu.core_type = #tpu.core_type<sc_vector_subcore>, window_params = [{transform_indices = #map}, {transform_indices = #map}, {transform_indices = #map}, {transform_indices = #map1}, {transform_indices = #map1}, {transform_indices = #map1}, {transform_indices = #map2}]} {
    %mul3A = arith.constant 2 : i32
    %mul3A_0 = arith.muli %arg1, %mul3A : i32
    %add3A = arith.addi %mul3A_0, %arg0 : i32
    %mul3A_1 = arith.constant 256 : i32
    %mul3A_2 = arith.muli %add3A, %mul3A_1 : i32
    "tpu.region"() ({
      %run_scoped3A = tpu.sem_alloc : memref<!tpu.dma_semaphore, #tpu.memory_space<semaphore_mem>>
      %dma_start3A_157 = tpu.memref_slice %arg2[%mul3A_2] : memref<8192xi32, #tpu.memory_space<hbm>> -> memref<256xi32, #tpu.memory_space<hbm>>
      %dma_start3A_158 = tpu.memref_slice %arg2[%mul3A_2] : memref<8192xi32, #tpu.memory_space<hbm>> -> memref<256xi32, #tpu.memory_space<hbm>>
      tpu.enqueue_dma source(%dma_start3A_158 : memref<256xi32, #tpu.memory_space<hbm>>) target(%arg9 : memref<256xi32, #tpu.memory_space<vmem>>) target_semaphore(%run_scoped3A : memref<!tpu.dma_semaphore, #tpu.memory_space<semaphore_mem>>)
      %dma_wait3A_159 = tpu.memref_slice %arg2[%mul3A_2] : memref<8192xi32, #tpu.memory_space<hbm>> -> memref<256xi32, #tpu.memory_space<hbm>>
      %dma_wait3A_160 = tpu.memref_slice %arg2[%mul3A_2] : memref<8192xi32, #tpu.memory_space<hbm>> -> memref<256xi32, #tpu.memory_space<hbm>>
      tpu.wait_dma2 semaphore(%run_scoped3A : memref<!tpu.dma_semaphore, #tpu.memory_space<semaphore_mem>>) src(%dma_wait3A_160 : memref<256xi32, #tpu.memory_space<hbm>>) dst(%arg9 : memref<256xi32, #tpu.memory_space<vmem>>)
      tpu.yield
    }) : () -> ()
    "tpu.region"() ({
      %run_scoped3A = tpu.sem_alloc : memref<!tpu.dma_semaphore, #tpu.memory_space<semaphore_mem>>
      %dma_start3A_157 = tpu.memref_slice %arg3[%mul3A_2] : memref<8192xi32, #tpu.memory_space<hbm>> -> memref<256xi32, #tpu.memory_space<hbm>>
      %dma_start3A_158 = tpu.memref_slice %arg3[%mul3A_2] : memref<8192xi32, #tpu.memory_space<hbm>> -> memref<256xi32, #tpu.memory_space<hbm>>
      tpu.enqueue_dma source(%dma_start3A_158 : memref<256xi32, #tpu.memory_space<hbm>>) target(%arg10 : memref<256xi32, #tpu.memory_space<vmem>>) target_semaphore(%run_scoped3A : memref<!tpu.dma_semaphore, #tpu.memory_space<semaphore_mem>>)
      %dma_wait3A_159 = tpu.memref_slice %arg3[%mul3A_2] : memref<8192xi32, #tpu.memory_space<hbm>> -> memref<256xi32, #tpu.memory_space<hbm>>
      %dma_wait3A_160 = tpu.memref_slice %arg3[%mul3A_2] : memref<8192xi32, #tpu.memory_space<hbm>> -> memref<256xi32, #tpu.memory_space<hbm>>
      tpu.wait_dma2 semaphore(%run_scoped3A : memref<!tpu.dma_semaphore, #tpu.memory_space<semaphore_mem>>) src(%dma_wait3A_160 : memref<256xi32, #tpu.memory_space<hbm>>) dst(%arg10 : memref<256xi32, #tpu.memory_space<vmem>>)
      tpu.yield
    }) : () -> ()
    "tpu.region"() ({
      %run_scoped3A = tpu.sem_alloc : memref<!tpu.dma_semaphore, #tpu.memory_space<semaphore_mem>>
      %dma_start3A_157 = tpu.memref_slice %arg4[%mul3A_2] : memref<8192xi32, #tpu.memory_space<hbm>> -> memref<256xi32, #tpu.memory_space<hbm>>
      %dma_start3A_158 = tpu.memref_slice %arg4[%mul3A_2] : memref<8192xi32, #tpu.memory_space<hbm>> -> memref<256xi32, #tpu.memory_space<hbm>>
      tpu.enqueue_dma source(%dma_start3A_158 : memref<256xi32, #tpu.memory_space<hbm>>) target(%arg11 : memref<256xi32, #tpu.memory_space<vmem>>) target_semaphore(%run_scoped3A : memref<!tpu.dma_semaphore, #tpu.memory_space<semaphore_mem>>)
      %dma_wait3A_159 = tpu.memref_slice %arg4[%mul3A_2] : memref<8192xi32, #tpu.memory_space<hbm>> -> memref<256xi32, #tpu.memory_space<hbm>>
      %dma_wait3A_160 = tpu.memref_slice %arg4[%mul3A_2] : memref<8192xi32, #tpu.memory_space<hbm>> -> memref<256xi32, #tpu.memory_space<hbm>>
      tpu.wait_dma2 semaphore(%run_scoped3A : memref<!tpu.dma_semaphore, #tpu.memory_space<semaphore_mem>>) src(%dma_wait3A_160 : memref<256xi32, #tpu.memory_space<hbm>>) dst(%arg11 : memref<256xi32, #tpu.memory_space<vmem>>)
      tpu.yield
    }) : () -> ()
    %dma_start3A = arith.constant 0 : i32
    %dma_start3A_3 = tpu.memref_slice %arg9[%dma_start3A] : memref<256xi32, #tpu.memory_space<vmem>> -> memref<128xi32, #tpu.memory_space<vmem>>
    %dma_start3A_4 = arith.constant 0 : i32
    %dma_start3A_5 = arith.constant 0 : i32
    %dma_start3A_6 = tpu.memref_slice %arg5[%dma_start3A_4, %dma_start3A_5] : memref<1024x256xi32, #tpu.memory_space<hbm>> -> memref<1024x256xi32, #tpu.memory_space<hbm>>
    tpu.enqueue_indirect_dma source(%dma_start3A_6 : memref<1024x256xi32, #tpu.memory_space<hbm>>) target(%arg12 : memref<128x256xi32, #tpu.memory_space<vmem>>) offsets(%dma_start3A_3 : memref<128xi32, #tpu.memory_space<vmem>>) semaphore(%arg14 : memref<!tpu.dma_semaphore, #tpu.memory_space<semaphore_mem>>)
    %dma_start3A_7 = arith.constant 128 : i32
    %dma_start3A_8 = tpu.memref_slice %arg9[%dma_start3A_7] : memref<256xi32, #tpu.memory_space<vmem>> -> memref<128xi32, #tpu.memory_space<vmem>>
    %dma_start3A_9 = arith.constant 0 : i32
    %dma_start3A_10 = arith.constant 0 : i32
    %dma_start3A_11 = tpu.memref_slice %arg5[%dma_start3A_9, %dma_start3A_10] : memref<1024x256xi32, #tpu.memory_space<hbm>> -> memref<1024x256xi32, #tpu.memory_space<hbm>>
    tpu.enqueue_indirect_dma source(%dma_start3A_11 : memref<1024x256xi32, #tpu.memory_space<hbm>>) target(%arg13 : memref<128x256xi32, #tpu.memory_space<vmem>>) offsets(%dma_start3A_8 : memref<128xi32, #tpu.memory_space<vmem>>) semaphore(%arg15 : memref<!tpu.dma_semaphore, #tpu.memory_space<semaphore_mem>>)
    %dma_wait3A = arith.constant 0 : i32
    %dma_wait3A_12 = tpu.memref_slice %arg9[%dma_wait3A] : memref<256xi32, #tpu.memory_space<vmem>> -> memref<128xi32, #tpu.memory_space<vmem>>
    %dma_wait3A_13 = arith.constant 0 : i32
    %dma_wait3A_14 = arith.constant 0 : i32
    %dma_wait3A_15 = tpu.memref_slice %arg5[%dma_wait3A_13, %dma_wait3A_14] : memref<1024x256xi32, #tpu.memory_space<hbm>> -> memref<1024x256xi32, #tpu.memory_space<hbm>>
    tpu.wait_indirect_dma semaphore(%arg14 : memref<!tpu.dma_semaphore, #tpu.memory_space<semaphore_mem>>) src(%dma_wait3A_15 : memref<1024x256xi32, #tpu.memory_space<hbm>>) dst(%arg12 : memref<128x256xi32, #tpu.memory_space<vmem>>)
    %add3A_16 = arith.constant 0 : i32
    %add3A_17 = arith.addi %mul3A_2, %add3A_16 : i32
    %dma_start3A_18 = arith.constant 0 : i32
    %dma_start3A_19 = arith.constant 0 : i32
    %dma_start3A_20 = tpu.memref_slice %arg8[%dma_start3A_18, %add3A_17, %dma_start3A_19] : memref<3x8192x256xi32, #tpu.memory_space<hbm>> -> memref<1x128x256xi32, #tpu.memory_space<hbm>>
    %dma_start3A_21 = tpu.memref_squeeze %dma_start3A_20 : memref<1x128x256xi32, #tpu.memory_space<hbm>> -> memref<128x256xi32, #tpu.memory_space<hbm>>
    %dma_start3A_22 = arith.constant 0 : i32
    %dma_start3A_23 = tpu.memref_slice %arg8[%dma_start3A_18, %add3A_17, %dma_start3A_22] : memref<3x8192x256xi32, #tpu.memory_space<hbm>> -> memref<1x128x256xi32, #tpu.memory_space<hbm>>
    %dma_start3A_24 = tpu.memref_squeeze %dma_start3A_23 : memref<1x128x256xi32, #tpu.memory_space<hbm>> -> memref<128x256xi32, #tpu.memory_space<hbm>>
    tpu.enqueue_dma source(%arg12 : memref<128x256xi32, #tpu.memory_space<vmem>>) target(%dma_start3A_24 : memref<128x256xi32, #tpu.memory_space<hbm>>) target_semaphore(%arg16 : memref<!tpu.dma_semaphore, #tpu.memory_space<semaphore_mem>>)
    %dma_wait3A_25 = arith.constant 0 : i32
    %dma_wait3A_26 = arith.constant 0 : i32
    %dma_wait3A_27 = tpu.memref_slice %arg8[%dma_wait3A_25, %add3A_17, %dma_wait3A_26] : memref<3x8192x256xi32, #tpu.memory_space<hbm>> -> memref<1x128x256xi32, #tpu.memory_space<hbm>>
    %dma_wait3A_28 = tpu.memref_squeeze %dma_wait3A_27 : memref<1x128x256xi32, #tpu.memory_space<hbm>> -> memref<128x256xi32, #tpu.memory_space<hbm>>
    %dma_wait3A_29 = arith.constant 0 : i32
    %dma_wait3A_30 = tpu.memref_slice %arg8[%dma_wait3A_25, %add3A_17, %dma_wait3A_29] : memref<3x8192x256xi32, #tpu.memory_space<hbm>> -> memref<1x128x256xi32, #tpu.memory_space<hbm>>
    %dma_wait3A_31 = tpu.memref_squeeze %dma_wait3A_30 : memref<1x128x256xi32, #tpu.memory_space<hbm>> -> memref<128x256xi32, #tpu.memory_space<hbm>>
    tpu.wait_dma2 semaphore(%arg16 : memref<!tpu.dma_semaphore, #tpu.memory_space<semaphore_mem>>) src(%arg12 : memref<128x256xi32, #tpu.memory_space<vmem>>) dst(%dma_wait3A_31 : memref<128x256xi32, #tpu.memory_space<hbm>>)
    %dma_start3A_32 = arith.constant 0 : i32
    %dma_start3A_33 = tpu.memref_slice %arg10[%dma_start3A_32] : memref<256xi32, #tpu.memory_space<vmem>> -> memref<128xi32, #tpu.memory_space<vmem>>
    %dma_start3A_34 = arith.constant 0 : i32
    %dma_start3A_35 = arith.constant 0 : i32
    %dma_start3A_36 = tpu.memref_slice %arg6[%dma_start3A_34, %dma_start3A_35] : memref<1024x256xi32, #tpu.memory_space<hbm>> -> memref<1024x256xi32, #tpu.memory_space<hbm>>
    tpu.enqueue_indirect_dma source(%dma_start3A_36 : memref<1024x256xi32, #tpu.memory_space<hbm>>) target(%arg12 : memref<128x256xi32, #tpu.memory_space<vmem>>) offsets(%dma_start3A_33 : memref<128xi32, #tpu.memory_space<vmem>>) semaphore(%arg14 : memref<!tpu.dma_semaphore, #tpu.memory_space<semaphore_mem>>)
    %dma_wait3A_37 = arith.constant 128 : i32
    %dma_wait3A_38 = tpu.memref_slice %arg9[%dma_wait3A_37] : memref<256xi32, #tpu.memory_space<vmem>> -> memref<128xi32, #tpu.memory_space<vmem>>
    %dma_wait3A_39 = arith.constant 0 : i32
    %dma_wait3A_40 = arith.constant 0 : i32
    %dma_wait3A_41 = tpu.memref_slice %arg5[%dma_wait3A_39, %dma_wait3A_40] : memref<1024x256xi32, #tpu.memory_space<hbm>> -> memref<1024x256xi32, #tpu.memory_space<hbm>>
    tpu.wait_indirect_dma semaphore(%arg15 : memref<!tpu.dma_semaphore, #tpu.memory_space<semaphore_mem>>) src(%dma_wait3A_41 : memref<1024x256xi32, #tpu.memory_space<hbm>>) dst(%arg13 : memref<128x256xi32, #tpu.memory_space<vmem>>)
    %add3A_42 = arith.constant 128 : i32
    %add3A_43 = arith.addi %mul3A_2, %add3A_42 : i32
    %dma_start3A_44 = arith.constant 0 : i32
    %dma_start3A_45 = arith.constant 0 : i32
    %dma_start3A_46 = tpu.memref_slice %arg8[%dma_start3A_44, %add3A_43, %dma_start3A_45] : memref<3x8192x256xi32, #tpu.memory_space<hbm>> -> memref<1x128x256xi32, #tpu.memory_space<hbm>>
    %dma_start3A_47 = tpu.memref_squeeze %dma_start3A_46 : memref<1x128x256xi32, #tpu.memory_space<hbm>> -> memref<128x256xi32, #tpu.memory_space<hbm>>
    %dma_start3A_48 = arith.constant 0 : i32
    %dma_start3A_49 = tpu.memref_slice %arg8[%dma_start3A_44, %add3A_43, %dma_start3A_48] : memref<3x8192x256xi32, #tpu.memory_space<hbm>> -> memref<1x128x256xi32, #tpu.memory_space<hbm>>
    %dma_start3A_50 = tpu.memref_squeeze %dma_start3A_49 : memref<1x128x256xi32, #tpu.memory_space<hbm>> -> memref<128x256xi32, #tpu.memory_space<hbm>>
    tpu.enqueue_dma source(%arg13 : memref<128x256xi32, #tpu.memory_space<vmem>>) target(%dma_start3A_50 : memref<128x256xi32, #tpu.memory_space<hbm>>) target_semaphore(%arg17 : memref<!tpu.dma_semaphore, #tpu.memory_space<semaphore_mem>>)
    %dma_wait3A_51 = arith.constant 0 : i32
    %dma_wait3A_52 = arith.constant 0 : i32
    %dma_wait3A_53 = tpu.memref_slice %arg8[%dma_wait3A_51, %add3A_43, %dma_wait3A_52] : memref<3x8192x256xi32, #tpu.memory_space<hbm>> -> memref<1x128x256xi32, #tpu.memory_space<hbm>>
    %dma_wait3A_54 = tpu.memref_squeeze %dma_wait3A_53 : memref<1x128x256xi32, #tpu.memory_space<hbm>> -> memref<128x256xi32, #tpu.memory_space<hbm>>
    %dma_wait3A_55 = arith.constant 0 : i32
    %dma_wait3A_56 = tpu.memref_slice %arg8[%dma_wait3A_51, %add3A_43, %dma_wait3A_55] : memref<3x8192x256xi32, #tpu.memory_space<hbm>> -> memref<1x128x256xi32, #tpu.memory_space<hbm>>
    %dma_wait3A_57 = tpu.memref_squeeze %dma_wait3A_56 : memref<1x128x256xi32, #tpu.memory_space<hbm>> -> memref<128x256xi32, #tpu.memory_space<hbm>>
    tpu.wait_dma2 semaphore(%arg17 : memref<!tpu.dma_semaphore, #tpu.memory_space<semaphore_mem>>) src(%arg13 : memref<128x256xi32, #tpu.memory_space<vmem>>) dst(%dma_wait3A_57 : memref<128x256xi32, #tpu.memory_space<hbm>>)
    %dma_start3A_58 = arith.constant 128 : i32
    %dma_start3A_59 = tpu.memref_slice %arg10[%dma_start3A_58] : memref<256xi32, #tpu.memory_space<vmem>> -> memref<128xi32, #tpu.memory_space<vmem>>
    %dma_start3A_60 = arith.constant 0 : i32
    %dma_start3A_61 = arith.constant 0 : i32
    %dma_start3A_62 = tpu.memref_slice %arg6[%dma_start3A_60, %dma_start3A_61] : memref<1024x256xi32, #tpu.memory_space<hbm>> -> memref<1024x256xi32, #tpu.memory_space<hbm>>
    tpu.enqueue_indirect_dma source(%dma_start3A_62 : memref<1024x256xi32, #tpu.memory_space<hbm>>) target(%arg13 : memref<128x256xi32, #tpu.memory_space<vmem>>) offsets(%dma_start3A_59 : memref<128xi32, #tpu.memory_space<vmem>>) semaphore(%arg15 : memref<!tpu.dma_semaphore, #tpu.memory_space<semaphore_mem>>)
    %dma_wait3A_63 = arith.constant 0 : i32
    %dma_wait3A_64 = tpu.memref_slice %arg10[%dma_wait3A_63] : memref<256xi32, #tpu.memory_space<vmem>> -> memref<128xi32, #tpu.memory_space<vmem>>
    %dma_wait3A_65 = arith.constant 0 : i32
    %dma_wait3A_66 = arith.constant 0 : i32
    %dma_wait3A_67 = tpu.memref_slice %arg6[%dma_wait3A_65, %dma_wait3A_66] : memref<1024x256xi32, #tpu.memory_space<hbm>> -> memref<1024x256xi32, #tpu.memory_space<hbm>>
    tpu.wait_indirect_dma semaphore(%arg14 : memref<!tpu.dma_semaphore, #tpu.memory_space<semaphore_mem>>) src(%dma_wait3A_67 : memref<1024x256xi32, #tpu.memory_space<hbm>>) dst(%arg12 : memref<128x256xi32, #tpu.memory_space<vmem>>)
    %add3A_68 = arith.constant 0 : i32
    %add3A_69 = arith.addi %mul3A_2, %add3A_68 : i32
    %dma_start3A_70 = arith.constant 1 : i32
    %dma_start3A_71 = arith.constant 0 : i32
    %dma_start3A_72 = tpu.memref_slice %arg8[%dma_start3A_70, %add3A_69, %dma_start3A_71] : memref<3x8192x256xi32, #tpu.memory_space<hbm>> -> memref<1x128x256xi32, #tpu.memory_space<hbm>>
    %dma_start3A_73 = tpu.memref_squeeze %dma_start3A_72 : memref<1x128x256xi32, #tpu.memory_space<hbm>> -> memref<128x256xi32, #tpu.memory_space<hbm>>
    %dma_start3A_74 = arith.constant 0 : i32
    %dma_start3A_75 = tpu.memref_slice %arg8[%dma_start3A_70, %add3A_69, %dma_start3A_74] : memref<3x8192x256xi32, #tpu.memory_space<hbm>> -> memref<1x128x256xi32, #tpu.memory_space<hbm>>
    %dma_start3A_76 = tpu.memref_squeeze %dma_start3A_75 : memref<1x128x256xi32, #tpu.memory_space<hbm>> -> memref<128x256xi32, #tpu.memory_space<hbm>>
    tpu.enqueue_dma source(%arg12 : memref<128x256xi32, #tpu.memory_space<vmem>>) target(%dma_start3A_76 : memref<128x256xi32, #tpu.memory_space<hbm>>) target_semaphore(%arg16 : memref<!tpu.dma_semaphore, #tpu.memory_space<semaphore_mem>>)
    %dma_wait3A_77 = arith.constant 1 : i32
    %dma_wait3A_78 = arith.constant 0 : i32
    %dma_wait3A_79 = tpu.memref_slice %arg8[%dma_wait3A_77, %add3A_69, %dma_wait3A_78] : memref<3x8192x256xi32, #tpu.memory_space<hbm>> -> memref<1x128x256xi32, #tpu.memory_space<hbm>>
    %dma_wait3A_80 = tpu.memref_squeeze %dma_wait3A_79 : memref<1x128x256xi32, #tpu.memory_space<hbm>> -> memref<128x256xi32, #tpu.memory_space<hbm>>
    %dma_wait3A_81 = arith.constant 0 : i32
    %dma_wait3A_82 = tpu.memref_slice %arg8[%dma_wait3A_77, %add3A_69, %dma_wait3A_81] : memref<3x8192x256xi32, #tpu.memory_space<hbm>> -> memref<1x128x256xi32, #tpu.memory_space<hbm>>
    %dma_wait3A_83 = tpu.memref_squeeze %dma_wait3A_82 : memref<1x128x256xi32, #tpu.memory_space<hbm>> -> memref<128x256xi32, #tpu.memory_space<hbm>>
    tpu.wait_dma2 semaphore(%arg16 : memref<!tpu.dma_semaphore, #tpu.memory_space<semaphore_mem>>) src(%arg12 : memref<128x256xi32, #tpu.memory_space<vmem>>) dst(%dma_wait3A_83 : memref<128x256xi32, #tpu.memory_space<hbm>>)
    %dma_start3A_84 = arith.constant 0 : i32
    %dma_start3A_85 = tpu.memref_slice %arg11[%dma_start3A_84] : memref<256xi32, #tpu.memory_space<vmem>> -> memref<128xi32, #tpu.memory_space<vmem>>
    %dma_start3A_86 = arith.constant 0 : i32
    %dma_start3A_87 = arith.constant 0 : i32
    %dma_start3A_88 = tpu.memref_slice %arg7[%dma_start3A_86, %dma_start3A_87] : memref<1024x256xi32, #tpu.memory_space<hbm>> -> memref<1024x256xi32, #tpu.memory_space<hbm>>
    tpu.enqueue_indirect_dma source(%dma_start3A_88 : memref<1024x256xi32, #tpu.memory_space<hbm>>) target(%arg12 : memref<128x256xi32, #tpu.memory_space<vmem>>) offsets(%dma_start3A_85 : memref<128xi32, #tpu.memory_space<vmem>>) semaphore(%arg14 : memref<!tpu.dma_semaphore, #tpu.memory_space<semaphore_mem>>)
    %dma_wait3A_89 = arith.constant 128 : i32
    %dma_wait3A_90 = tpu.memref_slice %arg10[%dma_wait3A_89] : memref<256xi32, #tpu.memory_space<vmem>> -> memref<128xi32, #tpu.memory_space<vmem>>
    %dma_wait3A_91 = arith.constant 0 : i32
    %dma_wait3A_92 = arith.constant 0 : i32
    %dma_wait3A_93 = tpu.memref_slice %arg6[%dma_wait3A_91, %dma_wait3A_92] : memref<1024x256xi32, #tpu.memory_space<hbm>> -> memref<1024x256xi32, #tpu.memory_space<hbm>>
    tpu.wait_indirect_dma semaphore(%arg15 : memref<!tpu.dma_semaphore, #tpu.memory_space<semaphore_mem>>) src(%dma_wait3A_93 : memref<1024x256xi32, #tpu.memory_space<hbm>>) dst(%arg13 : memref<128x256xi32, #tpu.memory_space<vmem>>)
    %add3A_94 = arith.constant 128 : i32
    %add3A_95 = arith.addi %mul3A_2, %add3A_94 : i32
    %dma_start3A_96 = arith.constant 1 : i32
    %dma_start3A_97 = arith.constant 0 : i32
    %dma_start3A_98 = tpu.memref_slice %arg8[%dma_start3A_96, %add3A_95, %dma_start3A_97] : memref<3x8192x256xi32, #tpu.memory_space<hbm>> -> memref<1x128x256xi32, #tpu.memory_space<hbm>>
    %dma_start3A_99 = tpu.memref_squeeze %dma_start3A_98 : memref<1x128x256xi32, #tpu.memory_space<hbm>> -> memref<128x256xi32, #tpu.memory_space<hbm>>
    %dma_start3A_100 = arith.constant 0 : i32
    %dma_start3A_101 = tpu.memref_slice %arg8[%dma_start3A_96, %add3A_95, %dma_start3A_100] : memref<3x8192x256xi32, #tpu.memory_space<hbm>> -> memref<1x128x256xi32, #tpu.memory_space<hbm>>
    %dma_start3A_102 = tpu.memref_squeeze %dma_start3A_101 : memref<1x128x256xi32, #tpu.memory_space<hbm>> -> memref<128x256xi32, #tpu.memory_space<hbm>>
    tpu.enqueue_dma source(%arg13 : memref<128x256xi32, #tpu.memory_space<vmem>>) target(%dma_start3A_102 : memref<128x256xi32, #tpu.memory_space<hbm>>) target_semaphore(%arg17 : memref<!tpu.dma_semaphore, #tpu.memory_space<semaphore_mem>>)
    %dma_wait3A_103 = arith.constant 1 : i32
    %dma_wait3A_104 = arith.constant 0 : i32
    %dma_wait3A_105 = tpu.memref_slice %arg8[%dma_wait3A_103, %add3A_95, %dma_wait3A_104] : memref<3x8192x256xi32, #tpu.memory_space<hbm>> -> memref<1x128x256xi32, #tpu.memory_space<hbm>>
    %dma_wait3A_106 = tpu.memref_squeeze %dma_wait3A_105 : memref<1x128x256xi32, #tpu.memory_space<hbm>> -> memref<128x256xi32, #tpu.memory_space<hbm>>
    %dma_wait3A_107 = arith.constant 0 : i32
    %dma_wait3A_108 = tpu.memref_slice %arg8[%dma_wait3A_103, %add3A_95, %dma_wait3A_107] : memref<3x8192x256xi32, #tpu.memory_space<hbm>> -> memref<1x128x256xi32, #tpu.memory_space<hbm>>
    %dma_wait3A_109 = tpu.memref_squeeze %dma_wait3A_108 : memref<1x128x256xi32, #tpu.memory_space<hbm>> -> memref<128x256xi32, #tpu.memory_space<hbm>>
    tpu.wait_dma2 semaphore(%arg17 : memref<!tpu.dma_semaphore, #tpu.memory_space<semaphore_mem>>) src(%arg13 : memref<128x256xi32, #tpu.memory_space<vmem>>) dst(%dma_wait3A_109 : memref<128x256xi32, #tpu.memory_space<hbm>>)
    %dma_start3A_110 = arith.constant 128 : i32
    %dma_start3A_111 = tpu.memref_slice %arg11[%dma_start3A_110] : memref<256xi32, #tpu.memory_space<vmem>> -> memref<128xi32, #tpu.memory_space<vmem>>
    %dma_start3A_112 = arith.constant 0 : i32
    %dma_start3A_113 = arith.constant 0 : i32
    %dma_start3A_114 = tpu.memref_slice %arg7[%dma_start3A_112, %dma_start3A_113] : memref<1024x256xi32, #tpu.memory_space<hbm>> -> memref<1024x256xi32, #tpu.memory_space<hbm>>
    tpu.enqueue_indirect_dma source(%dma_start3A_114 : memref<1024x256xi32, #tpu.memory_space<hbm>>) target(%arg13 : memref<128x256xi32, #tpu.memory_space<vmem>>) offsets(%dma_start3A_111 : memref<128xi32, #tpu.memory_space<vmem>>) semaphore(%arg15 : memref<!tpu.dma_semaphore, #tpu.memory_space<semaphore_mem>>)
    %dma_wait3A_115 = arith.constant 0 : i32
    %dma_wait3A_116 = tpu.memref_slice %arg11[%dma_wait3A_115] : memref<256xi32, #tpu.memory_space<vmem>> -> memref<128xi32, #tpu.memory_space<vmem>>
    %dma_wait3A_117 = arith.constant 0 : i32
    %dma_wait3A_118 = arith.constant 0 : i32
    %dma_wait3A_119 = tpu.memref_slice %arg7[%dma_wait3A_117, %dma_wait3A_118] : memref<1024x256xi32, #tpu.memory_space<hbm>> -> memref<1024x256xi32, #tpu.memory_space<hbm>>
    tpu.wait_indirect_dma semaphore(%arg14 : memref<!tpu.dma_semaphore, #tpu.memory_space<semaphore_mem>>) src(%dma_wait3A_119 : memref<1024x256xi32, #tpu.memory_space<hbm>>) dst(%arg12 : memref<128x256xi32, #tpu.memory_space<vmem>>)
    %add3A_120 = arith.constant 0 : i32
    %add3A_121 = arith.addi %mul3A_2, %add3A_120 : i32
    %dma_start3A_122 = arith.constant 2 : i32
    %dma_start3A_123 = arith.constant 0 : i32
    %dma_start3A_124 = tpu.memref_slice %arg8[%dma_start3A_122, %add3A_121, %dma_start3A_123] : memref<3x8192x256xi32, #tpu.memory_space<hbm>> -> memref<1x128x256xi32, #tpu.memory_space<hbm>>
    %dma_start3A_125 = tpu.memref_squeeze %dma_start3A_124 : memref<1x128x256xi32, #tpu.memory_space<hbm>> -> memref<128x256xi32, #tpu.memory_space<hbm>>
    %dma_start3A_126 = arith.constant 0 : i32
    %dma_start3A_127 = tpu.memref_slice %arg8[%dma_start3A_122, %add3A_121, %dma_start3A_126] : memref<3x8192x256xi32, #tpu.memory_space<hbm>> -> memref<1x128x256xi32, #tpu.memory_space<hbm>>
    %dma_start3A_128 = tpu.memref_squeeze %dma_start3A_127 : memref<1x128x256xi32, #tpu.memory_space<hbm>> -> memref<128x256xi32, #tpu.memory_space<hbm>>
    tpu.enqueue_dma source(%arg12 : memref<128x256xi32, #tpu.memory_space<vmem>>) target(%dma_start3A_128 : memref<128x256xi32, #tpu.memory_space<hbm>>) target_semaphore(%arg16 : memref<!tpu.dma_semaphore, #tpu.memory_space<semaphore_mem>>)
    %dma_wait3A_129 = arith.constant 128 : i32
    %dma_wait3A_130 = tpu.memref_slice %arg11[%dma_wait3A_129] : memref<256xi32, #tpu.memory_space<vmem>> -> memref<128xi32, #tpu.memory_space<vmem>>
    %dma_wait3A_131 = arith.constant 0 : i32
    %dma_wait3A_132 = arith.constant 0 : i32
    %dma_wait3A_133 = tpu.memref_slice %arg7[%dma_wait3A_131, %dma_wait3A_132] : memref<1024x256xi32, #tpu.memory_space<hbm>> -> memref<1024x256xi32, #tpu.memory_space<hbm>>
    tpu.wait_indirect_dma semaphore(%arg15 : memref<!tpu.dma_semaphore, #tpu.memory_space<semaphore_mem>>) src(%dma_wait3A_133 : memref<1024x256xi32, #tpu.memory_space<hbm>>) dst(%arg13 : memref<128x256xi32, #tpu.memory_space<vmem>>)
    %add3A_134 = arith.constant 128 : i32
    %add3A_135 = arith.addi %mul3A_2, %add3A_134 : i32
    %dma_start3A_136 = arith.constant 2 : i32
    %dma_start3A_137 = arith.constant 0 : i32
    %dma_start3A_138 = tpu.memref_slice %arg8[%dma_start3A_136, %add3A_135, %dma_start3A_137] : memref<3x8192x256xi32, #tpu.memory_space<hbm>> -> memref<1x128x256xi32, #tpu.memory_space<hbm>>
    %dma_start3A_139 = tpu.memref_squeeze %dma_start3A_138 : memref<1x128x256xi32, #tpu.memory_space<hbm>> -> memref<128x256xi32, #tpu.memory_space<hbm>>
    %dma_start3A_140 = arith.constant 0 : i32
    %dma_start3A_141 = tpu.memref_slice %arg8[%dma_start3A_136, %add3A_135, %dma_start3A_140] : memref<3x8192x256xi32, #tpu.memory_space<hbm>> -> memref<1x128x256xi32, #tpu.memory_space<hbm>>
    %dma_start3A_142 = tpu.memref_squeeze %dma_start3A_141 : memref<1x128x256xi32, #tpu.memory_space<hbm>> -> memref<128x256xi32, #tpu.memory_space<hbm>>
    tpu.enqueue_dma source(%arg13 : memref<128x256xi32, #tpu.memory_space<vmem>>) target(%dma_start3A_142 : memref<128x256xi32, #tpu.memory_space<hbm>>) target_semaphore(%arg17 : memref<!tpu.dma_semaphore, #tpu.memory_space<semaphore_mem>>)
    %dma_wait3A_143 = arith.constant 2 : i32
    %dma_wait3A_144 = arith.constant 0 : i32
    %dma_wait3A_145 = tpu.memref_slice %arg8[%dma_wait3A_143, %add3A_121, %dma_wait3A_144] : memref<3x8192x256xi32, #tpu.memory_space<hbm>> -> memref<1x128x256xi32, #tpu.memory_space<hbm>>
    %dma_wait3A_146 = tpu.memref_squeeze %dma_wait3A_145 : memref<1x128x256xi32, #tpu.memory_space<hbm>> -> memref<128x256xi32, #tpu.memory_space<hbm>>
    %dma_wait3A_147 = arith.constant 0 : i32
    %dma_wait3A_148 = tpu.memref_slice %arg8[%dma_wait3A_143, %add3A_121, %dma_wait3A_147] : memref<3x8192x256xi32, #tpu.memory_space<hbm>> -> memref<1x128x256xi32, #tpu.memory_space<hbm>>
    %dma_wait3A_149 = tpu.memref_squeeze %dma_wait3A_148 : memref<1x128x256xi32, #tpu.memory_space<hbm>> -> memref<128x256xi32, #tpu.memory_space<hbm>>
    tpu.wait_dma2 semaphore(%arg16 : memref<!tpu.dma_semaphore, #tpu.memory_space<semaphore_mem>>) src(%arg12 : memref<128x256xi32, #tpu.memory_space<vmem>>) dst(%dma_wait3A_149 : memref<128x256xi32, #tpu.memory_space<hbm>>)
    %dma_wait3A_150 = arith.constant 2 : i32
    %dma_wait3A_151 = arith.constant 0 : i32
    %dma_wait3A_152 = tpu.memref_slice %arg8[%dma_wait3A_150, %add3A_135, %dma_wait3A_151] : memref<3x8192x256xi32, #tpu.memory_space<hbm>> -> memref<1x128x256xi32, #tpu.memory_space<hbm>>
    %dma_wait3A_153 = tpu.memref_squeeze %dma_wait3A_152 : memref<1x128x256xi32, #tpu.memory_space<hbm>> -> memref<128x256xi32, #tpu.memory_space<hbm>>
    %dma_wait3A_154 = arith.constant 0 : i32
    %dma_wait3A_155 = tpu.memref_slice %arg8[%dma_wait3A_150, %add3A_135, %dma_wait3A_154] : memref<3x8192x256xi32, #tpu.memory_space<hbm>> -> memref<1x128x256xi32, #tpu.memory_space<hbm>>
    %dma_wait3A_156 = tpu.memref_squeeze %dma_wait3A_155 : memref<1x128x256xi32, #tpu.memory_space<hbm>> -> memref<128x256xi32, #tpu.memory_space<hbm>>
    tpu.wait_dma2 semaphore(%arg17 : memref<!tpu.dma_semaphore, #tpu.memory_space<semaphore_mem>>) src(%arg13 : memref<128x256xi32, #tpu.memory_space<vmem>>) dst(%dma_wait3A_156 : memref<128x256xi32, #tpu.memory_space<hbm>>)
    return
  }
}

#map = affine_map<(d0, d1) -> (0)>
#map1 = affine_map<(d0, d1) -> (0, 0)>
#map2 = affine_map<(d0, d1) -> (0, 0, 0)>
module attributes {stable_mosaic.version = 14 : i64} {
  func.func @gather_kernel(%arg0: i32, %arg1: i32, %arg2: memref<2048xi32, #tpu.memory_space<hbm>>, %arg3: memref<2048xi32, #tpu.memory_space<hbm>>, %arg4: memref<2048xi32, #tpu.memory_space<hbm>>, %arg5: memref<1024x256xi32, #tpu.memory_space<hbm>>, %arg6: memref<1024x256xi32, #tpu.memory_space<hbm>>, %arg7: memref<1024x256xi32, #tpu.memory_space<hbm>>, %arg8: memref<3x2048x256xi32, #tpu.memory_space<hbm>>, %arg9: memref<64xi32, #tpu.memory_space<vmem>>, %arg10: memref<64xi32, #tpu.memory_space<vmem>>, %arg11: memref<64xi32, #tpu.memory_space<vmem>>, %arg12: memref<64x256xi32, #tpu.memory_space<vmem>>, %arg13: memref<64x256xi32, #tpu.memory_space<vmem>>, %arg14: memref<!tpu.dma_semaphore, #tpu.memory_space<semaphore_mem>>, %arg15: memref<!tpu.dma_semaphore, #tpu.memory_space<semaphore_mem>>, %arg16: memref<!tpu.dma_semaphore, #tpu.memory_space<semaphore_mem>>, %arg17: memref<!tpu.dma_semaphore, #tpu.memory_space<semaphore_mem>>) attributes {dimension_semantics = [#tpu.dimension_semantics<core_parallel>, #tpu.dimension_semantics<subcore_parallel>], iteration_bounds = array<i64: 2, 16>, scalar_prefetch = 0 : i64, scratch_operands = 9 : i64, tpu.core_type = #tpu.core_type<sc_vector_subcore>, window_params = [{transform_indices = #map}, {transform_indices = #map}, {transform_indices = #map}, {transform_indices = #map1}, {transform_indices = #map1}, {transform_indices = #map1}, {transform_indices = #map2}]} {
    %mul3A = arith.constant 2 : i32
    %mul3A_0 = arith.muli %arg1, %mul3A : i32
    %add3A = arith.addi %mul3A_0, %arg0 : i32
    %mul3A_1 = arith.constant 64 : i32
    %mul3A_2 = arith.muli %add3A, %mul3A_1 : i32
    "tpu.region"() ({
      %run_scoped3A = tpu.sem_alloc : memref<!tpu.dma_semaphore, #tpu.memory_space<semaphore_mem>>
      %dma_start3A_79 = tpu.memref_slice %arg2[%mul3A_2] : memref<2048xi32, #tpu.memory_space<hbm>> -> memref<64xi32, #tpu.memory_space<hbm>>
      %dma_start3A_80 = tpu.memref_slice %arg2[%mul3A_2] : memref<2048xi32, #tpu.memory_space<hbm>> -> memref<64xi32, #tpu.memory_space<hbm>>
      tpu.enqueue_dma source(%dma_start3A_80 : memref<64xi32, #tpu.memory_space<hbm>>) target(%arg9 : memref<64xi32, #tpu.memory_space<vmem>>) target_semaphore(%run_scoped3A : memref<!tpu.dma_semaphore, #tpu.memory_space<semaphore_mem>>)
      %dma_wait3A_81 = tpu.memref_slice %arg2[%mul3A_2] : memref<2048xi32, #tpu.memory_space<hbm>> -> memref<64xi32, #tpu.memory_space<hbm>>
      %dma_wait3A_82 = tpu.memref_slice %arg2[%mul3A_2] : memref<2048xi32, #tpu.memory_space<hbm>> -> memref<64xi32, #tpu.memory_space<hbm>>
      tpu.wait_dma2 semaphore(%run_scoped3A : memref<!tpu.dma_semaphore, #tpu.memory_space<semaphore_mem>>) src(%dma_wait3A_82 : memref<64xi32, #tpu.memory_space<hbm>>) dst(%arg9 : memref<64xi32, #tpu.memory_space<vmem>>)
      tpu.yield
    }) : () -> ()
    "tpu.region"() ({
      %run_scoped3A = tpu.sem_alloc : memref<!tpu.dma_semaphore, #tpu.memory_space<semaphore_mem>>
      %dma_start3A_79 = tpu.memref_slice %arg3[%mul3A_2] : memref<2048xi32, #tpu.memory_space<hbm>> -> memref<64xi32, #tpu.memory_space<hbm>>
      %dma_start3A_80 = tpu.memref_slice %arg3[%mul3A_2] : memref<2048xi32, #tpu.memory_space<hbm>> -> memref<64xi32, #tpu.memory_space<hbm>>
      tpu.enqueue_dma source(%dma_start3A_80 : memref<64xi32, #tpu.memory_space<hbm>>) target(%arg10 : memref<64xi32, #tpu.memory_space<vmem>>) target_semaphore(%run_scoped3A : memref<!tpu.dma_semaphore, #tpu.memory_space<semaphore_mem>>)
      %dma_wait3A_81 = tpu.memref_slice %arg3[%mul3A_2] : memref<2048xi32, #tpu.memory_space<hbm>> -> memref<64xi32, #tpu.memory_space<hbm>>
      %dma_wait3A_82 = tpu.memref_slice %arg3[%mul3A_2] : memref<2048xi32, #tpu.memory_space<hbm>> -> memref<64xi32, #tpu.memory_space<hbm>>
      tpu.wait_dma2 semaphore(%run_scoped3A : memref<!tpu.dma_semaphore, #tpu.memory_space<semaphore_mem>>) src(%dma_wait3A_82 : memref<64xi32, #tpu.memory_space<hbm>>) dst(%arg10 : memref<64xi32, #tpu.memory_space<vmem>>)
      tpu.yield
    }) : () -> ()
    "tpu.region"() ({
      %run_scoped3A = tpu.sem_alloc : memref<!tpu.dma_semaphore, #tpu.memory_space<semaphore_mem>>
      %dma_start3A_79 = tpu.memref_slice %arg4[%mul3A_2] : memref<2048xi32, #tpu.memory_space<hbm>> -> memref<64xi32, #tpu.memory_space<hbm>>
      %dma_start3A_80 = tpu.memref_slice %arg4[%mul3A_2] : memref<2048xi32, #tpu.memory_space<hbm>> -> memref<64xi32, #tpu.memory_space<hbm>>
      tpu.enqueue_dma source(%dma_start3A_80 : memref<64xi32, #tpu.memory_space<hbm>>) target(%arg11 : memref<64xi32, #tpu.memory_space<vmem>>) target_semaphore(%run_scoped3A : memref<!tpu.dma_semaphore, #tpu.memory_space<semaphore_mem>>)
      %dma_wait3A_81 = tpu.memref_slice %arg4[%mul3A_2] : memref<2048xi32, #tpu.memory_space<hbm>> -> memref<64xi32, #tpu.memory_space<hbm>>
      %dma_wait3A_82 = tpu.memref_slice %arg4[%mul3A_2] : memref<2048xi32, #tpu.memory_space<hbm>> -> memref<64xi32, #tpu.memory_space<hbm>>
      tpu.wait_dma2 semaphore(%run_scoped3A : memref<!tpu.dma_semaphore, #tpu.memory_space<semaphore_mem>>) src(%dma_wait3A_82 : memref<64xi32, #tpu.memory_space<hbm>>) dst(%arg11 : memref<64xi32, #tpu.memory_space<vmem>>)
      tpu.yield
    }) : () -> ()
    %dma_start3A = arith.constant 0 : i32
    %dma_start3A_3 = tpu.memref_slice %arg9[%dma_start3A] : memref<64xi32, #tpu.memory_space<vmem>> -> memref<64xi32, #tpu.memory_space<vmem>>
    %dma_start3A_4 = arith.constant 0 : i32
    %dma_start3A_5 = arith.constant 0 : i32
    %dma_start3A_6 = tpu.memref_slice %arg5[%dma_start3A_4, %dma_start3A_5] : memref<1024x256xi32, #tpu.memory_space<hbm>> -> memref<1024x256xi32, #tpu.memory_space<hbm>>
    tpu.enqueue_indirect_dma source(%dma_start3A_6 : memref<1024x256xi32, #tpu.memory_space<hbm>>) target(%arg12 : memref<64x256xi32, #tpu.memory_space<vmem>>) offsets(%dma_start3A_3 : memref<64xi32, #tpu.memory_space<vmem>>) semaphore(%arg14 : memref<!tpu.dma_semaphore, #tpu.memory_space<semaphore_mem>>)
    %dma_start3A_7 = arith.constant 0 : i32
    %dma_start3A_8 = tpu.memref_slice %arg10[%dma_start3A_7] : memref<64xi32, #tpu.memory_space<vmem>> -> memref<64xi32, #tpu.memory_space<vmem>>
    %dma_start3A_9 = arith.constant 0 : i32
    %dma_start3A_10 = arith.constant 0 : i32
    %dma_start3A_11 = tpu.memref_slice %arg6[%dma_start3A_9, %dma_start3A_10] : memref<1024x256xi32, #tpu.memory_space<hbm>> -> memref<1024x256xi32, #tpu.memory_space<hbm>>
    tpu.enqueue_indirect_dma source(%dma_start3A_11 : memref<1024x256xi32, #tpu.memory_space<hbm>>) target(%arg13 : memref<64x256xi32, #tpu.memory_space<vmem>>) offsets(%dma_start3A_8 : memref<64xi32, #tpu.memory_space<vmem>>) semaphore(%arg15 : memref<!tpu.dma_semaphore, #tpu.memory_space<semaphore_mem>>)
    %dma_wait3A = arith.constant 0 : i32
    %dma_wait3A_12 = tpu.memref_slice %arg9[%dma_wait3A] : memref<64xi32, #tpu.memory_space<vmem>> -> memref<64xi32, #tpu.memory_space<vmem>>
    %dma_wait3A_13 = arith.constant 0 : i32
    %dma_wait3A_14 = arith.constant 0 : i32
    %dma_wait3A_15 = tpu.memref_slice %arg5[%dma_wait3A_13, %dma_wait3A_14] : memref<1024x256xi32, #tpu.memory_space<hbm>> -> memref<1024x256xi32, #tpu.memory_space<hbm>>
    tpu.wait_indirect_dma semaphore(%arg14 : memref<!tpu.dma_semaphore, #tpu.memory_space<semaphore_mem>>) src(%dma_wait3A_15 : memref<1024x256xi32, #tpu.memory_space<hbm>>) dst(%arg12 : memref<64x256xi32, #tpu.memory_space<vmem>>)
    %add3A_16 = arith.constant 0 : i32
    %add3A_17 = arith.addi %mul3A_2, %add3A_16 : i32
    %dma_start3A_18 = arith.constant 0 : i32
    %dma_start3A_19 = arith.constant 0 : i32
    %dma_start3A_20 = tpu.memref_slice %arg8[%dma_start3A_18, %add3A_17, %dma_start3A_19] : memref<3x2048x256xi32, #tpu.memory_space<hbm>> -> memref<1x64x256xi32, #tpu.memory_space<hbm>>
    %dma_start3A_21 = tpu.memref_squeeze %dma_start3A_20 : memref<1x64x256xi32, #tpu.memory_space<hbm>> -> memref<64x256xi32, #tpu.memory_space<hbm>>
    %dma_start3A_22 = arith.constant 0 : i32
    %dma_start3A_23 = tpu.memref_slice %arg8[%dma_start3A_18, %add3A_17, %dma_start3A_22] : memref<3x2048x256xi32, #tpu.memory_space<hbm>> -> memref<1x64x256xi32, #tpu.memory_space<hbm>>
    %dma_start3A_24 = tpu.memref_squeeze %dma_start3A_23 : memref<1x64x256xi32, #tpu.memory_space<hbm>> -> memref<64x256xi32, #tpu.memory_space<hbm>>
    tpu.enqueue_dma source(%arg12 : memref<64x256xi32, #tpu.memory_space<vmem>>) target(%dma_start3A_24 : memref<64x256xi32, #tpu.memory_space<hbm>>) target_semaphore(%arg16 : memref<!tpu.dma_semaphore, #tpu.memory_space<semaphore_mem>>)
    %dma_wait3A_25 = arith.constant 0 : i32
    %dma_wait3A_26 = arith.constant 0 : i32
    %dma_wait3A_27 = tpu.memref_slice %arg8[%dma_wait3A_25, %add3A_17, %dma_wait3A_26] : memref<3x2048x256xi32, #tpu.memory_space<hbm>> -> memref<1x64x256xi32, #tpu.memory_space<hbm>>
    %dma_wait3A_28 = tpu.memref_squeeze %dma_wait3A_27 : memref<1x64x256xi32, #tpu.memory_space<hbm>> -> memref<64x256xi32, #tpu.memory_space<hbm>>
    %dma_wait3A_29 = arith.constant 0 : i32
    %dma_wait3A_30 = tpu.memref_slice %arg8[%dma_wait3A_25, %add3A_17, %dma_wait3A_29] : memref<3x2048x256xi32, #tpu.memory_space<hbm>> -> memref<1x64x256xi32, #tpu.memory_space<hbm>>
    %dma_wait3A_31 = tpu.memref_squeeze %dma_wait3A_30 : memref<1x64x256xi32, #tpu.memory_space<hbm>> -> memref<64x256xi32, #tpu.memory_space<hbm>>
    tpu.wait_dma2 semaphore(%arg16 : memref<!tpu.dma_semaphore, #tpu.memory_space<semaphore_mem>>) src(%arg12 : memref<64x256xi32, #tpu.memory_space<vmem>>) dst(%dma_wait3A_31 : memref<64x256xi32, #tpu.memory_space<hbm>>)
    %dma_start3A_32 = arith.constant 0 : i32
    %dma_start3A_33 = tpu.memref_slice %arg11[%dma_start3A_32] : memref<64xi32, #tpu.memory_space<vmem>> -> memref<64xi32, #tpu.memory_space<vmem>>
    %dma_start3A_34 = arith.constant 0 : i32
    %dma_start3A_35 = arith.constant 0 : i32
    %dma_start3A_36 = tpu.memref_slice %arg7[%dma_start3A_34, %dma_start3A_35] : memref<1024x256xi32, #tpu.memory_space<hbm>> -> memref<1024x256xi32, #tpu.memory_space<hbm>>
    tpu.enqueue_indirect_dma source(%dma_start3A_36 : memref<1024x256xi32, #tpu.memory_space<hbm>>) target(%arg12 : memref<64x256xi32, #tpu.memory_space<vmem>>) offsets(%dma_start3A_33 : memref<64xi32, #tpu.memory_space<vmem>>) semaphore(%arg14 : memref<!tpu.dma_semaphore, #tpu.memory_space<semaphore_mem>>)
    %dma_wait3A_37 = arith.constant 0 : i32
    %dma_wait3A_38 = tpu.memref_slice %arg10[%dma_wait3A_37] : memref<64xi32, #tpu.memory_space<vmem>> -> memref<64xi32, #tpu.memory_space<vmem>>
    %dma_wait3A_39 = arith.constant 0 : i32
    %dma_wait3A_40 = arith.constant 0 : i32
    %dma_wait3A_41 = tpu.memref_slice %arg6[%dma_wait3A_39, %dma_wait3A_40] : memref<1024x256xi32, #tpu.memory_space<hbm>> -> memref<1024x256xi32, #tpu.memory_space<hbm>>
    tpu.wait_indirect_dma semaphore(%arg15 : memref<!tpu.dma_semaphore, #tpu.memory_space<semaphore_mem>>) src(%dma_wait3A_41 : memref<1024x256xi32, #tpu.memory_space<hbm>>) dst(%arg13 : memref<64x256xi32, #tpu.memory_space<vmem>>)
    %add3A_42 = arith.constant 0 : i32
    %add3A_43 = arith.addi %mul3A_2, %add3A_42 : i32
    %dma_start3A_44 = arith.constant 1 : i32
    %dma_start3A_45 = arith.constant 0 : i32
    %dma_start3A_46 = tpu.memref_slice %arg8[%dma_start3A_44, %add3A_43, %dma_start3A_45] : memref<3x2048x256xi32, #tpu.memory_space<hbm>> -> memref<1x64x256xi32, #tpu.memory_space<hbm>>
    %dma_start3A_47 = tpu.memref_squeeze %dma_start3A_46 : memref<1x64x256xi32, #tpu.memory_space<hbm>> -> memref<64x256xi32, #tpu.memory_space<hbm>>
    %dma_start3A_48 = arith.constant 0 : i32
    %dma_start3A_49 = tpu.memref_slice %arg8[%dma_start3A_44, %add3A_43, %dma_start3A_48] : memref<3x2048x256xi32, #tpu.memory_space<hbm>> -> memref<1x64x256xi32, #tpu.memory_space<hbm>>
    %dma_start3A_50 = tpu.memref_squeeze %dma_start3A_49 : memref<1x64x256xi32, #tpu.memory_space<hbm>> -> memref<64x256xi32, #tpu.memory_space<hbm>>
    tpu.enqueue_dma source(%arg13 : memref<64x256xi32, #tpu.memory_space<vmem>>) target(%dma_start3A_50 : memref<64x256xi32, #tpu.memory_space<hbm>>) target_semaphore(%arg17 : memref<!tpu.dma_semaphore, #tpu.memory_space<semaphore_mem>>)
    %dma_wait3A_51 = arith.constant 0 : i32
    %dma_wait3A_52 = tpu.memref_slice %arg11[%dma_wait3A_51] : memref<64xi32, #tpu.memory_space<vmem>> -> memref<64xi32, #tpu.memory_space<vmem>>
    %dma_wait3A_53 = arith.constant 0 : i32
    %dma_wait3A_54 = arith.constant 0 : i32
    %dma_wait3A_55 = tpu.memref_slice %arg7[%dma_wait3A_53, %dma_wait3A_54] : memref<1024x256xi32, #tpu.memory_space<hbm>> -> memref<1024x256xi32, #tpu.memory_space<hbm>>
    tpu.wait_indirect_dma semaphore(%arg14 : memref<!tpu.dma_semaphore, #tpu.memory_space<semaphore_mem>>) src(%dma_wait3A_55 : memref<1024x256xi32, #tpu.memory_space<hbm>>) dst(%arg12 : memref<64x256xi32, #tpu.memory_space<vmem>>)
    %add3A_56 = arith.constant 0 : i32
    %add3A_57 = arith.addi %mul3A_2, %add3A_56 : i32
    %dma_start3A_58 = arith.constant 2 : i32
    %dma_start3A_59 = arith.constant 0 : i32
    %dma_start3A_60 = tpu.memref_slice %arg8[%dma_start3A_58, %add3A_57, %dma_start3A_59] : memref<3x2048x256xi32, #tpu.memory_space<hbm>> -> memref<1x64x256xi32, #tpu.memory_space<hbm>>
    %dma_start3A_61 = tpu.memref_squeeze %dma_start3A_60 : memref<1x64x256xi32, #tpu.memory_space<hbm>> -> memref<64x256xi32, #tpu.memory_space<hbm>>
    %dma_start3A_62 = arith.constant 0 : i32
    %dma_start3A_63 = tpu.memref_slice %arg8[%dma_start3A_58, %add3A_57, %dma_start3A_62] : memref<3x2048x256xi32, #tpu.memory_space<hbm>> -> memref<1x64x256xi32, #tpu.memory_space<hbm>>
    %dma_start3A_64 = tpu.memref_squeeze %dma_start3A_63 : memref<1x64x256xi32, #tpu.memory_space<hbm>> -> memref<64x256xi32, #tpu.memory_space<hbm>>
    tpu.enqueue_dma source(%arg12 : memref<64x256xi32, #tpu.memory_space<vmem>>) target(%dma_start3A_64 : memref<64x256xi32, #tpu.memory_space<hbm>>) target_semaphore(%arg16 : memref<!tpu.dma_semaphore, #tpu.memory_space<semaphore_mem>>)
    %dma_wait3A_65 = arith.constant 2 : i32
    %dma_wait3A_66 = arith.constant 0 : i32
    %dma_wait3A_67 = tpu.memref_slice %arg8[%dma_wait3A_65, %add3A_57, %dma_wait3A_66] : memref<3x2048x256xi32, #tpu.memory_space<hbm>> -> memref<1x64x256xi32, #tpu.memory_space<hbm>>
    %dma_wait3A_68 = tpu.memref_squeeze %dma_wait3A_67 : memref<1x64x256xi32, #tpu.memory_space<hbm>> -> memref<64x256xi32, #tpu.memory_space<hbm>>
    %dma_wait3A_69 = arith.constant 0 : i32
    %dma_wait3A_70 = tpu.memref_slice %arg8[%dma_wait3A_65, %add3A_57, %dma_wait3A_69] : memref<3x2048x256xi32, #tpu.memory_space<hbm>> -> memref<1x64x256xi32, #tpu.memory_space<hbm>>
    %dma_wait3A_71 = tpu.memref_squeeze %dma_wait3A_70 : memref<1x64x256xi32, #tpu.memory_space<hbm>> -> memref<64x256xi32, #tpu.memory_space<hbm>>
    tpu.wait_dma2 semaphore(%arg16 : memref<!tpu.dma_semaphore, #tpu.memory_space<semaphore_mem>>) src(%arg12 : memref<64x256xi32, #tpu.memory_space<vmem>>) dst(%dma_wait3A_71 : memref<64x256xi32, #tpu.memory_space<hbm>>)
    %dma_wait3A_72 = arith.constant 1 : i32
    %dma_wait3A_73 = arith.constant 0 : i32
    %dma_wait3A_74 = tpu.memref_slice %arg8[%dma_wait3A_72, %add3A_43, %dma_wait3A_73] : memref<3x2048x256xi32, #tpu.memory_space<hbm>> -> memref<1x64x256xi32, #tpu.memory_space<hbm>>
    %dma_wait3A_75 = tpu.memref_squeeze %dma_wait3A_74 : memref<1x64x256xi32, #tpu.memory_space<hbm>> -> memref<64x256xi32, #tpu.memory_space<hbm>>
    %dma_wait3A_76 = arith.constant 0 : i32
    %dma_wait3A_77 = tpu.memref_slice %arg8[%dma_wait3A_72, %add3A_43, %dma_wait3A_76] : memref<3x2048x256xi32, #tpu.memory_space<hbm>> -> memref<1x64x256xi32, #tpu.memory_space<hbm>>
    %dma_wait3A_78 = tpu.memref_squeeze %dma_wait3A_77 : memref<1x64x256xi32, #tpu.memory_space<hbm>> -> memref<64x256xi32, #tpu.memory_space<hbm>>
    tpu.wait_dma2 semaphore(%arg17 : memref<!tpu.dma_semaphore, #tpu.memory_space<semaphore_mem>>) src(%arg13 : memref<64x256xi32, #tpu.memory_space<vmem>>) dst(%dma_wait3A_78 : memref<64x256xi32, #tpu.memory_space<hbm>>)
    return
  }
}

#map = affine_map<(d0, d1) -> (0)>
#map1 = affine_map<(d0, d1) -> (0, 0)>
#map2 = affine_map<(d0, d1) -> (0, 0, 0)>
module attributes {stable_mosaic.version = 14 : i64} {
  func.func @gather_kernel(%arg0: i32, %arg1: i32, %arg2: memref<4096xi32, #tpu.memory_space<hbm>>, %arg3: memref<4096xi32, #tpu.memory_space<hbm>>, %arg4: memref<4096xi32, #tpu.memory_space<hbm>>, %arg5: memref<1024x256xi32, #tpu.memory_space<hbm>>, %arg6: memref<1024x256xi32, #tpu.memory_space<hbm>>, %arg7: memref<1024x256xi32, #tpu.memory_space<hbm>>, %arg8: memref<3x4096x256xi32, #tpu.memory_space<hbm>>, %arg9: memref<128xi32, #tpu.memory_space<vmem>>, %arg10: memref<128xi32, #tpu.memory_space<vmem>>, %arg11: memref<128xi32, #tpu.memory_space<vmem>>, %arg12: memref<128x256xi32, #tpu.memory_space<vmem>>, %arg13: memref<128x256xi32, #tpu.memory_space<vmem>>, %arg14: memref<!tpu.dma_semaphore, #tpu.memory_space<semaphore_mem>>, %arg15: memref<!tpu.dma_semaphore, #tpu.memory_space<semaphore_mem>>, %arg16: memref<!tpu.dma_semaphore, #tpu.memory_space<semaphore_mem>>, %arg17: memref<!tpu.dma_semaphore, #tpu.memory_space<semaphore_mem>>) attributes {dimension_semantics = [#tpu.dimension_semantics<core_parallel>, #tpu.dimension_semantics<subcore_parallel>], iteration_bounds = array<i64: 2, 16>, scalar_prefetch = 0 : i64, scratch_operands = 9 : i64, tpu.core_type = #tpu.core_type<sc_vector_subcore>, window_params = [{transform_indices = #map}, {transform_indices = #map}, {transform_indices = #map}, {transform_indices = #map1}, {transform_indices = #map1}, {transform_indices = #map1}, {transform_indices = #map2}]} {
    %mul3A = arith.constant 2 : i32
    %mul3A_0 = arith.muli %arg1, %mul3A : i32
    %add3A = arith.addi %mul3A_0, %arg0 : i32
    %mul3A_1 = arith.constant 128 : i32
    %mul3A_2 = arith.muli %add3A, %mul3A_1 : i32
    "tpu.region"() ({
      %run_scoped3A = tpu.sem_alloc : memref<!tpu.dma_semaphore, #tpu.memory_space<semaphore_mem>>
      %dma_start3A_79 = tpu.memref_slice %arg2[%mul3A_2] : memref<4096xi32, #tpu.memory_space<hbm>> -> memref<128xi32, #tpu.memory_space<hbm>>
      %dma_start3A_80 = tpu.memref_slice %arg2[%mul3A_2] : memref<4096xi32, #tpu.memory_space<hbm>> -> memref<128xi32, #tpu.memory_space<hbm>>
      tpu.enqueue_dma source(%dma_start3A_80 : memref<128xi32, #tpu.memory_space<hbm>>) target(%arg9 : memref<128xi32, #tpu.memory_space<vmem>>) target_semaphore(%run_scoped3A : memref<!tpu.dma_semaphore, #tpu.memory_space<semaphore_mem>>)
      %dma_wait3A_81 = tpu.memref_slice %arg2[%mul3A_2] : memref<4096xi32, #tpu.memory_space<hbm>> -> memref<128xi32, #tpu.memory_space<hbm>>
      %dma_wait3A_82 = tpu.memref_slice %arg2[%mul3A_2] : memref<4096xi32, #tpu.memory_space<hbm>> -> memref<128xi32, #tpu.memory_space<hbm>>
      tpu.wait_dma2 semaphore(%run_scoped3A : memref<!tpu.dma_semaphore, #tpu.memory_space<semaphore_mem>>) src(%dma_wait3A_82 : memref<128xi32, #tpu.memory_space<hbm>>) dst(%arg9 : memref<128xi32, #tpu.memory_space<vmem>>)
      tpu.yield
    }) : () -> ()
    "tpu.region"() ({
      %run_scoped3A = tpu.sem_alloc : memref<!tpu.dma_semaphore, #tpu.memory_space<semaphore_mem>>
      %dma_start3A_79 = tpu.memref_slice %arg3[%mul3A_2] : memref<4096xi32, #tpu.memory_space<hbm>> -> memref<128xi32, #tpu.memory_space<hbm>>
      %dma_start3A_80 = tpu.memref_slice %arg3[%mul3A_2] : memref<4096xi32, #tpu.memory_space<hbm>> -> memref<128xi32, #tpu.memory_space<hbm>>
      tpu.enqueue_dma source(%dma_start3A_80 : memref<128xi32, #tpu.memory_space<hbm>>) target(%arg10 : memref<128xi32, #tpu.memory_space<vmem>>) target_semaphore(%run_scoped3A : memref<!tpu.dma_semaphore, #tpu.memory_space<semaphore_mem>>)
      %dma_wait3A_81 = tpu.memref_slice %arg3[%mul3A_2] : memref<4096xi32, #tpu.memory_space<hbm>> -> memref<128xi32, #tpu.memory_space<hbm>>
      %dma_wait3A_82 = tpu.memref_slice %arg3[%mul3A_2] : memref<4096xi32, #tpu.memory_space<hbm>> -> memref<128xi32, #tpu.memory_space<hbm>>
      tpu.wait_dma2 semaphore(%run_scoped3A : memref<!tpu.dma_semaphore, #tpu.memory_space<semaphore_mem>>) src(%dma_wait3A_82 : memref<128xi32, #tpu.memory_space<hbm>>) dst(%arg10 : memref<128xi32, #tpu.memory_space<vmem>>)
      tpu.yield
    }) : () -> ()
    "tpu.region"() ({
      %run_scoped3A = tpu.sem_alloc : memref<!tpu.dma_semaphore, #tpu.memory_space<semaphore_mem>>
      %dma_start3A_79 = tpu.memref_slice %arg4[%mul3A_2] : memref<4096xi32, #tpu.memory_space<hbm>> -> memref<128xi32, #tpu.memory_space<hbm>>
      %dma_start3A_80 = tpu.memref_slice %arg4[%mul3A_2] : memref<4096xi32, #tpu.memory_space<hbm>> -> memref<128xi32, #tpu.memory_space<hbm>>
      tpu.enqueue_dma source(%dma_start3A_80 : memref<128xi32, #tpu.memory_space<hbm>>) target(%arg11 : memref<128xi32, #tpu.memory_space<vmem>>) target_semaphore(%run_scoped3A : memref<!tpu.dma_semaphore, #tpu.memory_space<semaphore_mem>>)
      %dma_wait3A_81 = tpu.memref_slice %arg4[%mul3A_2] : memref<4096xi32, #tpu.memory_space<hbm>> -> memref<128xi32, #tpu.memory_space<hbm>>
      %dma_wait3A_82 = tpu.memref_slice %arg4[%mul3A_2] : memref<4096xi32, #tpu.memory_space<hbm>> -> memref<128xi32, #tpu.memory_space<hbm>>
      tpu.wait_dma2 semaphore(%run_scoped3A : memref<!tpu.dma_semaphore, #tpu.memory_space<semaphore_mem>>) src(%dma_wait3A_82 : memref<128xi32, #tpu.memory_space<hbm>>) dst(%arg11 : memref<128xi32, #tpu.memory_space<vmem>>)
      tpu.yield
    }) : () -> ()
    %dma_start3A = arith.constant 0 : i32
    %dma_start3A_3 = tpu.memref_slice %arg9[%dma_start3A] : memref<128xi32, #tpu.memory_space<vmem>> -> memref<128xi32, #tpu.memory_space<vmem>>
    %dma_start3A_4 = arith.constant 0 : i32
    %dma_start3A_5 = arith.constant 0 : i32
    %dma_start3A_6 = tpu.memref_slice %arg5[%dma_start3A_4, %dma_start3A_5] : memref<1024x256xi32, #tpu.memory_space<hbm>> -> memref<1024x256xi32, #tpu.memory_space<hbm>>
    tpu.enqueue_indirect_dma source(%dma_start3A_6 : memref<1024x256xi32, #tpu.memory_space<hbm>>) target(%arg12 : memref<128x256xi32, #tpu.memory_space<vmem>>) offsets(%dma_start3A_3 : memref<128xi32, #tpu.memory_space<vmem>>) semaphore(%arg14 : memref<!tpu.dma_semaphore, #tpu.memory_space<semaphore_mem>>)
    %dma_start3A_7 = arith.constant 0 : i32
    %dma_start3A_8 = tpu.memref_slice %arg10[%dma_start3A_7] : memref<128xi32, #tpu.memory_space<vmem>> -> memref<128xi32, #tpu.memory_space<vmem>>
    %dma_start3A_9 = arith.constant 0 : i32
    %dma_start3A_10 = arith.constant 0 : i32
    %dma_start3A_11 = tpu.memref_slice %arg6[%dma_start3A_9, %dma_start3A_10] : memref<1024x256xi32, #tpu.memory_space<hbm>> -> memref<1024x256xi32, #tpu.memory_space<hbm>>
    tpu.enqueue_indirect_dma source(%dma_start3A_11 : memref<1024x256xi32, #tpu.memory_space<hbm>>) target(%arg13 : memref<128x256xi32, #tpu.memory_space<vmem>>) offsets(%dma_start3A_8 : memref<128xi32, #tpu.memory_space<vmem>>) semaphore(%arg15 : memref<!tpu.dma_semaphore, #tpu.memory_space<semaphore_mem>>)
    %dma_wait3A = arith.constant 0 : i32
    %dma_wait3A_12 = tpu.memref_slice %arg9[%dma_wait3A] : memref<128xi32, #tpu.memory_space<vmem>> -> memref<128xi32, #tpu.memory_space<vmem>>
    %dma_wait3A_13 = arith.constant 0 : i32
    %dma_wait3A_14 = arith.constant 0 : i32
    %dma_wait3A_15 = tpu.memref_slice %arg5[%dma_wait3A_13, %dma_wait3A_14] : memref<1024x256xi32, #tpu.memory_space<hbm>> -> memref<1024x256xi32, #tpu.memory_space<hbm>>
    tpu.wait_indirect_dma semaphore(%arg14 : memref<!tpu.dma_semaphore, #tpu.memory_space<semaphore_mem>>) src(%dma_wait3A_15 : memref<1024x256xi32, #tpu.memory_space<hbm>>) dst(%arg12 : memref<128x256xi32, #tpu.memory_space<vmem>>)
    %add3A_16 = arith.constant 0 : i32
    %add3A_17 = arith.addi %mul3A_2, %add3A_16 : i32
    %dma_start3A_18 = arith.constant 0 : i32
    %dma_start3A_19 = arith.constant 0 : i32
    %dma_start3A_20 = tpu.memref_slice %arg8[%dma_start3A_18, %add3A_17, %dma_start3A_19] : memref<3x4096x256xi32, #tpu.memory_space<hbm>> -> memref<1x128x256xi32, #tpu.memory_space<hbm>>
    %dma_start3A_21 = tpu.memref_squeeze %dma_start3A_20 : memref<1x128x256xi32, #tpu.memory_space<hbm>> -> memref<128x256xi32, #tpu.memory_space<hbm>>
    %dma_start3A_22 = arith.constant 0 : i32
    %dma_start3A_23 = tpu.memref_slice %arg8[%dma_start3A_18, %add3A_17, %dma_start3A_22] : memref<3x4096x256xi32, #tpu.memory_space<hbm>> -> memref<1x128x256xi32, #tpu.memory_space<hbm>>
    %dma_start3A_24 = tpu.memref_squeeze %dma_start3A_23 : memref<1x128x256xi32, #tpu.memory_space<hbm>> -> memref<128x256xi32, #tpu.memory_space<hbm>>
    tpu.enqueue_dma source(%arg12 : memref<128x256xi32, #tpu.memory_space<vmem>>) target(%dma_start3A_24 : memref<128x256xi32, #tpu.memory_space<hbm>>) target_semaphore(%arg16 : memref<!tpu.dma_semaphore, #tpu.memory_space<semaphore_mem>>)
    %dma_wait3A_25 = arith.constant 0 : i32
    %dma_wait3A_26 = arith.constant 0 : i32
    %dma_wait3A_27 = tpu.memref_slice %arg8[%dma_wait3A_25, %add3A_17, %dma_wait3A_26] : memref<3x4096x256xi32, #tpu.memory_space<hbm>> -> memref<1x128x256xi32, #tpu.memory_space<hbm>>
    %dma_wait3A_28 = tpu.memref_squeeze %dma_wait3A_27 : memref<1x128x256xi32, #tpu.memory_space<hbm>> -> memref<128x256xi32, #tpu.memory_space<hbm>>
    %dma_wait3A_29 = arith.constant 0 : i32
    %dma_wait3A_30 = tpu.memref_slice %arg8[%dma_wait3A_25, %add3A_17, %dma_wait3A_29] : memref<3x4096x256xi32, #tpu.memory_space<hbm>> -> memref<1x128x256xi32, #tpu.memory_space<hbm>>
    %dma_wait3A_31 = tpu.memref_squeeze %dma_wait3A_30 : memref<1x128x256xi32, #tpu.memory_space<hbm>> -> memref<128x256xi32, #tpu.memory_space<hbm>>
    tpu.wait_dma2 semaphore(%arg16 : memref<!tpu.dma_semaphore, #tpu.memory_space<semaphore_mem>>) src(%arg12 : memref<128x256xi32, #tpu.memory_space<vmem>>) dst(%dma_wait3A_31 : memref<128x256xi32, #tpu.memory_space<hbm>>)
    %dma_start3A_32 = arith.constant 0 : i32
    %dma_start3A_33 = tpu.memref_slice %arg11[%dma_start3A_32] : memref<128xi32, #tpu.memory_space<vmem>> -> memref<128xi32, #tpu.memory_space<vmem>>
    %dma_start3A_34 = arith.constant 0 : i32
    %dma_start3A_35 = arith.constant 0 : i32
    %dma_start3A_36 = tpu.memref_slice %arg7[%dma_start3A_34, %dma_start3A_35] : memref<1024x256xi32, #tpu.memory_space<hbm>> -> memref<1024x256xi32, #tpu.memory_space<hbm>>
    tpu.enqueue_indirect_dma source(%dma_start3A_36 : memref<1024x256xi32, #tpu.memory_space<hbm>>) target(%arg12 : memref<128x256xi32, #tpu.memory_space<vmem>>) offsets(%dma_start3A_33 : memref<128xi32, #tpu.memory_space<vmem>>) semaphore(%arg14 : memref<!tpu.dma_semaphore, #tpu.memory_space<semaphore_mem>>)
    %dma_wait3A_37 = arith.constant 0 : i32
    %dma_wait3A_38 = tpu.memref_slice %arg10[%dma_wait3A_37] : memref<128xi32, #tpu.memory_space<vmem>> -> memref<128xi32, #tpu.memory_space<vmem>>
    %dma_wait3A_39 = arith.constant 0 : i32
    %dma_wait3A_40 = arith.constant 0 : i32
    %dma_wait3A_41 = tpu.memref_slice %arg6[%dma_wait3A_39, %dma_wait3A_40] : memref<1024x256xi32, #tpu.memory_space<hbm>> -> memref<1024x256xi32, #tpu.memory_space<hbm>>
    tpu.wait_indirect_dma semaphore(%arg15 : memref<!tpu.dma_semaphore, #tpu.memory_space<semaphore_mem>>) src(%dma_wait3A_41 : memref<1024x256xi32, #tpu.memory_space<hbm>>) dst(%arg13 : memref<128x256xi32, #tpu.memory_space<vmem>>)
    %add3A_42 = arith.constant 0 : i32
    %add3A_43 = arith.addi %mul3A_2, %add3A_42 : i32
    %dma_start3A_44 = arith.constant 1 : i32
    %dma_start3A_45 = arith.constant 0 : i32
    %dma_start3A_46 = tpu.memref_slice %arg8[%dma_start3A_44, %add3A_43, %dma_start3A_45] : memref<3x4096x256xi32, #tpu.memory_space<hbm>> -> memref<1x128x256xi32, #tpu.memory_space<hbm>>
    %dma_start3A_47 = tpu.memref_squeeze %dma_start3A_46 : memref<1x128x256xi32, #tpu.memory_space<hbm>> -> memref<128x256xi32, #tpu.memory_space<hbm>>
    %dma_start3A_48 = arith.constant 0 : i32
    %dma_start3A_49 = tpu.memref_slice %arg8[%dma_start3A_44, %add3A_43, %dma_start3A_48] : memref<3x4096x256xi32, #tpu.memory_space<hbm>> -> memref<1x128x256xi32, #tpu.memory_space<hbm>>
    %dma_start3A_50 = tpu.memref_squeeze %dma_start3A_49 : memref<1x128x256xi32, #tpu.memory_space<hbm>> -> memref<128x256xi32, #tpu.memory_space<hbm>>
    tpu.enqueue_dma source(%arg13 : memref<128x256xi32, #tpu.memory_space<vmem>>) target(%dma_start3A_50 : memref<128x256xi32, #tpu.memory_space<hbm>>) target_semaphore(%arg17 : memref<!tpu.dma_semaphore, #tpu.memory_space<semaphore_mem>>)
    %dma_wait3A_51 = arith.constant 0 : i32
    %dma_wait3A_52 = tpu.memref_slice %arg11[%dma_wait3A_51] : memref<128xi32, #tpu.memory_space<vmem>> -> memref<128xi32, #tpu.memory_space<vmem>>
    %dma_wait3A_53 = arith.constant 0 : i32
    %dma_wait3A_54 = arith.constant 0 : i32
    %dma_wait3A_55 = tpu.memref_slice %arg7[%dma_wait3A_53, %dma_wait3A_54] : memref<1024x256xi32, #tpu.memory_space<hbm>> -> memref<1024x256xi32, #tpu.memory_space<hbm>>
    tpu.wait_indirect_dma semaphore(%arg14 : memref<!tpu.dma_semaphore, #tpu.memory_space<semaphore_mem>>) src(%dma_wait3A_55 : memref<1024x256xi32, #tpu.memory_space<hbm>>) dst(%arg12 : memref<128x256xi32, #tpu.memory_space<vmem>>)
    %add3A_56 = arith.constant 0 : i32
    %add3A_57 = arith.addi %mul3A_2, %add3A_56 : i32
    %dma_start3A_58 = arith.constant 2 : i32
    %dma_start3A_59 = arith.constant 0 : i32
    %dma_start3A_60 = tpu.memref_slice %arg8[%dma_start3A_58, %add3A_57, %dma_start3A_59] : memref<3x4096x256xi32, #tpu.memory_space<hbm>> -> memref<1x128x256xi32, #tpu.memory_space<hbm>>
    %dma_start3A_61 = tpu.memref_squeeze %dma_start3A_60 : memref<1x128x256xi32, #tpu.memory_space<hbm>> -> memref<128x256xi32, #tpu.memory_space<hbm>>
    %dma_start3A_62 = arith.constant 0 : i32
    %dma_start3A_63 = tpu.memref_slice %arg8[%dma_start3A_58, %add3A_57, %dma_start3A_62] : memref<3x4096x256xi32, #tpu.memory_space<hbm>> -> memref<1x128x256xi32, #tpu.memory_space<hbm>>
    %dma_start3A_64 = tpu.memref_squeeze %dma_start3A_63 : memref<1x128x256xi32, #tpu.memory_space<hbm>> -> memref<128x256xi32, #tpu.memory_space<hbm>>
    tpu.enqueue_dma source(%arg12 : memref<128x256xi32, #tpu.memory_space<vmem>>) target(%dma_start3A_64 : memref<128x256xi32, #tpu.memory_space<hbm>>) target_semaphore(%arg16 : memref<!tpu.dma_semaphore, #tpu.memory_space<semaphore_mem>>)
    %dma_wait3A_65 = arith.constant 2 : i32
    %dma_wait3A_66 = arith.constant 0 : i32
    %dma_wait3A_67 = tpu.memref_slice %arg8[%dma_wait3A_65, %add3A_57, %dma_wait3A_66] : memref<3x4096x256xi32, #tpu.memory_space<hbm>> -> memref<1x128x256xi32, #tpu.memory_space<hbm>>
    %dma_wait3A_68 = tpu.memref_squeeze %dma_wait3A_67 : memref<1x128x256xi32, #tpu.memory_space<hbm>> -> memref<128x256xi32, #tpu.memory_space<hbm>>
    %dma_wait3A_69 = arith.constant 0 : i32
    %dma_wait3A_70 = tpu.memref_slice %arg8[%dma_wait3A_65, %add3A_57, %dma_wait3A_69] : memref<3x4096x256xi32, #tpu.memory_space<hbm>> -> memref<1x128x256xi32, #tpu.memory_space<hbm>>
    %dma_wait3A_71 = tpu.memref_squeeze %dma_wait3A_70 : memref<1x128x256xi32, #tpu.memory_space<hbm>> -> memref<128x256xi32, #tpu.memory_space<hbm>>
    tpu.wait_dma2 semaphore(%arg16 : memref<!tpu.dma_semaphore, #tpu.memory_space<semaphore_mem>>) src(%arg12 : memref<128x256xi32, #tpu.memory_space<vmem>>) dst(%dma_wait3A_71 : memref<128x256xi32, #tpu.memory_space<hbm>>)
    %dma_wait3A_72 = arith.constant 1 : i32
    %dma_wait3A_73 = arith.constant 0 : i32
    %dma_wait3A_74 = tpu.memref_slice %arg8[%dma_wait3A_72, %add3A_43, %dma_wait3A_73] : memref<3x4096x256xi32, #tpu.memory_space<hbm>> -> memref<1x128x256xi32, #tpu.memory_space<hbm>>
    %dma_wait3A_75 = tpu.memref_squeeze %dma_wait3A_74 : memref<1x128x256xi32, #tpu.memory_space<hbm>> -> memref<128x256xi32, #tpu.memory_space<hbm>>
    %dma_wait3A_76 = arith.constant 0 : i32
    %dma_wait3A_77 = tpu.memref_slice %arg8[%dma_wait3A_72, %add3A_43, %dma_wait3A_76] : memref<3x4096x256xi32, #tpu.memory_space<hbm>> -> memref<1x128x256xi32, #tpu.memory_space<hbm>>
    %dma_wait3A_78 = tpu.memref_squeeze %dma_wait3A_77 : memref<1x128x256xi32, #tpu.memory_space<hbm>> -> memref<128x256xi32, #tpu.memory_space<hbm>>
    tpu.wait_dma2 semaphore(%arg17 : memref<!tpu.dma_semaphore, #tpu.memory_space<semaphore_mem>>) src(%arg13 : memref<128x256xi32, #tpu.memory_space<vmem>>) dst(%dma_wait3A_78 : memref<128x256xi32, #tpu.memory_space<hbm>>)
    return
  }
}

#map = affine_map<(d0, d1) -> (0)>
#map1 = affine_map<(d0, d1) -> (0, 0)>
#map2 = affine_map<(d0, d1) -> (0, 0, 0)>
module attributes {stable_mosaic.version = 14 : i64} {
  func.func @gather_kernel(%arg0: i32, %arg1: i32, %arg2: memref<2048xi32, #tpu.memory_space<hbm>>, %arg3: memref<2048xi32, #tpu.memory_space<hbm>>, %arg4: memref<2048xi32, #tpu.memory_space<hbm>>, %arg5: memref<1024x256xi32, #tpu.memory_space<hbm>>, %arg6: memref<1024x256xi32, #tpu.memory_space<hbm>>, %arg7: memref<1024x256xi32, #tpu.memory_space<hbm>>, %arg8: memref<3x2048x256xi32, #tpu.memory_space<hbm>>, %arg9: memref<64xi32, #tpu.memory_space<vmem>>, %arg10: memref<64xi32, #tpu.memory_space<vmem>>, %arg11: memref<64xi32, #tpu.memory_space<vmem>>, %arg12: memref<64x256xi32, #tpu.memory_space<vmem>>, %arg13: memref<64x256xi32, #tpu.memory_space<vmem>>, %arg14: memref<!tpu.dma_semaphore, #tpu.memory_space<semaphore_mem>>, %arg15: memref<!tpu.dma_semaphore, #tpu.memory_space<semaphore_mem>>, %arg16: memref<!tpu.dma_semaphore, #tpu.memory_space<semaphore_mem>>, %arg17: memref<!tpu.dma_semaphore, #tpu.memory_space<semaphore_mem>>) attributes {dimension_semantics = [#tpu.dimension_semantics<core_parallel>, #tpu.dimension_semantics<subcore_parallel>], iteration_bounds = array<i64: 2, 16>, scalar_prefetch = 0 : i64, scratch_operands = 9 : i64, tpu.core_type = #tpu.core_type<sc_vector_subcore>, window_params = [{transform_indices = #map}, {transform_indices = #map}, {transform_indices = #map}, {transform_indices = #map1}, {transform_indices = #map1}, {transform_indices = #map1}, {transform_indices = #map2}]} {
    %mul3A = arith.constant 2 : i32
    %mul3A_0 = arith.muli %arg1, %mul3A : i32
    %add3A = arith.addi %mul3A_0, %arg0 : i32
    %mul3A_1 = arith.constant 64 : i32
    %mul3A_2 = arith.muli %add3A, %mul3A_1 : i32
    "tpu.region"() ({
      %run_scoped3A = tpu.sem_alloc : memref<!tpu.dma_semaphore, #tpu.memory_space<semaphore_mem>>
      %dma_start3A_79 = tpu.memref_slice %arg2[%mul3A_2] : memref<2048xi32, #tpu.memory_space<hbm>> -> memref<64xi32, #tpu.memory_space<hbm>>
      %dma_start3A_80 = tpu.memref_slice %arg2[%mul3A_2] : memref<2048xi32, #tpu.memory_space<hbm>> -> memref<64xi32, #tpu.memory_space<hbm>>
      tpu.enqueue_dma source(%dma_start3A_80 : memref<64xi32, #tpu.memory_space<hbm>>) target(%arg9 : memref<64xi32, #tpu.memory_space<vmem>>) target_semaphore(%run_scoped3A : memref<!tpu.dma_semaphore, #tpu.memory_space<semaphore_mem>>)
      %dma_wait3A_81 = tpu.memref_slice %arg2[%mul3A_2] : memref<2048xi32, #tpu.memory_space<hbm>> -> memref<64xi32, #tpu.memory_space<hbm>>
      %dma_wait3A_82 = tpu.memref_slice %arg2[%mul3A_2] : memref<2048xi32, #tpu.memory_space<hbm>> -> memref<64xi32, #tpu.memory_space<hbm>>
      tpu.wait_dma2 semaphore(%run_scoped3A : memref<!tpu.dma_semaphore, #tpu.memory_space<semaphore_mem>>) src(%dma_wait3A_82 : memref<64xi32, #tpu.memory_space<hbm>>) dst(%arg9 : memref<64xi32, #tpu.memory_space<vmem>>)
      tpu.yield
    }) : () -> ()
    "tpu.region"() ({
      %run_scoped3A = tpu.sem_alloc : memref<!tpu.dma_semaphore, #tpu.memory_space<semaphore_mem>>
      %dma_start3A_79 = tpu.memref_slice %arg3[%mul3A_2] : memref<2048xi32, #tpu.memory_space<hbm>> -> memref<64xi32, #tpu.memory_space<hbm>>
      %dma_start3A_80 = tpu.memref_slice %arg3[%mul3A_2] : memref<2048xi32, #tpu.memory_space<hbm>> -> memref<64xi32, #tpu.memory_space<hbm>>
      tpu.enqueue_dma source(%dma_start3A_80 : memref<64xi32, #tpu.memory_space<hbm>>) target(%arg10 : memref<64xi32, #tpu.memory_space<vmem>>) target_semaphore(%run_scoped3A : memref<!tpu.dma_semaphore, #tpu.memory_space<semaphore_mem>>)
      %dma_wait3A_81 = tpu.memref_slice %arg3[%mul3A_2] : memref<2048xi32, #tpu.memory_space<hbm>> -> memref<64xi32, #tpu.memory_space<hbm>>
      %dma_wait3A_82 = tpu.memref_slice %arg3[%mul3A_2] : memref<2048xi32, #tpu.memory_space<hbm>> -> memref<64xi32, #tpu.memory_space<hbm>>
      tpu.wait_dma2 semaphore(%run_scoped3A : memref<!tpu.dma_semaphore, #tpu.memory_space<semaphore_mem>>) src(%dma_wait3A_82 : memref<64xi32, #tpu.memory_space<hbm>>) dst(%arg10 : memref<64xi32, #tpu.memory_space<vmem>>)
      tpu.yield
    }) : () -> ()
    "tpu.region"() ({
      %run_scoped3A = tpu.sem_alloc : memref<!tpu.dma_semaphore, #tpu.memory_space<semaphore_mem>>
      %dma_start3A_79 = tpu.memref_slice %arg4[%mul3A_2] : memref<2048xi32, #tpu.memory_space<hbm>> -> memref<64xi32, #tpu.memory_space<hbm>>
      %dma_start3A_80 = tpu.memref_slice %arg4[%mul3A_2] : memref<2048xi32, #tpu.memory_space<hbm>> -> memref<64xi32, #tpu.memory_space<hbm>>
      tpu.enqueue_dma source(%dma_start3A_80 : memref<64xi32, #tpu.memory_space<hbm>>) target(%arg11 : memref<64xi32, #tpu.memory_space<vmem>>) target_semaphore(%run_scoped3A : memref<!tpu.dma_semaphore, #tpu.memory_space<semaphore_mem>>)
      %dma_wait3A_81 = tpu.memref_slice %arg4[%mul3A_2] : memref<2048xi32, #tpu.memory_space<hbm>> -> memref<64xi32, #tpu.memory_space<hbm>>
      %dma_wait3A_82 = tpu.memref_slice %arg4[%mul3A_2] : memref<2048xi32, #tpu.memory_space<hbm>> -> memref<64xi32, #tpu.memory_space<hbm>>
      tpu.wait_dma2 semaphore(%run_scoped3A : memref<!tpu.dma_semaphore, #tpu.memory_space<semaphore_mem>>) src(%dma_wait3A_82 : memref<64xi32, #tpu.memory_space<hbm>>) dst(%arg11 : memref<64xi32, #tpu.memory_space<vmem>>)
      tpu.yield
    }) : () -> ()
    %dma_start3A = arith.constant 0 : i32
    %dma_start3A_3 = tpu.memref_slice %arg9[%dma_start3A] : memref<64xi32, #tpu.memory_space<vmem>> -> memref<64xi32, #tpu.memory_space<vmem>>
    %dma_start3A_4 = arith.constant 0 : i32
    %dma_start3A_5 = arith.constant 0 : i32
    %dma_start3A_6 = tpu.memref_slice %arg5[%dma_start3A_4, %dma_start3A_5] : memref<1024x256xi32, #tpu.memory_space<hbm>> -> memref<1024x256xi32, #tpu.memory_space<hbm>>
    tpu.enqueue_indirect_dma source(%dma_start3A_6 : memref<1024x256xi32, #tpu.memory_space<hbm>>) target(%arg12 : memref<64x256xi32, #tpu.memory_space<vmem>>) offsets(%dma_start3A_3 : memref<64xi32, #tpu.memory_space<vmem>>) semaphore(%arg14 : memref<!tpu.dma_semaphore, #tpu.memory_space<semaphore_mem>>)
    %dma_start3A_7 = arith.constant 0 : i32
    %dma_start3A_8 = tpu.memref_slice %arg10[%dma_start3A_7] : memref<64xi32, #tpu.memory_space<vmem>> -> memref<64xi32, #tpu.memory_space<vmem>>
    %dma_start3A_9 = arith.constant 0 : i32
    %dma_start3A_10 = arith.constant 0 : i32
    %dma_start3A_11 = tpu.memref_slice %arg6[%dma_start3A_9, %dma_start3A_10] : memref<1024x256xi32, #tpu.memory_space<hbm>> -> memref<1024x256xi32, #tpu.memory_space<hbm>>
    tpu.enqueue_indirect_dma source(%dma_start3A_11 : memref<1024x256xi32, #tpu.memory_space<hbm>>) target(%arg13 : memref<64x256xi32, #tpu.memory_space<vmem>>) offsets(%dma_start3A_8 : memref<64xi32, #tpu.memory_space<vmem>>) semaphore(%arg15 : memref<!tpu.dma_semaphore, #tpu.memory_space<semaphore_mem>>)
    %dma_wait3A = arith.constant 0 : i32
    %dma_wait3A_12 = tpu.memref_slice %arg9[%dma_wait3A] : memref<64xi32, #tpu.memory_space<vmem>> -> memref<64xi32, #tpu.memory_space<vmem>>
    %dma_wait3A_13 = arith.constant 0 : i32
    %dma_wait3A_14 = arith.constant 0 : i32
    %dma_wait3A_15 = tpu.memref_slice %arg5[%dma_wait3A_13, %dma_wait3A_14] : memref<1024x256xi32, #tpu.memory_space<hbm>> -> memref<1024x256xi32, #tpu.memory_space<hbm>>
    tpu.wait_indirect_dma semaphore(%arg14 : memref<!tpu.dma_semaphore, #tpu.memory_space<semaphore_mem>>) src(%dma_wait3A_15 : memref<1024x256xi32, #tpu.memory_space<hbm>>) dst(%arg12 : memref<64x256xi32, #tpu.memory_space<vmem>>)
    %add3A_16 = arith.constant 0 : i32
    %add3A_17 = arith.addi %mul3A_2, %add3A_16 : i32
    %dma_start3A_18 = arith.constant 0 : i32
    %dma_start3A_19 = arith.constant 0 : i32
    %dma_start3A_20 = tpu.memref_slice %arg8[%dma_start3A_18, %add3A_17, %dma_start3A_19] : memref<3x2048x256xi32, #tpu.memory_space<hbm>> -> memref<1x64x256xi32, #tpu.memory_space<hbm>>
    %dma_start3A_21 = tpu.memref_squeeze %dma_start3A_20 : memref<1x64x256xi32, #tpu.memory_space<hbm>> -> memref<64x256xi32, #tpu.memory_space<hbm>>
    %dma_start3A_22 = arith.constant 0 : i32
    %dma_start3A_23 = tpu.memref_slice %arg8[%dma_start3A_18, %add3A_17, %dma_start3A_22] : memref<3x2048x256xi32, #tpu.memory_space<hbm>> -> memref<1x64x256xi32, #tpu.memory_space<hbm>>
    %dma_start3A_24 = tpu.memref_squeeze %dma_start3A_23 : memref<1x64x256xi32, #tpu.memory_space<hbm>> -> memref<64x256xi32, #tpu.memory_space<hbm>>
    tpu.enqueue_dma source(%arg12 : memref<64x256xi32, #tpu.memory_space<vmem>>) target(%dma_start3A_24 : memref<64x256xi32, #tpu.memory_space<hbm>>) target_semaphore(%arg16 : memref<!tpu.dma_semaphore, #tpu.memory_space<semaphore_mem>>)
    %dma_wait3A_25 = arith.constant 0 : i32
    %dma_wait3A_26 = arith.constant 0 : i32
    %dma_wait3A_27 = tpu.memref_slice %arg8[%dma_wait3A_25, %add3A_17, %dma_wait3A_26] : memref<3x2048x256xi32, #tpu.memory_space<hbm>> -> memref<1x64x256xi32, #tpu.memory_space<hbm>>
    %dma_wait3A_28 = tpu.memref_squeeze %dma_wait3A_27 : memref<1x64x256xi32, #tpu.memory_space<hbm>> -> memref<64x256xi32, #tpu.memory_space<hbm>>
    %dma_wait3A_29 = arith.constant 0 : i32
    %dma_wait3A_30 = tpu.memref_slice %arg8[%dma_wait3A_25, %add3A_17, %dma_wait3A_29] : memref<3x2048x256xi32, #tpu.memory_space<hbm>> -> memref<1x64x256xi32, #tpu.memory_space<hbm>>
    %dma_wait3A_31 = tpu.memref_squeeze %dma_wait3A_30 : memref<1x64x256xi32, #tpu.memory_space<hbm>> -> memref<64x256xi32, #tpu.memory_space<hbm>>
    tpu.wait_dma2 semaphore(%arg16 : memref<!tpu.dma_semaphore, #tpu.memory_space<semaphore_mem>>) src(%arg12 : memref<64x256xi32, #tpu.memory_space<vmem>>) dst(%dma_wait3A_31 : memref<64x256xi32, #tpu.memory_space<hbm>>)
    %dma_start3A_32 = arith.constant 0 : i32
    %dma_start3A_33 = tpu.memref_slice %arg11[%dma_start3A_32] : memref<64xi32, #tpu.memory_space<vmem>> -> memref<64xi32, #tpu.memory_space<vmem>>
    %dma_start3A_34 = arith.constant 0 : i32
    %dma_start3A_35 = arith.constant 0 : i32
    %dma_start3A_36 = tpu.memref_slice %arg7[%dma_start3A_34, %dma_start3A_35] : memref<1024x256xi32, #tpu.memory_space<hbm>> -> memref<1024x256xi32, #tpu.memory_space<hbm>>
    tpu.enqueue_indirect_dma source(%dma_start3A_36 : memref<1024x256xi32, #tpu.memory_space<hbm>>) target(%arg12 : memref<64x256xi32, #tpu.memory_space<vmem>>) offsets(%dma_start3A_33 : memref<64xi32, #tpu.memory_space<vmem>>) semaphore(%arg14 : memref<!tpu.dma_semaphore, #tpu.memory_space<semaphore_mem>>)
    %dma_wait3A_37 = arith.constant 0 : i32
    %dma_wait3A_38 = tpu.memref_slice %arg10[%dma_wait3A_37] : memref<64xi32, #tpu.memory_space<vmem>> -> memref<64xi32, #tpu.memory_space<vmem>>
    %dma_wait3A_39 = arith.constant 0 : i32
    %dma_wait3A_40 = arith.constant 0 : i32
    %dma_wait3A_41 = tpu.memref_slice %arg6[%dma_wait3A_39, %dma_wait3A_40] : memref<1024x256xi32, #tpu.memory_space<hbm>> -> memref<1024x256xi32, #tpu.memory_space<hbm>>
    tpu.wait_indirect_dma semaphore(%arg15 : memref<!tpu.dma_semaphore, #tpu.memory_space<semaphore_mem>>) src(%dma_wait3A_41 : memref<1024x256xi32, #tpu.memory_space<hbm>>) dst(%arg13 : memref<64x256xi32, #tpu.memory_space<vmem>>)
    %add3A_42 = arith.constant 0 : i32
    %add3A_43 = arith.addi %mul3A_2, %add3A_42 : i32
    %dma_start3A_44 = arith.constant 1 : i32
    %dma_start3A_45 = arith.constant 0 : i32
    %dma_start3A_46 = tpu.memref_slice %arg8[%dma_start3A_44, %add3A_43, %dma_start3A_45] : memref<3x2048x256xi32, #tpu.memory_space<hbm>> -> memref<1x64x256xi32, #tpu.memory_space<hbm>>
    %dma_start3A_47 = tpu.memref_squeeze %dma_start3A_46 : memref<1x64x256xi32, #tpu.memory_space<hbm>> -> memref<64x256xi32, #tpu.memory_space<hbm>>
    %dma_start3A_48 = arith.constant 0 : i32
    %dma_start3A_49 = tpu.memref_slice %arg8[%dma_start3A_44, %add3A_43, %dma_start3A_48] : memref<3x2048x256xi32, #tpu.memory_space<hbm>> -> memref<1x64x256xi32, #tpu.memory_space<hbm>>
    %dma_start3A_50 = tpu.memref_squeeze %dma_start3A_49 : memref<1x64x256xi32, #tpu.memory_space<hbm>> -> memref<64x256xi32, #tpu.memory_space<hbm>>
    tpu.enqueue_dma source(%arg13 : memref<64x256xi32, #tpu.memory_space<vmem>>) target(%dma_start3A_50 : memref<64x256xi32, #tpu.memory_space<hbm>>) target_semaphore(%arg17 : memref<!tpu.dma_semaphore, #tpu.memory_space<semaphore_mem>>)
    %dma_wait3A_51 = arith.constant 0 : i32
    %dma_wait3A_52 = tpu.memref_slice %arg11[%dma_wait3A_51] : memref<64xi32, #tpu.memory_space<vmem>> -> memref<64xi32, #tpu.memory_space<vmem>>
    %dma_wait3A_53 = arith.constant 0 : i32
    %dma_wait3A_54 = arith.constant 0 : i32
    %dma_wait3A_55 = tpu.memref_slice %arg7[%dma_wait3A_53, %dma_wait3A_54] : memref<1024x256xi32, #tpu.memory_space<hbm>> -> memref<1024x256xi32, #tpu.memory_space<hbm>>
    tpu.wait_indirect_dma semaphore(%arg14 : memref<!tpu.dma_semaphore, #tpu.memory_space<semaphore_mem>>) src(%dma_wait3A_55 : memref<1024x256xi32, #tpu.memory_space<hbm>>) dst(%arg12 : memref<64x256xi32, #tpu.memory_space<vmem>>)
    %add3A_56 = arith.constant 0 : i32
    %add3A_57 = arith.addi %mul3A_2, %add3A_56 : i32
    %dma_start3A_58 = arith.constant 2 : i32
    %dma_start3A_59 = arith.constant 0 : i32
    %dma_start3A_60 = tpu.memref_slice %arg8[%dma_start3A_58, %add3A_57, %dma_start3A_59] : memref<3x2048x256xi32, #tpu.memory_space<hbm>> -> memref<1x64x256xi32, #tpu.memory_space<hbm>>
    %dma_start3A_61 = tpu.memref_squeeze %dma_start3A_60 : memref<1x64x256xi32, #tpu.memory_space<hbm>> -> memref<64x256xi32, #tpu.memory_space<hbm>>
    %dma_start3A_62 = arith.constant 0 : i32
    %dma_start3A_63 = tpu.memref_slice %arg8[%dma_start3A_58, %add3A_57, %dma_start3A_62] : memref<3x2048x256xi32, #tpu.memory_space<hbm>> -> memref<1x64x256xi32, #tpu.memory_space<hbm>>
    %dma_start3A_64 = tpu.memref_squeeze %dma_start3A_63 : memref<1x64x256xi32, #tpu.memory_space<hbm>> -> memref<64x256xi32, #tpu.memory_space<hbm>>
    tpu.enqueue_dma source(%arg12 : memref<64x256xi32, #tpu.memory_space<vmem>>) target(%dma_start3A_64 : memref<64x256xi32, #tpu.memory_space<hbm>>) target_semaphore(%arg16 : memref<!tpu.dma_semaphore, #tpu.memory_space<semaphore_mem>>)
    %dma_wait3A_65 = arith.constant 2 : i32
    %dma_wait3A_66 = arith.constant 0 : i32
    %dma_wait3A_67 = tpu.memref_slice %arg8[%dma_wait3A_65, %add3A_57, %dma_wait3A_66] : memref<3x2048x256xi32, #tpu.memory_space<hbm>> -> memref<1x64x256xi32, #tpu.memory_space<hbm>>
    %dma_wait3A_68 = tpu.memref_squeeze %dma_wait3A_67 : memref<1x64x256xi32, #tpu.memory_space<hbm>> -> memref<64x256xi32, #tpu.memory_space<hbm>>
    %dma_wait3A_69 = arith.constant 0 : i32
    %dma_wait3A_70 = tpu.memref_slice %arg8[%dma_wait3A_65, %add3A_57, %dma_wait3A_69] : memref<3x2048x256xi32, #tpu.memory_space<hbm>> -> memref<1x64x256xi32, #tpu.memory_space<hbm>>
    %dma_wait3A_71 = tpu.memref_squeeze %dma_wait3A_70 : memref<1x64x256xi32, #tpu.memory_space<hbm>> -> memref<64x256xi32, #tpu.memory_space<hbm>>
    tpu.wait_dma2 semaphore(%arg16 : memref<!tpu.dma_semaphore, #tpu.memory_space<semaphore_mem>>) src(%arg12 : memref<64x256xi32, #tpu.memory_space<vmem>>) dst(%dma_wait3A_71 : memref<64x256xi32, #tpu.memory_space<hbm>>)
    %dma_wait3A_72 = arith.constant 1 : i32
    %dma_wait3A_73 = arith.constant 0 : i32
    %dma_wait3A_74 = tpu.memref_slice %arg8[%dma_wait3A_72, %add3A_43, %dma_wait3A_73] : memref<3x2048x256xi32, #tpu.memory_space<hbm>> -> memref<1x64x256xi32, #tpu.memory_space<hbm>>
    %dma_wait3A_75 = tpu.memref_squeeze %dma_wait3A_74 : memref<1x64x256xi32, #tpu.memory_space<hbm>> -> memref<64x256xi32, #tpu.memory_space<hbm>>
    %dma_wait3A_76 = arith.constant 0 : i32
    %dma_wait3A_77 = tpu.memref_slice %arg8[%dma_wait3A_72, %add3A_43, %dma_wait3A_76] : memref<3x2048x256xi32, #tpu.memory_space<hbm>> -> memref<1x64x256xi32, #tpu.memory_space<hbm>>
    %dma_wait3A_78 = tpu.memref_squeeze %dma_wait3A_77 : memref<1x64x256xi32, #tpu.memory_space<hbm>> -> memref<64x256xi32, #tpu.memory_space<hbm>>
    tpu.wait_dma2 semaphore(%arg17 : memref<!tpu.dma_semaphore, #tpu.memory_space<semaphore_mem>>) src(%arg13 : memref<64x256xi32, #tpu.memory_space<vmem>>) dst(%dma_wait3A_78 : memref<64x256xi32, #tpu.memory_space<hbm>>)
    return
  }
}

module attributes {stable_mosaic.version = 14 : i64} {
  func.func @_tc_body_first(%arg0: i32, %arg1: memref<3x1024x256xi32, #tpu.memory_space<vmem>>, %arg2: memref<256x1152xbf16, #tpu.memory_space<vmem>>, %arg3: memref<128x1152xbf16, #tpu.memory_space<vmem>>, %arg4: memref<1x1152xbf16, #tpu.memory_space<vmem>>, %arg5: memref<384x4xbf16, #tpu.memory_space<vmem>>, %arg6: memref<4x384xbf16, #tpu.memory_space<vmem>>, %arg7: memref<384x384xbf16, #tpu.memory_space<vmem>>, %arg8: memref<1x384xf32, #tpu.memory_space<vmem>>, %arg9: memref<1x384xf32, #tpu.memory_space<vmem>>, %arg10: memref<1x384xf32, #tpu.memory_space<vmem>>, %arg11: memref<1024x384xf32, #tpu.memory_space<vmem>>) attributes {dimension_semantics = [#tpu.dimension_semantics<parallel>], iteration_bounds = array<i64: 2>, scalar_prefetch = 0 : i64, scratch_operands = 0 : i64, tpu.core_type = #tpu.core_type<tc>, window_params = [{transform_indices = @transform_0, window_bounds = array<i64: 3, 1024, 256>}, {pipeline_mode = #tpu.pipeline_mode<synchronous>, transform_indices = @transform_1, window_bounds = array<i64: 256, 1152>}, {pipeline_mode = #tpu.pipeline_mode<synchronous>, transform_indices = @transform_2, window_bounds = array<i64: 128, 1152>}, {pipeline_mode = #tpu.pipeline_mode<synchronous>, transform_indices = @transform_3, window_bounds = array<i64: 1, 1152>}, {pipeline_mode = #tpu.pipeline_mode<synchronous>, transform_indices = @transform_4, window_bounds = array<i64: 384, 4>}, {pipeline_mode = #tpu.pipeline_mode<synchronous>, transform_indices = @transform_5, window_bounds = array<i64: 4, 384>}, {pipeline_mode = #tpu.pipeline_mode<synchronous>, transform_indices = @transform_6, window_bounds = array<i64: 384, 384>}, {pipeline_mode = #tpu.pipeline_mode<synchronous>, transform_indices = @transform_7, window_bounds = array<i64: 1, 384>}, {pipeline_mode = #tpu.pipeline_mode<synchronous>, transform_indices = @transform_8, window_bounds = array<i64: 1, 384>}, {pipeline_mode = #tpu.pipeline_mode<synchronous>, transform_indices = @transform_9, window_bounds = array<i64: 1, 384>}, {transform_indices = @transform_10, window_bounds = array<i64: 1024, 384>}]} {
    %get3A = arith.constant 0 : index
    %get3A_0 = arith.constant 0 : index
    %get3A_1 = arith.constant 0 : index
    %get3A_2 = vector.load %arg1[%get3A, %get3A_0, %get3A_1] : memref<3x1024x256xi32, #tpu.memory_space<vmem>>, vector<3x1024x256xi32>
    %reshape3A = vector.shape_cast %get3A_2 : vector<3x1024x256xi32> to vector<3072x256xi32>
    %shift_left3A = arith.constant 16 : i32
    %shift_left3A_3 = vector.broadcast %shift_left3A : i32 to vector<3072x256xi32>
    %shift_left3A_4 = arith.shli %reshape3A, %shift_left3A_3 : vector<3072x256xi32>
    %bitcast_convert_type3A = tpu.bitcast %shift_left3A_4 : vector<3072x256xi32> -> vector<3072x256xf32>
    %and3A = arith.constant -65536 : i32
    %and3A_5 = vector.broadcast %and3A : i32 to vector<3072x256xi32>
    %and3A_6 = arith.andi %reshape3A, %and3A_5 : vector<3072x256xi32>
    %bitcast_convert_type3A_7 = tpu.bitcast %and3A_6 : vector<3072x256xi32> -> vector<3072x256xf32>
    %slice3A = vector.extract_strided_slice %bitcast_convert_type3A_7 {offsets = [0, 0], sizes = [3072, 128], strides = [1, 1]} : vector<3072x256xf32> to vector<3072x128xf32>
    %concatenate3A = tpu.concatenate %bitcast_convert_type3A, %slice3A in 1 : vector<3072x256xf32>, vector<3072x128xf32> -> vector<3072x384xf32>
    %convert_element_type3A = arith.truncf %bitcast_convert_type3A : vector<3072x256xf32> to vector<3072x256xbf16>
    %get3A_8 = arith.constant 0 : index
    %get3A_9 = arith.constant 0 : index
    %get3A_10 = vector.load %arg2[%get3A_8, %get3A_9] : memref<256x1152xbf16, #tpu.memory_space<vmem>>, vector<256x1152xbf16>
    %dot_general3A = arith.constant dense<0.000000e+00> : vector<3072x1152xf32>
    %dot_general3A_11 = tpu.matmul %convert_element_type3A, %get3A_10, %dot_general3A {dimension_numbers = #tpu.dot_dimension_numbers<[1], [0], [0], [1], [0, 0, 1, 1], [], []>, transpose_lhs_hint = false} : vector<3072x256xbf16>, vector<256x1152xbf16>, vector<3072x1152xf32> -> vector<3072x1152xf32>
    %convert_element_type3A_12 = arith.truncf %slice3A : vector<3072x128xf32> to vector<3072x128xbf16>
    %get3A_13 = arith.constant 0 : index
    %get3A_14 = arith.constant 0 : index
    %get3A_15 = vector.load %arg3[%get3A_13, %get3A_14] : memref<128x1152xbf16, #tpu.memory_space<vmem>>, vector<128x1152xbf16>
    %dot_general3A_16 = arith.constant dense<0.000000e+00> : vector<3072x1152xf32>
    %dot_general3A_17 = tpu.matmul %convert_element_type3A_12, %get3A_15, %dot_general3A_16 {dimension_numbers = #tpu.dot_dimension_numbers<[1], [0], [0], [1], [0, 0, 1, 1], [], []>, transpose_lhs_hint = false} : vector<3072x128xbf16>, vector<128x1152xbf16>, vector<3072x1152xf32> -> vector<3072x1152xf32>
    %add3A = arith.addf %dot_general3A_11, %dot_general3A_17 : vector<3072x1152xf32>
    %convert_element_type3A_18 = arith.truncf %add3A : vector<3072x1152xf32> to vector<3072x1152xbf16>
    %get3A_19 = arith.constant 0 : index
    %get3A_20 = arith.constant 0 : index
    %get3A_21 = vector.load %arg4[%get3A_19, %get3A_20] : memref<1x1152xbf16, #tpu.memory_space<vmem>>, vector<1x1152xbf16>
    %add3A_22 = vector.broadcast %get3A_21 : vector<1x1152xbf16> to vector<3072x1152xbf16>
    %add3A_23 = arith.addf %convert_element_type3A_18, %add3A_22 : vector<3072x1152xbf16>
    %slice3A_24 = vector.extract_strided_slice %add3A_23 {offsets = [0, 0], sizes = [1024, 384], strides = [1, 1]} : vector<3072x1152xbf16> to vector<1024x384xbf16>
    %slice3A_25 = vector.extract_strided_slice %add3A_23 {offsets = [1024, 0], sizes = [1024, 384], strides = [1, 1]} : vector<3072x1152xbf16> to vector<1024x384xbf16>
    %slice3A_26 = vector.extract_strided_slice %add3A_23 {offsets = [2048, 0], sizes = [1024, 384], strides = [1, 1]} : vector<3072x1152xbf16> to vector<1024x384xbf16>
    %slice3A_27 = vector.extract_strided_slice %add3A_23 {offsets = [0, 384], sizes = [1024, 384], strides = [1, 1]} : vector<3072x1152xbf16> to vector<1024x384xbf16>
    %slice3A_28 = vector.extract_strided_slice %add3A_23 {offsets = [1024, 384], sizes = [1024, 384], strides = [1, 1]} : vector<3072x1152xbf16> to vector<1024x384xbf16>
    %slice3A_29 = vector.extract_strided_slice %add3A_23 {offsets = [2048, 384], sizes = [1024, 384], strides = [1, 1]} : vector<3072x1152xbf16> to vector<1024x384xbf16>
    %slice3A_30 = vector.extract_strided_slice %add3A_23 {offsets = [0, 768], sizes = [1024, 384], strides = [1, 1]} : vector<3072x1152xbf16> to vector<1024x384xbf16>
    %slice3A_31 = vector.extract_strided_slice %add3A_23 {offsets = [1024, 768], sizes = [1024, 384], strides = [1, 1]} : vector<3072x1152xbf16> to vector<1024x384xbf16>
    %slice3A_32 = vector.extract_strided_slice %add3A_23 {offsets = [2048, 768], sizes = [1024, 384], strides = [1, 1]} : vector<3072x1152xbf16> to vector<1024x384xbf16>
    %get3A_33 = arith.constant 0 : index
    %get3A_34 = arith.constant 0 : index
    %get3A_35 = vector.load %arg5[%get3A_33, %get3A_34] : memref<384x4xbf16, #tpu.memory_space<vmem>>, vector<384x4xbf16>
    %get3A_36 = arith.constant 0 : index
    %get3A_37 = arith.constant 0 : index
    %get3A_38 = vector.load %arg6[%get3A_36, %get3A_37] : memref<4x384xbf16, #tpu.memory_space<vmem>>, vector<4x384xbf16>
    %mul3A = arith.mulf %slice3A_24, %slice3A_27 : vector<1024x384xbf16>
    %dot_general3A_39 = arith.constant dense<0.000000e+00> : vector<1024x4xf32>
    %dot_general3A_40 = tpu.matmul %mul3A, %get3A_35, %dot_general3A_39 {dimension_numbers = #tpu.dot_dimension_numbers<[1], [0], [0], [1], [0, 0, 1, 1], [], []>, transpose_lhs_hint = false} : vector<1024x384xbf16>, vector<384x4xbf16>, vector<1024x4xf32> -> vector<1024x4xf32>
    %mul3A_41 = arith.mulf %slice3A_24, %slice3A_28 : vector<1024x384xbf16>
    %dot_general3A_42 = arith.constant dense<0.000000e+00> : vector<1024x4xf32>
    %dot_general3A_43 = tpu.matmul %mul3A_41, %get3A_35, %dot_general3A_42 {dimension_numbers = #tpu.dot_dimension_numbers<[1], [0], [0], [1], [0, 0, 1, 1], [], []>, transpose_lhs_hint = false} : vector<1024x384xbf16>, vector<384x4xbf16>, vector<1024x4xf32> -> vector<1024x4xf32>
    %mul3A_44 = arith.mulf %slice3A_24, %slice3A_29 : vector<1024x384xbf16>
    %dot_general3A_45 = arith.constant dense<0.000000e+00> : vector<1024x4xf32>
    %dot_general3A_46 = tpu.matmul %mul3A_44, %get3A_35, %dot_general3A_45 {dimension_numbers = #tpu.dot_dimension_numbers<[1], [0], [0], [1], [0, 0, 1, 1], [], []>, transpose_lhs_hint = false} : vector<1024x384xbf16>, vector<384x4xbf16>, vector<1024x4xf32> -> vector<1024x4xf32>
    %mul3A_47 = arith.mulf %slice3A_25, %slice3A_27 : vector<1024x384xbf16>
    %dot_general3A_48 = arith.constant dense<0.000000e+00> : vector<1024x4xf32>
    %dot_general3A_49 = tpu.matmul %mul3A_47, %get3A_35, %dot_general3A_48 {dimension_numbers = #tpu.dot_dimension_numbers<[1], [0], [0], [1], [0, 0, 1, 1], [], []>, transpose_lhs_hint = false} : vector<1024x384xbf16>, vector<384x4xbf16>, vector<1024x4xf32> -> vector<1024x4xf32>
    %mul3A_50 = arith.mulf %slice3A_25, %slice3A_28 : vector<1024x384xbf16>
    %dot_general3A_51 = arith.constant dense<0.000000e+00> : vector<1024x4xf32>
    %dot_general3A_52 = tpu.matmul %mul3A_50, %get3A_35, %dot_general3A_51 {dimension_numbers = #tpu.dot_dimension_numbers<[1], [0], [0], [1], [0, 0, 1, 1], [], []>, transpose_lhs_hint = false} : vector<1024x384xbf16>, vector<384x4xbf16>, vector<1024x4xf32> -> vector<1024x4xf32>
    %mul3A_53 = arith.mulf %slice3A_25, %slice3A_29 : vector<1024x384xbf16>
    %dot_general3A_54 = arith.constant dense<0.000000e+00> : vector<1024x4xf32>
    %dot_general3A_55 = tpu.matmul %mul3A_53, %get3A_35, %dot_general3A_54 {dimension_numbers = #tpu.dot_dimension_numbers<[1], [0], [0], [1], [0, 0, 1, 1], [], []>, transpose_lhs_hint = false} : vector<1024x384xbf16>, vector<384x4xbf16>, vector<1024x4xf32> -> vector<1024x4xf32>
    %mul3A_56 = arith.mulf %slice3A_26, %slice3A_27 : vector<1024x384xbf16>
    %dot_general3A_57 = arith.constant dense<0.000000e+00> : vector<1024x4xf32>
    %dot_general3A_58 = tpu.matmul %mul3A_56, %get3A_35, %dot_general3A_57 {dimension_numbers = #tpu.dot_dimension_numbers<[1], [0], [0], [1], [0, 0, 1, 1], [], []>, transpose_lhs_hint = false} : vector<1024x384xbf16>, vector<384x4xbf16>, vector<1024x4xf32> -> vector<1024x4xf32>
    %mul3A_59 = arith.mulf %slice3A_26, %slice3A_28 : vector<1024x384xbf16>
    %dot_general3A_60 = arith.constant dense<0.000000e+00> : vector<1024x4xf32>
    %dot_general3A_61 = tpu.matmul %mul3A_59, %get3A_35, %dot_general3A_60 {dimension_numbers = #tpu.dot_dimension_numbers<[1], [0], [0], [1], [0, 0, 1, 1], [], []>, transpose_lhs_hint = false} : vector<1024x384xbf16>, vector<384x4xbf16>, vector<1024x4xf32> -> vector<1024x4xf32>
    %mul3A_62 = arith.mulf %slice3A_26, %slice3A_29 : vector<1024x384xbf16>
    %dot_general3A_63 = arith.constant dense<0.000000e+00> : vector<1024x4xf32>
    %dot_general3A_64 = tpu.matmul %mul3A_62, %get3A_35, %dot_general3A_63 {dimension_numbers = #tpu.dot_dimension_numbers<[1], [0], [0], [1], [0, 0, 1, 1], [], []>, transpose_lhs_hint = false} : vector<1024x384xbf16>, vector<384x4xbf16>, vector<1024x4xf32> -> vector<1024x4xf32>
    %exp3A = math.exp %dot_general3A_40 : vector<1024x4xf32>
    %exp3A_65 = math.exp %dot_general3A_43 : vector<1024x4xf32>
    %exp3A_66 = math.exp %dot_general3A_46 : vector<1024x4xf32>
    %add3A_67 = arith.addf %exp3A, %exp3A_65 : vector<1024x4xf32>
    %add3A_68 = arith.addf %add3A_67, %exp3A_66 : vector<1024x4xf32>
    %div3A = arith.constant 1.000000e+00 : f32
    %div3A_69 = vector.broadcast %div3A : f32 to vector<1024x4xf32>
    %div3A_70 = arith.divf %div3A_69, %add3A_68 : vector<1024x4xf32>
    %mul3A_71 = arith.mulf %exp3A, %div3A_70 : vector<1024x4xf32>
    %convert_element_type3A_72 = arith.truncf %mul3A_71 : vector<1024x4xf32> to vector<1024x4xbf16>
    %dot_general3A_73 = arith.constant dense<0.000000e+00> : vector<1024x384xf32>
    %dot_general3A_74 = tpu.matmul %convert_element_type3A_72, %get3A_38, %dot_general3A_73 {dimension_numbers = #tpu.dot_dimension_numbers<[1], [0], [0], [1], [0, 0, 1, 1], [], []>, transpose_lhs_hint = false} : vector<1024x4xbf16>, vector<4x384xbf16>, vector<1024x384xf32> -> vector<1024x384xf32>
    %convert_element_type3A_75 = arith.truncf %dot_general3A_74 : vector<1024x384xf32> to vector<1024x384xbf16>
    %mul3A_76 = arith.mulf %convert_element_type3A_75, %slice3A_30 : vector<1024x384xbf16>
    %mul3A_77 = arith.mulf %exp3A_65, %div3A_70 : vector<1024x4xf32>
    %convert_element_type3A_78 = arith.truncf %mul3A_77 : vector<1024x4xf32> to vector<1024x4xbf16>
    %dot_general3A_79 = arith.constant dense<0.000000e+00> : vector<1024x384xf32>
    %dot_general3A_80 = tpu.matmul %convert_element_type3A_78, %get3A_38, %dot_general3A_79 {dimension_numbers = #tpu.dot_dimension_numbers<[1], [0], [0], [1], [0, 0, 1, 1], [], []>, transpose_lhs_hint = false} : vector<1024x4xbf16>, vector<4x384xbf16>, vector<1024x384xf32> -> vector<1024x384xf32>
    %convert_element_type3A_81 = arith.truncf %dot_general3A_80 : vector<1024x384xf32> to vector<1024x384xbf16>
    %mul3A_82 = arith.mulf %convert_element_type3A_81, %slice3A_31 : vector<1024x384xbf16>
    %add3A_83 = arith.addf %mul3A_76, %mul3A_82 : vector<1024x384xbf16>
    %mul3A_84 = arith.mulf %exp3A_66, %div3A_70 : vector<1024x4xf32>
    %convert_element_type3A_85 = arith.truncf %mul3A_84 : vector<1024x4xf32> to vector<1024x4xbf16>
    %dot_general3A_86 = arith.constant dense<0.000000e+00> : vector<1024x384xf32>
    %dot_general3A_87 = tpu.matmul %convert_element_type3A_85, %get3A_38, %dot_general3A_86 {dimension_numbers = #tpu.dot_dimension_numbers<[1], [0], [0], [1], [0, 0, 1, 1], [], []>, transpose_lhs_hint = false} : vector<1024x4xbf16>, vector<4x384xbf16>, vector<1024x384xf32> -> vector<1024x384xf32>
    %convert_element_type3A_88 = arith.truncf %dot_general3A_87 : vector<1024x384xf32> to vector<1024x384xbf16>
    %mul3A_89 = arith.mulf %convert_element_type3A_88, %slice3A_32 : vector<1024x384xbf16>
    %add3A_90 = arith.addf %add3A_83, %mul3A_89 : vector<1024x384xbf16>
    %get3A_91 = arith.constant 0 : index
    %get3A_92 = arith.constant 0 : index
    %get3A_93 = vector.load %arg7[%get3A_91, %get3A_92] : memref<384x384xbf16, #tpu.memory_space<vmem>>, vector<384x384xbf16>
    %dot_general3A_94 = arith.constant dense<0.000000e+00> : vector<1024x384xf32>
    %dot_general3A_95 = tpu.matmul %add3A_90, %get3A_93, %dot_general3A_94 {dimension_numbers = #tpu.dot_dimension_numbers<[1], [0], [0], [1], [0, 0, 1, 1], [], []>, transpose_lhs_hint = false} : vector<1024x384xbf16>, vector<384x384xbf16>, vector<1024x384xf32> -> vector<1024x384xf32>
    %get3A_96 = arith.constant 0 : index
    %get3A_97 = arith.constant 0 : index
    %get3A_98 = vector.load %arg8[%get3A_96, %get3A_97] : memref<1x384xf32, #tpu.memory_space<vmem>>, vector<1x384xf32>
    %add3A_99 = vector.broadcast %get3A_98 : vector<1x384xf32> to vector<1024x384xf32>
    %add3A_100 = arith.addf %dot_general3A_95, %add3A_99 : vector<1024x384xf32>
    %slice3A_101 = vector.extract_strided_slice %concatenate3A {offsets = [0, 0], sizes = [1024, 384], strides = [1, 1]} : vector<3072x384xf32> to vector<1024x384xf32>
    %add3A_102 = arith.addf %add3A_100, %slice3A_101 : vector<1024x384xf32>
    %reduce_sum3A = arith.constant dense<0.000000e+00> : vector<1024xf32>
    %reduce_sum3A_103 = vector.multi_reduction <add>, %add3A_102, %reduce_sum3A [1] : vector<1024x384xf32> to vector<1024xf32>
    %broadcast_in_dim3A = vector.shape_cast %reduce_sum3A_103 : vector<1024xf32> to vector<1024x1xf32>
    %div3A_104 = arith.constant 3.840000e+02 : f32
    %div3A_105 = vector.broadcast %div3A_104 : f32 to vector<1024x1xf32>
    %div3A_106 = arith.divf %broadcast_in_dim3A, %div3A_105 : vector<1024x1xf32>
    %sub3A = vector.broadcast %div3A_106 : vector<1024x1xf32> to vector<1024x384xf32>
    %sub3A_107 = arith.subf %add3A_102, %sub3A : vector<1024x384xf32>
    %mul3A_108 = arith.mulf %sub3A_107, %sub3A_107 : vector<1024x384xf32>
    %reduce_sum3A_109 = arith.constant dense<0.000000e+00> : vector<1024xf32>
    %reduce_sum3A_110 = vector.multi_reduction <add>, %mul3A_108, %reduce_sum3A_109 [1] : vector<1024x384xf32> to vector<1024xf32>
    %broadcast_in_dim3A_111 = vector.shape_cast %reduce_sum3A_110 : vector<1024xf32> to vector<1024x1xf32>
    %div3A_112 = arith.constant 3.840000e+02 : f32
    %div3A_113 = vector.broadcast %div3A_112 : f32 to vector<1024x1xf32>
    %div3A_114 = arith.divf %broadcast_in_dim3A_111, %div3A_113 : vector<1024x1xf32>
    %add3A_115 = arith.constant 9.99999974E-6 : f32
    %add3A_116 = vector.broadcast %add3A_115 : f32 to vector<1024x1xf32>
    %add3A_117 = arith.addf %div3A_114, %add3A_116 : vector<1024x1xf32>
    %rsqrt3A = math.rsqrt %add3A_117 : vector<1024x1xf32>
    %mul3A_118 = vector.broadcast %rsqrt3A : vector<1024x1xf32> to vector<1024x384xf32>
    %mul3A_119 = arith.mulf %sub3A_107, %mul3A_118 : vector<1024x384xf32>
    %get3A_120 = arith.constant 0 : index
    %get3A_121 = arith.constant 0 : index
    %get3A_122 = vector.load %arg9[%get3A_120, %get3A_121] : memref<1x384xf32, #tpu.memory_space<vmem>>, vector<1x384xf32>
    %mul3A_123 = vector.broadcast %get3A_122 : vector<1x384xf32> to vector<1024x384xf32>
    %mul3A_124 = arith.mulf %mul3A_119, %mul3A_123 : vector<1024x384xf32>
    %get3A_125 = arith.constant 0 : index
    %get3A_126 = arith.constant 0 : index
    %get3A_127 = vector.load %arg10[%get3A_125, %get3A_126] : memref<1x384xf32, #tpu.memory_space<vmem>>, vector<1x384xf32>
    %add3A_128 = vector.broadcast %get3A_127 : vector<1x384xf32> to vector<1024x384xf32>
    %add3A_129 = arith.addf %mul3A_124, %add3A_128 : vector<1024x384xf32>
    %exp3A_130 = math.exp %dot_general3A_49 : vector<1024x4xf32>
    %exp3A_131 = math.exp %dot_general3A_52 : vector<1024x4xf32>
    %exp3A_132 = math.exp %dot_general3A_55 : vector<1024x4xf32>
    %add3A_133 = arith.addf %exp3A_130, %exp3A_131 : vector<1024x4xf32>
    %add3A_134 = arith.addf %add3A_133, %exp3A_132 : vector<1024x4xf32>
    %div3A_135 = arith.constant 1.000000e+00 : f32
    %div3A_136 = vector.broadcast %div3A_135 : f32 to vector<1024x4xf32>
    %div3A_137 = arith.divf %div3A_136, %add3A_134 : vector<1024x4xf32>
    %mul3A_138 = arith.mulf %exp3A_130, %div3A_137 : vector<1024x4xf32>
    %convert_element_type3A_139 = arith.truncf %mul3A_138 : vector<1024x4xf32> to vector<1024x4xbf16>
    %dot_general3A_140 = arith.constant dense<0.000000e+00> : vector<1024x384xf32>
    %dot_general3A_141 = tpu.matmul %convert_element_type3A_139, %get3A_38, %dot_general3A_140 {dimension_numbers = #tpu.dot_dimension_numbers<[1], [0], [0], [1], [0, 0, 1, 1], [], []>, transpose_lhs_hint = false} : vector<1024x4xbf16>, vector<4x384xbf16>, vector<1024x384xf32> -> vector<1024x384xf32>
    %convert_element_type3A_142 = arith.truncf %dot_general3A_141 : vector<1024x384xf32> to vector<1024x384xbf16>
    %mul3A_143 = arith.mulf %convert_element_type3A_142, %slice3A_30 : vector<1024x384xbf16>
    %mul3A_144 = arith.mulf %exp3A_131, %div3A_137 : vector<1024x4xf32>
    %convert_element_type3A_145 = arith.truncf %mul3A_144 : vector<1024x4xf32> to vector<1024x4xbf16>
    %dot_general3A_146 = arith.constant dense<0.000000e+00> : vector<1024x384xf32>
    %dot_general3A_147 = tpu.matmul %convert_element_type3A_145, %get3A_38, %dot_general3A_146 {dimension_numbers = #tpu.dot_dimension_numbers<[1], [0], [0], [1], [0, 0, 1, 1], [], []>, transpose_lhs_hint = false} : vector<1024x4xbf16>, vector<4x384xbf16>, vector<1024x384xf32> -> vector<1024x384xf32>
    %convert_element_type3A_148 = arith.truncf %dot_general3A_147 : vector<1024x384xf32> to vector<1024x384xbf16>
    %mul3A_149 = arith.mulf %convert_element_type3A_148, %slice3A_31 : vector<1024x384xbf16>
    %add3A_150 = arith.addf %mul3A_143, %mul3A_149 : vector<1024x384xbf16>
    %mul3A_151 = arith.mulf %exp3A_132, %div3A_137 : vector<1024x4xf32>
    %convert_element_type3A_152 = arith.truncf %mul3A_151 : vector<1024x4xf32> to vector<1024x4xbf16>
    %dot_general3A_153 = arith.constant dense<0.000000e+00> : vector<1024x384xf32>
    %dot_general3A_154 = tpu.matmul %convert_element_type3A_152, %get3A_38, %dot_general3A_153 {dimension_numbers = #tpu.dot_dimension_numbers<[1], [0], [0], [1], [0, 0, 1, 1], [], []>, transpose_lhs_hint = false} : vector<1024x4xbf16>, vector<4x384xbf16>, vector<1024x384xf32> -> vector<1024x384xf32>
    %convert_element_type3A_155 = arith.truncf %dot_general3A_154 : vector<1024x384xf32> to vector<1024x384xbf16>
    %mul3A_156 = arith.mulf %convert_element_type3A_155, %slice3A_32 : vector<1024x384xbf16>
    %add3A_157 = arith.addf %add3A_150, %mul3A_156 : vector<1024x384xbf16>
    %get3A_158 = arith.constant 0 : index
    %get3A_159 = arith.constant 0 : index
    %get3A_160 = vector.load %arg7[%get3A_158, %get3A_159] : memref<384x384xbf16, #tpu.memory_space<vmem>>, vector<384x384xbf16>
    %dot_general3A_161 = arith.constant dense<0.000000e+00> : vector<1024x384xf32>
    %dot_general3A_162 = tpu.matmul %add3A_157, %get3A_160, %dot_general3A_161 {dimension_numbers = #tpu.dot_dimension_numbers<[1], [0], [0], [1], [0, 0, 1, 1], [], []>, transpose_lhs_hint = false} : vector<1024x384xbf16>, vector<384x384xbf16>, vector<1024x384xf32> -> vector<1024x384xf32>
    %get3A_163 = arith.constant 0 : index
    %get3A_164 = arith.constant 0 : index
    %get3A_165 = vector.load %arg8[%get3A_163, %get3A_164] : memref<1x384xf32, #tpu.memory_space<vmem>>, vector<1x384xf32>
    %add3A_166 = vector.broadcast %get3A_165 : vector<1x384xf32> to vector<1024x384xf32>
    %add3A_167 = arith.addf %dot_general3A_162, %add3A_166 : vector<1024x384xf32>
    %slice3A_168 = vector.extract_strided_slice %concatenate3A {offsets = [1024, 0], sizes = [1024, 384], strides = [1, 1]} : vector<3072x384xf32> to vector<1024x384xf32>
    %add3A_169 = arith.addf %add3A_167, %slice3A_168 : vector<1024x384xf32>
    %reduce_sum3A_170 = arith.constant dense<0.000000e+00> : vector<1024xf32>
    %reduce_sum3A_171 = vector.multi_reduction <add>, %add3A_169, %reduce_sum3A_170 [1] : vector<1024x384xf32> to vector<1024xf32>
    %broadcast_in_dim3A_172 = vector.shape_cast %reduce_sum3A_171 : vector<1024xf32> to vector<1024x1xf32>
    %div3A_173 = arith.constant 3.840000e+02 : f32
    %div3A_174 = vector.broadcast %div3A_173 : f32 to vector<1024x1xf32>
    %div3A_175 = arith.divf %broadcast_in_dim3A_172, %div3A_174 : vector<1024x1xf32>
    %sub3A_176 = vector.broadcast %div3A_175 : vector<1024x1xf32> to vector<1024x384xf32>
    %sub3A_177 = arith.subf %add3A_169, %sub3A_176 : vector<1024x384xf32>
    %mul3A_178 = arith.mulf %sub3A_177, %sub3A_177 : vector<1024x384xf32>
    %reduce_sum3A_179 = arith.constant dense<0.000000e+00> : vector<1024xf32>
    %reduce_sum3A_180 = vector.multi_reduction <add>, %mul3A_178, %reduce_sum3A_179 [1] : vector<1024x384xf32> to vector<1024xf32>
    %broadcast_in_dim3A_181 = vector.shape_cast %reduce_sum3A_180 : vector<1024xf32> to vector<1024x1xf32>
    %div3A_182 = arith.constant 3.840000e+02 : f32
    %div3A_183 = vector.broadcast %div3A_182 : f32 to vector<1024x1xf32>
    %div3A_184 = arith.divf %broadcast_in_dim3A_181, %div3A_183 : vector<1024x1xf32>
    %add3A_185 = arith.constant 9.99999974E-6 : f32
    %add3A_186 = vector.broadcast %add3A_185 : f32 to vector<1024x1xf32>
    %add3A_187 = arith.addf %div3A_184, %add3A_186 : vector<1024x1xf32>
    %rsqrt3A_188 = math.rsqrt %add3A_187 : vector<1024x1xf32>
    %mul3A_189 = vector.broadcast %rsqrt3A_188 : vector<1024x1xf32> to vector<1024x384xf32>
    %mul3A_190 = arith.mulf %sub3A_177, %mul3A_189 : vector<1024x384xf32>
    %get3A_191 = arith.constant 0 : index
    %get3A_192 = arith.constant 0 : index
    %get3A_193 = vector.load %arg9[%get3A_191, %get3A_192] : memref<1x384xf32, #tpu.memory_space<vmem>>, vector<1x384xf32>
    %mul3A_194 = vector.broadcast %get3A_193 : vector<1x384xf32> to vector<1024x384xf32>
    %mul3A_195 = arith.mulf %mul3A_190, %mul3A_194 : vector<1024x384xf32>
    %get3A_196 = arith.constant 0 : index
    %get3A_197 = arith.constant 0 : index
    %get3A_198 = vector.load %arg10[%get3A_196, %get3A_197] : memref<1x384xf32, #tpu.memory_space<vmem>>, vector<1x384xf32>
    %add3A_199 = vector.broadcast %get3A_198 : vector<1x384xf32> to vector<1024x384xf32>
    %add3A_200 = arith.addf %mul3A_195, %add3A_199 : vector<1024x384xf32>
    %add3A_201 = arith.addf %add3A_129, %add3A_200 : vector<1024x384xf32>
    %exp3A_202 = math.exp %dot_general3A_58 : vector<1024x4xf32>
    %exp3A_203 = math.exp %dot_general3A_61 : vector<1024x4xf32>
    %exp3A_204 = math.exp %dot_general3A_64 : vector<1024x4xf32>
    %add3A_205 = arith.addf %exp3A_202, %exp3A_203 : vector<1024x4xf32>
    %add3A_206 = arith.addf %add3A_205, %exp3A_204 : vector<1024x4xf32>
    %div3A_207 = arith.constant 1.000000e+00 : f32
    %div3A_208 = vector.broadcast %div3A_207 : f32 to vector<1024x4xf32>
    %div3A_209 = arith.divf %div3A_208, %add3A_206 : vector<1024x4xf32>
    %mul3A_210 = arith.mulf %exp3A_202, %div3A_209 : vector<1024x4xf32>
    %convert_element_type3A_211 = arith.truncf %mul3A_210 : vector<1024x4xf32> to vector<1024x4xbf16>
    %dot_general3A_212 = arith.constant dense<0.000000e+00> : vector<1024x384xf32>
    %dot_general3A_213 = tpu.matmul %convert_element_type3A_211, %get3A_38, %dot_general3A_212 {dimension_numbers = #tpu.dot_dimension_numbers<[1], [0], [0], [1], [0, 0, 1, 1], [], []>, transpose_lhs_hint = false} : vector<1024x4xbf16>, vector<4x384xbf16>, vector<1024x384xf32> -> vector<1024x384xf32>
    %convert_element_type3A_214 = arith.truncf %dot_general3A_213 : vector<1024x384xf32> to vector<1024x384xbf16>
    %mul3A_215 = arith.mulf %convert_element_type3A_214, %slice3A_30 : vector<1024x384xbf16>
    %mul3A_216 = arith.mulf %exp3A_203, %div3A_209 : vector<1024x4xf32>
    %convert_element_type3A_217 = arith.truncf %mul3A_216 : vector<1024x4xf32> to vector<1024x4xbf16>
    %dot_general3A_218 = arith.constant dense<0.000000e+00> : vector<1024x384xf32>
    %dot_general3A_219 = tpu.matmul %convert_element_type3A_217, %get3A_38, %dot_general3A_218 {dimension_numbers = #tpu.dot_dimension_numbers<[1], [0], [0], [1], [0, 0, 1, 1], [], []>, transpose_lhs_hint = false} : vector<1024x4xbf16>, vector<4x384xbf16>, vector<1024x384xf32> -> vector<1024x384xf32>
    %convert_element_type3A_220 = arith.truncf %dot_general3A_219 : vector<1024x384xf32> to vector<1024x384xbf16>
    %mul3A_221 = arith.mulf %convert_element_type3A_220, %slice3A_31 : vector<1024x384xbf16>
    %add3A_222 = arith.addf %mul3A_215, %mul3A_221 : vector<1024x384xbf16>
    %mul3A_223 = arith.mulf %exp3A_204, %div3A_209 : vector<1024x4xf32>
    %convert_element_type3A_224 = arith.truncf %mul3A_223 : vector<1024x4xf32> to vector<1024x4xbf16>
    %dot_general3A_225 = arith.constant dense<0.000000e+00> : vector<1024x384xf32>
    %dot_general3A_226 = tpu.matmul %convert_element_type3A_224, %get3A_38, %dot_general3A_225 {dimension_numbers = #tpu.dot_dimension_numbers<[1], [0], [0], [1], [0, 0, 1, 1], [], []>, transpose_lhs_hint = false} : vector<1024x4xbf16>, vector<4x384xbf16>, vector<1024x384xf32> -> vector<1024x384xf32>
    %convert_element_type3A_227 = arith.truncf %dot_general3A_226 : vector<1024x384xf32> to vector<1024x384xbf16>
    %mul3A_228 = arith.mulf %convert_element_type3A_227, %slice3A_32 : vector<1024x384xbf16>
    %add3A_229 = arith.addf %add3A_222, %mul3A_228 : vector<1024x384xbf16>
    %get3A_230 = arith.constant 0 : index
    %get3A_231 = arith.constant 0 : index
    %get3A_232 = vector.load %arg7[%get3A_230, %get3A_231] : memref<384x384xbf16, #tpu.memory_space<vmem>>, vector<384x384xbf16>
    %dot_general3A_233 = arith.constant dense<0.000000e+00> : vector<1024x384xf32>
    %dot_general3A_234 = tpu.matmul %add3A_229, %get3A_232, %dot_general3A_233 {dimension_numbers = #tpu.dot_dimension_numbers<[1], [0], [0], [1], [0, 0, 1, 1], [], []>, transpose_lhs_hint = false} : vector<1024x384xbf16>, vector<384x384xbf16>, vector<1024x384xf32> -> vector<1024x384xf32>
    %get3A_235 = arith.constant 0 : index
    %get3A_236 = arith.constant 0 : index
    %get3A_237 = vector.load %arg8[%get3A_235, %get3A_236] : memref<1x384xf32, #tpu.memory_space<vmem>>, vector<1x384xf32>
    %add3A_238 = vector.broadcast %get3A_237 : vector<1x384xf32> to vector<1024x384xf32>
    %add3A_239 = arith.addf %dot_general3A_234, %add3A_238 : vector<1024x384xf32>
    %slice3A_240 = vector.extract_strided_slice %concatenate3A {offsets = [2048, 0], sizes = [1024, 384], strides = [1, 1]} : vector<3072x384xf32> to vector<1024x384xf32>
    %add3A_241 = arith.addf %add3A_239, %slice3A_240 : vector<1024x384xf32>
    %reduce_sum3A_242 = arith.constant dense<0.000000e+00> : vector<1024xf32>
    %reduce_sum3A_243 = vector.multi_reduction <add>, %add3A_241, %reduce_sum3A_242 [1] : vector<1024x384xf32> to vector<1024xf32>
    %broadcast_in_dim3A_244 = vector.shape_cast %reduce_sum3A_243 : vector<1024xf32> to vector<1024x1xf32>
    %div3A_245 = arith.constant 3.840000e+02 : f32
    %div3A_246 = vector.broadcast %div3A_245 : f32 to vector<1024x1xf32>
    %div3A_247 = arith.divf %broadcast_in_dim3A_244, %div3A_246 : vector<1024x1xf32>
    %sub3A_248 = vector.broadcast %div3A_247 : vector<1024x1xf32> to vector<1024x384xf32>
    %sub3A_249 = arith.subf %add3A_241, %sub3A_248 : vector<1024x384xf32>
    %mul3A_250 = arith.mulf %sub3A_249, %sub3A_249 : vector<1024x384xf32>
    %reduce_sum3A_251 = arith.constant dense<0.000000e+00> : vector<1024xf32>
    %reduce_sum3A_252 = vector.multi_reduction <add>, %mul3A_250, %reduce_sum3A_251 [1] : vector<1024x384xf32> to vector<1024xf32>
    %broadcast_in_dim3A_253 = vector.shape_cast %reduce_sum3A_252 : vector<1024xf32> to vector<1024x1xf32>
    %div3A_254 = arith.constant 3.840000e+02 : f32
    %div3A_255 = vector.broadcast %div3A_254 : f32 to vector<1024x1xf32>
    %div3A_256 = arith.divf %broadcast_in_dim3A_253, %div3A_255 : vector<1024x1xf32>
    %add3A_257 = arith.constant 9.99999974E-6 : f32
    %add3A_258 = vector.broadcast %add3A_257 : f32 to vector<1024x1xf32>
    %add3A_259 = arith.addf %div3A_256, %add3A_258 : vector<1024x1xf32>
    %rsqrt3A_260 = math.rsqrt %add3A_259 : vector<1024x1xf32>
    %mul3A_261 = vector.broadcast %rsqrt3A_260 : vector<1024x1xf32> to vector<1024x384xf32>
    %mul3A_262 = arith.mulf %sub3A_249, %mul3A_261 : vector<1024x384xf32>
    %get3A_263 = arith.constant 0 : index
    %get3A_264 = arith.constant 0 : index
    %get3A_265 = vector.load %arg9[%get3A_263, %get3A_264] : memref<1x384xf32, #tpu.memory_space<vmem>>, vector<1x384xf32>
    %mul3A_266 = vector.broadcast %get3A_265 : vector<1x384xf32> to vector<1024x384xf32>
    %mul3A_267 = arith.mulf %mul3A_262, %mul3A_266 : vector<1024x384xf32>
    %get3A_268 = arith.constant 0 : index
    %get3A_269 = arith.constant 0 : index
    %get3A_270 = vector.load %arg10[%get3A_268, %get3A_269] : memref<1x384xf32, #tpu.memory_space<vmem>>, vector<1x384xf32>
    %add3A_271 = vector.broadcast %get3A_270 : vector<1x384xf32> to vector<1024x384xf32>
    %add3A_272 = arith.addf %mul3A_267, %add3A_271 : vector<1024x384xf32>
    %add3A_273 = arith.addf %add3A_201, %add3A_272 : vector<1024x384xf32>
    %mul3A_274 = arith.constant 0.333333343 : f32
    %mul3A_275 = vector.broadcast %mul3A_274 : f32 to vector<1024x384xf32>
    %mul3A_276 = arith.mulf %add3A_273, %mul3A_275 : vector<1024x384xf32>
    %swap3A = arith.constant 0 : index
    %swap3A_277 = arith.constant 0 : index
    %swap3A_278 = vector.load %arg11[%swap3A, %swap3A_277] : memref<1024x384xf32, #tpu.memory_space<vmem>>, vector<1024x384xf32>
    tpu.vector_store %arg11[%swap3A, %swap3A_277], %mul3A_276 {strides = array<i32>} : memref<1024x384xf32, #tpu.memory_space<vmem>>, vector<1024x384xf32>,
    return
  }
  func.func @transform_0(%arg0: i32) -> (i32, i32, i32) {
    %c0_i32 = arith.constant 0 : i32
    %c0_i32_0 = arith.constant 0 : i32
    %c0_i32_1 = arith.constant 0 : i32
    return %c0_i32, %arg0, %c0_i32_0 : i32, i32, i32
  }
  func.func @transform_1(%arg0: i32) -> (i32, i32) {
    %c0_i32 = arith.constant 0 : i32
    %c0_i32_0 = arith.constant 0 : i32
    %c0_i32_1 = arith.constant 0 : i32
    return %c0_i32, %c0_i32_0 : i32, i32
  }
  func.func @transform_2(%arg0: i32) -> (i32, i32) {
    %c0_i32 = arith.constant 0 : i32
    %c0_i32_0 = arith.constant 0 : i32
    %c0_i32_1 = arith.constant 0 : i32
    return %c0_i32, %c0_i32_0 : i32, i32
  }
  func.func @transform_3(%arg0: i32) -> (i32, i32) {
    %c0_i32 = arith.constant 0 : i32
    %c0_i32_0 = arith.constant 0 : i32
    %c0_i32_1 = arith.constant 0 : i32
    return %c0_i32, %c0_i32_0 : i32, i32
  }
  func.func @transform_4(%arg0: i32) -> (i32, i32) {
    %c0_i32 = arith.constant 0 : i32
    %c0_i32_0 = arith.constant 0 : i32
    %c0_i32_1 = arith.constant 0 : i32
    return %c0_i32, %c0_i32_0 : i32, i32
  }
  func.func @transform_5(%arg0: i32) -> (i32, i32) {
    %c0_i32 = arith.constant 0 : i32
    %c0_i32_0 = arith.constant 0 : i32
    %c0_i32_1 = arith.constant 0 : i32
    return %c0_i32, %c0_i32_0 : i32, i32
  }
  func.func @transform_6(%arg0: i32) -> (i32, i32) {
    %c0_i32 = arith.constant 0 : i32
    %c0_i32_0 = arith.constant 0 : i32
    %c0_i32_1 = arith.constant 0 : i32
    return %c0_i32, %c0_i32_0 : i32, i32
  }
  func.func @transform_7(%arg0: i32) -> (i32, i32) {
    %c0_i32 = arith.constant 0 : i32
    %c0_i32_0 = arith.constant 0 : i32
    %c0_i32_1 = arith.constant 0 : i32
    return %c0_i32, %c0_i32_0 : i32, i32
  }
  func.func @transform_8(%arg0: i32) -> (i32, i32) {
    %c0_i32 = arith.constant 0 : i32
    %c0_i32_0 = arith.constant 0 : i32
    %c0_i32_1 = arith.constant 0 : i32
    return %c0_i32, %c0_i32_0 : i32, i32
  }
  func.func @transform_9(%arg0: i32) -> (i32, i32) {
    %c0_i32 = arith.constant 0 : i32
    %c0_i32_0 = arith.constant 0 : i32
    %c0_i32_1 = arith.constant 0 : i32
    return %c0_i32, %c0_i32_0 : i32, i32
  }
  func.func @transform_10(%arg0: i32) -> (i32, i32) {
    %add3A = arith.constant 0 : i32
    %add3A_0 = arith.addi %add3A, %arg0 : i32
    %c0_i32 = arith.constant 0 : i32
    %c0_i32_1 = arith.constant 0 : i32
    return %add3A_0, %c0_i32 : i32, i32
  }
}

module attributes {stable_mosaic.version = 14 : i64} {
  func.func @_tc_body(%arg0: i32, %arg1: memref<3x1024x256xi32, #tpu.memory_space<vmem>>, %arg2: memref<256x1152xbf16, #tpu.memory_space<vmem>>, %arg3: memref<128x1152xbf16, #tpu.memory_space<vmem>>, %arg4: memref<1x1152xbf16, #tpu.memory_space<vmem>>, %arg5: memref<384x4xbf16, #tpu.memory_space<vmem>>, %arg6: memref<4x384xbf16, #tpu.memory_space<vmem>>, %arg7: memref<384x384xbf16, #tpu.memory_space<vmem>>, %arg8: memref<1x384xf32, #tpu.memory_space<vmem>>, %arg9: memref<1x384xf32, #tpu.memory_space<vmem>>, %arg10: memref<1x384xf32, #tpu.memory_space<vmem>>, %arg11: memref<16384x384xf32, #tpu.memory_space<hbm>>, %arg12: memref<1024x384xf32, #tpu.memory_space<vmem>>) attributes {dimension_semantics = [#tpu.dimension_semantics<parallel>], iteration_bounds = array<i64: 2>, scalar_prefetch = 0 : i64, scratch_operands = 0 : i64, tpu.core_type = #tpu.core_type<tc>, window_params = [{transform_indices = @transform_0, window_bounds = array<i64: 3, 1024, 256>}, {pipeline_mode = #tpu.pipeline_mode<synchronous>, transform_indices = @transform_1, window_bounds = array<i64: 256, 1152>}, {pipeline_mode = #tpu.pipeline_mode<synchronous>, transform_indices = @transform_2, window_bounds = array<i64: 128, 1152>}, {pipeline_mode = #tpu.pipeline_mode<synchronous>, transform_indices = @transform_3, window_bounds = array<i64: 1, 1152>}, {pipeline_mode = #tpu.pipeline_mode<synchronous>, transform_indices = @transform_4, window_bounds = array<i64: 384, 4>}, {pipeline_mode = #tpu.pipeline_mode<synchronous>, transform_indices = @transform_5, window_bounds = array<i64: 4, 384>}, {pipeline_mode = #tpu.pipeline_mode<synchronous>, transform_indices = @transform_6, window_bounds = array<i64: 384, 384>}, {pipeline_mode = #tpu.pipeline_mode<synchronous>, transform_indices = @transform_7, window_bounds = array<i64: 1, 384>}, {pipeline_mode = #tpu.pipeline_mode<synchronous>, transform_indices = @transform_8, window_bounds = array<i64: 1, 384>}, {pipeline_mode = #tpu.pipeline_mode<synchronous>, transform_indices = @transform_9, window_bounds = array<i64: 1, 384>}, {}, {transform_indices = @transform_11, window_bounds = array<i64: 1024, 384>}]} {
    %get3A = arith.constant 0 : index
    %get3A_0 = arith.constant 0 : index
    %get3A_1 = arith.constant 0 : index
    %get3A_2 = vector.load %arg1[%get3A, %get3A_0, %get3A_1] : memref<3x1024x256xi32, #tpu.memory_space<vmem>>, vector<3x1024x256xi32>
    %reshape3A = vector.shape_cast %get3A_2 : vector<3x1024x256xi32> to vector<3072x256xi32>
    %shift_left3A = arith.constant 16 : i32
    %shift_left3A_3 = vector.broadcast %shift_left3A : i32 to vector<3072x256xi32>
    %shift_left3A_4 = arith.shli %reshape3A, %shift_left3A_3 : vector<3072x256xi32>
    %bitcast_convert_type3A = tpu.bitcast %shift_left3A_4 : vector<3072x256xi32> -> vector<3072x256xf32>
    %and3A = arith.constant -65536 : i32
    %and3A_5 = vector.broadcast %and3A : i32 to vector<3072x256xi32>
    %and3A_6 = arith.andi %reshape3A, %and3A_5 : vector<3072x256xi32>
    %bitcast_convert_type3A_7 = tpu.bitcast %and3A_6 : vector<3072x256xi32> -> vector<3072x256xf32>
    %slice3A = vector.extract_strided_slice %bitcast_convert_type3A_7 {offsets = [0, 0], sizes = [3072, 128], strides = [1, 1]} : vector<3072x256xf32> to vector<3072x128xf32>
    %concatenate3A = tpu.concatenate %bitcast_convert_type3A, %slice3A in 1 : vector<3072x256xf32>, vector<3072x128xf32> -> vector<3072x384xf32>
    %convert_element_type3A = arith.truncf %bitcast_convert_type3A : vector<3072x256xf32> to vector<3072x256xbf16>
    %get3A_8 = arith.constant 0 : index
    %get3A_9 = arith.constant 0 : index
    %get3A_10 = vector.load %arg2[%get3A_8, %get3A_9] : memref<256x1152xbf16, #tpu.memory_space<vmem>>, vector<256x1152xbf16>
    %dot_general3A = arith.constant dense<0.000000e+00> : vector<3072x1152xf32>
    %dot_general3A_11 = tpu.matmul %convert_element_type3A, %get3A_10, %dot_general3A {dimension_numbers = #tpu.dot_dimension_numbers<[1], [0], [0], [1], [0, 0, 1, 1], [], []>, transpose_lhs_hint = false} : vector<3072x256xbf16>, vector<256x1152xbf16>, vector<3072x1152xf32> -> vector<3072x1152xf32>
    %convert_element_type3A_12 = arith.truncf %slice3A : vector<3072x128xf32> to vector<3072x128xbf16>
    %get3A_13 = arith.constant 0 : index
    %get3A_14 = arith.constant 0 : index
    %get3A_15 = vector.load %arg3[%get3A_13, %get3A_14] : memref<128x1152xbf16, #tpu.memory_space<vmem>>, vector<128x1152xbf16>
    %dot_general3A_16 = arith.constant dense<0.000000e+00> : vector<3072x1152xf32>
    %dot_general3A_17 = tpu.matmul %convert_element_type3A_12, %get3A_15, %dot_general3A_16 {dimension_numbers = #tpu.dot_dimension_numbers<[1], [0], [0], [1], [0, 0, 1, 1], [], []>, transpose_lhs_hint = false} : vector<3072x128xbf16>, vector<128x1152xbf16>, vector<3072x1152xf32> -> vector<3072x1152xf32>
    %add3A = arith.addf %dot_general3A_11, %dot_general3A_17 : vector<3072x1152xf32>
    %convert_element_type3A_18 = arith.truncf %add3A : vector<3072x1152xf32> to vector<3072x1152xbf16>
    %get3A_19 = arith.constant 0 : index
    %get3A_20 = arith.constant 0 : index
    %get3A_21 = vector.load %arg4[%get3A_19, %get3A_20] : memref<1x1152xbf16, #tpu.memory_space<vmem>>, vector<1x1152xbf16>
    %add3A_22 = vector.broadcast %get3A_21 : vector<1x1152xbf16> to vector<3072x1152xbf16>
    %add3A_23 = arith.addf %convert_element_type3A_18, %add3A_22 : vector<3072x1152xbf16>
    %slice3A_24 = vector.extract_strided_slice %add3A_23 {offsets = [0, 0], sizes = [1024, 384], strides = [1, 1]} : vector<3072x1152xbf16> to vector<1024x384xbf16>
    %slice3A_25 = vector.extract_strided_slice %add3A_23 {offsets = [1024, 0], sizes = [1024, 384], strides = [1, 1]} : vector<3072x1152xbf16> to vector<1024x384xbf16>
    %slice3A_26 = vector.extract_strided_slice %add3A_23 {offsets = [2048, 0], sizes = [1024, 384], strides = [1, 1]} : vector<3072x1152xbf16> to vector<1024x384xbf16>
    %slice3A_27 = vector.extract_strided_slice %add3A_23 {offsets = [0, 384], sizes = [1024, 384], strides = [1, 1]} : vector<3072x1152xbf16> to vector<1024x384xbf16>
    %slice3A_28 = vector.extract_strided_slice %add3A_23 {offsets = [1024, 384], sizes = [1024, 384], strides = [1, 1]} : vector<3072x1152xbf16> to vector<1024x384xbf16>
    %slice3A_29 = vector.extract_strided_slice %add3A_23 {offsets = [2048, 384], sizes = [1024, 384], strides = [1, 1]} : vector<3072x1152xbf16> to vector<1024x384xbf16>
    %slice3A_30 = vector.extract_strided_slice %add3A_23 {offsets = [0, 768], sizes = [1024, 384], strides = [1, 1]} : vector<3072x1152xbf16> to vector<1024x384xbf16>
    %slice3A_31 = vector.extract_strided_slice %add3A_23 {offsets = [1024, 768], sizes = [1024, 384], strides = [1, 1]} : vector<3072x1152xbf16> to vector<1024x384xbf16>
    %slice3A_32 = vector.extract_strided_slice %add3A_23 {offsets = [2048, 768], sizes = [1024, 384], strides = [1, 1]} : vector<3072x1152xbf16> to vector<1024x384xbf16>
    %get3A_33 = arith.constant 0 : index
    %get3A_34 = arith.constant 0 : index
    %get3A_35 = vector.load %arg5[%get3A_33, %get3A_34] : memref<384x4xbf16, #tpu.memory_space<vmem>>, vector<384x4xbf16>
    %get3A_36 = arith.constant 0 : index
    %get3A_37 = arith.constant 0 : index
    %get3A_38 = vector.load %arg6[%get3A_36, %get3A_37] : memref<4x384xbf16, #tpu.memory_space<vmem>>, vector<4x384xbf16>
    %mul3A = arith.mulf %slice3A_24, %slice3A_27 : vector<1024x384xbf16>
    %dot_general3A_39 = arith.constant dense<0.000000e+00> : vector<1024x4xf32>
    %dot_general3A_40 = tpu.matmul %mul3A, %get3A_35, %dot_general3A_39 {dimension_numbers = #tpu.dot_dimension_numbers<[1], [0], [0], [1], [0, 0, 1, 1], [], []>, transpose_lhs_hint = false} : vector<1024x384xbf16>, vector<384x4xbf16>, vector<1024x4xf32> -> vector<1024x4xf32>
    %mul3A_41 = arith.mulf %slice3A_24, %slice3A_28 : vector<1024x384xbf16>
    %dot_general3A_42 = arith.constant dense<0.000000e+00> : vector<1024x4xf32>
    %dot_general3A_43 = tpu.matmul %mul3A_41, %get3A_35, %dot_general3A_42 {dimension_numbers = #tpu.dot_dimension_numbers<[1], [0], [0], [1], [0, 0, 1, 1], [], []>, transpose_lhs_hint = false} : vector<1024x384xbf16>, vector<384x4xbf16>, vector<1024x4xf32> -> vector<1024x4xf32>
    %mul3A_44 = arith.mulf %slice3A_24, %slice3A_29 : vector<1024x384xbf16>
    %dot_general3A_45 = arith.constant dense<0.000000e+00> : vector<1024x4xf32>
    %dot_general3A_46 = tpu.matmul %mul3A_44, %get3A_35, %dot_general3A_45 {dimension_numbers = #tpu.dot_dimension_numbers<[1], [0], [0], [1], [0, 0, 1, 1], [], []>, transpose_lhs_hint = false} : vector<1024x384xbf16>, vector<384x4xbf16>, vector<1024x4xf32> -> vector<1024x4xf32>
    %mul3A_47 = arith.mulf %slice3A_25, %slice3A_27 : vector<1024x384xbf16>
    %dot_general3A_48 = arith.constant dense<0.000000e+00> : vector<1024x4xf32>
    %dot_general3A_49 = tpu.matmul %mul3A_47, %get3A_35, %dot_general3A_48 {dimension_numbers = #tpu.dot_dimension_numbers<[1], [0], [0], [1], [0, 0, 1, 1], [], []>, transpose_lhs_hint = false} : vector<1024x384xbf16>, vector<384x4xbf16>, vector<1024x4xf32> -> vector<1024x4xf32>
    %mul3A_50 = arith.mulf %slice3A_25, %slice3A_28 : vector<1024x384xbf16>
    %dot_general3A_51 = arith.constant dense<0.000000e+00> : vector<1024x4xf32>
    %dot_general3A_52 = tpu.matmul %mul3A_50, %get3A_35, %dot_general3A_51 {dimension_numbers = #tpu.dot_dimension_numbers<[1], [0], [0], [1], [0, 0, 1, 1], [], []>, transpose_lhs_hint = false} : vector<1024x384xbf16>, vector<384x4xbf16>, vector<1024x4xf32> -> vector<1024x4xf32>
    %mul3A_53 = arith.mulf %slice3A_25, %slice3A_29 : vector<1024x384xbf16>
    %dot_general3A_54 = arith.constant dense<0.000000e+00> : vector<1024x4xf32>
    %dot_general3A_55 = tpu.matmul %mul3A_53, %get3A_35, %dot_general3A_54 {dimension_numbers = #tpu.dot_dimension_numbers<[1], [0], [0], [1], [0, 0, 1, 1], [], []>, transpose_lhs_hint = false} : vector<1024x384xbf16>, vector<384x4xbf16>, vector<1024x4xf32> -> vector<1024x4xf32>
    %mul3A_56 = arith.mulf %slice3A_26, %slice3A_27 : vector<1024x384xbf16>
    %dot_general3A_57 = arith.constant dense<0.000000e+00> : vector<1024x4xf32>
    %dot_general3A_58 = tpu.matmul %mul3A_56, %get3A_35, %dot_general3A_57 {dimension_numbers = #tpu.dot_dimension_numbers<[1], [0], [0], [1], [0, 0, 1, 1], [], []>, transpose_lhs_hint = false} : vector<1024x384xbf16>, vector<384x4xbf16>, vector<1024x4xf32> -> vector<1024x4xf32>
    %mul3A_59 = arith.mulf %slice3A_26, %slice3A_28 : vector<1024x384xbf16>
    %dot_general3A_60 = arith.constant dense<0.000000e+00> : vector<1024x4xf32>
    %dot_general3A_61 = tpu.matmul %mul3A_59, %get3A_35, %dot_general3A_60 {dimension_numbers = #tpu.dot_dimension_numbers<[1], [0], [0], [1], [0, 0, 1, 1], [], []>, transpose_lhs_hint = false} : vector<1024x384xbf16>, vector<384x4xbf16>, vector<1024x4xf32> -> vector<1024x4xf32>
    %mul3A_62 = arith.mulf %slice3A_26, %slice3A_29 : vector<1024x384xbf16>
    %dot_general3A_63 = arith.constant dense<0.000000e+00> : vector<1024x4xf32>
    %dot_general3A_64 = tpu.matmul %mul3A_62, %get3A_35, %dot_general3A_63 {dimension_numbers = #tpu.dot_dimension_numbers<[1], [0], [0], [1], [0, 0, 1, 1], [], []>, transpose_lhs_hint = false} : vector<1024x384xbf16>, vector<384x4xbf16>, vector<1024x4xf32> -> vector<1024x4xf32>
    %exp3A = math.exp %dot_general3A_40 : vector<1024x4xf32>
    %exp3A_65 = math.exp %dot_general3A_43 : vector<1024x4xf32>
    %exp3A_66 = math.exp %dot_general3A_46 : vector<1024x4xf32>
    %add3A_67 = arith.addf %exp3A, %exp3A_65 : vector<1024x4xf32>
    %add3A_68 = arith.addf %add3A_67, %exp3A_66 : vector<1024x4xf32>
    %div3A = arith.constant 1.000000e+00 : f32
    %div3A_69 = vector.broadcast %div3A : f32 to vector<1024x4xf32>
    %div3A_70 = arith.divf %div3A_69, %add3A_68 : vector<1024x4xf32>
    %mul3A_71 = arith.mulf %exp3A, %div3A_70 : vector<1024x4xf32>
    %convert_element_type3A_72 = arith.truncf %mul3A_71 : vector<1024x4xf32> to vector<1024x4xbf16>
    %dot_general3A_73 = arith.constant dense<0.000000e+00> : vector<1024x384xf32>
    %dot_general3A_74 = tpu.matmul %convert_element_type3A_72, %get3A_38, %dot_general3A_73 {dimension_numbers = #tpu.dot_dimension_numbers<[1], [0], [0], [1], [0, 0, 1, 1], [], []>, transpose_lhs_hint = false} : vector<1024x4xbf16>, vector<4x384xbf16>, vector<1024x384xf32> -> vector<1024x384xf32>
    %convert_element_type3A_75 = arith.truncf %dot_general3A_74 : vector<1024x384xf32> to vector<1024x384xbf16>
    %mul3A_76 = arith.mulf %convert_element_type3A_75, %slice3A_30 : vector<1024x384xbf16>
    %mul3A_77 = arith.mulf %exp3A_65, %div3A_70 : vector<1024x4xf32>
    %convert_element_type3A_78 = arith.truncf %mul3A_77 : vector<1024x4xf32> to vector<1024x4xbf16>
    %dot_general3A_79 = arith.constant dense<0.000000e+00> : vector<1024x384xf32>
    %dot_general3A_80 = tpu.matmul %convert_element_type3A_78, %get3A_38, %dot_general3A_79 {dimension_numbers = #tpu.dot_dimension_numbers<[1], [0], [0], [1], [0, 0, 1, 1], [], []>, transpose_lhs_hint = false} : vector<1024x4xbf16>, vector<4x384xbf16>, vector<1024x384xf32> -> vector<1024x384xf32>
    %convert_element_type3A_81 = arith.truncf %dot_general3A_80 : vector<1024x384xf32> to vector<1024x384xbf16>
    %mul3A_82 = arith.mulf %convert_element_type3A_81, %slice3A_31 : vector<1024x384xbf16>
    %add3A_83 = arith.addf %mul3A_76, %mul3A_82 : vector<1024x384xbf16>
    %mul3A_84 = arith.mulf %exp3A_66, %div3A_70 : vector<1024x4xf32>
    %convert_element_type3A_85 = arith.truncf %mul3A_84 : vector<1024x4xf32> to vector<1024x4xbf16>
    %dot_general3A_86 = arith.constant dense<0.000000e+00> : vector<1024x384xf32>
    %dot_general3A_87 = tpu.matmul %convert_element_type3A_85, %get3A_38, %dot_general3A_86 {dimension_numbers = #tpu.dot_dimension_numbers<[1], [0], [0], [1], [0, 0, 1, 1], [], []>, transpose_lhs_hint = false} : vector<1024x4xbf16>, vector<4x384xbf16>, vector<1024x384xf32> -> vector<1024x384xf32>
    %convert_element_type3A_88 = arith.truncf %dot_general3A_87 : vector<1024x384xf32> to vector<1024x384xbf16>
    %mul3A_89 = arith.mulf %convert_element_type3A_88, %slice3A_32 : vector<1024x384xbf16>
    %add3A_90 = arith.addf %add3A_83, %mul3A_89 : vector<1024x384xbf16>
    %get3A_91 = arith.constant 0 : index
    %get3A_92 = arith.constant 0 : index
    %get3A_93 = vector.load %arg7[%get3A_91, %get3A_92] : memref<384x384xbf16, #tpu.memory_space<vmem>>, vector<384x384xbf16>
    %dot_general3A_94 = arith.constant dense<0.000000e+00> : vector<1024x384xf32>
    %dot_general3A_95 = tpu.matmul %add3A_90, %get3A_93, %dot_general3A_94 {dimension_numbers = #tpu.dot_dimension_numbers<[1], [0], [0], [1], [0, 0, 1, 1], [], []>, transpose_lhs_hint = false} : vector<1024x384xbf16>, vector<384x384xbf16>, vector<1024x384xf32> -> vector<1024x384xf32>
    %get3A_96 = arith.constant 0 : index
    %get3A_97 = arith.constant 0 : index
    %get3A_98 = vector.load %arg8[%get3A_96, %get3A_97] : memref<1x384xf32, #tpu.memory_space<vmem>>, vector<1x384xf32>
    %add3A_99 = vector.broadcast %get3A_98 : vector<1x384xf32> to vector<1024x384xf32>
    %add3A_100 = arith.addf %dot_general3A_95, %add3A_99 : vector<1024x384xf32>
    %slice3A_101 = vector.extract_strided_slice %concatenate3A {offsets = [0, 0], sizes = [1024, 384], strides = [1, 1]} : vector<3072x384xf32> to vector<1024x384xf32>
    %add3A_102 = arith.addf %add3A_100, %slice3A_101 : vector<1024x384xf32>
    %reduce_sum3A = arith.constant dense<0.000000e+00> : vector<1024xf32>
    %reduce_sum3A_103 = vector.multi_reduction <add>, %add3A_102, %reduce_sum3A [1] : vector<1024x384xf32> to vector<1024xf32>
    %broadcast_in_dim3A = vector.shape_cast %reduce_sum3A_103 : vector<1024xf32> to vector<1024x1xf32>
    %div3A_104 = arith.constant 3.840000e+02 : f32
    %div3A_105 = vector.broadcast %div3A_104 : f32 to vector<1024x1xf32>
    %div3A_106 = arith.divf %broadcast_in_dim3A, %div3A_105 : vector<1024x1xf32>
    %sub3A = vector.broadcast %div3A_106 : vector<1024x1xf32> to vector<1024x384xf32>
    %sub3A_107 = arith.subf %add3A_102, %sub3A : vector<1024x384xf32>
    %mul3A_108 = arith.mulf %sub3A_107, %sub3A_107 : vector<1024x384xf32>
    %reduce_sum3A_109 = arith.constant dense<0.000000e+00> : vector<1024xf32>
    %reduce_sum3A_110 = vector.multi_reduction <add>, %mul3A_108, %reduce_sum3A_109 [1] : vector<1024x384xf32> to vector<1024xf32>
    %broadcast_in_dim3A_111 = vector.shape_cast %reduce_sum3A_110 : vector<1024xf32> to vector<1024x1xf32>
    %div3A_112 = arith.constant 3.840000e+02 : f32
    %div3A_113 = vector.broadcast %div3A_112 : f32 to vector<1024x1xf32>
    %div3A_114 = arith.divf %broadcast_in_dim3A_111, %div3A_113 : vector<1024x1xf32>
    %add3A_115 = arith.constant 9.99999974E-6 : f32
    %add3A_116 = vector.broadcast %add3A_115 : f32 to vector<1024x1xf32>
    %add3A_117 = arith.addf %div3A_114, %add3A_116 : vector<1024x1xf32>
    %rsqrt3A = math.rsqrt %add3A_117 : vector<1024x1xf32>
    %mul3A_118 = vector.broadcast %rsqrt3A : vector<1024x1xf32> to vector<1024x384xf32>
    %mul3A_119 = arith.mulf %sub3A_107, %mul3A_118 : vector<1024x384xf32>
    %get3A_120 = arith.constant 0 : index
    %get3A_121 = arith.constant 0 : index
    %get3A_122 = vector.load %arg9[%get3A_120, %get3A_121] : memref<1x384xf32, #tpu.memory_space<vmem>>, vector<1x384xf32>
    %mul3A_123 = vector.broadcast %get3A_122 : vector<1x384xf32> to vector<1024x384xf32>
    %mul3A_124 = arith.mulf %mul3A_119, %mul3A_123 : vector<1024x384xf32>
    %get3A_125 = arith.constant 0 : index
    %get3A_126 = arith.constant 0 : index
    %get3A_127 = vector.load %arg10[%get3A_125, %get3A_126] : memref<1x384xf32, #tpu.memory_space<vmem>>, vector<1x384xf32>
    %add3A_128 = vector.broadcast %get3A_127 : vector<1x384xf32> to vector<1024x384xf32>
    %add3A_129 = arith.addf %mul3A_124, %add3A_128 : vector<1024x384xf32>
    %exp3A_130 = math.exp %dot_general3A_49 : vector<1024x4xf32>
    %exp3A_131 = math.exp %dot_general3A_52 : vector<1024x4xf32>
    %exp3A_132 = math.exp %dot_general3A_55 : vector<1024x4xf32>
    %add3A_133 = arith.addf %exp3A_130, %exp3A_131 : vector<1024x4xf32>
    %add3A_134 = arith.addf %add3A_133, %exp3A_132 : vector<1024x4xf32>
    %div3A_135 = arith.constant 1.000000e+00 : f32
    %div3A_136 = vector.broadcast %div3A_135 : f32 to vector<1024x4xf32>
    %div3A_137 = arith.divf %div3A_136, %add3A_134 : vector<1024x4xf32>
    %mul3A_138 = arith.mulf %exp3A_130, %div3A_137 : vector<1024x4xf32>
    %convert_element_type3A_139 = arith.truncf %mul3A_138 : vector<1024x4xf32> to vector<1024x4xbf16>
    %dot_general3A_140 = arith.constant dense<0.000000e+00> : vector<1024x384xf32>
    %dot_general3A_141 = tpu.matmul %convert_element_type3A_139, %get3A_38, %dot_general3A_140 {dimension_numbers = #tpu.dot_dimension_numbers<[1], [0], [0], [1], [0, 0, 1, 1], [], []>, transpose_lhs_hint = false} : vector<1024x4xbf16>, vector<4x384xbf16>, vector<1024x384xf32> -> vector<1024x384xf32>
    %convert_element_type3A_142 = arith.truncf %dot_general3A_141 : vector<1024x384xf32> to vector<1024x384xbf16>
    %mul3A_143 = arith.mulf %convert_element_type3A_142, %slice3A_30 : vector<1024x384xbf16>
    %mul3A_144 = arith.mulf %exp3A_131, %div3A_137 : vector<1024x4xf32>
    %convert_element_type3A_145 = arith.truncf %mul3A_144 : vector<1024x4xf32> to vector<1024x4xbf16>
    %dot_general3A_146 = arith.constant dense<0.000000e+00> : vector<1024x384xf32>
    %dot_general3A_147 = tpu.matmul %convert_element_type3A_145, %get3A_38, %dot_general3A_146 {dimension_numbers = #tpu.dot_dimension_numbers<[1], [0], [0], [1], [0, 0, 1, 1], [], []>, transpose_lhs_hint = false} : vector<1024x4xbf16>, vector<4x384xbf16>, vector<1024x384xf32> -> vector<1024x384xf32>
    %convert_element_type3A_148 = arith.truncf %dot_general3A_147 : vector<1024x384xf32> to vector<1024x384xbf16>
    %mul3A_149 = arith.mulf %convert_element_type3A_148, %slice3A_31 : vector<1024x384xbf16>
    %add3A_150 = arith.addf %mul3A_143, %mul3A_149 : vector<1024x384xbf16>
    %mul3A_151 = arith.mulf %exp3A_132, %div3A_137 : vector<1024x4xf32>
    %convert_element_type3A_152 = arith.truncf %mul3A_151 : vector<1024x4xf32> to vector<1024x4xbf16>
    %dot_general3A_153 = arith.constant dense<0.000000e+00> : vector<1024x384xf32>
    %dot_general3A_154 = tpu.matmul %convert_element_type3A_152, %get3A_38, %dot_general3A_153 {dimension_numbers = #tpu.dot_dimension_numbers<[1], [0], [0], [1], [0, 0, 1, 1], [], []>, transpose_lhs_hint = false} : vector<1024x4xbf16>, vector<4x384xbf16>, vector<1024x384xf32> -> vector<1024x384xf32>
    %convert_element_type3A_155 = arith.truncf %dot_general3A_154 : vector<1024x384xf32> to vector<1024x384xbf16>
    %mul3A_156 = arith.mulf %convert_element_type3A_155, %slice3A_32 : vector<1024x384xbf16>
    %add3A_157 = arith.addf %add3A_150, %mul3A_156 : vector<1024x384xbf16>
    %get3A_158 = arith.constant 0 : index
    %get3A_159 = arith.constant 0 : index
    %get3A_160 = vector.load %arg7[%get3A_158, %get3A_159] : memref<384x384xbf16, #tpu.memory_space<vmem>>, vector<384x384xbf16>
    %dot_general3A_161 = arith.constant dense<0.000000e+00> : vector<1024x384xf32>
    %dot_general3A_162 = tpu.matmul %add3A_157, %get3A_160, %dot_general3A_161 {dimension_numbers = #tpu.dot_dimension_numbers<[1], [0], [0], [1], [0, 0, 1, 1], [], []>, transpose_lhs_hint = false} : vector<1024x384xbf16>, vector<384x384xbf16>, vector<1024x384xf32> -> vector<1024x384xf32>
    %get3A_163 = arith.constant 0 : index
    %get3A_164 = arith.constant 0 : index
    %get3A_165 = vector.load %arg8[%get3A_163, %get3A_164] : memref<1x384xf32, #tpu.memory_space<vmem>>, vector<1x384xf32>
    %add3A_166 = vector.broadcast %get3A_165 : vector<1x384xf32> to vector<1024x384xf32>
    %add3A_167 = arith.addf %dot_general3A_162, %add3A_166 : vector<1024x384xf32>
    %slice3A_168 = vector.extract_strided_slice %concatenate3A {offsets = [1024, 0], sizes = [1024, 384], strides = [1, 1]} : vector<3072x384xf32> to vector<1024x384xf32>
    %add3A_169 = arith.addf %add3A_167, %slice3A_168 : vector<1024x384xf32>
    %reduce_sum3A_170 = arith.constant dense<0.000000e+00> : vector<1024xf32>
    %reduce_sum3A_171 = vector.multi_reduction <add>, %add3A_169, %reduce_sum3A_170 [1] : vector<1024x384xf32> to vector<1024xf32>
    %broadcast_in_dim3A_172 = vector.shape_cast %reduce_sum3A_171 : vector<1024xf32> to vector<1024x1xf32>
    %div3A_173 = arith.constant 3.840000e+02 : f32
    %div3A_174 = vector.broadcast %div3A_173 : f32 to vector<1024x1xf32>
    %div3A_175 = arith.divf %broadcast_in_dim3A_172, %div3A_174 : vector<1024x1xf32>
    %sub3A_176 = vector.broadcast %div3A_175 : vector<1024x1xf32> to vector<1024x384xf32>
    %sub3A_177 = arith.subf %add3A_169, %sub3A_176 : vector<1024x384xf32>
    %mul3A_178 = arith.mulf %sub3A_177, %sub3A_177 : vector<1024x384xf32>
    %reduce_sum3A_179 = arith.constant dense<0.000000e+00> : vector<1024xf32>
    %reduce_sum3A_180 = vector.multi_reduction <add>, %mul3A_178, %reduce_sum3A_179 [1] : vector<1024x384xf32> to vector<1024xf32>
    %broadcast_in_dim3A_181 = vector.shape_cast %reduce_sum3A_180 : vector<1024xf32> to vector<1024x1xf32>
    %div3A_182 = arith.constant 3.840000e+02 : f32
    %div3A_183 = vector.broadcast %div3A_182 : f32 to vector<1024x1xf32>
    %div3A_184 = arith.divf %broadcast_in_dim3A_181, %div3A_183 : vector<1024x1xf32>
    %add3A_185 = arith.constant 9.99999974E-6 : f32
    %add3A_186 = vector.broadcast %add3A_185 : f32 to vector<1024x1xf32>
    %add3A_187 = arith.addf %div3A_184, %add3A_186 : vector<1024x1xf32>
    %rsqrt3A_188 = math.rsqrt %add3A_187 : vector<1024x1xf32>
    %mul3A_189 = vector.broadcast %rsqrt3A_188 : vector<1024x1xf32> to vector<1024x384xf32>
    %mul3A_190 = arith.mulf %sub3A_177, %mul3A_189 : vector<1024x384xf32>
    %get3A_191 = arith.constant 0 : index
    %get3A_192 = arith.constant 0 : index
    %get3A_193 = vector.load %arg9[%get3A_191, %get3A_192] : memref<1x384xf32, #tpu.memory_space<vmem>>, vector<1x384xf32>
    %mul3A_194 = vector.broadcast %get3A_193 : vector<1x384xf32> to vector<1024x384xf32>
    %mul3A_195 = arith.mulf %mul3A_190, %mul3A_194 : vector<1024x384xf32>
    %get3A_196 = arith.constant 0 : index
    %get3A_197 = arith.constant 0 : index
    %get3A_198 = vector.load %arg10[%get3A_196, %get3A_197] : memref<1x384xf32, #tpu.memory_space<vmem>>, vector<1x384xf32>
    %add3A_199 = vector.broadcast %get3A_198 : vector<1x384xf32> to vector<1024x384xf32>
    %add3A_200 = arith.addf %mul3A_195, %add3A_199 : vector<1024x384xf32>
    %add3A_201 = arith.addf %add3A_129, %add3A_200 : vector<1024x384xf32>
    %exp3A_202 = math.exp %dot_general3A_58 : vector<1024x4xf32>
    %exp3A_203 = math.exp %dot_general3A_61 : vector<1024x4xf32>
    %exp3A_204 = math.exp %dot_general3A_64 : vector<1024x4xf32>
    %add3A_205 = arith.addf %exp3A_202, %exp3A_203 : vector<1024x4xf32>
    %add3A_206 = arith.addf %add3A_205, %exp3A_204 : vector<1024x4xf32>
    %div3A_207 = arith.constant 1.000000e+00 : f32
    %div3A_208 = vector.broadcast %div3A_207 : f32 to vector<1024x4xf32>
    %div3A_209 = arith.divf %div3A_208, %add3A_206 : vector<1024x4xf32>
    %mul3A_210 = arith.mulf %exp3A_202, %div3A_209 : vector<1024x4xf32>
    %convert_element_type3A_211 = arith.truncf %mul3A_210 : vector<1024x4xf32> to vector<1024x4xbf16>
    %dot_general3A_212 = arith.constant dense<0.000000e+00> : vector<1024x384xf32>
    %dot_general3A_213 = tpu.matmul %convert_element_type3A_211, %get3A_38, %dot_general3A_212 {dimension_numbers = #tpu.dot_dimension_numbers<[1], [0], [0], [1], [0, 0, 1, 1], [], []>, transpose_lhs_hint = false} : vector<1024x4xbf16>, vector<4x384xbf16>, vector<1024x384xf32> -> vector<1024x384xf32>
    %convert_element_type3A_214 = arith.truncf %dot_general3A_213 : vector<1024x384xf32> to vector<1024x384xbf16>
    %mul3A_215 = arith.mulf %convert_element_type3A_214, %slice3A_30 : vector<1024x384xbf16>
    %mul3A_216 = arith.mulf %exp3A_203, %div3A_209 : vector<1024x4xf32>
    %convert_element_type3A_217 = arith.truncf %mul3A_216 : vector<1024x4xf32> to vector<1024x4xbf16>
    %dot_general3A_218 = arith.constant dense<0.000000e+00> : vector<1024x384xf32>
    %dot_general3A_219 = tpu.matmul %convert_element_type3A_217, %get3A_38, %dot_general3A_218 {dimension_numbers = #tpu.dot_dimension_numbers<[1], [0], [0], [1], [0, 0, 1, 1], [], []>, transpose_lhs_hint = false} : vector<1024x4xbf16>, vector<4x384xbf16>, vector<1024x384xf32> -> vector<1024x384xf32>
    %convert_element_type3A_220 = arith.truncf %dot_general3A_219 : vector<1024x384xf32> to vector<1024x384xbf16>
    %mul3A_221 = arith.mulf %convert_element_type3A_220, %slice3A_31 : vector<1024x384xbf16>
    %add3A_222 = arith.addf %mul3A_215, %mul3A_221 : vector<1024x384xbf16>
    %mul3A_223 = arith.mulf %exp3A_204, %div3A_209 : vector<1024x4xf32>
    %convert_element_type3A_224 = arith.truncf %mul3A_223 : vector<1024x4xf32> to vector<1024x4xbf16>
    %dot_general3A_225 = arith.constant dense<0.000000e+00> : vector<1024x384xf32>
    %dot_general3A_226 = tpu.matmul %convert_element_type3A_224, %get3A_38, %dot_general3A_225 {dimension_numbers = #tpu.dot_dimension_numbers<[1], [0], [0], [1], [0, 0, 1, 1], [], []>, transpose_lhs_hint = false} : vector<1024x4xbf16>, vector<4x384xbf16>, vector<1024x384xf32> -> vector<1024x384xf32>
    %convert_element_type3A_227 = arith.truncf %dot_general3A_226 : vector<1024x384xf32> to vector<1024x384xbf16>
    %mul3A_228 = arith.mulf %convert_element_type3A_227, %slice3A_32 : vector<1024x384xbf16>
    %add3A_229 = arith.addf %add3A_222, %mul3A_228 : vector<1024x384xbf16>
    %get3A_230 = arith.constant 0 : index
    %get3A_231 = arith.constant 0 : index
    %get3A_232 = vector.load %arg7[%get3A_230, %get3A_231] : memref<384x384xbf16, #tpu.memory_space<vmem>>, vector<384x384xbf16>
    %dot_general3A_233 = arith.constant dense<0.000000e+00> : vector<1024x384xf32>
    %dot_general3A_234 = tpu.matmul %add3A_229, %get3A_232, %dot_general3A_233 {dimension_numbers = #tpu.dot_dimension_numbers<[1], [0], [0], [1], [0, 0, 1, 1], [], []>, transpose_lhs_hint = false} : vector<1024x384xbf16>, vector<384x384xbf16>, vector<1024x384xf32> -> vector<1024x384xf32>
    %get3A_235 = arith.constant 0 : index
    %get3A_236 = arith.constant 0 : index
    %get3A_237 = vector.load %arg8[%get3A_235, %get3A_236] : memref<1x384xf32, #tpu.memory_space<vmem>>, vector<1x384xf32>
    %add3A_238 = vector.broadcast %get3A_237 : vector<1x384xf32> to vector<1024x384xf32>
    %add3A_239 = arith.addf %dot_general3A_234, %add3A_238 : vector<1024x384xf32>
    %slice3A_240 = vector.extract_strided_slice %concatenate3A {offsets = [2048, 0], sizes = [1024, 384], strides = [1, 1]} : vector<3072x384xf32> to vector<1024x384xf32>
    %add3A_241 = arith.addf %add3A_239, %slice3A_240 : vector<1024x384xf32>
    %reduce_sum3A_242 = arith.constant dense<0.000000e+00> : vector<1024xf32>
    %reduce_sum3A_243 = vector.multi_reduction <add>, %add3A_241, %reduce_sum3A_242 [1] : vector<1024x384xf32> to vector<1024xf32>
    %broadcast_in_dim3A_244 = vector.shape_cast %reduce_sum3A_243 : vector<1024xf32> to vector<1024x1xf32>
    %div3A_245 = arith.constant 3.840000e+02 : f32
    %div3A_246 = vector.broadcast %div3A_245 : f32 to vector<1024x1xf32>
    %div3A_247 = arith.divf %broadcast_in_dim3A_244, %div3A_246 : vector<1024x1xf32>
    %sub3A_248 = vector.broadcast %div3A_247 : vector<1024x1xf32> to vector<1024x384xf32>
    %sub3A_249 = arith.subf %add3A_241, %sub3A_248 : vector<1024x384xf32>
    %mul3A_250 = arith.mulf %sub3A_249, %sub3A_249 : vector<1024x384xf32>
    %reduce_sum3A_251 = arith.constant dense<0.000000e+00> : vector<1024xf32>
    %reduce_sum3A_252 = vector.multi_reduction <add>, %mul3A_250, %reduce_sum3A_251 [1] : vector<1024x384xf32> to vector<1024xf32>
    %broadcast_in_dim3A_253 = vector.shape_cast %reduce_sum3A_252 : vector<1024xf32> to vector<1024x1xf32>
    %div3A_254 = arith.constant 3.840000e+02 : f32
    %div3A_255 = vector.broadcast %div3A_254 : f32 to vector<1024x1xf32>
    %div3A_256 = arith.divf %broadcast_in_dim3A_253, %div3A_255 : vector<1024x1xf32>
    %add3A_257 = arith.constant 9.99999974E-6 : f32
    %add3A_258 = vector.broadcast %add3A_257 : f32 to vector<1024x1xf32>
    %add3A_259 = arith.addf %div3A_256, %add3A_258 : vector<1024x1xf32>
    %rsqrt3A_260 = math.rsqrt %add3A_259 : vector<1024x1xf32>
    %mul3A_261 = vector.broadcast %rsqrt3A_260 : vector<1024x1xf32> to vector<1024x384xf32>
    %mul3A_262 = arith.mulf %sub3A_249, %mul3A_261 : vector<1024x384xf32>
    %get3A_263 = arith.constant 0 : index
    %get3A_264 = arith.constant 0 : index
    %get3A_265 = vector.load %arg9[%get3A_263, %get3A_264] : memref<1x384xf32, #tpu.memory_space<vmem>>, vector<1x384xf32>
    %mul3A_266 = vector.broadcast %get3A_265 : vector<1x384xf32> to vector<1024x384xf32>
    %mul3A_267 = arith.mulf %mul3A_262, %mul3A_266 : vector<1024x384xf32>
    %get3A_268 = arith.constant 0 : index
    %get3A_269 = arith.constant 0 : index
    %get3A_270 = vector.load %arg10[%get3A_268, %get3A_269] : memref<1x384xf32, #tpu.memory_space<vmem>>, vector<1x384xf32>
    %add3A_271 = vector.broadcast %get3A_270 : vector<1x384xf32> to vector<1024x384xf32>
    %add3A_272 = arith.addf %mul3A_267, %add3A_271 : vector<1024x384xf32>
    %add3A_273 = arith.addf %add3A_201, %add3A_272 : vector<1024x384xf32>
    %mul3A_274 = arith.constant 0.333333343 : f32
    %mul3A_275 = vector.broadcast %mul3A_274 : f32 to vector<1024x384xf32>
    %mul3A_276 = arith.mulf %add3A_273, %mul3A_275 : vector<1024x384xf32>
    %swap3A = arith.constant 0 : index
    %swap3A_277 = arith.constant 0 : index
    %swap3A_278 = vector.load %arg12[%swap3A, %swap3A_277] : memref<1024x384xf32, #tpu.memory_space<vmem>>, vector<1024x384xf32>
    tpu.vector_store %arg12[%swap3A, %swap3A_277], %mul3A_276 {strides = array<i32>} : memref<1024x384xf32, #tpu.memory_space<vmem>>, vector<1024x384xf32>,
    return
  }
  func.func @transform_0(%arg0: i32) -> (i32, i32, i32) {
    %c0_i32 = arith.constant 0 : i32
    %c0_i32_0 = arith.constant 0 : i32
    %c0_i32_1 = arith.constant 0 : i32
    return %c0_i32, %arg0, %c0_i32_0 : i32, i32, i32
  }
  func.func @transform_1(%arg0: i32) -> (i32, i32) {
    %c0_i32 = arith.constant 0 : i32
    %c0_i32_0 = arith.constant 0 : i32
    %c0_i32_1 = arith.constant 0 : i32
    return %c0_i32, %c0_i32_0 : i32, i32
  }
  func.func @transform_2(%arg0: i32) -> (i32, i32) {
    %c0_i32 = arith.constant 0 : i32
    %c0_i32_0 = arith.constant 0 : i32
    %c0_i32_1 = arith.constant 0 : i32
    return %c0_i32, %c0_i32_0 : i32, i32
  }
  func.func @transform_3(%arg0: i32) -> (i32, i32) {
    %c0_i32 = arith.constant 0 : i32
    %c0_i32_0 = arith.constant 0 : i32
    %c0_i32_1 = arith.constant 0 : i32
    return %c0_i32, %c0_i32_0 : i32, i32
  }
  func.func @transform_4(%arg0: i32) -> (i32, i32) {
    %c0_i32 = arith.constant 0 : i32
    %c0_i32_0 = arith.constant 0 : i32
    %c0_i32_1 = arith.constant 0 : i32
    return %c0_i32, %c0_i32_0 : i32, i32
  }
  func.func @transform_5(%arg0: i32) -> (i32, i32) {
    %c0_i32 = arith.constant 0 : i32
    %c0_i32_0 = arith.constant 0 : i32
    %c0_i32_1 = arith.constant 0 : i32
    return %c0_i32, %c0_i32_0 : i32, i32
  }
  func.func @transform_6(%arg0: i32) -> (i32, i32) {
    %c0_i32 = arith.constant 0 : i32
    %c0_i32_0 = arith.constant 0 : i32
    %c0_i32_1 = arith.constant 0 : i32
    return %c0_i32, %c0_i32_0 : i32, i32
  }
  func.func @transform_7(%arg0: i32) -> (i32, i32) {
    %c0_i32 = arith.constant 0 : i32
    %c0_i32_0 = arith.constant 0 : i32
    %c0_i32_1 = arith.constant 0 : i32
    return %c0_i32, %c0_i32_0 : i32, i32
  }
  func.func @transform_8(%arg0: i32) -> (i32, i32) {
    %c0_i32 = arith.constant 0 : i32
    %c0_i32_0 = arith.constant 0 : i32
    %c0_i32_1 = arith.constant 0 : i32
    return %c0_i32, %c0_i32_0 : i32, i32
  }
  func.func @transform_9(%arg0: i32) -> (i32, i32) {
    %c0_i32 = arith.constant 0 : i32
    %c0_i32_0 = arith.constant 0 : i32
    %c0_i32_1 = arith.constant 0 : i32
    return %c0_i32, %c0_i32_0 : i32, i32
  }
  func.func @transform_11(%arg0: i32) -> (i32, i32) {
    %add3A = arith.constant 2 : i32
    %add3A_0 = arith.addi %add3A, %arg0 : i32
    %c0_i32 = arith.constant 0 : i32
    %c0_i32_1 = arith.constant 0 : i32
    return %add3A_0, %c0_i32 : i32, i32
  }
}

module attributes {stable_mosaic.version = 14 : i64} {
  func.func @_tc_body(%arg0: i32, %arg1: memref<3x1024x256xi32, #tpu.memory_space<vmem>>, %arg2: memref<256x1152xbf16, #tpu.memory_space<vmem>>, %arg3: memref<128x1152xbf16, #tpu.memory_space<vmem>>, %arg4: memref<1x1152xbf16, #tpu.memory_space<vmem>>, %arg5: memref<384x4xbf16, #tpu.memory_space<vmem>>, %arg6: memref<4x384xbf16, #tpu.memory_space<vmem>>, %arg7: memref<384x384xbf16, #tpu.memory_space<vmem>>, %arg8: memref<1x384xf32, #tpu.memory_space<vmem>>, %arg9: memref<1x384xf32, #tpu.memory_space<vmem>>, %arg10: memref<1x384xf32, #tpu.memory_space<vmem>>, %arg11: memref<16384x384xf32, #tpu.memory_space<hbm>>, %arg12: memref<1024x384xf32, #tpu.memory_space<vmem>>) attributes {dimension_semantics = [#tpu.dimension_semantics<parallel>], iteration_bounds = array<i64: 4>, scalar_prefetch = 0 : i64, scratch_operands = 0 : i64, tpu.core_type = #tpu.core_type<tc>, window_params = [{transform_indices = @transform_0, window_bounds = array<i64: 3, 1024, 256>}, {pipeline_mode = #tpu.pipeline_mode<synchronous>, transform_indices = @transform_1, window_bounds = array<i64: 256, 1152>}, {pipeline_mode = #tpu.pipeline_mode<synchronous>, transform_indices = @transform_2, window_bounds = array<i64: 128, 1152>}, {pipeline_mode = #tpu.pipeline_mode<synchronous>, transform_indices = @transform_3, window_bounds = array<i64: 1, 1152>}, {pipeline_mode = #tpu.pipeline_mode<synchronous>, transform_indices = @transform_4, window_bounds = array<i64: 384, 4>}, {pipeline_mode = #tpu.pipeline_mode<synchronous>, transform_indices = @transform_5, window_bounds = array<i64: 4, 384>}, {pipeline_mode = #tpu.pipeline_mode<synchronous>, transform_indices = @transform_6, window_bounds = array<i64: 384, 384>}, {pipeline_mode = #tpu.pipeline_mode<synchronous>, transform_indices = @transform_7, window_bounds = array<i64: 1, 384>}, {pipeline_mode = #tpu.pipeline_mode<synchronous>, transform_indices = @transform_8, window_bounds = array<i64: 1, 384>}, {pipeline_mode = #tpu.pipeline_mode<synchronous>, transform_indices = @transform_9, window_bounds = array<i64: 1, 384>}, {}, {transform_indices = @transform_11, window_bounds = array<i64: 1024, 384>}]} {
    %get3A = arith.constant 0 : index
    %get3A_0 = arith.constant 0 : index
    %get3A_1 = arith.constant 0 : index
    %get3A_2 = vector.load %arg1[%get3A, %get3A_0, %get3A_1] : memref<3x1024x256xi32, #tpu.memory_space<vmem>>, vector<3x1024x256xi32>
    %reshape3A = vector.shape_cast %get3A_2 : vector<3x1024x256xi32> to vector<3072x256xi32>
    %shift_left3A = arith.constant 16 : i32
    %shift_left3A_3 = vector.broadcast %shift_left3A : i32 to vector<3072x256xi32>
    %shift_left3A_4 = arith.shli %reshape3A, %shift_left3A_3 : vector<3072x256xi32>
    %bitcast_convert_type3A = tpu.bitcast %shift_left3A_4 : vector<3072x256xi32> -> vector<3072x256xf32>
    %and3A = arith.constant -65536 : i32
    %and3A_5 = vector.broadcast %and3A : i32 to vector<3072x256xi32>
    %and3A_6 = arith.andi %reshape3A, %and3A_5 : vector<3072x256xi32>
    %bitcast_convert_type3A_7 = tpu.bitcast %and3A_6 : vector<3072x256xi32> -> vector<3072x256xf32>
    %slice3A = vector.extract_strided_slice %bitcast_convert_type3A_7 {offsets = [0, 0], sizes = [3072, 128], strides = [1, 1]} : vector<3072x256xf32> to vector<3072x128xf32>
    %concatenate3A = tpu.concatenate %bitcast_convert_type3A, %slice3A in 1 : vector<3072x256xf32>, vector<3072x128xf32> -> vector<3072x384xf32>
    %convert_element_type3A = arith.truncf %bitcast_convert_type3A : vector<3072x256xf32> to vector<3072x256xbf16>
    %get3A_8 = arith.constant 0 : index
    %get3A_9 = arith.constant 0 : index
    %get3A_10 = vector.load %arg2[%get3A_8, %get3A_9] : memref<256x1152xbf16, #tpu.memory_space<vmem>>, vector<256x1152xbf16>
    %dot_general3A = arith.constant dense<0.000000e+00> : vector<3072x1152xf32>
    %dot_general3A_11 = tpu.matmul %convert_element_type3A, %get3A_10, %dot_general3A {dimension_numbers = #tpu.dot_dimension_numbers<[1], [0], [0], [1], [0, 0, 1, 1], [], []>, transpose_lhs_hint = false} : vector<3072x256xbf16>, vector<256x1152xbf16>, vector<3072x1152xf32> -> vector<3072x1152xf32>
    %convert_element_type3A_12 = arith.truncf %slice3A : vector<3072x128xf32> to vector<3072x128xbf16>
    %get3A_13 = arith.constant 0 : index
    %get3A_14 = arith.constant 0 : index
    %get3A_15 = vector.load %arg3[%get3A_13, %get3A_14] : memref<128x1152xbf16, #tpu.memory_space<vmem>>, vector<128x1152xbf16>
    %dot_general3A_16 = arith.constant dense<0.000000e+00> : vector<3072x1152xf32>
    %dot_general3A_17 = tpu.matmul %convert_element_type3A_12, %get3A_15, %dot_general3A_16 {dimension_numbers = #tpu.dot_dimension_numbers<[1], [0], [0], [1], [0, 0, 1, 1], [], []>, transpose_lhs_hint = false} : vector<3072x128xbf16>, vector<128x1152xbf16>, vector<3072x1152xf32> -> vector<3072x1152xf32>
    %add3A = arith.addf %dot_general3A_11, %dot_general3A_17 : vector<3072x1152xf32>
    %convert_element_type3A_18 = arith.truncf %add3A : vector<3072x1152xf32> to vector<3072x1152xbf16>
    %get3A_19 = arith.constant 0 : index
    %get3A_20 = arith.constant 0 : index
    %get3A_21 = vector.load %arg4[%get3A_19, %get3A_20] : memref<1x1152xbf16, #tpu.memory_space<vmem>>, vector<1x1152xbf16>
    %add3A_22 = vector.broadcast %get3A_21 : vector<1x1152xbf16> to vector<3072x1152xbf16>
    %add3A_23 = arith.addf %convert_element_type3A_18, %add3A_22 : vector<3072x1152xbf16>
    %slice3A_24 = vector.extract_strided_slice %add3A_23 {offsets = [0, 0], sizes = [1024, 384], strides = [1, 1]} : vector<3072x1152xbf16> to vector<1024x384xbf16>
    %slice3A_25 = vector.extract_strided_slice %add3A_23 {offsets = [1024, 0], sizes = [1024, 384], strides = [1, 1]} : vector<3072x1152xbf16> to vector<1024x384xbf16>
    %slice3A_26 = vector.extract_strided_slice %add3A_23 {offsets = [2048, 0], sizes = [1024, 384], strides = [1, 1]} : vector<3072x1152xbf16> to vector<1024x384xbf16>
    %slice3A_27 = vector.extract_strided_slice %add3A_23 {offsets = [0, 384], sizes = [1024, 384], strides = [1, 1]} : vector<3072x1152xbf16> to vector<1024x384xbf16>
    %slice3A_28 = vector.extract_strided_slice %add3A_23 {offsets = [1024, 384], sizes = [1024, 384], strides = [1, 1]} : vector<3072x1152xbf16> to vector<1024x384xbf16>
    %slice3A_29 = vector.extract_strided_slice %add3A_23 {offsets = [2048, 384], sizes = [1024, 384], strides = [1, 1]} : vector<3072x1152xbf16> to vector<1024x384xbf16>
    %slice3A_30 = vector.extract_strided_slice %add3A_23 {offsets = [0, 768], sizes = [1024, 384], strides = [1, 1]} : vector<3072x1152xbf16> to vector<1024x384xbf16>
    %slice3A_31 = vector.extract_strided_slice %add3A_23 {offsets = [1024, 768], sizes = [1024, 384], strides = [1, 1]} : vector<3072x1152xbf16> to vector<1024x384xbf16>
    %slice3A_32 = vector.extract_strided_slice %add3A_23 {offsets = [2048, 768], sizes = [1024, 384], strides = [1, 1]} : vector<3072x1152xbf16> to vector<1024x384xbf16>
    %get3A_33 = arith.constant 0 : index
    %get3A_34 = arith.constant 0 : index
    %get3A_35 = vector.load %arg5[%get3A_33, %get3A_34] : memref<384x4xbf16, #tpu.memory_space<vmem>>, vector<384x4xbf16>
    %get3A_36 = arith.constant 0 : index
    %get3A_37 = arith.constant 0 : index
    %get3A_38 = vector.load %arg6[%get3A_36, %get3A_37] : memref<4x384xbf16, #tpu.memory_space<vmem>>, vector<4x384xbf16>
    %mul3A = arith.mulf %slice3A_24, %slice3A_27 : vector<1024x384xbf16>
    %dot_general3A_39 = arith.constant dense<0.000000e+00> : vector<1024x4xf32>
    %dot_general3A_40 = tpu.matmul %mul3A, %get3A_35, %dot_general3A_39 {dimension_numbers = #tpu.dot_dimension_numbers<[1], [0], [0], [1], [0, 0, 1, 1], [], []>, transpose_lhs_hint = false} : vector<1024x384xbf16>, vector<384x4xbf16>, vector<1024x4xf32> -> vector<1024x4xf32>
    %mul3A_41 = arith.mulf %slice3A_24, %slice3A_28 : vector<1024x384xbf16>
    %dot_general3A_42 = arith.constant dense<0.000000e+00> : vector<1024x4xf32>
    %dot_general3A_43 = tpu.matmul %mul3A_41, %get3A_35, %dot_general3A_42 {dimension_numbers = #tpu.dot_dimension_numbers<[1], [0], [0], [1], [0, 0, 1, 1], [], []>, transpose_lhs_hint = false} : vector<1024x384xbf16>, vector<384x4xbf16>, vector<1024x4xf32> -> vector<1024x4xf32>
    %mul3A_44 = arith.mulf %slice3A_24, %slice3A_29 : vector<1024x384xbf16>
    %dot_general3A_45 = arith.constant dense<0.000000e+00> : vector<1024x4xf32>
    %dot_general3A_46 = tpu.matmul %mul3A_44, %get3A_35, %dot_general3A_45 {dimension_numbers = #tpu.dot_dimension_numbers<[1], [0], [0], [1], [0, 0, 1, 1], [], []>, transpose_lhs_hint = false} : vector<1024x384xbf16>, vector<384x4xbf16>, vector<1024x4xf32> -> vector<1024x4xf32>
    %mul3A_47 = arith.mulf %slice3A_25, %slice3A_27 : vector<1024x384xbf16>
    %dot_general3A_48 = arith.constant dense<0.000000e+00> : vector<1024x4xf32>
    %dot_general3A_49 = tpu.matmul %mul3A_47, %get3A_35, %dot_general3A_48 {dimension_numbers = #tpu.dot_dimension_numbers<[1], [0], [0], [1], [0, 0, 1, 1], [], []>, transpose_lhs_hint = false} : vector<1024x384xbf16>, vector<384x4xbf16>, vector<1024x4xf32> -> vector<1024x4xf32>
    %mul3A_50 = arith.mulf %slice3A_25, %slice3A_28 : vector<1024x384xbf16>
    %dot_general3A_51 = arith.constant dense<0.000000e+00> : vector<1024x4xf32>
    %dot_general3A_52 = tpu.matmul %mul3A_50, %get3A_35, %dot_general3A_51 {dimension_numbers = #tpu.dot_dimension_numbers<[1], [0], [0], [1], [0, 0, 1, 1], [], []>, transpose_lhs_hint = false} : vector<1024x384xbf16>, vector<384x4xbf16>, vector<1024x4xf32> -> vector<1024x4xf32>
    %mul3A_53 = arith.mulf %slice3A_25, %slice3A_29 : vector<1024x384xbf16>
    %dot_general3A_54 = arith.constant dense<0.000000e+00> : vector<1024x4xf32>
    %dot_general3A_55 = tpu.matmul %mul3A_53, %get3A_35, %dot_general3A_54 {dimension_numbers = #tpu.dot_dimension_numbers<[1], [0], [0], [1], [0, 0, 1, 1], [], []>, transpose_lhs_hint = false} : vector<1024x384xbf16>, vector<384x4xbf16>, vector<1024x4xf32> -> vector<1024x4xf32>
    %mul3A_56 = arith.mulf %slice3A_26, %slice3A_27 : vector<1024x384xbf16>
    %dot_general3A_57 = arith.constant dense<0.000000e+00> : vector<1024x4xf32>
    %dot_general3A_58 = tpu.matmul %mul3A_56, %get3A_35, %dot_general3A_57 {dimension_numbers = #tpu.dot_dimension_numbers<[1], [0], [0], [1], [0, 0, 1, 1], [], []>, transpose_lhs_hint = false} : vector<1024x384xbf16>, vector<384x4xbf16>, vector<1024x4xf32> -> vector<1024x4xf32>
    %mul3A_59 = arith.mulf %slice3A_26, %slice3A_28 : vector<1024x384xbf16>
    %dot_general3A_60 = arith.constant dense<0.000000e+00> : vector<1024x4xf32>
    %dot_general3A_61 = tpu.matmul %mul3A_59, %get3A_35, %dot_general3A_60 {dimension_numbers = #tpu.dot_dimension_numbers<[1], [0], [0], [1], [0, 0, 1, 1], [], []>, transpose_lhs_hint = false} : vector<1024x384xbf16>, vector<384x4xbf16>, vector<1024x4xf32> -> vector<1024x4xf32>
    %mul3A_62 = arith.mulf %slice3A_26, %slice3A_29 : vector<1024x384xbf16>
    %dot_general3A_63 = arith.constant dense<0.000000e+00> : vector<1024x4xf32>
    %dot_general3A_64 = tpu.matmul %mul3A_62, %get3A_35, %dot_general3A_63 {dimension_numbers = #tpu.dot_dimension_numbers<[1], [0], [0], [1], [0, 0, 1, 1], [], []>, transpose_lhs_hint = false} : vector<1024x384xbf16>, vector<384x4xbf16>, vector<1024x4xf32> -> vector<1024x4xf32>
    %exp3A = math.exp %dot_general3A_40 : vector<1024x4xf32>
    %exp3A_65 = math.exp %dot_general3A_43 : vector<1024x4xf32>
    %exp3A_66 = math.exp %dot_general3A_46 : vector<1024x4xf32>
    %add3A_67 = arith.addf %exp3A, %exp3A_65 : vector<1024x4xf32>
    %add3A_68 = arith.addf %add3A_67, %exp3A_66 : vector<1024x4xf32>
    %div3A = arith.constant 1.000000e+00 : f32
    %div3A_69 = vector.broadcast %div3A : f32 to vector<1024x4xf32>
    %div3A_70 = arith.divf %div3A_69, %add3A_68 : vector<1024x4xf32>
    %mul3A_71 = arith.mulf %exp3A, %div3A_70 : vector<1024x4xf32>
    %convert_element_type3A_72 = arith.truncf %mul3A_71 : vector<1024x4xf32> to vector<1024x4xbf16>
    %dot_general3A_73 = arith.constant dense<0.000000e+00> : vector<1024x384xf32>
    %dot_general3A_74 = tpu.matmul %convert_element_type3A_72, %get3A_38, %dot_general3A_73 {dimension_numbers = #tpu.dot_dimension_numbers<[1], [0], [0], [1], [0, 0, 1, 1], [], []>, transpose_lhs_hint = false} : vector<1024x4xbf16>, vector<4x384xbf16>, vector<1024x384xf32> -> vector<1024x384xf32>
    %convert_element_type3A_75 = arith.truncf %dot_general3A_74 : vector<1024x384xf32> to vector<1024x384xbf16>
    %mul3A_76 = arith.mulf %convert_element_type3A_75, %slice3A_30 : vector<1024x384xbf16>
    %mul3A_77 = arith.mulf %exp3A_65, %div3A_70 : vector<1024x4xf32>
    %convert_element_type3A_78 = arith.truncf %mul3A_77 : vector<1024x4xf32> to vector<1024x4xbf16>
    %dot_general3A_79 = arith.constant dense<0.000000e+00> : vector<1024x384xf32>
    %dot_general3A_80 = tpu.matmul %convert_element_type3A_78, %get3A_38, %dot_general3A_79 {dimension_numbers = #tpu.dot_dimension_numbers<[1], [0], [0], [1], [0, 0, 1, 1], [], []>, transpose_lhs_hint = false} : vector<1024x4xbf16>, vector<4x384xbf16>, vector<1024x384xf32> -> vector<1024x384xf32>
    %convert_element_type3A_81 = arith.truncf %dot_general3A_80 : vector<1024x384xf32> to vector<1024x384xbf16>
    %mul3A_82 = arith.mulf %convert_element_type3A_81, %slice3A_31 : vector<1024x384xbf16>
    %add3A_83 = arith.addf %mul3A_76, %mul3A_82 : vector<1024x384xbf16>
    %mul3A_84 = arith.mulf %exp3A_66, %div3A_70 : vector<1024x4xf32>
    %convert_element_type3A_85 = arith.truncf %mul3A_84 : vector<1024x4xf32> to vector<1024x4xbf16>
    %dot_general3A_86 = arith.constant dense<0.000000e+00> : vector<1024x384xf32>
    %dot_general3A_87 = tpu.matmul %convert_element_type3A_85, %get3A_38, %dot_general3A_86 {dimension_numbers = #tpu.dot_dimension_numbers<[1], [0], [0], [1], [0, 0, 1, 1], [], []>, transpose_lhs_hint = false} : vector<1024x4xbf16>, vector<4x384xbf16>, vector<1024x384xf32> -> vector<1024x384xf32>
    %convert_element_type3A_88 = arith.truncf %dot_general3A_87 : vector<1024x384xf32> to vector<1024x384xbf16>
    %mul3A_89 = arith.mulf %convert_element_type3A_88, %slice3A_32 : vector<1024x384xbf16>
    %add3A_90 = arith.addf %add3A_83, %mul3A_89 : vector<1024x384xbf16>
    %get3A_91 = arith.constant 0 : index
    %get3A_92 = arith.constant 0 : index
    %get3A_93 = vector.load %arg7[%get3A_91, %get3A_92] : memref<384x384xbf16, #tpu.memory_space<vmem>>, vector<384x384xbf16>
    %dot_general3A_94 = arith.constant dense<0.000000e+00> : vector<1024x384xf32>
    %dot_general3A_95 = tpu.matmul %add3A_90, %get3A_93, %dot_general3A_94 {dimension_numbers = #tpu.dot_dimension_numbers<[1], [0], [0], [1], [0, 0, 1, 1], [], []>, transpose_lhs_hint = false} : vector<1024x384xbf16>, vector<384x384xbf16>, vector<1024x384xf32> -> vector<1024x384xf32>
    %get3A_96 = arith.constant 0 : index
    %get3A_97 = arith.constant 0 : index
    %get3A_98 = vector.load %arg8[%get3A_96, %get3A_97] : memref<1x384xf32, #tpu.memory_space<vmem>>, vector<1x384xf32>
    %add3A_99 = vector.broadcast %get3A_98 : vector<1x384xf32> to vector<1024x384xf32>
    %add3A_100 = arith.addf %dot_general3A_95, %add3A_99 : vector<1024x384xf32>
    %slice3A_101 = vector.extract_strided_slice %concatenate3A {offsets = [0, 0], sizes = [1024, 384], strides = [1, 1]} : vector<3072x384xf32> to vector<1024x384xf32>
    %add3A_102 = arith.addf %add3A_100, %slice3A_101 : vector<1024x384xf32>
    %reduce_sum3A = arith.constant dense<0.000000e+00> : vector<1024xf32>
    %reduce_sum3A_103 = vector.multi_reduction <add>, %add3A_102, %reduce_sum3A [1] : vector<1024x384xf32> to vector<1024xf32>
    %broadcast_in_dim3A = vector.shape_cast %reduce_sum3A_103 : vector<1024xf32> to vector<1024x1xf32>
    %div3A_104 = arith.constant 3.840000e+02 : f32
    %div3A_105 = vector.broadcast %div3A_104 : f32 to vector<1024x1xf32>
    %div3A_106 = arith.divf %broadcast_in_dim3A, %div3A_105 : vector<1024x1xf32>
    %sub3A = vector.broadcast %div3A_106 : vector<1024x1xf32> to vector<1024x384xf32>
    %sub3A_107 = arith.subf %add3A_102, %sub3A : vector<1024x384xf32>
    %mul3A_108 = arith.mulf %sub3A_107, %sub3A_107 : vector<1024x384xf32>
    %reduce_sum3A_109 = arith.constant dense<0.000000e+00> : vector<1024xf32>
    %reduce_sum3A_110 = vector.multi_reduction <add>, %mul3A_108, %reduce_sum3A_109 [1] : vector<1024x384xf32> to vector<1024xf32>
    %broadcast_in_dim3A_111 = vector.shape_cast %reduce_sum3A_110 : vector<1024xf32> to vector<1024x1xf32>
    %div3A_112 = arith.constant 3.840000e+02 : f32
    %div3A_113 = vector.broadcast %div3A_112 : f32 to vector<1024x1xf32>
    %div3A_114 = arith.divf %broadcast_in_dim3A_111, %div3A_113 : vector<1024x1xf32>
    %add3A_115 = arith.constant 9.99999974E-6 : f32
    %add3A_116 = vector.broadcast %add3A_115 : f32 to vector<1024x1xf32>
    %add3A_117 = arith.addf %div3A_114, %add3A_116 : vector<1024x1xf32>
    %rsqrt3A = math.rsqrt %add3A_117 : vector<1024x1xf32>
    %mul3A_118 = vector.broadcast %rsqrt3A : vector<1024x1xf32> to vector<1024x384xf32>
    %mul3A_119 = arith.mulf %sub3A_107, %mul3A_118 : vector<1024x384xf32>
    %get3A_120 = arith.constant 0 : index
    %get3A_121 = arith.constant 0 : index
    %get3A_122 = vector.load %arg9[%get3A_120, %get3A_121] : memref<1x384xf32, #tpu.memory_space<vmem>>, vector<1x384xf32>
    %mul3A_123 = vector.broadcast %get3A_122 : vector<1x384xf32> to vector<1024x384xf32>
    %mul3A_124 = arith.mulf %mul3A_119, %mul3A_123 : vector<1024x384xf32>
    %get3A_125 = arith.constant 0 : index
    %get3A_126 = arith.constant 0 : index
    %get3A_127 = vector.load %arg10[%get3A_125, %get3A_126] : memref<1x384xf32, #tpu.memory_space<vmem>>, vector<1x384xf32>
    %add3A_128 = vector.broadcast %get3A_127 : vector<1x384xf32> to vector<1024x384xf32>
    %add3A_129 = arith.addf %mul3A_124, %add3A_128 : vector<1024x384xf32>
    %exp3A_130 = math.exp %dot_general3A_49 : vector<1024x4xf32>
    %exp3A_131 = math.exp %dot_general3A_52 : vector<1024x4xf32>
    %exp3A_132 = math.exp %dot_general3A_55 : vector<1024x4xf32>
    %add3A_133 = arith.addf %exp3A_130, %exp3A_131 : vector<1024x4xf32>
    %add3A_134 = arith.addf %add3A_133, %exp3A_132 : vector<1024x4xf32>
    %div3A_135 = arith.constant 1.000000e+00 : f32
    %div3A_136 = vector.broadcast %div3A_135 : f32 to vector<1024x4xf32>
    %div3A_137 = arith.divf %div3A_136, %add3A_134 : vector<1024x4xf32>
    %mul3A_138 = arith.mulf %exp3A_130, %div3A_137 : vector<1024x4xf32>
    %convert_element_type3A_139 = arith.truncf %mul3A_138 : vector<1024x4xf32> to vector<1024x4xbf16>
    %dot_general3A_140 = arith.constant dense<0.000000e+00> : vector<1024x384xf32>
    %dot_general3A_141 = tpu.matmul %convert_element_type3A_139, %get3A_38, %dot_general3A_140 {dimension_numbers = #tpu.dot_dimension_numbers<[1], [0], [0], [1], [0, 0, 1, 1], [], []>, transpose_lhs_hint = false} : vector<1024x4xbf16>, vector<4x384xbf16>, vector<1024x384xf32> -> vector<1024x384xf32>
    %convert_element_type3A_142 = arith.truncf %dot_general3A_141 : vector<1024x384xf32> to vector<1024x384xbf16>
    %mul3A_143 = arith.mulf %convert_element_type3A_142, %slice3A_30 : vector<1024x384xbf16>
    %mul3A_144 = arith.mulf %exp3A_131, %div3A_137 : vector<1024x4xf32>
    %convert_element_type3A_145 = arith.truncf %mul3A_144 : vector<1024x4xf32> to vector<1024x4xbf16>
    %dot_general3A_146 = arith.constant dense<0.000000e+00> : vector<1024x384xf32>
    %dot_general3A_147 = tpu.matmul %convert_element_type3A_145, %get3A_38, %dot_general3A_146 {dimension_numbers = #tpu.dot_dimension_numbers<[1], [0], [0], [1], [0, 0, 1, 1], [], []>, transpose_lhs_hint = false} : vector<1024x4xbf16>, vector<4x384xbf16>, vector<1024x384xf32> -> vector<1024x384xf32>
    %convert_element_type3A_148 = arith.truncf %dot_general3A_147 : vector<1024x384xf32> to vector<1024x384xbf16>
    %mul3A_149 = arith.mulf %convert_element_type3A_148, %slice3A_31 : vector<1024x384xbf16>
    %add3A_150 = arith.addf %mul3A_143, %mul3A_149 : vector<1024x384xbf16>
    %mul3A_151 = arith.mulf %exp3A_132, %div3A_137 : vector<1024x4xf32>
    %convert_element_type3A_152 = arith.truncf %mul3A_151 : vector<1024x4xf32> to vector<1024x4xbf16>
    %dot_general3A_153 = arith.constant dense<0.000000e+00> : vector<1024x384xf32>
    %dot_general3A_154 = tpu.matmul %convert_element_type3A_152, %get3A_38, %dot_general3A_153 {dimension_numbers = #tpu.dot_dimension_numbers<[1], [0], [0], [1], [0, 0, 1, 1], [], []>, transpose_lhs_hint = false} : vector<1024x4xbf16>, vector<4x384xbf16>, vector<1024x384xf32> -> vector<1024x384xf32>
    %convert_element_type3A_155 = arith.truncf %dot_general3A_154 : vector<1024x384xf32> to vector<1024x384xbf16>
    %mul3A_156 = arith.mulf %convert_element_type3A_155, %slice3A_32 : vector<1024x384xbf16>
    %add3A_157 = arith.addf %add3A_150, %mul3A_156 : vector<1024x384xbf16>
    %get3A_158 = arith.constant 0 : index
    %get3A_159 = arith.constant 0 : index
    %get3A_160 = vector.load %arg7[%get3A_158, %get3A_159] : memref<384x384xbf16, #tpu.memory_space<vmem>>, vector<384x384xbf16>
    %dot_general3A_161 = arith.constant dense<0.000000e+00> : vector<1024x384xf32>
    %dot_general3A_162 = tpu.matmul %add3A_157, %get3A_160, %dot_general3A_161 {dimension_numbers = #tpu.dot_dimension_numbers<[1], [0], [0], [1], [0, 0, 1, 1], [], []>, transpose_lhs_hint = false} : vector<1024x384xbf16>, vector<384x384xbf16>, vector<1024x384xf32> -> vector<1024x384xf32>
    %get3A_163 = arith.constant 0 : index
    %get3A_164 = arith.constant 0 : index
    %get3A_165 = vector.load %arg8[%get3A_163, %get3A_164] : memref<1x384xf32, #tpu.memory_space<vmem>>, vector<1x384xf32>
    %add3A_166 = vector.broadcast %get3A_165 : vector<1x384xf32> to vector<1024x384xf32>
    %add3A_167 = arith.addf %dot_general3A_162, %add3A_166 : vector<1024x384xf32>
    %slice3A_168 = vector.extract_strided_slice %concatenate3A {offsets = [1024, 0], sizes = [1024, 384], strides = [1, 1]} : vector<3072x384xf32> to vector<1024x384xf32>
    %add3A_169 = arith.addf %add3A_167, %slice3A_168 : vector<1024x384xf32>
    %reduce_sum3A_170 = arith.constant dense<0.000000e+00> : vector<1024xf32>
    %reduce_sum3A_171 = vector.multi_reduction <add>, %add3A_169, %reduce_sum3A_170 [1] : vector<1024x384xf32> to vector<1024xf32>
    %broadcast_in_dim3A_172 = vector.shape_cast %reduce_sum3A_171 : vector<1024xf32> to vector<1024x1xf32>
    %div3A_173 = arith.constant 3.840000e+02 : f32
    %div3A_174 = vector.broadcast %div3A_173 : f32 to vector<1024x1xf32>
    %div3A_175 = arith.divf %broadcast_in_dim3A_172, %div3A_174 : vector<1024x1xf32>
    %sub3A_176 = vector.broadcast %div3A_175 : vector<1024x1xf32> to vector<1024x384xf32>
    %sub3A_177 = arith.subf %add3A_169, %sub3A_176 : vector<1024x384xf32>
    %mul3A_178 = arith.mulf %sub3A_177, %sub3A_177 : vector<1024x384xf32>
    %reduce_sum3A_179 = arith.constant dense<0.000000e+00> : vector<1024xf32>
    %reduce_sum3A_180 = vector.multi_reduction <add>, %mul3A_178, %reduce_sum3A_179 [1] : vector<1024x384xf32> to vector<1024xf32>
    %broadcast_in_dim3A_181 = vector.shape_cast %reduce_sum3A_180 : vector<1024xf32> to vector<1024x1xf32>
    %div3A_182 = arith.constant 3.840000e+02 : f32
    %div3A_183 = vector.broadcast %div3A_182 : f32 to vector<1024x1xf32>
    %div3A_184 = arith.divf %broadcast_in_dim3A_181, %div3A_183 : vector<1024x1xf32>
    %add3A_185 = arith.constant 9.99999974E-6 : f32
    %add3A_186 = vector.broadcast %add3A_185 : f32 to vector<1024x1xf32>
    %add3A_187 = arith.addf %div3A_184, %add3A_186 : vector<1024x1xf32>
    %rsqrt3A_188 = math.rsqrt %add3A_187 : vector<1024x1xf32>
    %mul3A_189 = vector.broadcast %rsqrt3A_188 : vector<1024x1xf32> to vector<1024x384xf32>
    %mul3A_190 = arith.mulf %sub3A_177, %mul3A_189 : vector<1024x384xf32>
    %get3A_191 = arith.constant 0 : index
    %get3A_192 = arith.constant 0 : index
    %get3A_193 = vector.load %arg9[%get3A_191, %get3A_192] : memref<1x384xf32, #tpu.memory_space<vmem>>, vector<1x384xf32>
    %mul3A_194 = vector.broadcast %get3A_193 : vector<1x384xf32> to vector<1024x384xf32>
    %mul3A_195 = arith.mulf %mul3A_190, %mul3A_194 : vector<1024x384xf32>
    %get3A_196 = arith.constant 0 : index
    %get3A_197 = arith.constant 0 : index
    %get3A_198 = vector.load %arg10[%get3A_196, %get3A_197] : memref<1x384xf32, #tpu.memory_space<vmem>>, vector<1x384xf32>
    %add3A_199 = vector.broadcast %get3A_198 : vector<1x384xf32> to vector<1024x384xf32>
    %add3A_200 = arith.addf %mul3A_195, %add3A_199 : vector<1024x384xf32>
    %add3A_201 = arith.addf %add3A_129, %add3A_200 : vector<1024x384xf32>
    %exp3A_202 = math.exp %dot_general3A_58 : vector<1024x4xf32>
    %exp3A_203 = math.exp %dot_general3A_61 : vector<1024x4xf32>
    %exp3A_204 = math.exp %dot_general3A_64 : vector<1024x4xf32>
    %add3A_205 = arith.addf %exp3A_202, %exp3A_203 : vector<1024x4xf32>
    %add3A_206 = arith.addf %add3A_205, %exp3A_204 : vector<1024x4xf32>
    %div3A_207 = arith.constant 1.000000e+00 : f32
    %div3A_208 = vector.broadcast %div3A_207 : f32 to vector<1024x4xf32>
    %div3A_209 = arith.divf %div3A_208, %add3A_206 : vector<1024x4xf32>
    %mul3A_210 = arith.mulf %exp3A_202, %div3A_209 : vector<1024x4xf32>
    %convert_element_type3A_211 = arith.truncf %mul3A_210 : vector<1024x4xf32> to vector<1024x4xbf16>
    %dot_general3A_212 = arith.constant dense<0.000000e+00> : vector<1024x384xf32>
    %dot_general3A_213 = tpu.matmul %convert_element_type3A_211, %get3A_38, %dot_general3A_212 {dimension_numbers = #tpu.dot_dimension_numbers<[1], [0], [0], [1], [0, 0, 1, 1], [], []>, transpose_lhs_hint = false} : vector<1024x4xbf16>, vector<4x384xbf16>, vector<1024x384xf32> -> vector<1024x384xf32>
    %convert_element_type3A_214 = arith.truncf %dot_general3A_213 : vector<1024x384xf32> to vector<1024x384xbf16>
    %mul3A_215 = arith.mulf %convert_element_type3A_214, %slice3A_30 : vector<1024x384xbf16>
    %mul3A_216 = arith.mulf %exp3A_203, %div3A_209 : vector<1024x4xf32>
    %convert_element_type3A_217 = arith.truncf %mul3A_216 : vector<1024x4xf32> to vector<1024x4xbf16>
    %dot_general3A_218 = arith.constant dense<0.000000e+00> : vector<1024x384xf32>
    %dot_general3A_219 = tpu.matmul %convert_element_type3A_217, %get3A_38, %dot_general3A_218 {dimension_numbers = #tpu.dot_dimension_numbers<[1], [0], [0], [1], [0, 0, 1, 1], [], []>, transpose_lhs_hint = false} : vector<1024x4xbf16>, vector<4x384xbf16>, vector<1024x384xf32> -> vector<1024x384xf32>
    %convert_element_type3A_220 = arith.truncf %dot_general3A_219 : vector<1024x384xf32> to vector<1024x384xbf16>
    %mul3A_221 = arith.mulf %convert_element_type3A_220, %slice3A_31 : vector<1024x384xbf16>
    %add3A_222 = arith.addf %mul3A_215, %mul3A_221 : vector<1024x384xbf16>
    %mul3A_223 = arith.mulf %exp3A_204, %div3A_209 : vector<1024x4xf32>
    %convert_element_type3A_224 = arith.truncf %mul3A_223 : vector<1024x4xf32> to vector<1024x4xbf16>
    %dot_general3A_225 = arith.constant dense<0.000000e+00> : vector<1024x384xf32>
    %dot_general3A_226 = tpu.matmul %convert_element_type3A_224, %get3A_38, %dot_general3A_225 {dimension_numbers = #tpu.dot_dimension_numbers<[1], [0], [0], [1], [0, 0, 1, 1], [], []>, transpose_lhs_hint = false} : vector<1024x4xbf16>, vector<4x384xbf16>, vector<1024x384xf32> -> vector<1024x384xf32>
    %convert_element_type3A_227 = arith.truncf %dot_general3A_226 : vector<1024x384xf32> to vector<1024x384xbf16>
    %mul3A_228 = arith.mulf %convert_element_type3A_227, %slice3A_32 : vector<1024x384xbf16>
    %add3A_229 = arith.addf %add3A_222, %mul3A_228 : vector<1024x384xbf16>
    %get3A_230 = arith.constant 0 : index
    %get3A_231 = arith.constant 0 : index
    %get3A_232 = vector.load %arg7[%get3A_230, %get3A_231] : memref<384x384xbf16, #tpu.memory_space<vmem>>, vector<384x384xbf16>
    %dot_general3A_233 = arith.constant dense<0.000000e+00> : vector<1024x384xf32>
    %dot_general3A_234 = tpu.matmul %add3A_229, %get3A_232, %dot_general3A_233 {dimension_numbers = #tpu.dot_dimension_numbers<[1], [0], [0], [1], [0, 0, 1, 1], [], []>, transpose_lhs_hint = false} : vector<1024x384xbf16>, vector<384x384xbf16>, vector<1024x384xf32> -> vector<1024x384xf32>
    %get3A_235 = arith.constant 0 : index
    %get3A_236 = arith.constant 0 : index
    %get3A_237 = vector.load %arg8[%get3A_235, %get3A_236] : memref<1x384xf32, #tpu.memory_space<vmem>>, vector<1x384xf32>
    %add3A_238 = vector.broadcast %get3A_237 : vector<1x384xf32> to vector<1024x384xf32>
    %add3A_239 = arith.addf %dot_general3A_234, %add3A_238 : vector<1024x384xf32>
    %slice3A_240 = vector.extract_strided_slice %concatenate3A {offsets = [2048, 0], sizes = [1024, 384], strides = [1, 1]} : vector<3072x384xf32> to vector<1024x384xf32>
    %add3A_241 = arith.addf %add3A_239, %slice3A_240 : vector<1024x384xf32>
    %reduce_sum3A_242 = arith.constant dense<0.000000e+00> : vector<1024xf32>
    %reduce_sum3A_243 = vector.multi_reduction <add>, %add3A_241, %reduce_sum3A_242 [1] : vector<1024x384xf32> to vector<1024xf32>
    %broadcast_in_dim3A_244 = vector.shape_cast %reduce_sum3A_243 : vector<1024xf32> to vector<1024x1xf32>
    %div3A_245 = arith.constant 3.840000e+02 : f32
    %div3A_246 = vector.broadcast %div3A_245 : f32 to vector<1024x1xf32>
    %div3A_247 = arith.divf %broadcast_in_dim3A_244, %div3A_246 : vector<1024x1xf32>
    %sub3A_248 = vector.broadcast %div3A_247 : vector<1024x1xf32> to vector<1024x384xf32>
    %sub3A_249 = arith.subf %add3A_241, %sub3A_248 : vector<1024x384xf32>
    %mul3A_250 = arith.mulf %sub3A_249, %sub3A_249 : vector<1024x384xf32>
    %reduce_sum3A_251 = arith.constant dense<0.000000e+00> : vector<1024xf32>
    %reduce_sum3A_252 = vector.multi_reduction <add>, %mul3A_250, %reduce_sum3A_251 [1] : vector<1024x384xf32> to vector<1024xf32>
    %broadcast_in_dim3A_253 = vector.shape_cast %reduce_sum3A_252 : vector<1024xf32> to vector<1024x1xf32>
    %div3A_254 = arith.constant 3.840000e+02 : f32
    %div3A_255 = vector.broadcast %div3A_254 : f32 to vector<1024x1xf32>
    %div3A_256 = arith.divf %broadcast_in_dim3A_253, %div3A_255 : vector<1024x1xf32>
    %add3A_257 = arith.constant 9.99999974E-6 : f32
    %add3A_258 = vector.broadcast %add3A_257 : f32 to vector<1024x1xf32>
    %add3A_259 = arith.addf %div3A_256, %add3A_258 : vector<1024x1xf32>
    %rsqrt3A_260 = math.rsqrt %add3A_259 : vector<1024x1xf32>
    %mul3A_261 = vector.broadcast %rsqrt3A_260 : vector<1024x1xf32> to vector<1024x384xf32>
    %mul3A_262 = arith.mulf %sub3A_249, %mul3A_261 : vector<1024x384xf32>
    %get3A_263 = arith.constant 0 : index
    %get3A_264 = arith.constant 0 : index
    %get3A_265 = vector.load %arg9[%get3A_263, %get3A_264] : memref<1x384xf32, #tpu.memory_space<vmem>>, vector<1x384xf32>
    %mul3A_266 = vector.broadcast %get3A_265 : vector<1x384xf32> to vector<1024x384xf32>
    %mul3A_267 = arith.mulf %mul3A_262, %mul3A_266 : vector<1024x384xf32>
    %get3A_268 = arith.constant 0 : index
    %get3A_269 = arith.constant 0 : index
    %get3A_270 = vector.load %arg10[%get3A_268, %get3A_269] : memref<1x384xf32, #tpu.memory_space<vmem>>, vector<1x384xf32>
    %add3A_271 = vector.broadcast %get3A_270 : vector<1x384xf32> to vector<1024x384xf32>
    %add3A_272 = arith.addf %mul3A_267, %add3A_271 : vector<1024x384xf32>
    %add3A_273 = arith.addf %add3A_201, %add3A_272 : vector<1024x384xf32>
    %mul3A_274 = arith.constant 0.333333343 : f32
    %mul3A_275 = vector.broadcast %mul3A_274 : f32 to vector<1024x384xf32>
    %mul3A_276 = arith.mulf %add3A_273, %mul3A_275 : vector<1024x384xf32>
    %swap3A = arith.constant 0 : index
    %swap3A_277 = arith.constant 0 : index
    %swap3A_278 = vector.load %arg12[%swap3A, %swap3A_277] : memref<1024x384xf32, #tpu.memory_space<vmem>>, vector<1024x384xf32>
    tpu.vector_store %arg12[%swap3A, %swap3A_277], %mul3A_276 {strides = array<i32>} : memref<1024x384xf32, #tpu.memory_space<vmem>>, vector<1024x384xf32>,
    return
  }
  func.func @transform_0(%arg0: i32) -> (i32, i32, i32) {
    %c0_i32 = arith.constant 0 : i32
    %c0_i32_0 = arith.constant 0 : i32
    %c0_i32_1 = arith.constant 0 : i32
    return %c0_i32, %arg0, %c0_i32_0 : i32, i32, i32
  }
  func.func @transform_1(%arg0: i32) -> (i32, i32) {
    %c0_i32 = arith.constant 0 : i32
    %c0_i32_0 = arith.constant 0 : i32
    %c0_i32_1 = arith.constant 0 : i32
    return %c0_i32, %c0_i32_0 : i32, i32
  }
  func.func @transform_2(%arg0: i32) -> (i32, i32) {
    %c0_i32 = arith.constant 0 : i32
    %c0_i32_0 = arith.constant 0 : i32
    %c0_i32_1 = arith.constant 0 : i32
    return %c0_i32, %c0_i32_0 : i32, i32
  }
  func.func @transform_3(%arg0: i32) -> (i32, i32) {
    %c0_i32 = arith.constant 0 : i32
    %c0_i32_0 = arith.constant 0 : i32
    %c0_i32_1 = arith.constant 0 : i32
    return %c0_i32, %c0_i32_0 : i32, i32
  }
  func.func @transform_4(%arg0: i32) -> (i32, i32) {
    %c0_i32 = arith.constant 0 : i32
    %c0_i32_0 = arith.constant 0 : i32
    %c0_i32_1 = arith.constant 0 : i32
    return %c0_i32, %c0_i32_0 : i32, i32
  }
  func.func @transform_5(%arg0: i32) -> (i32, i32) {
    %c0_i32 = arith.constant 0 : i32
    %c0_i32_0 = arith.constant 0 : i32
    %c0_i32_1 = arith.constant 0 : i32
    return %c0_i32, %c0_i32_0 : i32, i32
  }
  func.func @transform_6(%arg0: i32) -> (i32, i32) {
    %c0_i32 = arith.constant 0 : i32
    %c0_i32_0 = arith.constant 0 : i32
    %c0_i32_1 = arith.constant 0 : i32
    return %c0_i32, %c0_i32_0 : i32, i32
  }
  func.func @transform_7(%arg0: i32) -> (i32, i32) {
    %c0_i32 = arith.constant 0 : i32
    %c0_i32_0 = arith.constant 0 : i32
    %c0_i32_1 = arith.constant 0 : i32
    return %c0_i32, %c0_i32_0 : i32, i32
  }
  func.func @transform_8(%arg0: i32) -> (i32, i32) {
    %c0_i32 = arith.constant 0 : i32
    %c0_i32_0 = arith.constant 0 : i32
    %c0_i32_1 = arith.constant 0 : i32
    return %c0_i32, %c0_i32_0 : i32, i32
  }
  func.func @transform_9(%arg0: i32) -> (i32, i32) {
    %c0_i32 = arith.constant 0 : i32
    %c0_i32_0 = arith.constant 0 : i32
    %c0_i32_1 = arith.constant 0 : i32
    return %c0_i32, %c0_i32_0 : i32, i32
  }
  func.func @transform_11(%arg0: i32) -> (i32, i32) {
    %add3A = arith.constant 4 : i32
    %add3A_0 = arith.addi %add3A, %arg0 : i32
    %c0_i32 = arith.constant 0 : i32
    %c0_i32_1 = arith.constant 0 : i32
    return %add3A_0, %c0_i32 : i32, i32
  }
}

module attributes {stable_mosaic.version = 14 : i64} {
  func.func @_tc_body(%arg0: i32, %arg1: memref<3x1024x256xi32, #tpu.memory_space<vmem>>, %arg2: memref<256x1152xbf16, #tpu.memory_space<vmem>>, %arg3: memref<128x1152xbf16, #tpu.memory_space<vmem>>, %arg4: memref<1x1152xbf16, #tpu.memory_space<vmem>>, %arg5: memref<384x4xbf16, #tpu.memory_space<vmem>>, %arg6: memref<4x384xbf16, #tpu.memory_space<vmem>>, %arg7: memref<384x384xbf16, #tpu.memory_space<vmem>>, %arg8: memref<1x384xf32, #tpu.memory_space<vmem>>, %arg9: memref<1x384xf32, #tpu.memory_space<vmem>>, %arg10: memref<1x384xf32, #tpu.memory_space<vmem>>, %arg11: memref<16384x384xf32, #tpu.memory_space<hbm>>, %arg12: memref<1024x384xf32, #tpu.memory_space<vmem>>) attributes {dimension_semantics = [#tpu.dimension_semantics<parallel>], iteration_bounds = array<i64: 8>, scalar_prefetch = 0 : i64, scratch_operands = 0 : i64, tpu.core_type = #tpu.core_type<tc>, window_params = [{transform_indices = @transform_0, window_bounds = array<i64: 3, 1024, 256>}, {pipeline_mode = #tpu.pipeline_mode<synchronous>, transform_indices = @transform_1, window_bounds = array<i64: 256, 1152>}, {pipeline_mode = #tpu.pipeline_mode<synchronous>, transform_indices = @transform_2, window_bounds = array<i64: 128, 1152>}, {pipeline_mode = #tpu.pipeline_mode<synchronous>, transform_indices = @transform_3, window_bounds = array<i64: 1, 1152>}, {pipeline_mode = #tpu.pipeline_mode<synchronous>, transform_indices = @transform_4, window_bounds = array<i64: 384, 4>}, {pipeline_mode = #tpu.pipeline_mode<synchronous>, transform_indices = @transform_5, window_bounds = array<i64: 4, 384>}, {pipeline_mode = #tpu.pipeline_mode<synchronous>, transform_indices = @transform_6, window_bounds = array<i64: 384, 384>}, {pipeline_mode = #tpu.pipeline_mode<synchronous>, transform_indices = @transform_7, window_bounds = array<i64: 1, 384>}, {pipeline_mode = #tpu.pipeline_mode<synchronous>, transform_indices = @transform_8, window_bounds = array<i64: 1, 384>}, {pipeline_mode = #tpu.pipeline_mode<synchronous>, transform_indices = @transform_9, window_bounds = array<i64: 1, 384>}, {}, {transform_indices = @transform_11, window_bounds = array<i64: 1024, 384>}]} {
    %get3A = arith.constant 0 : index
    %get3A_0 = arith.constant 0 : index
    %get3A_1 = arith.constant 0 : index
    %get3A_2 = vector.load %arg1[%get3A, %get3A_0, %get3A_1] : memref<3x1024x256xi32, #tpu.memory_space<vmem>>, vector<3x1024x256xi32>
    %reshape3A = vector.shape_cast %get3A_2 : vector<3x1024x256xi32> to vector<3072x256xi32>
    %shift_left3A = arith.constant 16 : i32
    %shift_left3A_3 = vector.broadcast %shift_left3A : i32 to vector<3072x256xi32>
    %shift_left3A_4 = arith.shli %reshape3A, %shift_left3A_3 : vector<3072x256xi32>
    %bitcast_convert_type3A = tpu.bitcast %shift_left3A_4 : vector<3072x256xi32> -> vector<3072x256xf32>
    %and3A = arith.constant -65536 : i32
    %and3A_5 = vector.broadcast %and3A : i32 to vector<3072x256xi32>
    %and3A_6 = arith.andi %reshape3A, %and3A_5 : vector<3072x256xi32>
    %bitcast_convert_type3A_7 = tpu.bitcast %and3A_6 : vector<3072x256xi32> -> vector<3072x256xf32>
    %slice3A = vector.extract_strided_slice %bitcast_convert_type3A_7 {offsets = [0, 0], sizes = [3072, 128], strides = [1, 1]} : vector<3072x256xf32> to vector<3072x128xf32>
    %concatenate3A = tpu.concatenate %bitcast_convert_type3A, %slice3A in 1 : vector<3072x256xf32>, vector<3072x128xf32> -> vector<3072x384xf32>
    %convert_element_type3A = arith.truncf %bitcast_convert_type3A : vector<3072x256xf32> to vector<3072x256xbf16>
    %get3A_8 = arith.constant 0 : index
    %get3A_9 = arith.constant 0 : index
    %get3A_10 = vector.load %arg2[%get3A_8, %get3A_9] : memref<256x1152xbf16, #tpu.memory_space<vmem>>, vector<256x1152xbf16>
    %dot_general3A = arith.constant dense<0.000000e+00> : vector<3072x1152xf32>
    %dot_general3A_11 = tpu.matmul %convert_element_type3A, %get3A_10, %dot_general3A {dimension_numbers = #tpu.dot_dimension_numbers<[1], [0], [0], [1], [0, 0, 1, 1], [], []>, transpose_lhs_hint = false} : vector<3072x256xbf16>, vector<256x1152xbf16>, vector<3072x1152xf32> -> vector<3072x1152xf32>
    %convert_element_type3A_12 = arith.truncf %slice3A : vector<3072x128xf32> to vector<3072x128xbf16>
    %get3A_13 = arith.constant 0 : index
    %get3A_14 = arith.constant 0 : index
    %get3A_15 = vector.load %arg3[%get3A_13, %get3A_14] : memref<128x1152xbf16, #tpu.memory_space<vmem>>, vector<128x1152xbf16>
    %dot_general3A_16 = arith.constant dense<0.000000e+00> : vector<3072x1152xf32>
    %dot_general3A_17 = tpu.matmul %convert_element_type3A_12, %get3A_15, %dot_general3A_16 {dimension_numbers = #tpu.dot_dimension_numbers<[1], [0], [0], [1], [0, 0, 1, 1], [], []>, transpose_lhs_hint = false} : vector<3072x128xbf16>, vector<128x1152xbf16>, vector<3072x1152xf32> -> vector<3072x1152xf32>
    %add3A = arith.addf %dot_general3A_11, %dot_general3A_17 : vector<3072x1152xf32>
    %convert_element_type3A_18 = arith.truncf %add3A : vector<3072x1152xf32> to vector<3072x1152xbf16>
    %get3A_19 = arith.constant 0 : index
    %get3A_20 = arith.constant 0 : index
    %get3A_21 = vector.load %arg4[%get3A_19, %get3A_20] : memref<1x1152xbf16, #tpu.memory_space<vmem>>, vector<1x1152xbf16>
    %add3A_22 = vector.broadcast %get3A_21 : vector<1x1152xbf16> to vector<3072x1152xbf16>
    %add3A_23 = arith.addf %convert_element_type3A_18, %add3A_22 : vector<3072x1152xbf16>
    %slice3A_24 = vector.extract_strided_slice %add3A_23 {offsets = [0, 0], sizes = [1024, 384], strides = [1, 1]} : vector<3072x1152xbf16> to vector<1024x384xbf16>
    %slice3A_25 = vector.extract_strided_slice %add3A_23 {offsets = [1024, 0], sizes = [1024, 384], strides = [1, 1]} : vector<3072x1152xbf16> to vector<1024x384xbf16>
    %slice3A_26 = vector.extract_strided_slice %add3A_23 {offsets = [2048, 0], sizes = [1024, 384], strides = [1, 1]} : vector<3072x1152xbf16> to vector<1024x384xbf16>
    %slice3A_27 = vector.extract_strided_slice %add3A_23 {offsets = [0, 384], sizes = [1024, 384], strides = [1, 1]} : vector<3072x1152xbf16> to vector<1024x384xbf16>
    %slice3A_28 = vector.extract_strided_slice %add3A_23 {offsets = [1024, 384], sizes = [1024, 384], strides = [1, 1]} : vector<3072x1152xbf16> to vector<1024x384xbf16>
    %slice3A_29 = vector.extract_strided_slice %add3A_23 {offsets = [2048, 384], sizes = [1024, 384], strides = [1, 1]} : vector<3072x1152xbf16> to vector<1024x384xbf16>
    %slice3A_30 = vector.extract_strided_slice %add3A_23 {offsets = [0, 768], sizes = [1024, 384], strides = [1, 1]} : vector<3072x1152xbf16> to vector<1024x384xbf16>
    %slice3A_31 = vector.extract_strided_slice %add3A_23 {offsets = [1024, 768], sizes = [1024, 384], strides = [1, 1]} : vector<3072x1152xbf16> to vector<1024x384xbf16>
    %slice3A_32 = vector.extract_strided_slice %add3A_23 {offsets = [2048, 768], sizes = [1024, 384], strides = [1, 1]} : vector<3072x1152xbf16> to vector<1024x384xbf16>
    %get3A_33 = arith.constant 0 : index
    %get3A_34 = arith.constant 0 : index
    %get3A_35 = vector.load %arg5[%get3A_33, %get3A_34] : memref<384x4xbf16, #tpu.memory_space<vmem>>, vector<384x4xbf16>
    %get3A_36 = arith.constant 0 : index
    %get3A_37 = arith.constant 0 : index
    %get3A_38 = vector.load %arg6[%get3A_36, %get3A_37] : memref<4x384xbf16, #tpu.memory_space<vmem>>, vector<4x384xbf16>
    %mul3A = arith.mulf %slice3A_24, %slice3A_27 : vector<1024x384xbf16>
    %dot_general3A_39 = arith.constant dense<0.000000e+00> : vector<1024x4xf32>
    %dot_general3A_40 = tpu.matmul %mul3A, %get3A_35, %dot_general3A_39 {dimension_numbers = #tpu.dot_dimension_numbers<[1], [0], [0], [1], [0, 0, 1, 1], [], []>, transpose_lhs_hint = false} : vector<1024x384xbf16>, vector<384x4xbf16>, vector<1024x4xf32> -> vector<1024x4xf32>
    %mul3A_41 = arith.mulf %slice3A_24, %slice3A_28 : vector<1024x384xbf16>
    %dot_general3A_42 = arith.constant dense<0.000000e+00> : vector<1024x4xf32>
    %dot_general3A_43 = tpu.matmul %mul3A_41, %get3A_35, %dot_general3A_42 {dimension_numbers = #tpu.dot_dimension_numbers<[1], [0], [0], [1], [0, 0, 1, 1], [], []>, transpose_lhs_hint = false} : vector<1024x384xbf16>, vector<384x4xbf16>, vector<1024x4xf32> -> vector<1024x4xf32>
    %mul3A_44 = arith.mulf %slice3A_24, %slice3A_29 : vector<1024x384xbf16>
    %dot_general3A_45 = arith.constant dense<0.000000e+00> : vector<1024x4xf32>
    %dot_general3A_46 = tpu.matmul %mul3A_44, %get3A_35, %dot_general3A_45 {dimension_numbers = #tpu.dot_dimension_numbers<[1], [0], [0], [1], [0, 0, 1, 1], [], []>, transpose_lhs_hint = false} : vector<1024x384xbf16>, vector<384x4xbf16>, vector<1024x4xf32> -> vector<1024x4xf32>
    %mul3A_47 = arith.mulf %slice3A_25, %slice3A_27 : vector<1024x384xbf16>
    %dot_general3A_48 = arith.constant dense<0.000000e+00> : vector<1024x4xf32>
    %dot_general3A_49 = tpu.matmul %mul3A_47, %get3A_35, %dot_general3A_48 {dimension_numbers = #tpu.dot_dimension_numbers<[1], [0], [0], [1], [0, 0, 1, 1], [], []>, transpose_lhs_hint = false} : vector<1024x384xbf16>, vector<384x4xbf16>, vector<1024x4xf32> -> vector<1024x4xf32>
    %mul3A_50 = arith.mulf %slice3A_25, %slice3A_28 : vector<1024x384xbf16>
    %dot_general3A_51 = arith.constant dense<0.000000e+00> : vector<1024x4xf32>
    %dot_general3A_52 = tpu.matmul %mul3A_50, %get3A_35, %dot_general3A_51 {dimension_numbers = #tpu.dot_dimension_numbers<[1], [0], [0], [1], [0, 0, 1, 1], [], []>, transpose_lhs_hint = false} : vector<1024x384xbf16>, vector<384x4xbf16>, vector<1024x4xf32> -> vector<1024x4xf32>
    %mul3A_53 = arith.mulf %slice3A_25, %slice3A_29 : vector<1024x384xbf16>
    %dot_general3A_54 = arith.constant dense<0.000000e+00> : vector<1024x4xf32>
    %dot_general3A_55 = tpu.matmul %mul3A_53, %get3A_35, %dot_general3A_54 {dimension_numbers = #tpu.dot_dimension_numbers<[1], [0], [0], [1], [0, 0, 1, 1], [], []>, transpose_lhs_hint = false} : vector<1024x384xbf16>, vector<384x4xbf16>, vector<1024x4xf32> -> vector<1024x4xf32>
    %mul3A_56 = arith.mulf %slice3A_26, %slice3A_27 : vector<1024x384xbf16>
    %dot_general3A_57 = arith.constant dense<0.000000e+00> : vector<1024x4xf32>
    %dot_general3A_58 = tpu.matmul %mul3A_56, %get3A_35, %dot_general3A_57 {dimension_numbers = #tpu.dot_dimension_numbers<[1], [0], [0], [1], [0, 0, 1, 1], [], []>, transpose_lhs_hint = false} : vector<1024x384xbf16>, vector<384x4xbf16>, vector<1024x4xf32> -> vector<1024x4xf32>
    %mul3A_59 = arith.mulf %slice3A_26, %slice3A_28 : vector<1024x384xbf16>
    %dot_general3A_60 = arith.constant dense<0.000000e+00> : vector<1024x4xf32>
    %dot_general3A_61 = tpu.matmul %mul3A_59, %get3A_35, %dot_general3A_60 {dimension_numbers = #tpu.dot_dimension_numbers<[1], [0], [0], [1], [0, 0, 1, 1], [], []>, transpose_lhs_hint = false} : vector<1024x384xbf16>, vector<384x4xbf16>, vector<1024x4xf32> -> vector<1024x4xf32>
    %mul3A_62 = arith.mulf %slice3A_26, %slice3A_29 : vector<1024x384xbf16>
    %dot_general3A_63 = arith.constant dense<0.000000e+00> : vector<1024x4xf32>
    %dot_general3A_64 = tpu.matmul %mul3A_62, %get3A_35, %dot_general3A_63 {dimension_numbers = #tpu.dot_dimension_numbers<[1], [0], [0], [1], [0, 0, 1, 1], [], []>, transpose_lhs_hint = false} : vector<1024x384xbf16>, vector<384x4xbf16>, vector<1024x4xf32> -> vector<1024x4xf32>
    %exp3A = math.exp %dot_general3A_40 : vector<1024x4xf32>
    %exp3A_65 = math.exp %dot_general3A_43 : vector<1024x4xf32>
    %exp3A_66 = math.exp %dot_general3A_46 : vector<1024x4xf32>
    %add3A_67 = arith.addf %exp3A, %exp3A_65 : vector<1024x4xf32>
    %add3A_68 = arith.addf %add3A_67, %exp3A_66 : vector<1024x4xf32>
    %div3A = arith.constant 1.000000e+00 : f32
    %div3A_69 = vector.broadcast %div3A : f32 to vector<1024x4xf32>
    %div3A_70 = arith.divf %div3A_69, %add3A_68 : vector<1024x4xf32>
    %mul3A_71 = arith.mulf %exp3A, %div3A_70 : vector<1024x4xf32>
    %convert_element_type3A_72 = arith.truncf %mul3A_71 : vector<1024x4xf32> to vector<1024x4xbf16>
    %dot_general3A_73 = arith.constant dense<0.000000e+00> : vector<1024x384xf32>
    %dot_general3A_74 = tpu.matmul %convert_element_type3A_72, %get3A_38, %dot_general3A_73 {dimension_numbers = #tpu.dot_dimension_numbers<[1], [0], [0], [1], [0, 0, 1, 1], [], []>, transpose_lhs_hint = false} : vector<1024x4xbf16>, vector<4x384xbf16>, vector<1024x384xf32> -> vector<1024x384xf32>
    %convert_element_type3A_75 = arith.truncf %dot_general3A_74 : vector<1024x384xf32> to vector<1024x384xbf16>
    %mul3A_76 = arith.mulf %convert_element_type3A_75, %slice3A_30 : vector<1024x384xbf16>
    %mul3A_77 = arith.mulf %exp3A_65, %div3A_70 : vector<1024x4xf32>
    %convert_element_type3A_78 = arith.truncf %mul3A_77 : vector<1024x4xf32> to vector<1024x4xbf16>
    %dot_general3A_79 = arith.constant dense<0.000000e+00> : vector<1024x384xf32>
    %dot_general3A_80 = tpu.matmul %convert_element_type3A_78, %get3A_38, %dot_general3A_79 {dimension_numbers = #tpu.dot_dimension_numbers<[1], [0], [0], [1], [0, 0, 1, 1], [], []>, transpose_lhs_hint = false} : vector<1024x4xbf16>, vector<4x384xbf16>, vector<1024x384xf32> -> vector<1024x384xf32>
    %convert_element_type3A_81 = arith.truncf %dot_general3A_80 : vector<1024x384xf32> to vector<1024x384xbf16>
    %mul3A_82 = arith.mulf %convert_element_type3A_81, %slice3A_31 : vector<1024x384xbf16>
    %add3A_83 = arith.addf %mul3A_76, %mul3A_82 : vector<1024x384xbf16>
    %mul3A_84 = arith.mulf %exp3A_66, %div3A_70 : vector<1024x4xf32>
    %convert_element_type3A_85 = arith.truncf %mul3A_84 : vector<1024x4xf32> to vector<1024x4xbf16>
    %dot_general3A_86 = arith.constant dense<0.000000e+00> : vector<1024x384xf32>
    %dot_general3A_87 = tpu.matmul %convert_element_type3A_85, %get3A_38, %dot_general3A_86 {dimension_numbers = #tpu.dot_dimension_numbers<[1], [0], [0], [1], [0, 0, 1, 1], [], []>, transpose_lhs_hint = false} : vector<1024x4xbf16>, vector<4x384xbf16>, vector<1024x384xf32> -> vector<1024x384xf32>
    %convert_element_type3A_88 = arith.truncf %dot_general3A_87 : vector<1024x384xf32> to vector<1024x384xbf16>
    %mul3A_89 = arith.mulf %convert_element_type3A_88, %slice3A_32 : vector<1024x384xbf16>
    %add3A_90 = arith.addf %add3A_83, %mul3A_89 : vector<1024x384xbf16>
    %get3A_91 = arith.constant 0 : index
    %get3A_92 = arith.constant 0 : index
    %get3A_93 = vector.load %arg7[%get3A_91, %get3A_92] : memref<384x384xbf16, #tpu.memory_space<vmem>>, vector<384x384xbf16>
    %dot_general3A_94 = arith.constant dense<0.000000e+00> : vector<1024x384xf32>
    %dot_general3A_95 = tpu.matmul %add3A_90, %get3A_93, %dot_general3A_94 {dimension_numbers = #tpu.dot_dimension_numbers<[1], [0], [0], [1], [0, 0, 1, 1], [], []>, transpose_lhs_hint = false} : vector<1024x384xbf16>, vector<384x384xbf16>, vector<1024x384xf32> -> vector<1024x384xf32>
    %get3A_96 = arith.constant 0 : index
    %get3A_97 = arith.constant 0 : index
    %get3A_98 = vector.load %arg8[%get3A_96, %get3A_97] : memref<1x384xf32, #tpu.memory_space<vmem>>, vector<1x384xf32>
    %add3A_99 = vector.broadcast %get3A_98 : vector<1x384xf32> to vector<1024x384xf32>
    %add3A_100 = arith.addf %dot_general3A_95, %add3A_99 : vector<1024x384xf32>
    %slice3A_101 = vector.extract_strided_slice %concatenate3A {offsets = [0, 0], sizes = [1024, 384], strides = [1, 1]} : vector<3072x384xf32> to vector<1024x384xf32>
    %add3A_102 = arith.addf %add3A_100, %slice3A_101 : vector<1024x384xf32>
    %reduce_sum3A = arith.constant dense<0.000000e+00> : vector<1024xf32>
    %reduce_sum3A_103 = vector.multi_reduction <add>, %add3A_102, %reduce_sum3A [1] : vector<1024x384xf32> to vector<1024xf32>
    %broadcast_in_dim3A = vector.shape_cast %reduce_sum3A_103 : vector<1024xf32> to vector<1024x1xf32>
    %div3A_104 = arith.constant 3.840000e+02 : f32
    %div3A_105 = vector.broadcast %div3A_104 : f32 to vector<1024x1xf32>
    %div3A_106 = arith.divf %broadcast_in_dim3A, %div3A_105 : vector<1024x1xf32>
    %sub3A = vector.broadcast %div3A_106 : vector<1024x1xf32> to vector<1024x384xf32>
    %sub3A_107 = arith.subf %add3A_102, %sub3A : vector<1024x384xf32>
    %mul3A_108 = arith.mulf %sub3A_107, %sub3A_107 : vector<1024x384xf32>
    %reduce_sum3A_109 = arith.constant dense<0.000000e+00> : vector<1024xf32>
    %reduce_sum3A_110 = vector.multi_reduction <add>, %mul3A_108, %reduce_sum3A_109 [1] : vector<1024x384xf32> to vector<1024xf32>
    %broadcast_in_dim3A_111 = vector.shape_cast %reduce_sum3A_110 : vector<1024xf32> to vector<1024x1xf32>
    %div3A_112 = arith.constant 3.840000e+02 : f32
    %div3A_113 = vector.broadcast %div3A_112 : f32 to vector<1024x1xf32>
    %div3A_114 = arith.divf %broadcast_in_dim3A_111, %div3A_113 : vector<1024x1xf32>
    %add3A_115 = arith.constant 9.99999974E-6 : f32
    %add3A_116 = vector.broadcast %add3A_115 : f32 to vector<1024x1xf32>
    %add3A_117 = arith.addf %div3A_114, %add3A_116 : vector<1024x1xf32>
    %rsqrt3A = math.rsqrt %add3A_117 : vector<1024x1xf32>
    %mul3A_118 = vector.broadcast %rsqrt3A : vector<1024x1xf32> to vector<1024x384xf32>
    %mul3A_119 = arith.mulf %sub3A_107, %mul3A_118 : vector<1024x384xf32>
    %get3A_120 = arith.constant 0 : index
    %get3A_121 = arith.constant 0 : index
    %get3A_122 = vector.load %arg9[%get3A_120, %get3A_121] : memref<1x384xf32, #tpu.memory_space<vmem>>, vector<1x384xf32>
    %mul3A_123 = vector.broadcast %get3A_122 : vector<1x384xf32> to vector<1024x384xf32>
    %mul3A_124 = arith.mulf %mul3A_119, %mul3A_123 : vector<1024x384xf32>
    %get3A_125 = arith.constant 0 : index
    %get3A_126 = arith.constant 0 : index
    %get3A_127 = vector.load %arg10[%get3A_125, %get3A_126] : memref<1x384xf32, #tpu.memory_space<vmem>>, vector<1x384xf32>
    %add3A_128 = vector.broadcast %get3A_127 : vector<1x384xf32> to vector<1024x384xf32>
    %add3A_129 = arith.addf %mul3A_124, %add3A_128 : vector<1024x384xf32>
    %exp3A_130 = math.exp %dot_general3A_49 : vector<1024x4xf32>
    %exp3A_131 = math.exp %dot_general3A_52 : vector<1024x4xf32>
    %exp3A_132 = math.exp %dot_general3A_55 : vector<1024x4xf32>
    %add3A_133 = arith.addf %exp3A_130, %exp3A_131 : vector<1024x4xf32>
    %add3A_134 = arith.addf %add3A_133, %exp3A_132 : vector<1024x4xf32>
    %div3A_135 = arith.constant 1.000000e+00 : f32
    %div3A_136 = vector.broadcast %div3A_135 : f32 to vector<1024x4xf32>
    %div3A_137 = arith.divf %div3A_136, %add3A_134 : vector<1024x4xf32>
    %mul3A_138 = arith.mulf %exp3A_130, %div3A_137 : vector<1024x4xf32>
    %convert_element_type3A_139 = arith.truncf %mul3A_138 : vector<1024x4xf32> to vector<1024x4xbf16>
    %dot_general3A_140 = arith.constant dense<0.000000e+00> : vector<1024x384xf32>
    %dot_general3A_141 = tpu.matmul %convert_element_type3A_139, %get3A_38, %dot_general3A_140 {dimension_numbers = #tpu.dot_dimension_numbers<[1], [0], [0], [1], [0, 0, 1, 1], [], []>, transpose_lhs_hint = false} : vector<1024x4xbf16>, vector<4x384xbf16>, vector<1024x384xf32> -> vector<1024x384xf32>
    %convert_element_type3A_142 = arith.truncf %dot_general3A_141 : vector<1024x384xf32> to vector<1024x384xbf16>
    %mul3A_143 = arith.mulf %convert_element_type3A_142, %slice3A_30 : vector<1024x384xbf16>
    %mul3A_144 = arith.mulf %exp3A_131, %div3A_137 : vector<1024x4xf32>
    %convert_element_type3A_145 = arith.truncf %mul3A_144 : vector<1024x4xf32> to vector<1024x4xbf16>
    %dot_general3A_146 = arith.constant dense<0.000000e+00> : vector<1024x384xf32>
    %dot_general3A_147 = tpu.matmul %convert_element_type3A_145, %get3A_38, %dot_general3A_146 {dimension_numbers = #tpu.dot_dimension_numbers<[1], [0], [0], [1], [0, 0, 1, 1], [], []>, transpose_lhs_hint = false} : vector<1024x4xbf16>, vector<4x384xbf16>, vector<1024x384xf32> -> vector<1024x384xf32>
    %convert_element_type3A_148 = arith.truncf %dot_general3A_147 : vector<1024x384xf32> to vector<1024x384xbf16>
    %mul3A_149 = arith.mulf %convert_element_type3A_148, %slice3A_31 : vector<1024x384xbf16>
    %add3A_150 = arith.addf %mul3A_143, %mul3A_149 : vector<1024x384xbf16>
    %mul3A_151 = arith.mulf %exp3A_132, %div3A_137 : vector<1024x4xf32>
    %convert_element_type3A_152 = arith.truncf %mul3A_151 : vector<1024x4xf32> to vector<1024x4xbf16>
    %dot_general3A_153 = arith.constant dense<0.000000e+00> : vector<1024x384xf32>
    %dot_general3A_154 = tpu.matmul %convert_element_type3A_152, %get3A_38, %dot_general3A_153 {dimension_numbers = #tpu.dot_dimension_numbers<[1], [0], [0], [1], [0, 0, 1, 1], [], []>, transpose_lhs_hint = false} : vector<1024x4xbf16>, vector<4x384xbf16>, vector<1024x384xf32> -> vector<1024x384xf32>
    %convert_element_type3A_155 = arith.truncf %dot_general3A_154 : vector<1024x384xf32> to vector<1024x384xbf16>
    %mul3A_156 = arith.mulf %convert_element_type3A_155, %slice3A_32 : vector<1024x384xbf16>
    %add3A_157 = arith.addf %add3A_150, %mul3A_156 : vector<1024x384xbf16>
    %get3A_158 = arith.constant 0 : index
    %get3A_159 = arith.constant 0 : index
    %get3A_160 = vector.load %arg7[%get3A_158, %get3A_159] : memref<384x384xbf16, #tpu.memory_space<vmem>>, vector<384x384xbf16>
    %dot_general3A_161 = arith.constant dense<0.000000e+00> : vector<1024x384xf32>
    %dot_general3A_162 = tpu.matmul %add3A_157, %get3A_160, %dot_general3A_161 {dimension_numbers = #tpu.dot_dimension_numbers<[1], [0], [0], [1], [0, 0, 1, 1], [], []>, transpose_lhs_hint = false} : vector<1024x384xbf16>, vector<384x384xbf16>, vector<1024x384xf32> -> vector<1024x384xf32>
    %get3A_163 = arith.constant 0 : index
    %get3A_164 = arith.constant 0 : index
    %get3A_165 = vector.load %arg8[%get3A_163, %get3A_164] : memref<1x384xf32, #tpu.memory_space<vmem>>, vector<1x384xf32>
    %add3A_166 = vector.broadcast %get3A_165 : vector<1x384xf32> to vector<1024x384xf32>
    %add3A_167 = arith.addf %dot_general3A_162, %add3A_166 : vector<1024x384xf32>
    %slice3A_168 = vector.extract_strided_slice %concatenate3A {offsets = [1024, 0], sizes = [1024, 384], strides = [1, 1]} : vector<3072x384xf32> to vector<1024x384xf32>
    %add3A_169 = arith.addf %add3A_167, %slice3A_168 : vector<1024x384xf32>
    %reduce_sum3A_170 = arith.constant dense<0.000000e+00> : vector<1024xf32>
    %reduce_sum3A_171 = vector.multi_reduction <add>, %add3A_169, %reduce_sum3A_170 [1] : vector<1024x384xf32> to vector<1024xf32>
    %broadcast_in_dim3A_172 = vector.shape_cast %reduce_sum3A_171 : vector<1024xf32> to vector<1024x1xf32>
    %div3A_173 = arith.constant 3.840000e+02 : f32
    %div3A_174 = vector.broadcast %div3A_173 : f32 to vector<1024x1xf32>
    %div3A_175 = arith.divf %broadcast_in_dim3A_172, %div3A_174 : vector<1024x1xf32>
    %sub3A_176 = vector.broadcast %div3A_175 : vector<1024x1xf32> to vector<1024x384xf32>
    %sub3A_177 = arith.subf %add3A_169, %sub3A_176 : vector<1024x384xf32>
    %mul3A_178 = arith.mulf %sub3A_177, %sub3A_177 : vector<1024x384xf32>
    %reduce_sum3A_179 = arith.constant dense<0.000000e+00> : vector<1024xf32>
    %reduce_sum3A_180 = vector.multi_reduction <add>, %mul3A_178, %reduce_sum3A_179 [1] : vector<1024x384xf32> to vector<1024xf32>
    %broadcast_in_dim3A_181 = vector.shape_cast %reduce_sum3A_180 : vector<1024xf32> to vector<1024x1xf32>
    %div3A_182 = arith.constant 3.840000e+02 : f32
    %div3A_183 = vector.broadcast %div3A_182 : f32 to vector<1024x1xf32>
    %div3A_184 = arith.divf %broadcast_in_dim3A_181, %div3A_183 : vector<1024x1xf32>
    %add3A_185 = arith.constant 9.99999974E-6 : f32
    %add3A_186 = vector.broadcast %add3A_185 : f32 to vector<1024x1xf32>
    %add3A_187 = arith.addf %div3A_184, %add3A_186 : vector<1024x1xf32>
    %rsqrt3A_188 = math.rsqrt %add3A_187 : vector<1024x1xf32>
    %mul3A_189 = vector.broadcast %rsqrt3A_188 : vector<1024x1xf32> to vector<1024x384xf32>
    %mul3A_190 = arith.mulf %sub3A_177, %mul3A_189 : vector<1024x384xf32>
    %get3A_191 = arith.constant 0 : index
    %get3A_192 = arith.constant 0 : index
    %get3A_193 = vector.load %arg9[%get3A_191, %get3A_192] : memref<1x384xf32, #tpu.memory_space<vmem>>, vector<1x384xf32>
    %mul3A_194 = vector.broadcast %get3A_193 : vector<1x384xf32> to vector<1024x384xf32>
    %mul3A_195 = arith.mulf %mul3A_190, %mul3A_194 : vector<1024x384xf32>
    %get3A_196 = arith.constant 0 : index
    %get3A_197 = arith.constant 0 : index
    %get3A_198 = vector.load %arg10[%get3A_196, %get3A_197] : memref<1x384xf32, #tpu.memory_space<vmem>>, vector<1x384xf32>
    %add3A_199 = vector.broadcast %get3A_198 : vector<1x384xf32> to vector<1024x384xf32>
    %add3A_200 = arith.addf %mul3A_195, %add3A_199 : vector<1024x384xf32>
    %add3A_201 = arith.addf %add3A_129, %add3A_200 : vector<1024x384xf32>
    %exp3A_202 = math.exp %dot_general3A_58 : vector<1024x4xf32>
    %exp3A_203 = math.exp %dot_general3A_61 : vector<1024x4xf32>
    %exp3A_204 = math.exp %dot_general3A_64 : vector<1024x4xf32>
    %add3A_205 = arith.addf %exp3A_202, %exp3A_203 : vector<1024x4xf32>
    %add3A_206 = arith.addf %add3A_205, %exp3A_204 : vector<1024x4xf32>
    %div3A_207 = arith.constant 1.000000e+00 : f32
    %div3A_208 = vector.broadcast %div3A_207 : f32 to vector<1024x4xf32>
    %div3A_209 = arith.divf %div3A_208, %add3A_206 : vector<1024x4xf32>
    %mul3A_210 = arith.mulf %exp3A_202, %div3A_209 : vector<1024x4xf32>
    %convert_element_type3A_211 = arith.truncf %mul3A_210 : vector<1024x4xf32> to vector<1024x4xbf16>
    %dot_general3A_212 = arith.constant dense<0.000000e+00> : vector<1024x384xf32>
    %dot_general3A_213 = tpu.matmul %convert_element_type3A_211, %get3A_38, %dot_general3A_212 {dimension_numbers = #tpu.dot_dimension_numbers<[1], [0], [0], [1], [0, 0, 1, 1], [], []>, transpose_lhs_hint = false} : vector<1024x4xbf16>, vector<4x384xbf16>, vector<1024x384xf32> -> vector<1024x384xf32>
    %convert_element_type3A_214 = arith.truncf %dot_general3A_213 : vector<1024x384xf32> to vector<1024x384xbf16>
    %mul3A_215 = arith.mulf %convert_element_type3A_214, %slice3A_30 : vector<1024x384xbf16>
    %mul3A_216 = arith.mulf %exp3A_203, %div3A_209 : vector<1024x4xf32>
    %convert_element_type3A_217 = arith.truncf %mul3A_216 : vector<1024x4xf32> to vector<1024x4xbf16>
    %dot_general3A_218 = arith.constant dense<0.000000e+00> : vector<1024x384xf32>
    %dot_general3A_219 = tpu.matmul %convert_element_type3A_217, %get3A_38, %dot_general3A_218 {dimension_numbers = #tpu.dot_dimension_numbers<[1], [0], [0], [1], [0, 0, 1, 1], [], []>, transpose_lhs_hint = false} : vector<1024x4xbf16>, vector<4x384xbf16>, vector<1024x384xf32> -> vector<1024x384xf32>
    %convert_element_type3A_220 = arith.truncf %dot_general3A_219 : vector<1024x384xf32> to vector<1024x384xbf16>
    %mul3A_221 = arith.mulf %convert_element_type3A_220, %slice3A_31 : vector<1024x384xbf16>
    %add3A_222 = arith.addf %mul3A_215, %mul3A_221 : vector<1024x384xbf16>
    %mul3A_223 = arith.mulf %exp3A_204, %div3A_209 : vector<1024x4xf32>
    %convert_element_type3A_224 = arith.truncf %mul3A_223 : vector<1024x4xf32> to vector<1024x4xbf16>
    %dot_general3A_225 = arith.constant dense<0.000000e+00> : vector<1024x384xf32>
    %dot_general3A_226 = tpu.matmul %convert_element_type3A_224, %get3A_38, %dot_general3A_225 {dimension_numbers = #tpu.dot_dimension_numbers<[1], [0], [0], [1], [0, 0, 1, 1], [], []>, transpose_lhs_hint = false} : vector<1024x4xbf16>, vector<4x384xbf16>, vector<1024x384xf32> -> vector<1024x384xf32>
    %convert_element_type3A_227 = arith.truncf %dot_general3A_226 : vector<1024x384xf32> to vector<1024x384xbf16>
    %mul3A_228 = arith.mulf %convert_element_type3A_227, %slice3A_32 : vector<1024x384xbf16>
    %add3A_229 = arith.addf %add3A_222, %mul3A_228 : vector<1024x384xbf16>
    %get3A_230 = arith.constant 0 : index
    %get3A_231 = arith.constant 0 : index
    %get3A_232 = vector.load %arg7[%get3A_230, %get3A_231] : memref<384x384xbf16, #tpu.memory_space<vmem>>, vector<384x384xbf16>
    %dot_general3A_233 = arith.constant dense<0.000000e+00> : vector<1024x384xf32>
    %dot_general3A_234 = tpu.matmul %add3A_229, %get3A_232, %dot_general3A_233 {dimension_numbers = #tpu.dot_dimension_numbers<[1], [0], [0], [1], [0, 0, 1, 1], [], []>, transpose_lhs_hint = false} : vector<1024x384xbf16>, vector<384x384xbf16>, vector<1024x384xf32> -> vector<1024x384xf32>
    %get3A_235 = arith.constant 0 : index
    %get3A_236 = arith.constant 0 : index
    %get3A_237 = vector.load %arg8[%get3A_235, %get3A_236] : memref<1x384xf32, #tpu.memory_space<vmem>>, vector<1x384xf32>
    %add3A_238 = vector.broadcast %get3A_237 : vector<1x384xf32> to vector<1024x384xf32>
    %add3A_239 = arith.addf %dot_general3A_234, %add3A_238 : vector<1024x384xf32>
    %slice3A_240 = vector.extract_strided_slice %concatenate3A {offsets = [2048, 0], sizes = [1024, 384], strides = [1, 1]} : vector<3072x384xf32> to vector<1024x384xf32>
    %add3A_241 = arith.addf %add3A_239, %slice3A_240 : vector<1024x384xf32>
    %reduce_sum3A_242 = arith.constant dense<0.000000e+00> : vector<1024xf32>
    %reduce_sum3A_243 = vector.multi_reduction <add>, %add3A_241, %reduce_sum3A_242 [1] : vector<1024x384xf32> to vector<1024xf32>
    %broadcast_in_dim3A_244 = vector.shape_cast %reduce_sum3A_243 : vector<1024xf32> to vector<1024x1xf32>
    %div3A_245 = arith.constant 3.840000e+02 : f32
    %div3A_246 = vector.broadcast %div3A_245 : f32 to vector<1024x1xf32>
    %div3A_247 = arith.divf %broadcast_in_dim3A_244, %div3A_246 : vector<1024x1xf32>
    %sub3A_248 = vector.broadcast %div3A_247 : vector<1024x1xf32> to vector<1024x384xf32>
    %sub3A_249 = arith.subf %add3A_241, %sub3A_248 : vector<1024x384xf32>
    %mul3A_250 = arith.mulf %sub3A_249, %sub3A_249 : vector<1024x384xf32>
    %reduce_sum3A_251 = arith.constant dense<0.000000e+00> : vector<1024xf32>
    %reduce_sum3A_252 = vector.multi_reduction <add>, %mul3A_250, %reduce_sum3A_251 [1] : vector<1024x384xf32> to vector<1024xf32>
    %broadcast_in_dim3A_253 = vector.shape_cast %reduce_sum3A_252 : vector<1024xf32> to vector<1024x1xf32>
    %div3A_254 = arith.constant 3.840000e+02 : f32
    %div3A_255 = vector.broadcast %div3A_254 : f32 to vector<1024x1xf32>
    %div3A_256 = arith.divf %broadcast_in_dim3A_253, %div3A_255 : vector<1024x1xf32>
    %add3A_257 = arith.constant 9.99999974E-6 : f32
    %add3A_258 = vector.broadcast %add3A_257 : f32 to vector<1024x1xf32>
    %add3A_259 = arith.addf %div3A_256, %add3A_258 : vector<1024x1xf32>
    %rsqrt3A_260 = math.rsqrt %add3A_259 : vector<1024x1xf32>
    %mul3A_261 = vector.broadcast %rsqrt3A_260 : vector<1024x1xf32> to vector<1024x384xf32>
    %mul3A_262 = arith.mulf %sub3A_249, %mul3A_261 : vector<1024x384xf32>
    %get3A_263 = arith.constant 0 : index
    %get3A_264 = arith.constant 0 : index
    %get3A_265 = vector.load %arg9[%get3A_263, %get3A_264] : memref<1x384xf32, #tpu.memory_space<vmem>>, vector<1x384xf32>
    %mul3A_266 = vector.broadcast %get3A_265 : vector<1x384xf32> to vector<1024x384xf32>
    %mul3A_267 = arith.mulf %mul3A_262, %mul3A_266 : vector<1024x384xf32>
    %get3A_268 = arith.constant 0 : index
    %get3A_269 = arith.constant 0 : index
    %get3A_270 = vector.load %arg10[%get3A_268, %get3A_269] : memref<1x384xf32, #tpu.memory_space<vmem>>, vector<1x384xf32>
    %add3A_271 = vector.broadcast %get3A_270 : vector<1x384xf32> to vector<1024x384xf32>
    %add3A_272 = arith.addf %mul3A_267, %add3A_271 : vector<1024x384xf32>
    %add3A_273 = arith.addf %add3A_201, %add3A_272 : vector<1024x384xf32>
    %mul3A_274 = arith.constant 0.333333343 : f32
    %mul3A_275 = vector.broadcast %mul3A_274 : f32 to vector<1024x384xf32>
    %mul3A_276 = arith.mulf %add3A_273, %mul3A_275 : vector<1024x384xf32>
    %swap3A = arith.constant 0 : index
    %swap3A_277 = arith.constant 0 : index
    %swap3A_278 = vector.load %arg12[%swap3A, %swap3A_277] : memref<1024x384xf32, #tpu.memory_space<vmem>>, vector<1024x384xf32>
    tpu.vector_store %arg12[%swap3A, %swap3A_277], %mul3A_276 {strides = array<i32>} : memref<1024x384xf32, #tpu.memory_space<vmem>>, vector<1024x384xf32>,
    return
  }
  func.func @transform_0(%arg0: i32) -> (i32, i32, i32) {
    %c0_i32 = arith.constant 0 : i32
    %c0_i32_0 = arith.constant 0 : i32
    %c0_i32_1 = arith.constant 0 : i32
    return %c0_i32, %arg0, %c0_i32_0 : i32, i32, i32
  }
  func.func @transform_1(%arg0: i32) -> (i32, i32) {
    %c0_i32 = arith.constant 0 : i32
    %c0_i32_0 = arith.constant 0 : i32
    %c0_i32_1 = arith.constant 0 : i32
    return %c0_i32, %c0_i32_0 : i32, i32
  }
  func.func @transform_2(%arg0: i32) -> (i32, i32) {
    %c0_i32 = arith.constant 0 : i32
    %c0_i32_0 = arith.constant 0 : i32
    %c0_i32_1 = arith.constant 0 : i32
    return %c0_i32, %c0_i32_0 : i32, i32
  }
  func.func @transform_3(%arg0: i32) -> (i32, i32) {
    %c0_i32 = arith.constant 0 : i32
    %c0_i32_0 = arith.constant 0 : i32
    %c0_i32_1 = arith.constant 0 : i32
    return %c0_i32, %c0_i32_0 : i32, i32
  }
  func.func @transform_4(%arg0: i32) -> (i32, i32) {
    %c0_i32 = arith.constant 0 : i32
    %c0_i32_0 = arith.constant 0 : i32
    %c0_i32_1 = arith.constant 0 : i32
    return %c0_i32, %c0_i32_0 : i32, i32
  }
  func.func @transform_5(%arg0: i32) -> (i32, i32) {
    %c0_i32 = arith.constant 0 : i32
    %c0_i32_0 = arith.constant 0 : i32
    %c0_i32_1 = arith.constant 0 : i32
    return %c0_i32, %c0_i32_0 : i32, i32
  }
  func.func @transform_6(%arg0: i32) -> (i32, i32) {
    %c0_i32 = arith.constant 0 : i32
    %c0_i32_0 = arith.constant 0 : i32
    %c0_i32_1 = arith.constant 0 : i32
    return %c0_i32, %c0_i32_0 : i32, i32
  }
  func.func @transform_7(%arg0: i32) -> (i32, i32) {
    %c0_i32 = arith.constant 0 : i32
    %c0_i32_0 = arith.constant 0 : i32
    %c0_i32_1 = arith.constant 0 : i32
    return %c0_i32, %c0_i32_0 : i32, i32
  }
  func.func @transform_8(%arg0: i32) -> (i32, i32) {
    %c0_i32 = arith.constant 0 : i32
    %c0_i32_0 = arith.constant 0 : i32
    %c0_i32_1 = arith.constant 0 : i32
    return %c0_i32, %c0_i32_0 : i32, i32
  }
  func.func @transform_9(%arg0: i32) -> (i32, i32) {
    %c0_i32 = arith.constant 0 : i32
    %c0_i32_0 = arith.constant 0 : i32
    %c0_i32_1 = arith.constant 0 : i32
    return %c0_i32, %c0_i32_0 : i32, i32
  }
  func.func @transform_11(%arg0: i32) -> (i32, i32) {
    %add3A = arith.constant 8 : i32
    %add3A_0 = arith.addi %add3A, %arg0 : i32
    %c0_i32 = arith.constant 0 : i32
    %c0_i32_1 = arith.constant 0 : i32
    return %add3A_0, %c0_i32 : i32, i32
  }
}

</mosaic_0001>

<sc_bundles>
// kernel: kernel.10.cloned.1.call-start
scs
__scs_entry_jumppad:
0x0: {  	(pc) =	sbr.rel $0x88, $3  }
0x1: {  	(tag) =	ssettag $0x0;
	lr =	simm.s32 $0x1  }
0x2: {  	[smem:$0x3F93] =	sst lr;
	_ =	strace $0xD0000000  }
0x3: {  	_ = 	snop  }
0x4: {  	_ = 	snop  }
0x5: {  	_ = 	snop  }
0x6: {  	_ = 	snop  }
0x7: {  	_ = 	snop  }
__scs_overlays_trampoline_lowered:
0x8: {  	[smem:$0x3FA2] =	sst s0  }
0x9: {  	[smem:$0x3FA3] =	sst s1  }
0xa: {  	[smem:$0x3FA4] =	sst s2  }
0xb: {  	[smem:$0x3FA5] =	sst s3  }
0xc: {  	[smem:$0x3FA6] =	sst s4  }
0xd: {  	[smem:$0x3FA7] =	sst s5  }
0xe: {  	[smem:$0x3FA8] =	sst s6  }
0xf: {  	[smem:$0x3FA9] =	sst s7  }
0x10: {  	[smem:$0x3FAA] =	sst s8  }
0x11: {  	[smem:$0x3FAB] =	sst s9;
	s0 =	simm.s32 @!p0 $0x0  }
0x12: {  	s1 =	sld [smem:$0x3F91];
	s0 =	simm.s32 @p0 $0x1  }
0x13: {  	[smem:$0x3FAC] =	sst s0;
	s0 =	simm.s32 @!p1 $0x0  }
0x14: {  	s2 =	sld [smem:$0x3F90];
	s0 =	simm.s32 @p1 $0x1  }
0x15: {  	[smem:$0x3FAD] =	sst s0;
	s0 =	simm.s32 @!p2 $0x0  }
0x16: {  	s3 =	sld [smem:$0x3FDB];
	s0 =	simm.s32 @p2 $0x1  }
0x17: {  	s4 =	simm.s32 $0x1BF5;
	[smem:$0x3FAF] =	sst s0  }
0x18: {  	s0 =	sld [smem:$0x3F92];
	_ =	swait.ge [sflag:s4], $0x0  }
0x19: {  	s7 =	sld [smem:$0x3F93]  }
0x1a: {  	s8 =	sadd.s32 $0xFFFFE003, lr  }
0x1b: {  	s9 =	sadd.s32 $0xFFFFFEF7, lr;
	s5 =	simm.s32 $0xFFFFFFFF;
	p2 =	slt.u32 s8, $0xFFFFF086  }
0x1c: {  	p1 =	slt.u32 s9, $0xF7A;
	s5 =	simm.s32 @!p2 $0x0  }
0x1d: {  	s5 =	simm.s32 @p1 $0x1;
	p0 =	seq.s32 s7, s2  }
0x1e: {  	s7 =	smul.u32 @!p0 $0xF7A, s2;
	p2 =	seq.s32 @!p0 s5, $0x0  }
0x1f: {  	s9 =	smul.u32 $0xF7A, s1;
	s8 =	simm.s32 @!p0 $0x1BF5;
	p2 =	por !p2, p0  }
0x20: {  	[sflag:s8] =	ssyncset.s32 @!p0 $0xFFFFF086;
	s6 =	sadd.s32 @!p0 s3, s7;
	s7 =	simm.s32 @!p0 $0x108  }
0x21: {  	s3 =	sadd.s32 s3, s9;
	s6 =	sadd.s32 @!p0 $0x88, s6;
	s7 =	simm.s32 @p2 $0x1082  }
0x22: {  	[simem:s7], [sflag:s8] =	dma.local @!p0 [hbm:s6], $0xF7A  }
0x23: {  	s9 =	sor.u32 $0xD0000000, s2;
	s6 =	simm.s32 $0x108;
	_ =	swait.ge @!p0 [sflag:s8], $0x0  }
0x24: {  	s3 =	sadd.s32 $0x88, s3;
	s6 =	simm.s32 @!p1 $0x1082;
	[sflag:s4] =	ssyncset.s32 $0xFFFFF086  }
0x25: {  	[simem:s6], [sflag:s4] =	dma.local [hbm:s3], $0xF7A  }
0x26: {  	[smem:$0x3F93] =	sst s1;
	(tag) =	ssettag s2;
	_ =	strace s9  }
0x27: {  	s1 =	sld [smem:$0x3FA3]  }
0x28: {  	s2 =	sld [smem:$0x3FA4]  }
0x29: {  	s4 =	sld [smem:$0x3FA6]  }
0x2a: {  	p0 =	seq.s32 s5, $0x0;
	s5 =	sld [smem:$0x3FA7]  }
0x2b: {  	s6 =	sld [smem:$0x3FA8]  }
0x2c: {  	s7 =	sld [smem:$0x3FA9]  }
0x2d: {  	s3 =	simm.s32 $0x108;
	s8 =	sld [smem:$0x3FAA]  }
0x2e: {  	s3 =	simm.s32 @!p0 $0x1082;
	s9 =	sld [smem:$0x3FAB]  }
0x2f: {  	lr =	sadd.s32 s0, s3;
	s0 =	sld [smem:$0x3FA2]  }
0x30: {  	s3 =	sld [smem:$0x3FA5]  }
0x31: {  	[smem:$0x3FAE] =	sst s10  }
0x32: {  	s10 =	sld [smem:$0x3FAC];
	_ =	sdelay $0x3  }
0x33: {  	p0 =	seq.s32 s10, $0x1;
	s10 =	sld [smem:$0x3FAE];
	_ =	sdelay $0x3  }
0x34: {  	[smem:$0x3FAE] =	sst s10  }
0x35: {  	s10 =	sld [smem:$0x3FAD];
	_ =	sdelay $0x3  }
0x36: {  	p1 =	seq.s32 s10, $0x1;
	s10 =	sld [smem:$0x3FAE];
	_ =	sdelay $0x3  }
0x37: {  	[smem:$0x3FAE] =	sst s10  }
0x38: {  	s10 =	sld [smem:$0x3FAF]  }
0x39: {  	_ = 	snop;
	(pc) =	sbr.ind lr, $3  }
0x3a: {  	_ = 	snop  }
0x3b: {  	_ = 	snop  }
0x3c: {  	p2 =	seq.s32 s10, $0x1;
	s10 =	sld [smem:$0x3FAE]  }
0x3d: {  	_ =	shalt  }
0x3e: {  	_ =	shalt  }
0x3f: {  	_ =	shalt  }
0x40: {  	_ =	shalt  }
0x41: {  	_ =	shalt  }
0x42: {  	_ =	shalt  }
0x43: {  	_ =	shalt  }
0x44: {  	_ =	shalt  }
0x45: {  	_ =	shalt  }
0x46: {  	_ =	shalt  }
0x47: {  	_ =	shalt  }
0x48: {  	_ =	shalt  }
0x49: {  	_ =	shalt  }
0x4a: {  	_ =	shalt  }
0x4b: {  	_ =	shalt  }
0x4c: {  	_ =	shalt  }
0x4d: {  	_ =	shalt  }
0x4e: {  	_ =	shalt  }
0x4f: {  	_ =	shalt  }
0x50: {  	_ =	shalt  }
0x51: {  	_ =	shalt  }
0x52: {  	_ =	shalt  }
0x53: {  	_ =	shalt  }
0x54: {  	_ =	shalt  }
0x55: {  	_ =	shalt  }
0x56: {  	_ =	shalt  }
0x57: {  	_ =	shalt  }
0x58: {  	_ =	shalt  }
0x59: {  	_ =	shalt  }
0x5a: {  	_ =	shalt  }
0x5b: {  	_ =	shalt  }
0x5c: {  	_ =	shalt  }
0x5d: {  	_ =	shalt  }
0x5e: {  	_ =	shalt  }
0x5f: {  	_ =	shalt  }
0x60: {  	_ =	shalt  }
0x61: {  	_ =	shalt  }
0x62: {  	_ =	shalt  }
0x63: {  	_ =	shalt  }
0x64: {  	_ =	shalt  }
0x65: {  	_ =	shalt  }
0x66: {  	_ =	shalt  }
0x67: {  	_ =	shalt  }
0x68: {  	_ =	shalt  }
0x69: {  	_ =	shalt  }
0x6a: {  	_ =	shalt  }
0x6b: {  	_ =	shalt  }
0x6c: {  	_ =	shalt  }
0x6d: {  	_ =	shalt  }
0x6e: {  	_ =	shalt  }
0x6f: {  	_ =	shalt  }
0x70: {  	_ =	shalt  }
0x71: {  	_ =	shalt  }
0x72: {  	_ =	shalt  }
0x73: {  	_ =	shalt  }
0x74: {  	_ =	shalt  }
0x75: {  	_ =	shalt  }
0x76: {  	_ =	shalt  }
0x77: {  	_ =	shalt  }
0x78: {  	_ =	shalt  }
0x79: {  	_ =	shalt  }
0x7a: {  	_ =	shalt  }
0x7b: {  	_ =	shalt  }
0x7c: {  	_ =	shalt  }
0x7d: {  	_ =	shalt  }
0x7e: {  	_ =	shalt  }
0x7f: {  	_ =	shalt  }
0x80: {  	_ =	shalt  }
0x81: {  	_ =	shalt  }
0x82: {  	_ =	shalt  }
0x83: {  	_ =	shalt  }
0x84: {  	_ =	shalt  }
0x85: {  	_ =	shalt  }
0x86: {  	_ =	shalt  }
0x87: {  	_ =	shalt  }
.Lfunc_end0:
.L_simem_size_0:
called_computation_lowered:
.L_overlay_start_0:
0x88: {  	s2 =	sld [smem:$0x3FD9]  }
0x89: {  	s3 =	sld [smem:$0x3FFE];
	_ =	sdelay $0x1  }
0x8a: {  	s1 =	srdreg.scid  }
0x8b: {  	s0 =	sand.u32 $0x1, s1  }
0x8c: {  	s17 =	sshll.u32 s0, $0xA;
	s2 =	sadd.s32 s3, s2  }
0x8d: {  	s2 =	sadd.s32 s2, s17  }
0x8e: {  	[smem:$0x3FBA] =	sst s2  }
0x8f: {  	_ = 	snop  }
0x90: {  	s2 =	sld [smem:$0x3FD0];
	(tm) =	ssettm $0x1  }
0x91: {  	s18 =	sld [smem:$0x3FFB];
	_ =	sdelay $0x3  }
0x92: {  	_ =	strace s18  }
0x93: {  	s3 =	sld [smem:$0x3FFC];
	_ =	sdelay $0x3  }
0x94: {  	_ =	strace s3  }
0x95: {  	s3 =	sld [smem:$0x3FFD];
	_ =	sdelay $0x3  }
0x96: {  	_ =	strace s3  }
0x97: {  	_ =	strace $0x8FFFFFFF  }
0x98: {  	s19 =	sld [smem:$0x3FDB];
	_ =	sdelay $0x1  }
0x99: {  	s4 =	simm.s32 $_scs_section_size  }
0x9a: {  	s5 =	simm.s32 $_size__tile_overlayer_lowered;
	s6 =	simm.s32 $_tile_overlayer_lowered  }
0x9b: {  	s22 =	simm.s32 $0x1BFF;
	s21 =	sshll.u32 s6, $0x1;
	s3 =	sadd.s32 s4, s19  }
0x9c: {  	s7 =	simm.s32 $0x0;
	s20 =	sshll.u32 s5, $0x1;
	s5 =	sadd.s32 s21, s3  }
0x9d: {  	[timem:s7], [sflag:s22] =	dma.local [hbm:s5], s20  }
0x9e: {  	_ =	swait.ge [sflag:s22], s20  }
0x9f: {  	s4 =	ssub.s32 $0x0, s20;
	[sflag:s22] =	ssyncset.done $0x0  }
0xa0: {  	[sflag:s22] =	ssyncadd.s32 s4;
	_ =	sdelay $0x1  }
0xa1: {  	s23 =	simm.s32 $0x1B8B  }
0xa2: {  	_ =	swait.ge [sflag:s23], $0x1  }
0xa3: {  	[sflag:s23] =	ssyncset.done $0x0  }
0xa4: {  	s25 =	simm.s32 $0x1B8E;
	s24 =	sld [smem:$0x3FFE];
	[sflag:s23] =	ssyncadd.s32 $0xFFFFFFFF  }
0xa5: {  	s26 =	simm.s32 $execute0_lowered;
	[smem:$0x3FD2] =	sst s25  }
0xa6: {  	s5 =	sshll.u32 s26, $0x1;
	_ =	strace $0x80000046;
	[dreg:$0x1] =	wrdreg $0xFFFFFFFF  }
0xa7: {  	s28 =	simm.s32 $_size_execute0_lowered;
	s3 =	sadd.s32 s3, s5;
	[dreg:$0x0] =	wrdreg $0x0  }
0xa8: {  	s5 =	sshll.u32 s28, $0x1;
	[dreg:$0x2] =	wrdreg s3  }
0xa9: {  	[dreg:$0x3] =	wrdreg s5  }
0xaa: {  	[dreg:$0x4] =	wrdreg $0xC0  }
0xab: {  	_ =	task [dreg:s7], $0x5FFFF  }
0xac: {  	[dreg:$0x1] =	wrdreg $0xFFFFFFFF  }
0xad: {  	[dreg:$0x0] =	wrdreg $0x60  }
0xae: {  	[dreg:$0x2] =	wrdreg s24  }
0xaf: {  	[dreg:$0x3] =	wrdreg s2  }
0xb0: {  	[dreg:$0x4] =	wrdreg $0x9  }
0xb1: {  	_ =	task.clear_ibuf [dreg:s7], $0x5FFFF;
	_ =	strace $0x90000046  }
0xb2: {  	s29 =	simm.s32 $0x9;
	_ =	strace $0x80000048  }
0xb3: {  	_ =	swait.ge [sflag:s29], $0x1  }
0xb4: {  	[sflag:s29] =	ssyncadd.s32 $0xFFFFFFFF  }
0xb5: {  	_ =	strace $0x90000048  }
0xb6: {  	_ =	sfence  }
0xb7: {  	s30 =	sld [smem:$0x0];
	_ =	sdelay $0x2  }
0xb8: {  	s31 =	sshll.u32 s1, $0xD;
	s1 =	sshrl.u32 s1, $0x2  }
0xb9: {  	s3 =	sand.u32 $0x4000, s31;
	s1 =	sadd.s32 s1, s30  }
0xba: {  	s0 =	sor.u32 s3, s0;
	s1 =	sshll.u32 s1, $0x11  }
0xbb: {  	s0 =	sor.u32 s1, s0  }
0xbc: {  	s0 =	sadd.s32 $0x8F2B, s0  }
0xbd: {  	[sflag:s0] =	ssyncadd.remote.s32 $0x1  }
0xbe: {  	_ =	sfence.sel $0xFFFF  }
0xbf: {  	[dreg:$0x0] =	wrdreg $0xFFFFFFFF;
	(pc) =	sbr.abs _section_cstart, $3  }
0xc0: {  	[dreg:$0x1] =	wrdreg $0xFFFFFFFF  }
0xc1: {  	_ =	task.clear_ibuf [dreg:s7], $0x2FFFF;
	_ =	strace $0x9FFFFFFF  }
0xc2: {  	(tm) =	ssettm $0x7FFFFFFF  }
0xc3: {  	_ =	shalt  }
tec
execute0_lowered:
.L_overlay_start_1:
0x0: {  	(tag) =	ssettag $0x1  }
0x1: {  	s0 =	rddreg [dreg:$0x0]  }
0x2: {  	s6 =	rddreg [dreg:$0x1];
	s2 =	srdreg.scid  }
0x3: {  	s1 =	stileid.u32;
	s10 =	simm.s32 $0x80;
	s11 =	simm.s32 $0x100  }
0x4: {  	s12 =	simm.s32 $0x180;
	s13 =	simm.s32 $0x980;
	s14 =	simm.s32 $0x1180  }
0x5: {  	s15 =	simm.s32 $0x1980;
	s16 =	simm.s32 $0x2180;
	s17 =	simm.s32 $0x2980  }
0x6: {  	s18 =	simm.s32 $0x3180;
	s19 =	simm.s32 $0x3980;
	s20 =	simm.s32 $0x4180  }
0x7: {  	s28 =	simm.s32 $0x7980;
	s29 =	simm.s32 $0x1;
	s30 =	simm.s32 $0x3  }
0x8: {  	s31 =	simm.s32 $0x2;
	s7 =	sand.u32 $0x1, s2;
	s2 =	simm.s32 $0x0  }
0x9: {  	s3 =	sshll.u32 s1, $0x7;
	s5 =	sadd.s32 $0x13000, s0;
	s4 =	sshll.u32 s7, $0x6  }
0xa: {  	[smem:$0x7FF] =	sst s2;
	s21 =	ssub.s32 $0x2, s7;
	s8 =	sor.u32 s4, s3  }
0xb: {  	_ =	strace $0x80000047;
	s4 =	sadd.s32 $0xB000, s0;
	s3 =	sshrl.u32 s8, $0x3  }
0xc: {  	s25 =	sshrl.u32 s21, $0x1;
	s8 =	sshll.u32 s8, $0x5;
	s9 =	sadd.s32 s3, s0  }
0xd: {  	s3 =	sadd.s32 $0x3000, s0;
	s6 =	sadd.s32 s6, s8;
	s0 =	ssub.s32 s21, s25  }
0xe: {  	s21 =	simm.s32 $0x4980;
	s25 =	simm.s32 $0x6980;
	s22 =	sadd.s32 $0x2E00, s9  }
0xf: {  	s23 =	sadd.s32 $0x2C00, s9;
	s24 =	sadd.s32 $0x2A00, s9;
	[dreg:$0x3] =	wrdreg s22  }
0x10: {  	s26 =	sadd.s32 $0x10000, s6;
	s7 =	sadd.s32 $0x20000, s6;
	[dreg:$0x4] =	wrdreg s23  }
0x11: {  	v2 =	vlaneseq.u32;
	s8 =	smax.u32 s0, $0x1;
	s9 =	simm.s32 $0x5;
	[dreg:$0x5] =	wrdreg s24  }
0x12: {  	vm0 =	vmmov $0xffff;
	v1 =	vshrl.u32 v2, $0x3;
	s0 =	simm.s32 $0x4;
	[dreg:$0x6] =	wrdreg s26;
	s22 =	simm.s32 $0x5180  }
0x13: {  	v0 =	vand.u32 $0x7, v2;
	v2 =	vor.u32 $0x8, v2;
	v1 =	vmul.u32 $0x8, v1;
	s23 =	simm.s32 $0x5980;
	s24 =	simm.s32 $0x6180;
	s26 =	simm.s32 $0x7180  }
.LBB2_1:
0x14: {  	s1 =	rddreg [dreg:$0x3]  }
0x15: {  	[tilespmem:s2], [sflag:$0x5] =	stream.linear.gather [hbm4b:s1+s2], $0x40, $0x38;
	[tilespmem:$0x8180] =	vst v63  }
0x16: {  	_ =	swait.ge [sflag:s9], $0x40  }
0x17: {  	[sflag:s9] =	ssyncset.done $0x0  }
0x18: {  	s1 =	rddreg [dreg:$0x4];
	[sflag:s9] =	ssyncadd.s32 $0xFFFFFFC0  }
0x19: {  	[tilespmem:s10], [sflag:$0x5] =	stream.linear.gather [hbm4b:s1+s2], $0x40, $0x38;
	[tilespmem:$0x8180] =	vst v63  }
0x1a: {  	_ =	swait.ge [sflag:s9], $0x40  }
0x1b: {  	[sflag:s9] =	ssyncset.done $0x0  }
0x1c: {  	s1 =	rddreg [dreg:$0x5];
	[sflag:s9] =	ssyncadd.s32 $0xFFFFFFC0  }
0x1d: {  	[tilespmem:s11], [sflag:$0x5] =	stream.linear.gather [hbm4b:s1+s2], $0x40, $0x38;
	[tilespmem:$0x8180] =	vst v63  }
0x1e: {  	_ =	swait.ge [sflag:s9], $0x40  }
0x1f: {  	[sflag:s9] =	ssyncset.done $0x0  }
0x20: {  	[sflag:s9] =	ssyncadd.s32 $0xFFFFFFC0  }
0x21: {  	v3 =	vld [tilespmem:$0x0];
	_ =	sdelay $0x4  }
0x22: {  	v4 =	vshll.u32 v3, $0x1  }
0x23: {  	v3 =	vand.u32 $0x7, v3;
	v4 =	vand.u32 $0xFFFFFFF0, v4  }
0x24: {  	v3 =	vor.u32 v3, v4  }
0x25: {  	v4 =	vperm.xlane v3, v0;
	_ =	sdelay $0x1  }
0x26: {  	v3 =	vperm.xlane v3, v2;
	v4 =	vadd.s32 v1, v4;
	_ =	sdelay $0x1  }
0x27: {  	v3 =	vadd.s32 v1, v3;
	_ =	sdelay $0x2  }
0x28: {  	[tilespmem:s12], [sflag:$0x1] =	stream.indirect_vreg.gather [hbm4b:s3+s2], $0x80, v4, vm0, $0xb8;
	[tilespmem:$0x8180] =	vst v63  }
0x29: {  	_ = 	snop  }
0x2a: {  	[tilespmem:s13], [sflag:$0x1] =	stream.indirect_vreg.gather [hbm4b:s3+s2], $0x80, v3, vm0, $0xb8;
	[tilespmem:$0x8180] =	vst v63  }
0x2b: {  	v3 =	vld [tilespmem:$0x10];
	_ =	sdelay $0x4  }
0x2c: {  	v53 =	vshll.u32 v3, $0x1  }
0x2d: {  	v3 =	vand.u32 $0x7, v3;
	v4 =	vand.u32 $0xFFFFFFF0, v53  }
0x2e: {  	v3 =	vor.u32 v3, v4  }
0x2f: {  	v4 =	vperm.xlane v3, v0;
	_ =	sdelay $0x1  }
0x30: {  	v3 =	vperm.xlane v3, v2;
	v4 =	vadd.s32 v1, v4;
	_ =	sdelay $0x1  }
0x31: {  	v3 =	vadd.s32 v1, v3;
	_ =	sdelay $0x2  }
0x32: {  	[tilespmem:s14], [sflag:$0x1] =	stream.indirect_vreg.gather [hbm4b:s3+s2], $0x80, v4, vm0, $0xb8;
	[tilespmem:$0x8180] =	vst v63  }
0x33: {  	_ = 	snop  }
0x34: {  	[tilespmem:s15], [sflag:$0x1] =	stream.indirect_vreg.gather [hbm4b:s3+s2], $0x80, v3, vm0, $0xb8;
	[tilespmem:$0x8180] =	vst v63  }
0x35: {  	v3 =	vld [tilespmem:$0x20];
	_ =	sdelay $0x4  }
0x36: {  	v54 =	vshll.u32 v3, $0x1  }
0x37: {  	v3 =	vand.u32 $0x7, v3;
	v4 =	vand.u32 $0xFFFFFFF0, v54  }
0x38: {  	v3 =	vor.u32 v3, v4  }
0x39: {  	v4 =	vperm.xlane v3, v0;
	_ =	sdelay $0x1  }
0x3a: {  	v3 =	vperm.xlane v3, v2;
	v4 =	vadd.s32 v1, v4;
	_ =	sdelay $0x1  }
0x3b: {  	v3 =	vadd.s32 v1, v3;
	_ =	sdelay $0x2  }
0x3c: {  	[tilespmem:s16], [sflag:$0x1] =	stream.indirect_vreg.gather [hbm4b:s3+s2], $0x80, v4, vm0, $0xb8;
	[tilespmem:$0x8180] =	vst v63  }
0x3d: {  	_ = 	snop  }
0x3e: {  	[tilespmem:s17], [sflag:$0x1] =	stream.indirect_vreg.gather [hbm4b:s3+s2], $0x80, v3, vm0, $0xb8;
	[tilespmem:$0x8180] =	vst v63  }
0x3f: {  	v3 =	vld [tilespmem:$0x30];
	_ =	sdelay $0x4  }
0x40: {  	v55 =	vshll.u32 v3, $0x1  }
0x41: {  	v3 =	vand.u32 $0x7, v3;
	v4 =	vand.u32 $0xFFFFFFF0, v55  }
0x42: {  	v3 =	vor.u32 v3, v4  }
0x43: {  	v4 =	vperm.xlane v3, v0;
	_ =	sdelay $0x1  }
0x44: {  	v3 =	vperm.xlane v3, v2;
	v4 =	vadd.s32 v1, v4;
	_ =	sdelay $0x1  }
0x45: {  	v3 =	vadd.s32 v1, v3;
	_ =	sdelay $0x2  }
0x46: {  	[tilespmem:s18], [sflag:$0x1] =	stream.indirect_vreg.gather [hbm4b:s3+s2], $0x80, v4, vm0, $0xb8;
	[tilespmem:$0x8180] =	vst v63  }
0x47: {  	_ = 	snop  }
0x48: {  	[tilespmem:s19], [sflag:$0x1] =	stream.indirect_vreg.gather [hbm4b:s3+s2], $0x80, v3, vm0, $0xb8;
	[tilespmem:$0x8180] =	vst v63  }
0x49: {  	v3 =	vld [tilespmem:$0x80];
	_ =	sdelay $0x4  }
0x4a: {  	v56 =	vshll.u32 v3, $0x1  }
0x4b: {  	v3 =	vand.u32 $0x7, v3;
	v4 =	vand.u32 $0xFFFFFFF0, v56  }
0x4c: {  	v3 =	vor.u32 v3, v4  }
0x4d: {  	v4 =	vperm.xlane v3, v0;
	_ =	sdelay $0x1  }
0x4e: {  	v3 =	vperm.xlane v3, v2;
	v4 =	vadd.s32 v1, v4;
	_ =	sdelay $0x1  }
0x4f: {  	v3 =	vadd.s32 v1, v3;
	_ =	sdelay $0x2  }
0x50: {  	[tilespmem:s20], [sflag:$0x2] =	stream.indirect_vreg.gather [hbm4b:s4+s2], $0x80, v4, vm0, $0xb8;
	[tilespmem:$0x8180] =	vst v63  }
0x51: {  	_ = 	snop  }
0x52: {  	[tilespmem:s21], [sflag:$0x2] =	stream.indirect_vreg.gather [hbm4b:s4+s2], $0x80, v3, vm0, $0xb8;
	[tilespmem:$0x8180] =	vst v63  }
0x53: {  	v3 =	vld [tilespmem:$0x90];
	_ =	sdelay $0x4  }
0x54: {  	v57 =	vshll.u32 v3, $0x1  }
0x55: {  	v3 =	vand.u32 $0x7, v3;
	v4 =	vand.u32 $0xFFFFFFF0, v57  }
0x56: {  	v3 =	vor.u32 v3, v4  }
0x57: {  	v4 =	vperm.xlane v3, v0;
	_ =	sdelay $0x1  }
0x58: {  	v3 =	vperm.xlane v3, v2;
	v4 =	vadd.s32 v1, v4;
	_ =	sdelay $0x1  }
0x59: {  	v3 =	vadd.s32 v1, v3;
	_ =	sdelay $0x2  }
0x5a: {  	[tilespmem:s22], [sflag:$0x2] =	stream.indirect_vreg.gather [hbm4b:s4+s2], $0x80, v4, vm0, $0xb8;
	[tilespmem:$0x8180] =	vst v63  }
0x5b: {  	_ = 	snop  }
0x5c: {  	[tilespmem:s23], [sflag:$0x2] =	stream.indirect_vreg.gather [hbm4b:s4+s2], $0x80, v3, vm0, $0xb8;
	[tilespmem:$0x8180] =	vst v63  }
0x5d: {  	v3 =	vld [tilespmem:$0xA0];
	_ =	sdelay $0x4  }
0x5e: {  	v58 =	vshll.u32 v3, $0x1  }
0x5f: {  	v3 =	vand.u32 $0x7, v3;
	v4 =	vand.u32 $0xFFFFFFF0, v58  }
0x60: {  	v3 =	vor.u32 v3, v4  }
0x61: {  	v4 =	vperm.xlane v3, v0;
	_ =	sdelay $0x1  }
0x62: {  	v3 =	vperm.xlane v3, v2;
	v4 =	vadd.s32 v1, v4;
	_ =	sdelay $0x1  }
0x63: {  	v3 =	vadd.s32 v1, v3;
	_ =	sdelay $0x2  }
0x64: {  	[tilespmem:s24], [sflag:$0x2] =	stream.indirect_vreg.gather [hbm4b:s4+s2], $0x80, v4, vm0, $0xb8;
	[tilespmem:$0x8180] =	vst v63  }
0x65: {  	_ = 	snop  }
0x66: {  	[tilespmem:s25], [sflag:$0x2] =	stream.indirect_vreg.gather [hbm4b:s4+s2], $0x80, v3, vm0, $0xb8;
	[tilespmem:$0x8180] =	vst v63  }
0x67: {  	v3 =	vld [tilespmem:$0xB0];
	_ =	sdelay $0x4  }
0x68: {  	v59 =	vshll.u32 v3, $0x1  }
0x69: {  	v3 =	vand.u32 $0x7, v3;
	v4 =	vand.u32 $0xFFFFFFF0, v59  }
0x6a: {  	v3 =	vor.u32 v3, v4  }
0x6b: {  	v4 =	vperm.xlane v3, v0;
	_ =	sdelay $0x1  }
0x6c: {  	v3 =	vperm.xlane v3, v2;
	v4 =	vadd.s32 v1, v4;
	_ =	sdelay $0x1  }
0x6d: {  	v3 =	vadd.s32 v1, v3;
	_ =	sdelay $0x2  }
0x6e: {  	[tilespmem:s26], [sflag:$0x2] =	stream.indirect_vreg.gather [hbm4b:s4+s2], $0x80, v4, vm0, $0xb8;
	[tilespmem:$0x8180] =	vst v63  }
0x6f: {  	_ = 	snop  }
0x70: {  	[tilespmem:s28], [sflag:$0x2] =	stream.indirect_vreg.gather [hbm4b:s4+s2], $0x80, v3, vm0, $0xb8;
	[tilespmem:$0x8180] =	vst v63  }
0x71: {  	_ =	swait.ge [sflag:s29], $0x4000  }
0x72: {  	[sflag:s29] =	ssyncset.done $0x0  }
0x73: {  	[sflag:s29] =	ssyncadd.s32 $0xFFFFC000  }
0x74: {  	[hbm4b:s6+s2] =	stream.linear.scatter [tilespmem:s12], [sflag:$0x3], $0x4000, $0x38;
	[tilespmem:$0x8180] =	vst v63  }
0x75: {  	_ =	swait.ge [sflag:s30], $0x4000  }
0x76: {  	[sflag:s30] =	ssyncset.done $0x0  }
0x77: {  	[sflag:s30] =	ssyncadd.s32 $0xFFFFC000  }
0x78: {  	v3 =	vld [tilespmem:$0x100];
	_ =	sdelay $0x4  }
0x79: {  	v60 =	vshll.u32 v3, $0x1  }
0x7a: {  	v3 =	vand.u32 $0x7, v3;
	v4 =	vand.u32 $0xFFFFFFF0, v60  }
0x7b: {  	v3 =	vor.u32 v3, v4  }
0x7c: {  	v4 =	vperm.xlane v3, v0;
	_ =	sdelay $0x1  }
0x7d: {  	v3 =	vperm.xlane v3, v2;
	v4 =	vadd.s32 v1, v4;
	_ =	sdelay $0x1  }
0x7e: {  	v3 =	vadd.s32 v1, v3;
	_ =	sdelay $0x2  }
0x7f: {  	[tilespmem:s12], [sflag:$0x1] =	stream.indirect_vreg.gather [hbm4b:s5+s2], $0x80, v4, vm0, $0xb8;
	[tilespmem:$0x8180] =	vst v63  }
0x80: {  	_ = 	snop  }
0x81: {  	[tilespmem:s13], [sflag:$0x1] =	stream.indirect_vreg.gather [hbm4b:s5+s2], $0x80, v3, vm0, $0xb8;
	[tilespmem:$0x8180] =	vst v63  }
0x82: {  	v3 =	vld [tilespmem:$0x110];
	_ =	sdelay $0x4  }
0x83: {  	v61 =	vshll.u32 v3, $0x1  }
0x84: {  	v3 =	vand.u32 $0x7, v3;
	v4 =	vand.u32 $0xFFFFFFF0, v61  }
0x85: {  	v3 =	vor.u32 v3, v4  }
0x86: {  	v4 =	vperm.xlane v3, v0;
	_ =	sdelay $0x1  }
0x87: {  	v3 =	vperm.xlane v3, v2;
	v4 =	vadd.s32 v1, v4;
	_ =	sdelay $0x1  }
0x88: {  	v3 =	vadd.s32 v1, v3;
	_ =	sdelay $0x2  }
0x89: {  	[tilespmem:s14], [sflag:$0x1] =	stream.indirect_vreg.gather [hbm4b:s5+s2], $0x80, v4, vm0, $0xb8;
	[tilespmem:$0x8180] =	vst v63  }
0x8a: {  	_ = 	snop  }
0x8b: {  	[tilespmem:s15], [sflag:$0x1] =	stream.indirect_vreg.gather [hbm4b:s5+s2], $0x80, v3, vm0, $0xb8;
	[tilespmem:$0x8180] =	vst v63  }
0x8c: {  	v3 =	vld [tilespmem:$0x120];
	_ =	sdelay $0x4  }
0x8d: {  	v62 =	vshll.u32 v3, $0x1  }
0x8e: {  	v3 =	vand.u32 $0x7, v3;
	v4 =	vand.u32 $0xFFFFFFF0, v62  }
0x8f: {  	v3 =	vor.u32 v3, v4  }
0x90: {  	v4 =	vperm.xlane v3, v0;
	_ =	sdelay $0x1  }
0x91: {  	v3 =	vperm.xlane v3, v2;
	v4 =	vadd.s32 v1, v4;
	_ =	sdelay $0x1  }
0x92: {  	v3 =	vadd.s32 v1, v3;
	_ =	sdelay $0x2  }
0x93: {  	[tilespmem:s16], [sflag:$0x1] =	stream.indirect_vreg.gather [hbm4b:s5+s2], $0x80, v4, vm0, $0xb8;
	[tilespmem:$0x8180] =	vst v63  }
0x94: {  	_ = 	snop  }
0x95: {  	[tilespmem:s17], [sflag:$0x1] =	stream.indirect_vreg.gather [hbm4b:s5+s2], $0x80, v3, vm0, $0xb8;
	[tilespmem:$0x8180] =	vst v63  }
0x96: {  	v3 =	vld [tilespmem:$0x130];
	_ =	sdelay $0x4  }
0x97: {  	v63 =	vshll.u32 v3, $0x1  }
0x98: {  	v3 =	vand.u32 $0x7, v3;
	v4 =	vand.u32 $0xFFFFFFF0, v63  }
0x99: {  	v3 =	vor.u32 v3, v4  }
0x9a: {  	v4 =	vperm.xlane v3, v0;
	_ =	sdelay $0x1  }
0x9b: {  	v3 =	vperm.xlane v3, v2;
	v4 =	vadd.s32 v1, v4;
	_ =	sdelay $0x1  }
0x9c: {  	v3 =	vadd.s32 v1, v3;
	_ =	sdelay $0x2  }
0x9d: {  	[tilespmem:s18], [sflag:$0x1] =	stream.indirect_vreg.gather [hbm4b:s5+s2], $0x80, v4, vm0, $0xb8;
	[tilespmem:$0x8180] =	vst v63  }
0x9e: {  	_ = 	snop  }
0x9f: {  	[tilespmem:s19], [sflag:$0x1] =	stream.indirect_vreg.gather [hbm4b:s5+s2], $0x80, v3, vm0, $0xb8;
	[tilespmem:$0x8180] =	vst v63  }
0xa0: {  	_ =	swait.ge [sflag:s31], $0x4000  }
0xa1: {  	[sflag:s31] =	ssyncset.done $0x0  }
0xa2: {  	s1 =	rddreg [dreg:$0x6];
	[sflag:s31] =	ssyncadd.s32 $0xFFFFC000  }
0xa3: {  	[hbm4b:s1+s2] =	stream.linear.scatter [tilespmem:s20], [sflag:$0x4], $0x4000, $0x38;
	[tilespmem:$0x8180] =	vst v63  }
0xa4: {  	_ =	swait.ge [sflag:s29], $0x4000  }
0xa5: {  	[sflag:s29] =	ssyncset.done $0x0  }
0xa6: {  	[sflag:s29] =	ssyncadd.s32 $0xFFFFC000  }
0xa7: {  	[hbm4b:s7+s2] =	stream.linear.scatter [tilespmem:s12], [sflag:$0x3], $0x4000, $0x38;
	[tilespmem:$0x8180] =	vst v63  }
0xa8: {  	p0 =	sne.s32 s8, $0x1;
	_ =	swait.ge [sflag:s30], $0x4000  }
.Ltmp0:
0xa9: {  	[sflag:s30] =	ssyncset.done $0x0;
	(pc) =	sbr.rel @p0 .LBB2_1-.Ltmp0, $4  }
0xaa: {  	[sflag:s30] =	ssyncadd.s32 $0xFFFFC000  }
0xab: {  	_ =	swait.ge [sflag:s0], $0x4000  }
0xac: {  	[sflag:s0] =	ssyncset.done $0x0  }
0xad: {  	s8 =	sadd.s32 $0xFFFFFFFF, s8;
	[sflag:s0] =	ssyncadd.s32 $0xFFFFC000  }
0xae: {  	_ =	sfence.sel $0x180000  }
0xaf: {  	[bflag:$0x0] =	sbarrier.arrive $0xFFFF  }
0xb0: {  	_ =	strace $0x90000047  }
0xb1: {  	s0 =	stileid.u32;
	[bflag:$0x2] =	sbarrier.arrive $0xFFFF  }
0xb2: {  	p0 =	sne.s32 s0, $0x0;
	s0 =	rddreg [dreg:$0x2]  }
0xb3: {  	s0 =	sadd.s32 @!p0 $0x100000, s0  }
0xb4: {  	[sflag:s0] =	ssyncadd.tile.s32 @!p0 $0x1;
	_ =	shalt  }
.Lfunc_end2:
_tile_overlayer_lowered:
.L_overlay_start_2:
0xb5: {  	(tag) =	ssettag $0x2  }
0xb6: {  	s0 =	rddreg [dreg:$0x0];
	s2 =	stileid.u32  }
0xb7: {  	s1 =	rddreg [dreg:$0x1];
	p0 =	sne.s32 s2, $0x0  }
0xb8: {  	s3 =	rddreg [dreg:$0x2];
	[bflag:$0x3] =	sbarrier.arrive $0xFFFF;
	s2 =	simm.s32 @!p0 $0x1C05  }
0xb9: {  	[timem:s3], [sflag:s2] =	dma.local @!p0 [hbm:s0], s1  }
0xba: {  	s0 =	simm.s32 @!p0 $0x5  }
0xbb: {  	_ =	swait.ge @!p0 [sflag:s0], s1  }
0xbc: {  	s1 =	ssub.s32 @!p0 $0x0, s1;
	[sflag:s0] =	ssyncset.done @!p0 $0x0  }
0xbd: {  	[sflag:s0] =	ssyncadd.s32 @!p0 s1  }
0xbe: {  	[bflag:$0x3] =	sbarrier.arrive $0xFFFF  }
0xbf: {  	_ =	shalt  }

// kernel: kernel.13.cloned.1.call-start
scs
__scs_entry_jumppad:
0x0: {  	(pc) =	sbr.rel $0x88, $3  }
0x1: {  	(tag) =	ssettag $0x0;
	lr =	simm.s32 $0x1  }
0x2: {  	[smem:$0x3F93] =	sst lr;
	_ =	strace $0xD0000000  }
0x3: {  	_ = 	snop  }
0x4: {  	_ = 	snop  }
0x5: {  	_ = 	snop  }
0x6: {  	_ = 	snop  }
0x7: {  	_ = 	snop  }
__scs_overlays_trampoline_lowered:
0x8: {  	[smem:$0x3FA2] =	sst s0  }
0x9: {  	[smem:$0x3FA3] =	sst s1  }
0xa: {  	[smem:$0x3FA4] =	sst s2  }
0xb: {  	[smem:$0x3FA5] =	sst s3  }
0xc: {  	[smem:$0x3FA6] =	sst s4  }
0xd: {  	[smem:$0x3FA7] =	sst s5  }
0xe: {  	[smem:$0x3FA8] =	sst s6  }
0xf: {  	[smem:$0x3FA9] =	sst s7  }
0x10: {  	[smem:$0x3FAA] =	sst s8  }
0x11: {  	[smem:$0x3FAB] =	sst s9;
	s0 =	simm.s32 @!p0 $0x0  }
0x12: {  	s1 =	sld [smem:$0x3F91];
	s0 =	simm.s32 @p0 $0x1  }
0x13: {  	[smem:$0x3FAC] =	sst s0;
	s0 =	simm.s32 @!p1 $0x0  }
0x14: {  	s2 =	sld [smem:$0x3F90];
	s0 =	simm.s32 @p1 $0x1  }
0x15: {  	[smem:$0x3FAD] =	sst s0;
	s0 =	simm.s32 @!p2 $0x0  }
0x16: {  	s3 =	sld [smem:$0x3FDB];
	s0 =	simm.s32 @p2 $0x1  }
0x17: {  	s4 =	simm.s32 $0x1BF5;
	[smem:$0x3FAF] =	sst s0  }
0x18: {  	s0 =	sld [smem:$0x3F92];
	_ =	swait.ge [sflag:s4], $0x0  }
0x19: {  	s7 =	sld [smem:$0x3F93]  }
0x1a: {  	s8 =	sadd.s32 $0xFFFFE003, lr  }
0x1b: {  	s9 =	sadd.s32 $0xFFFFFEF7, lr;
	s5 =	simm.s32 $0xFFFFFFFF;
	p2 =	slt.u32 s8, $0xFFFFF086  }
0x1c: {  	p1 =	slt.u32 s9, $0xF7A;
	s5 =	simm.s32 @!p2 $0x0  }
0x1d: {  	s5 =	simm.s32 @p1 $0x1;
	p0 =	seq.s32 s7, s2  }
0x1e: {  	s7 =	smul.u32 @!p0 $0xF7A, s2;
	p2 =	seq.s32 @!p0 s5, $0x0  }
0x1f: {  	s9 =	smul.u32 $0xF7A, s1;
	s8 =	simm.s32 @!p0 $0x1BF5;
	p2 =	por !p2, p0  }
0x20: {  	[sflag:s8] =	ssyncset.s32 @!p0 $0xFFFFF086;
	s6 =	sadd.s32 @!p0 s3, s7;
	s7 =	simm.s32 @!p0 $0x108  }
0x21: {  	s3 =	sadd.s32 s3, s9;
	s6 =	sadd.s32 @!p0 $0x88, s6;
	s7 =	simm.s32 @p2 $0x1082  }
0x22: {  	[simem:s7], [sflag:s8] =	dma.local @!p0 [hbm:s6], $0xF7A  }
0x23: {  	s9 =	sor.u32 $0xD0000000, s2;
	s6 =	simm.s32 $0x108;
	_ =	swait.ge @!p0 [sflag:s8], $0x0  }
0x24: {  	s3 =	sadd.s32 $0x88, s3;
	s6 =	simm.s32 @!p1 $0x1082;
	[sflag:s4] =	ssyncset.s32 $0xFFFFF086  }
0x25: {  	[simem:s6], [sflag:s4] =	dma.local [hbm:s3], $0xF7A  }
0x26: {  	[smem:$0x3F93] =	sst s1;
	(tag) =	ssettag s2;
	_ =	strace s9  }
0x27: {  	s1 =	sld [smem:$0x3FA3]  }
0x28: {  	s2 =	sld [smem:$0x3FA4]  }
0x29: {  	s4 =	sld [smem:$0x3FA6]  }
0x2a: {  	p0 =	seq.s32 s5, $0x0;
	s5 =	sld [smem:$0x3FA7]  }
0x2b: {  	s6 =	sld [smem:$0x3FA8]  }
0x2c: {  	s7 =	sld [smem:$0x3FA9]  }
0x2d: {  	s3 =	simm.s32 $0x108;
	s8 =	sld [smem:$0x3FAA]  }
0x2e: {  	s3 =	simm.s32 @!p0 $0x1082;
	s9 =	sld [smem:$0x3FAB]  }
0x2f: {  	lr =	sadd.s32 s0, s3;
	s0 =	sld [smem:$0x3FA2]  }
0x30: {  	s3 =	sld [smem:$0x3FA5]  }
0x31: {  	[smem:$0x3FAE] =	sst s10  }
0x32: {  	s10 =	sld [smem:$0x3FAC];
	_ =	sdelay $0x3  }
0x33: {  	p0 =	seq.s32 s10, $0x1;
	s10 =	sld [smem:$0x3FAE];
	_ =	sdelay $0x3  }
0x34: {  	[smem:$0x3FAE] =	sst s10  }
0x35: {  	s10 =	sld [smem:$0x3FAD];
	_ =	sdelay $0x3  }
0x36: {  	p1 =	seq.s32 s10, $0x1;
	s10 =	sld [smem:$0x3FAE];
	_ =	sdelay $0x3  }
0x37: {  	[smem:$0x3FAE] =	sst s10  }
0x38: {  	s10 =	sld [smem:$0x3FAF]  }
0x39: {  	_ = 	snop;
	(pc) =	sbr.ind lr, $3  }
0x3a: {  	_ = 	snop  }
0x3b: {  	_ = 	snop  }
0x3c: {  	p2 =	seq.s32 s10, $0x1;
	s10 =	sld [smem:$0x3FAE]  }
0x3d: {  	_ =	shalt  }
0x3e: {  	_ =	shalt  }
0x3f: {  	_ =	shalt  }
0x40: {  	_ =	shalt  }
0x41: {  	_ =	shalt  }
0x42: {  	_ =	shalt  }
0x43: {  	_ =	shalt  }
0x44: {  	_ =	shalt  }
0x45: {  	_ =	shalt  }
0x46: {  	_ =	shalt  }
0x47: {  	_ =	shalt  }
0x48: {  	_ =	shalt  }
0x49: {  	_ =	shalt  }
0x4a: {  	_ =	shalt  }
0x4b: {  	_ =	shalt  }
0x4c: {  	_ =	shalt  }
0x4d: {  	_ =	shalt  }
0x4e: {  	_ =	shalt  }
0x4f: {  	_ =	shalt  }
0x50: {  	_ =	shalt  }
0x51: {  	_ =	shalt  }
0x52: {  	_ =	shalt  }
0x53: {  	_ =	shalt  }
0x54: {  	_ =	shalt  }
0x55: {  	_ =	shalt  }
0x56: {  	_ =	shalt  }
0x57: {  	_ =	shalt  }
0x58: {  	_ =	shalt  }
0x59: {  	_ =	shalt  }
0x5a: {  	_ =	shalt  }
0x5b: {  	_ =	shalt  }
0x5c: {  	_ =	shalt  }
0x5d: {  	_ =	shalt  }
0x5e: {  	_ =	shalt  }
0x5f: {  	_ =	shalt  }
0x60: {  	_ =	shalt  }
0x61: {  	_ =	shalt  }
0x62: {  	_ =	shalt  }
0x63: {  	_ =	shalt  }
0x64: {  	_ =	shalt  }
0x65: {  	_ =	shalt  }
0x66: {  	_ =	shalt  }
0x67: {  	_ =	shalt  }
0x68: {  	_ =	shalt  }
0x69: {  	_ =	shalt  }
0x6a: {  	_ =	shalt  }
0x6b: {  	_ =	shalt  }
0x6c: {  	_ =	shalt  }
0x6d: {  	_ =	shalt  }
0x6e: {  	_ =	shalt  }
0x6f: {  	_ =	shalt  }
0x70: {  	_ =	shalt  }
0x71: {  	_ =	shalt  }
0x72: {  	_ =	shalt  }
0x73: {  	_ =	shalt  }
0x74: {  	_ =	shalt  }
0x75: {  	_ =	shalt  }
0x76: {  	_ =	shalt  }
0x77: {  	_ =	shalt  }
0x78: {  	_ =	shalt  }
0x79: {  	_ =	shalt  }
0x7a: {  	_ =	shalt  }
0x7b: {  	_ =	shalt  }
0x7c: {  	_ =	shalt  }
0x7d: {  	_ =	shalt  }
0x7e: {  	_ =	shalt  }
0x7f: {  	_ =	shalt  }
0x80: {  	_ =	shalt  }
0x81: {  	_ =	shalt  }
0x82: {  	_ =	shalt  }
0x83: {  	_ =	shalt  }
0x84: {  	_ =	shalt  }
0x85: {  	_ =	shalt  }
0x86: {  	_ =	shalt  }
0x87: {  	_ =	shalt  }
.Lfunc_end0:
.L_simem_size_0:
called_computation.1_lowered:
.L_overlay_start_0:
0x88: {  	s2 =	sld [smem:$0x3FD9]  }
0x89: {  	s3 =	sld [smem:$0x3FFE];
	_ =	sdelay $0x1  }
0x8a: {  	s1 =	srdreg.scid  }
0x8b: {  	s0 =	sand.u32 $0x1, s1  }
0x8c: {  	s17 =	sshll.u32 s0, $0xA;
	s2 =	sadd.s32 s3, s2  }
0x8d: {  	s2 =	sadd.s32 s2, s17  }
0x8e: {  	[smem:$0x3FBA] =	sst s2  }
0x8f: {  	_ = 	snop  }
0x90: {  	(tm) =	ssettm $0x1  }
0x91: {  	s18 =	sld [smem:$0x3FFB];
	_ =	sdelay $0x3  }
0x92: {  	_ =	strace s18  }
0x93: {  	s2 =	sld [smem:$0x3FFC];
	_ =	sdelay $0x3  }
0x94: {  	_ =	strace s2  }
0x95: {  	s2 =	sld [smem:$0x3FFD];
	_ =	sdelay $0x3  }
0x96: {  	_ =	strace s2  }
0x97: {  	_ =	strace $0x8FFFFFFF  }
0x98: {  	s19 =	sld [smem:$0x3FDB];
	_ =	sdelay $0x1  }
0x99: {  	s20 =	simm.s32 $_scs_section_size  }
0x9a: {  	s4 =	simm.s32 $_size__tile_overlayer_lowered;
	s5 =	simm.s32 $_tile_overlayer_lowered  }
0x9b: {  	s6 =	simm.s32 $0x1BFF;
	s21 =	sshll.u32 s5, $0x1;
	s3 =	sadd.s32 s20, s19  }
0x9c: {  	s22 =	simm.s32 $0x0;
	s4 =	sshll.u32 s4, $0x1;
	s5 =	sadd.s32 s21, s3  }
0x9d: {  	[timem:s22], [sflag:s6] =	dma.local [hbm:s5], s4  }
0x9e: {  	_ =	swait.ge [sflag:s6], s4  }
0x9f: {  	s4 =	ssub.s32 $0x0, s4;
	[sflag:s6] =	ssyncset.done $0x0  }
0xa0: {  	[sflag:s6] =	ssyncadd.s32 s4;
	_ =	sdelay $0x1  }
0xa1: {  	s23 =	simm.s32 $0x1B8B  }
0xa2: {  	_ =	swait.ge [sflag:s23], $0x1  }
0xa3: {  	[sflag:s23] =	ssyncset.done $0x0  }
0xa4: {  	[sflag:s23] =	ssyncadd.s32 $0xFFFFFFFF  }
0xa5: {  	s4 =	sld [smem:$0x0]  }
0xa6: {  	s5 =	sand.u32 $0xFFFFFFFE, s1  }
0xa7: {  	p0 =	sne.s32 s1, s5  }
0xa8: {  	s5 =	sshll.u32 @p0 s5, $0xE  }
0xa9: {  	s5 =	sadd.s32 @p0 $0x11B8D, s5;
	s6 =	sshll.u32 @p0 s4, $0x11  }
0xaa: {  	s5 =	sor.u32 @p0 s6, s5  }
0xab: {  	[sflag:s5] =	ssyncadd.remote.s32 @p0 $0x1;
	_ =	sdelay $0x1  }
0xac: {  	s5 =	simm.s32 @p0 $0x1B8D  }
0xad: {  	_ =	swait.eq @p0 [sflag:s5], $0x1  }
0xae: {  	[sflag:s5] =	ssyncadd.s32 @p0 $0xFFFFFFFF  }
0xaf: {  	s6 =	sshll.u32 @!p0 s1, $0xE  }
0xb0: {  	s6 =	sor.u32 @!p0 $0x4000, s6;
	s5 =	simm.s32 @!p0 $0x1B8D  }
0xb1: {  	s4 =	sshll.u32 @!p0 s4, $0x11;
	s6 =	sadd.s32 @!p0 $0x11B8D, s6;
	_ =	swait.eq @!p0 [sflag:s5], $0x1  }
0xb2: {  	s4 =	sor.u32 @!p0 s4, s6;
	[sflag:s5] =	ssyncadd.s32 @!p0 $0xFFFFFFFF  }
0xb3: {  	s25 =	simm.s32 $0x1B8E;
	s24 =	sld [smem:$0x3FFE];
	[sflag:s4] =	ssyncadd.remote.s32 @!p0 $0x1  }
0xb4: {  	s26 =	simm.s32 $execute0_lowered;
	[smem:$0x3FD2] =	sst s25  }
0xb5: {  	s5 =	sshll.u32 s26, $0x1;
	_ =	strace $0x80000049;
	[dreg:$0x1] =	wrdreg $0xFFFFFFFF  }
0xb6: {  	s28 =	simm.s32 $_size_execute0_lowered;
	s3 =	sadd.s32 s3, s5;
	[dreg:$0x0] =	wrdreg $0x0  }
0xb7: {  	s5 =	sshll.u32 s28, $0x1;
	[dreg:$0x2] =	wrdreg s3  }
0xb8: {  	[dreg:$0x3] =	wrdreg s5  }
0xb9: {  	[dreg:$0x4] =	wrdreg $0xC0  }
0xba: {  	_ =	task [dreg:s22], $0x5FFFF  }
0xbb: {  	[dreg:$0x1] =	wrdreg $0xFFFFFFFF  }
0xbc: {  	[dreg:$0x0] =	wrdreg $0x60  }
0xbd: {  	[dreg:$0x2] =	wrdreg s24  }
0xbe: {  	[dreg:$0x3] =	wrdreg $0xA  }
0xbf: {  	_ =	task.clear_ibuf [dreg:s22], $0x4FFFF;
	_ =	strace $0x90000049  }
0xc0: {  	s29 =	simm.s32 $0xA;
	_ =	strace $0x8000004B  }
0xc1: {  	_ =	swait.ge [sflag:s29], $0x1  }
0xc2: {  	[sflag:s29] =	ssyncadd.s32 $0xFFFFFFFF  }
0xc3: {  	_ =	strace $0x9000004B  }
0xc4: {  	_ =	sfence  }
0xc5: {  	s30 =	sld [smem:$0x0];
	_ =	sdelay $0x2  }
0xc6: {  	s31 =	sshll.u32 s1, $0xD;
	s1 =	sshrl.u32 s1, $0x2  }
0xc7: {  	s4 =	sand.u32 $0x4000, s31;
	s1 =	sadd.s32 s1, s30  }
0xc8: {  	s0 =	sor.u32 s4, s0;
	s1 =	sshll.u32 s1, $0x11  }
0xc9: {  	s0 =	sor.u32 s1, s0  }
0xca: {  	s0 =	sadd.s32 $0x8F2B, s0  }
0xcb: {  	[sflag:s0] =	ssyncadd.remote.s32 $0x1  }
0xcc: {  	_ =	sfence.sel $0xFFFF  }
0xcd: {  	[dreg:$0x0] =	wrdreg $0xFFFFFFFF;
	(pc) =	sbr.abs _section_cstart, $3  }
0xce: {  	[dreg:$0x1] =	wrdreg $0xFFFFFFFF  }
0xcf: {  	_ =	task.clear_ibuf [dreg:s22], $0x2FFFF;
	_ =	strace $0x9FFFFFFF  }
0xd0: {  	(tm) =	ssettm $0x7FFFFFFF  }
0xd1: {  	_ =	shalt  }
tec
execute0_lowered:
.L_overlay_start_1:
0x0: {  	(tag) =	ssettag $0x1  }
0x1: {  	s1 =	srdreg.scid  }
0x2: {  	s0 =	stileid.u32;
	s6 =	rddreg [dreg:$0x0]  }
0x3: {  	s2 =	simm.s32 $0x0;
	s10 =	simm.s32 $0x80;
	s11 =	simm.s32 $0x100  }
0x4: {  	s12 =	simm.s32 $0x180;
	s13 =	simm.s32 $0x980;
	s14 =	simm.s32 $0x1180  }
0x5: {  	s15 =	simm.s32 $0x1980;
	s16 =	simm.s32 $0x2180;
	s17 =	simm.s32 $0x2980  }
0x6: {  	s18 =	simm.s32 $0x3180;
	s19 =	simm.s32 $0x3980;
	s20 =	simm.s32 $0x4180  }
0x7: {  	s21 =	simm.s32 $0x4980;
	s22 =	simm.s32 $0x5180;
	s28 =	simm.s32 $0x7980  }
0x8: {  	s29 =	simm.s32 $0x1;
	s30 =	simm.s32 $0x3;
	s31 =	simm.s32 $0x2  }
0x9: {  	s1 =	sand.u32 $0x1, s1;
	s3 =	sshll.u32 s0, $0x7;
	[smem:$0x7FF] =	sst s2  }
0xa: {  	s4 =	sshll.u32 s1, $0x6;
	_ =	strace $0x8000004A;
	s1 =	ssub.s32 $0x2, s1  }
0xb: {  	s5 =	sor.u32 s4, s3;
	s4 =	sadd.s32 $0xB000, s6;
	s9 =	sshrl.u32 s1, $0x1  }
0xc: {  	s3 =	sshrl.u32 s5, $0x3;
	s8 =	sshll.u32 s5, $0x5;
	s5 =	sadd.s32 $0x13000, s6  }
0xd: {  	s1 =	ssub.s32 s1, s9;
	s9 =	simm.s32 $0x5;
	s7 =	sadd.s32 s3, s6  }
0xe: {  	s3 =	sadd.s32 $0x3000, s6;
	s8 =	sadd.s32 s8, s6;
	s23 =	sadd.s32 $0x1B400, s7  }
0xf: {  	s24 =	sadd.s32 $0x1B000, s7;
	s25 =	sadd.s32 $0x1B200, s7;
	[dreg:$0x2] =	wrdreg s23  }
0x10: {  	s26 =	sadd.s32 $0x1B600, s8;
	s6 =	sadd.s32 $0x2B600, s8;
	[dreg:$0x3] =	wrdreg s24  }
0x11: {  	v2 =	vlaneseq.u32;
	s7 =	sadd.s32 $0x3B600, s8;
	s8 =	smax.u32 s1, $0x1;
	[dreg:$0x4] =	wrdreg s25  }
0x12: {  	vm0 =	vmmov $0xffff;
	v1 =	vshrl.u32 v2, $0x3;
	s1 =	simm.s32 $0x4;
	[dreg:$0x5] =	wrdreg s26;
	s23 =	simm.s32 $0x5980  }
0x13: {  	v0 =	vand.u32 $0x7, v2;
	v2 =	vor.u32 $0x8, v2;
	v1 =	vmul.u32 $0x8, v1;
	s24 =	simm.s32 $0x6180;
	s25 =	simm.s32 $0x6980;
	s26 =	simm.s32 $0x7180  }
.LBB2_1:
0x14: {  	s0 =	rddreg [dreg:$0x2]  }
0x15: {  	[tilespmem:s2], [sflag:$0x5] =	stream.linear.gather [hbm4b:s0+s2], $0x40, $0x38;
	[tilespmem:$0x8180] =	vst v63  }
0x16: {  	_ =	swait.ge [sflag:s9], $0x40  }
0x17: {  	[sflag:s9] =	ssyncset.done $0x0  }
0x18: {  	s0 =	rddreg [dreg:$0x3];
	[sflag:s9] =	ssyncadd.s32 $0xFFFFFFC0  }
0x19: {  	[tilespmem:s10], [sflag:$0x5] =	stream.linear.gather [hbm4b:s0+s2], $0x40, $0x38;
	[tilespmem:$0x8180] =	vst v63  }
0x1a: {  	_ =	swait.ge [sflag:s9], $0x40  }
0x1b: {  	[sflag:s9] =	ssyncset.done $0x0  }
0x1c: {  	s0 =	rddreg [dreg:$0x4];
	[sflag:s9] =	ssyncadd.s32 $0xFFFFFFC0  }
0x1d: {  	[tilespmem:s11], [sflag:$0x5] =	stream.linear.gather [hbm4b:s0+s2], $0x40, $0x38;
	[tilespmem:$0x8180] =	vst v63  }
0x1e: {  	_ =	swait.ge [sflag:s9], $0x40  }
0x1f: {  	[sflag:s9] =	ssyncset.done $0x0  }
0x20: {  	[sflag:s9] =	ssyncadd.s32 $0xFFFFFFC0  }
0x21: {  	v3 =	vld [tilespmem:$0x0];
	_ =	sdelay $0x4  }
0x22: {  	v4 =	vshll.u32 v3, $0x1  }
0x23: {  	v3 =	vand.u32 $0x7, v3;
	v4 =	vand.u32 $0xFFFFFFF0, v4  }
0x24: {  	v3 =	vor.u32 v3, v4  }
0x25: {  	v4 =	vperm.xlane v3, v0;
	_ =	sdelay $0x1  }
0x26: {  	v3 =	vperm.xlane v3, v2;
	v4 =	vadd.s32 v1, v4;
	_ =	sdelay $0x1  }
0x27: {  	v3 =	vadd.s32 v1, v3;
	_ =	sdelay $0x2  }
0x28: {  	[tilespmem:s12], [sflag:$0x1] =	stream.indirect_vreg.gather [hbm4b:s3+s2], $0x80, v4, vm0, $0xb8;
	[tilespmem:$0x8180] =	vst v63  }
0x29: {  	_ = 	snop  }
0x2a: {  	[tilespmem:s13], [sflag:$0x1] =	stream.indirect_vreg.gather [hbm4b:s3+s2], $0x80, v3, vm0, $0xb8;
	[tilespmem:$0x8180] =	vst v63  }
0x2b: {  	v3 =	vld [tilespmem:$0x10];
	_ =	sdelay $0x4  }
0x2c: {  	v53 =	vshll.u32 v3, $0x1  }
0x2d: {  	v3 =	vand.u32 $0x7, v3;
	v4 =	vand.u32 $0xFFFFFFF0, v53  }
0x2e: {  	v3 =	vor.u32 v3, v4  }
0x2f: {  	v4 =	vperm.xlane v3, v0;
	_ =	sdelay $0x1  }
0x30: {  	v3 =	vperm.xlane v3, v2;
	v4 =	vadd.s32 v1, v4;
	_ =	sdelay $0x1  }
0x31: {  	v3 =	vadd.s32 v1, v3;
	_ =	sdelay $0x2  }
0x32: {  	[tilespmem:s14], [sflag:$0x1] =	stream.indirect_vreg.gather [hbm4b:s3+s2], $0x80, v4, vm0, $0xb8;
	[tilespmem:$0x8180] =	vst v63  }
0x33: {  	_ = 	snop  }
0x34: {  	[tilespmem:s15], [sflag:$0x1] =	stream.indirect_vreg.gather [hbm4b:s3+s2], $0x80, v3, vm0, $0xb8;
	[tilespmem:$0x8180] =	vst v63  }
0x35: {  	v3 =	vld [tilespmem:$0x20];
	_ =	sdelay $0x4  }
0x36: {  	v54 =	vshll.u32 v3, $0x1  }
0x37: {  	v3 =	vand.u32 $0x7, v3;
	v4 =	vand.u32 $0xFFFFFFF0, v54  }
0x38: {  	v3 =	vor.u32 v3, v4  }
0x39: {  	v4 =	vperm.xlane v3, v0;
	_ =	sdelay $0x1  }
0x3a: {  	v3 =	vperm.xlane v3, v2;
	v4 =	vadd.s32 v1, v4;
	_ =	sdelay $0x1  }
0x3b: {  	v3 =	vadd.s32 v1, v3;
	_ =	sdelay $0x2  }
0x3c: {  	[tilespmem:s16], [sflag:$0x1] =	stream.indirect_vreg.gather [hbm4b:s3+s2], $0x80, v4, vm0, $0xb8;
	[tilespmem:$0x8180] =	vst v63  }
0x3d: {  	_ = 	snop  }
0x3e: {  	[tilespmem:s17], [sflag:$0x1] =	stream.indirect_vreg.gather [hbm4b:s3+s2], $0x80, v3, vm0, $0xb8;
	[tilespmem:$0x8180] =	vst v63  }
0x3f: {  	v3 =	vld [tilespmem:$0x30];
	_ =	sdelay $0x4  }
0x40: {  	v55 =	vshll.u32 v3, $0x1  }
0x41: {  	v3 =	vand.u32 $0x7, v3;
	v4 =	vand.u32 $0xFFFFFFF0, v55  }
0x42: {  	v3 =	vor.u32 v3, v4  }
0x43: {  	v4 =	vperm.xlane v3, v0;
	_ =	sdelay $0x1  }
0x44: {  	v3 =	vperm.xlane v3, v2;
	v4 =	vadd.s32 v1, v4;
	_ =	sdelay $0x1  }
0x45: {  	v3 =	vadd.s32 v1, v3;
	_ =	sdelay $0x2  }
0x46: {  	[tilespmem:s18], [sflag:$0x1] =	stream.indirect_vreg.gather [hbm4b:s3+s2], $0x80, v4, vm0, $0xb8;
	[tilespmem:$0x8180] =	vst v63  }
0x47: {  	_ = 	snop  }
0x48: {  	[tilespmem:s19], [sflag:$0x1] =	stream.indirect_vreg.gather [hbm4b:s3+s2], $0x80, v3, vm0, $0xb8;
	[tilespmem:$0x8180] =	vst v63  }
0x49: {  	v3 =	vld [tilespmem:$0x80];
	_ =	sdelay $0x4  }
0x4a: {  	v56 =	vshll.u32 v3, $0x1  }
0x4b: {  	v3 =	vand.u32 $0x7, v3;
	v4 =	vand.u32 $0xFFFFFFF0, v56  }
0x4c: {  	v3 =	vor.u32 v3, v4  }
0x4d: {  	v4 =	vperm.xlane v3, v0;
	_ =	sdelay $0x1  }
0x4e: {  	v3 =	vperm.xlane v3, v2;
	v4 =	vadd.s32 v1, v4;
	_ =	sdelay $0x1  }
0x4f: {  	v3 =	vadd.s32 v1, v3;
	_ =	sdelay $0x2  }
0x50: {  	[tilespmem:s20], [sflag:$0x2] =	stream.indirect_vreg.gather [hbm4b:s4+s2], $0x80, v4, vm0, $0xb8;
	[tilespmem:$0x8180] =	vst v63  }
0x51: {  	_ = 	snop  }
0x52: {  	[tilespmem:s21], [sflag:$0x2] =	stream.indirect_vreg.gather [hbm4b:s4+s2], $0x80, v3, vm0, $0xb8;
	[tilespmem:$0x8180] =	vst v63  }
0x53: {  	v3 =	vld [tilespmem:$0x90];
	_ =	sdelay $0x4  }
0x54: {  	v57 =	vshll.u32 v3, $0x1  }
0x55: {  	v3 =	vand.u32 $0x7, v3;
	v4 =	vand.u32 $0xFFFFFFF0, v57  }
0x56: {  	v3 =	vor.u32 v3, v4  }
0x57: {  	v4 =	vperm.xlane v3, v0;
	_ =	sdelay $0x1  }
0x58: {  	v3 =	vperm.xlane v3, v2;
	v4 =	vadd.s32 v1, v4;
	_ =	sdelay $0x1  }
0x59: {  	v3 =	vadd.s32 v1, v3;
	_ =	sdelay $0x2  }
0x5a: {  	[tilespmem:s22], [sflag:$0x2] =	stream.indirect_vreg.gather [hbm4b:s4+s2], $0x80, v4, vm0, $0xb8;
	[tilespmem:$0x8180] =	vst v63  }
0x5b: {  	_ = 	snop  }
0x5c: {  	[tilespmem:s23], [sflag:$0x2] =	stream.indirect_vreg.gather [hbm4b:s4+s2], $0x80, v3, vm0, $0xb8;
	[tilespmem:$0x8180] =	vst v63  }
0x5d: {  	v3 =	vld [tilespmem:$0xA0];
	_ =	sdelay $0x4  }
0x5e: {  	v58 =	vshll.u32 v3, $0x1  }
0x5f: {  	v3 =	vand.u32 $0x7, v3;
	v4 =	vand.u32 $0xFFFFFFF0, v58  }
0x60: {  	v3 =	vor.u32 v3, v4  }
0x61: {  	v4 =	vperm.xlane v3, v0;
	_ =	sdelay $0x1  }
0x62: {  	v3 =	vperm.xlane v3, v2;
	v4 =	vadd.s32 v1, v4;
	_ =	sdelay $0x1  }
0x63: {  	v3 =	vadd.s32 v1, v3;
	_ =	sdelay $0x2  }
0x64: {  	[tilespmem:s24], [sflag:$0x2] =	stream.indirect_vreg.gather [hbm4b:s4+s2], $0x80, v4, vm0, $0xb8;
	[tilespmem:$0x8180] =	vst v63  }
0x65: {  	_ = 	snop  }
0x66: {  	[tilespmem:s25], [sflag:$0x2] =	stream.indirect_vreg.gather [hbm4b:s4+s2], $0x80, v3, vm0, $0xb8;
	[tilespmem:$0x8180] =	vst v63  }
0x67: {  	v3 =	vld [tilespmem:$0xB0];
	_ =	sdelay $0x4  }
0x68: {  	v59 =	vshll.u32 v3, $0x1  }
0x69: {  	v3 =	vand.u32 $0x7, v3;
	v4 =	vand.u32 $0xFFFFFFF0, v59  }
0x6a: {  	v3 =	vor.u32 v3, v4  }
0x6b: {  	v4 =	vperm.xlane v3, v0;
	_ =	sdelay $0x1  }
0x6c: {  	v3 =	vperm.xlane v3, v2;
	v4 =	vadd.s32 v1, v4;
	_ =	sdelay $0x1  }
0x6d: {  	v3 =	vadd.s32 v1, v3;
	_ =	sdelay $0x2  }
0x6e: {  	[tilespmem:s26], [sflag:$0x2] =	stream.indirect_vreg.gather [hbm4b:s4+s2], $0x80, v4, vm0, $0xb8;
	[tilespmem:$0x8180] =	vst v63  }
0x6f: {  	_ = 	snop  }
0x70: {  	[tilespmem:s28], [sflag:$0x2] =	stream.indirect_vreg.gather [hbm4b:s4+s2], $0x80, v3, vm0, $0xb8;
	[tilespmem:$0x8180] =	vst v63  }
0x71: {  	_ =	swait.ge [sflag:s29], $0x4000  }
0x72: {  	[sflag:s29] =	ssyncset.done $0x0  }
0x73: {  	s0 =	rddreg [dreg:$0x5];
	[sflag:s29] =	ssyncadd.s32 $0xFFFFC000  }
0x74: {  	[hbm4b:s0+s2] =	stream.linear.scatter [tilespmem:s12], [sflag:$0x3], $0x4000, $0x38;
	[tilespmem:$0x8180] =	vst v63  }
0x75: {  	_ =	swait.ge [sflag:s30], $0x4000  }
0x76: {  	[sflag:s30] =	ssyncset.done $0x0  }
0x77: {  	[sflag:s30] =	ssyncadd.s32 $0xFFFFC000  }
0x78: {  	v3 =	vld [tilespmem:$0x100];
	_ =	sdelay $0x4  }
0x79: {  	v60 =	vshll.u32 v3, $0x1  }
0x7a: {  	v3 =	vand.u32 $0x7, v3;
	v4 =	vand.u32 $0xFFFFFFF0, v60  }
0x7b: {  	v3 =	vor.u32 v3, v4  }
0x7c: {  	v4 =	vperm.xlane v3, v0;
	_ =	sdelay $0x1  }
0x7d: {  	v3 =	vperm.xlane v3, v2;
	v4 =	vadd.s32 v1, v4;
	_ =	sdelay $0x1  }
0x7e: {  	v3 =	vadd.s32 v1, v3;
	_ =	sdelay $0x2  }
0x7f: {  	[tilespmem:s12], [sflag:$0x1] =	stream.indirect_vreg.gather [hbm4b:s5+s2], $0x80, v4, vm0, $0xb8;
	[tilespmem:$0x8180] =	vst v63  }
0x80: {  	_ = 	snop  }
0x81: {  	[tilespmem:s13], [sflag:$0x1] =	stream.indirect_vreg.gather [hbm4b:s5+s2], $0x80, v3, vm0, $0xb8;
	[tilespmem:$0x8180] =	vst v63  }
0x82: {  	v3 =	vld [tilespmem:$0x110];
	_ =	sdelay $0x4  }
0x83: {  	v61 =	vshll.u32 v3, $0x1  }
0x84: {  	v3 =	vand.u32 $0x7, v3;
	v4 =	vand.u32 $0xFFFFFFF0, v61  }
0x85: {  	v3 =	vor.u32 v3, v4  }
0x86: {  	v4 =	vperm.xlane v3, v0;
	_ =	sdelay $0x1  }
0x87: {  	v3 =	vperm.xlane v3, v2;
	v4 =	vadd.s32 v1, v4;
	_ =	sdelay $0x1  }
0x88: {  	v3 =	vadd.s32 v1, v3;
	_ =	sdelay $0x2  }
0x89: {  	[tilespmem:s14], [sflag:$0x1] =	stream.indirect_vreg.gather [hbm4b:s5+s2], $0x80, v4, vm0, $0xb8;
	[tilespmem:$0x8180] =	vst v63  }
0x8a: {  	_ = 	snop  }
0x8b: {  	[tilespmem:s15], [sflag:$0x1] =	stream.indirect_vreg.gather [hbm4b:s5+s2], $0x80, v3, vm0, $0xb8;
	[tilespmem:$0x8180] =	vst v63  }
0x8c: {  	v3 =	vld [tilespmem:$0x120];
	_ =	sdelay $0x4  }
0x8d: {  	v62 =	vshll.u32 v3, $0x1  }
0x8e: {  	v3 =	vand.u32 $0x7, v3;
	v4 =	vand.u32 $0xFFFFFFF0, v62  }
0x8f: {  	v3 =	vor.u32 v3, v4  }
0x90: {  	v4 =	vperm.xlane v3, v0;
	_ =	sdelay $0x1  }
0x91: {  	v3 =	vperm.xlane v3, v2;
	v4 =	vadd.s32 v1, v4;
	_ =	sdelay $0x1  }
0x92: {  	v3 =	vadd.s32 v1, v3;
	_ =	sdelay $0x2  }
0x93: {  	[tilespmem:s16], [sflag:$0x1] =	stream.indirect_vreg.gather [hbm4b:s5+s2], $0x80, v4, vm0, $0xb8;
	[tilespmem:$0x8180] =	vst v63  }
0x94: {  	_ = 	snop  }
0x95: {  	[tilespmem:s17], [sflag:$0x1] =	stream.indirect_vreg.gather [hbm4b:s5+s2], $0x80, v3, vm0, $0xb8;
	[tilespmem:$0x8180] =	vst v63  }
0x96: {  	v3 =	vld [tilespmem:$0x130];
	_ =	sdelay $0x4  }
0x97: {  	v63 =	vshll.u32 v3, $0x1  }
0x98: {  	v3 =	vand.u32 $0x7, v3;
	v4 =	vand.u32 $0xFFFFFFF0, v63  }
0x99: {  	v3 =	vor.u32 v3, v4  }
0x9a: {  	v4 =	vperm.xlane v3, v0;
	_ =	sdelay $0x1  }
0x9b: {  	v3 =	vperm.xlane v3, v2;
	v4 =	vadd.s32 v1, v4;
	_ =	sdelay $0x1  }
0x9c: {  	v3 =	vadd.s32 v1, v3;
	_ =	sdelay $0x2  }
0x9d: {  	[tilespmem:s18], [sflag:$0x1] =	stream.indirect_vreg.gather [hbm4b:s5+s2], $0x80, v4, vm0, $0xb8;
	[tilespmem:$0x8180] =	vst v63  }
0x9e: {  	_ = 	snop  }
0x9f: {  	[tilespmem:s19], [sflag:$0x1] =	stream.indirect_vreg.gather [hbm4b:s5+s2], $0x80, v3, vm0, $0xb8;
	[tilespmem:$0x8180] =	vst v63  }
0xa0: {  	_ =	swait.ge [sflag:s31], $0x4000  }
0xa1: {  	[sflag:s31] =	ssyncset.done $0x0  }
0xa2: {  	[sflag:s31] =	ssyncadd.s32 $0xFFFFC000  }
0xa3: {  	[hbm4b:s6+s2] =	stream.linear.scatter [tilespmem:s20], [sflag:$0x4], $0x4000, $0x38;
	[tilespmem:$0x8180] =	vst v63  }
0xa4: {  	_ =	swait.ge [sflag:s29], $0x4000  }
0xa5: {  	[sflag:s29] =	ssyncset.done $0x0  }
0xa6: {  	[sflag:s29] =	ssyncadd.s32 $0xFFFFC000  }
0xa7: {  	[hbm4b:s7+s2] =	stream.linear.scatter [tilespmem:s12], [sflag:$0x3], $0x4000, $0x38;
	[tilespmem:$0x8180] =	vst v63  }
0xa8: {  	p0 =	sne.s32 s8, $0x1;
	_ =	swait.ge [sflag:s30], $0x4000  }
.Ltmp0:
0xa9: {  	[sflag:s30] =	ssyncset.done $0x0;
	(pc) =	sbr.rel @p0 .LBB2_1-.Ltmp0, $4  }
0xaa: {  	[sflag:s30] =	ssyncadd.s32 $0xFFFFC000  }
0xab: {  	_ =	swait.ge [sflag:s1], $0x4000  }
0xac: {  	[sflag:s1] =	ssyncset.done $0x0  }
0xad: {  	s8 =	sadd.s32 $0xFFFFFFFF, s8;
	[sflag:s1] =	ssyncadd.s32 $0xFFFFC000  }
0xae: {  	_ =	sfence.sel $0x180000  }
0xaf: {  	[bflag:$0x0] =	sbarrier.arrive $0xFFFF  }
0xb0: {  	_ =	strace $0x9000004A  }
0xb1: {  	s0 =	stileid.u32;
	[bflag:$0x2] =	sbarrier.arrive $0xFFFF  }
0xb2: {  	p0 =	sne.s32 s0, $0x0;
	s0 =	rddreg [dreg:$0x1]  }
0xb3: {  	s0 =	sadd.s32 @!p0 $0x100000, s0  }
0xb4: {  	[sflag:s0] =	ssyncadd.tile.s32 @!p0 $0x1;
	_ =	shalt  }
.Lfunc_end2:
_tile_overlayer_lowered:
.L_overlay_start_2:
0xb5: {  	(tag) =	ssettag $0x2  }
0xb6: {  	s0 =	rddreg [dreg:$0x0];
	s2 =	stileid.u32  }
0xb7: {  	s1 =	rddreg [dreg:$0x1];
	p0 =	sne.s32 s2, $0x0  }
0xb8: {  	s3 =	rddreg [dreg:$0x2];
	[bflag:$0x3] =	sbarrier.arrive $0xFFFF;
	s2 =	simm.s32 @!p0 $0x1C05  }
0xb9: {  	[timem:s3], [sflag:s2] =	dma.local @!p0 [hbm:s0], s1  }
0xba: {  	s0 =	simm.s32 @!p0 $0x5  }
0xbb: {  	_ =	swait.ge @!p0 [sflag:s0], s1  }
0xbc: {  	s1 =	ssub.s32 @!p0 $0x0, s1;
	[sflag:s0] =	ssyncset.done @!p0 $0x0  }
0xbd: {  	[sflag:s0] =	ssyncadd.s32 @!p0 s1  }
0xbe: {  	[bflag:$0x3] =	sbarrier.arrive $0xFFFF  }
0xbf: {  	_ =	shalt  }

// kernel: kernel.16.cloned.1.call-start
scs
__scs_entry_jumppad:
0x0: {  	(pc) =	sbr.rel $0x88, $3  }
0x1: {  	(tag) =	ssettag $0x0;
	lr =	simm.s32 $0x1  }
0x2: {  	[smem:$0x3F93] =	sst lr;
	_ =	strace $0xD0000000  }
0x3: {  	_ = 	snop  }
0x4: {  	_ = 	snop  }
0x5: {  	_ = 	snop  }
0x6: {  	_ = 	snop  }
0x7: {  	_ = 	snop  }
__scs_overlays_trampoline_lowered:
0x8: {  	[smem:$0x3FA2] =	sst s0  }
0x9: {  	[smem:$0x3FA3] =	sst s1  }
0xa: {  	[smem:$0x3FA4] =	sst s2  }
0xb: {  	[smem:$0x3FA5] =	sst s3  }
0xc: {  	[smem:$0x3FA6] =	sst s4  }
0xd: {  	[smem:$0x3FA7] =	sst s5  }
0xe: {  	[smem:$0x3FA8] =	sst s6  }
0xf: {  	[smem:$0x3FA9] =	sst s7  }
0x10: {  	[smem:$0x3FAA] =	sst s8  }
0x11: {  	[smem:$0x3FAB] =	sst s9;
	s0 =	simm.s32 @!p0 $0x0  }
0x12: {  	s1 =	sld [smem:$0x3F91];
	s0 =	simm.s32 @p0 $0x1  }
0x13: {  	[smem:$0x3FAC] =	sst s0;
	s0 =	simm.s32 @!p1 $0x0  }
0x14: {  	s2 =	sld [smem:$0x3F90];
	s0 =	simm.s32 @p1 $0x1  }
0x15: {  	[smem:$0x3FAD] =	sst s0;
	s0 =	simm.s32 @!p2 $0x0  }
0x16: {  	s3 =	sld [smem:$0x3FDB];
	s0 =	simm.s32 @p2 $0x1  }
0x17: {  	s4 =	simm.s32 $0x1BF5;
	[smem:$0x3FAF] =	sst s0  }
0x18: {  	s0 =	sld [smem:$0x3F92];
	_ =	swait.ge [sflag:s4], $0x0  }
0x19: {  	s7 =	sld [smem:$0x3F93]  }
0x1a: {  	s8 =	sadd.s32 $0xFFFFE003, lr  }
0x1b: {  	s9 =	sadd.s32 $0xFFFFFEF7, lr;
	s5 =	simm.s32 $0xFFFFFFFF;
	p2 =	slt.u32 s8, $0xFFFFF086  }
0x1c: {  	p1 =	slt.u32 s9, $0xF7A;
	s5 =	simm.s32 @!p2 $0x0  }
0x1d: {  	s5 =	simm.s32 @p1 $0x1;
	p0 =	seq.s32 s7, s2  }
0x1e: {  	s7 =	smul.u32 @!p0 $0xF7A, s2;
	p2 =	seq.s32 @!p0 s5, $0x0  }
0x1f: {  	s9 =	smul.u32 $0xF7A, s1;
	s8 =	simm.s32 @!p0 $0x1BF5;
	p2 =	por !p2, p0  }
0x20: {  	[sflag:s8] =	ssyncset.s32 @!p0 $0xFFFFF086;
	s6 =	sadd.s32 @!p0 s3, s7;
	s7 =	simm.s32 @!p0 $0x108  }
0x21: {  	s3 =	sadd.s32 s3, s9;
	s6 =	sadd.s32 @!p0 $0x88, s6;
	s7 =	simm.s32 @p2 $0x1082  }
0x22: {  	[simem:s7], [sflag:s8] =	dma.local @!p0 [hbm:s6], $0xF7A  }
0x23: {  	s9 =	sor.u32 $0xD0000000, s2;
	s6 =	simm.s32 $0x108;
	_ =	swait.ge @!p0 [sflag:s8], $0x0  }
0x24: {  	s3 =	sadd.s32 $0x88, s3;
	s6 =	simm.s32 @!p1 $0x1082;
	[sflag:s4] =	ssyncset.s32 $0xFFFFF086  }
0x25: {  	[simem:s6], [sflag:s4] =	dma.local [hbm:s3], $0xF7A  }
0x26: {  	[smem:$0x3F93] =	sst s1;
	(tag) =	ssettag s2;
	_ =	strace s9  }
0x27: {  	s1 =	sld [smem:$0x3FA3]  }
0x28: {  	s2 =	sld [smem:$0x3FA4]  }
0x29: {  	s4 =	sld [smem:$0x3FA6]  }
0x2a: {  	p0 =	seq.s32 s5, $0x0;
	s5 =	sld [smem:$0x3FA7]  }
0x2b: {  	s6 =	sld [smem:$0x3FA8]  }
0x2c: {  	s7 =	sld [smem:$0x3FA9]  }
0x2d: {  	s3 =	simm.s32 $0x108;
	s8 =	sld [smem:$0x3FAA]  }
0x2e: {  	s3 =	simm.s32 @!p0 $0x1082;
	s9 =	sld [smem:$0x3FAB]  }
0x2f: {  	lr =	sadd.s32 s0, s3;
	s0 =	sld [smem:$0x3FA2]  }
0x30: {  	s3 =	sld [smem:$0x3FA5]  }
0x31: {  	[smem:$0x3FAE] =	sst s10  }
0x32: {  	s10 =	sld [smem:$0x3FAC];
	_ =	sdelay $0x3  }
0x33: {  	p0 =	seq.s32 s10, $0x1;
	s10 =	sld [smem:$0x3FAE];
	_ =	sdelay $0x3  }
0x34: {  	[smem:$0x3FAE] =	sst s10  }
0x35: {  	s10 =	sld [smem:$0x3FAD];
	_ =	sdelay $0x3  }
0x36: {  	p1 =	seq.s32 s10, $0x1;
	s10 =	sld [smem:$0x3FAE];
	_ =	sdelay $0x3  }
0x37: {  	[smem:$0x3FAE] =	sst s10  }
0x38: {  	s10 =	sld [smem:$0x3FAF]  }
0x39: {  	_ = 	snop;
	(pc) =	sbr.ind lr, $3  }
0x3a: {  	_ = 	snop  }
0x3b: {  	_ = 	snop  }
0x3c: {  	p2 =	seq.s32 s10, $0x1;
	s10 =	sld [smem:$0x3FAE]  }
0x3d: {  	_ =	shalt  }
0x3e: {  	_ =	shalt  }
0x3f: {  	_ =	shalt  }
0x40: {  	_ =	shalt  }
0x41: {  	_ =	shalt  }
0x42: {  	_ =	shalt  }
0x43: {  	_ =	shalt  }
0x44: {  	_ =	shalt  }
0x45: {  	_ =	shalt  }
0x46: {  	_ =	shalt  }
0x47: {  	_ =	shalt  }
0x48: {  	_ =	shalt  }
0x49: {  	_ =	shalt  }
0x4a: {  	_ =	shalt  }
0x4b: {  	_ =	shalt  }
0x4c: {  	_ =	shalt  }
0x4d: {  	_ =	shalt  }
0x4e: {  	_ =	shalt  }
0x4f: {  	_ =	shalt  }
0x50: {  	_ =	shalt  }
0x51: {  	_ =	shalt  }
0x52: {  	_ =	shalt  }
0x53: {  	_ =	shalt  }
0x54: {  	_ =	shalt  }
0x55: {  	_ =	shalt  }
0x56: {  	_ =	shalt  }
0x57: {  	_ =	shalt  }
0x58: {  	_ =	shalt  }
0x59: {  	_ =	shalt  }
0x5a: {  	_ =	shalt  }
0x5b: {  	_ =	shalt  }
0x5c: {  	_ =	shalt  }
0x5d: {  	_ =	shalt  }
0x5e: {  	_ =	shalt  }
0x5f: {  	_ =	shalt  }
0x60: {  	_ =	shalt  }
0x61: {  	_ =	shalt  }
0x62: {  	_ =	shalt  }
0x63: {  	_ =	shalt  }
0x64: {  	_ =	shalt  }
0x65: {  	_ =	shalt  }
0x66: {  	_ =	shalt  }
0x67: {  	_ =	shalt  }
0x68: {  	_ =	shalt  }
0x69: {  	_ =	shalt  }
0x6a: {  	_ =	shalt  }
0x6b: {  	_ =	shalt  }
0x6c: {  	_ =	shalt  }
0x6d: {  	_ =	shalt  }
0x6e: {  	_ =	shalt  }
0x6f: {  	_ =	shalt  }
0x70: {  	_ =	shalt  }
0x71: {  	_ =	shalt  }
0x72: {  	_ =	shalt  }
0x73: {  	_ =	shalt  }
0x74: {  	_ =	shalt  }
0x75: {  	_ =	shalt  }
0x76: {  	_ =	shalt  }
0x77: {  	_ =	shalt  }
0x78: {  	_ =	shalt  }
0x79: {  	_ =	shalt  }
0x7a: {  	_ =	shalt  }
0x7b: {  	_ =	shalt  }
0x7c: {  	_ =	shalt  }
0x7d: {  	_ =	shalt  }
0x7e: {  	_ =	shalt  }
0x7f: {  	_ =	shalt  }
0x80: {  	_ =	shalt  }
0x81: {  	_ =	shalt  }
0x82: {  	_ =	shalt  }
0x83: {  	_ =	shalt  }
0x84: {  	_ =	shalt  }
0x85: {  	_ =	shalt  }
0x86: {  	_ =	shalt  }
0x87: {  	_ =	shalt  }
.Lfunc_end0:
.L_simem_size_0:
called_computation.2_lowered:
.L_overlay_start_0:
0x88: {  	s2 =	sld [smem:$0x3FD9]  }
0x89: {  	s3 =	sld [smem:$0x3FFE];
	_ =	sdelay $0x1  }
0x8a: {  	s1 =	srdreg.scid  }
0x8b: {  	s0 =	sand.u32 $0x1, s1  }
0x8c: {  	s17 =	sshll.u32 s0, $0xA;
	s2 =	sadd.s32 s3, s2  }
0x8d: {  	s2 =	sadd.s32 s2, s17  }
0x8e: {  	[smem:$0x3FBA] =	sst s2  }
0x8f: {  	_ = 	snop  }
0x90: {  	(tm) =	ssettm $0x1  }
0x91: {  	s18 =	sld [smem:$0x3FFB];
	_ =	sdelay $0x3  }
0x92: {  	_ =	strace s18  }
0x93: {  	s2 =	sld [smem:$0x3FFC];
	_ =	sdelay $0x3  }
0x94: {  	_ =	strace s2  }
0x95: {  	s2 =	sld [smem:$0x3FFD];
	_ =	sdelay $0x3  }
0x96: {  	_ =	strace s2  }
0x97: {  	_ =	strace $0x8FFFFFFF  }
0x98: {  	s19 =	sld [smem:$0x3FDB];
	_ =	sdelay $0x1  }
0x99: {  	s20 =	simm.s32 $_scs_section_size  }
0x9a: {  	s4 =	simm.s32 $_size__tile_overlayer_lowered;
	s5 =	simm.s32 $_tile_overlayer_lowered  }
0x9b: {  	s6 =	simm.s32 $0x1BFF;
	s21 =	sshll.u32 s5, $0x1;
	s3 =	sadd.s32 s20, s19  }
0x9c: {  	s22 =	simm.s32 $0x0;
	s4 =	sshll.u32 s4, $0x1;
	s5 =	sadd.s32 s21, s3  }
0x9d: {  	[timem:s22], [sflag:s6] =	dma.local [hbm:s5], s4  }
0x9e: {  	_ =	swait.ge [sflag:s6], s4  }
0x9f: {  	s4 =	ssub.s32 $0x0, s4;
	[sflag:s6] =	ssyncset.done $0x0  }
0xa0: {  	[sflag:s6] =	ssyncadd.s32 s4;
	_ =	sdelay $0x1  }
0xa1: {  	s23 =	simm.s32 $0x1B8B  }
0xa2: {  	_ =	swait.ge [sflag:s23], $0x1  }
0xa3: {  	[sflag:s23] =	ssyncset.done $0x0  }
0xa4: {  	[sflag:s23] =	ssyncadd.s32 $0xFFFFFFFF  }
0xa5: {  	s4 =	sld [smem:$0x0]  }
0xa6: {  	s5 =	sand.u32 $0xFFFFFFFE, s1  }
0xa7: {  	p0 =	sne.s32 s1, s5  }
0xa8: {  	s5 =	sshll.u32 @p0 s5, $0xE  }
0xa9: {  	s5 =	sadd.s32 @p0 $0x11B8D, s5;
	s6 =	sshll.u32 @p0 s4, $0x11  }
0xaa: {  	s5 =	sor.u32 @p0 s6, s5  }
0xab: {  	[sflag:s5] =	ssyncadd.remote.s32 @p0 $0x1;
	_ =	sdelay $0x1  }
0xac: {  	s5 =	simm.s32 @p0 $0x1B8D  }
0xad: {  	_ =	swait.eq @p0 [sflag:s5], $0x1  }
0xae: {  	[sflag:s5] =	ssyncadd.s32 @p0 $0xFFFFFFFF  }
0xaf: {  	s6 =	sshll.u32 @!p0 s1, $0xE  }
0xb0: {  	s6 =	sor.u32 @!p0 $0x4000, s6;
	s5 =	simm.s32 @!p0 $0x1B8D  }
0xb1: {  	s4 =	sshll.u32 @!p0 s4, $0x11;
	s6 =	sadd.s32 @!p0 $0x11B8D, s6;
	_ =	swait.eq @!p0 [sflag:s5], $0x1  }
0xb2: {  	s4 =	sor.u32 @!p0 s4, s6;
	[sflag:s5] =	ssyncadd.s32 @!p0 $0xFFFFFFFF  }
0xb3: {  	s25 =	simm.s32 $0x1B8E;
	s24 =	sld [smem:$0x3FFE];
	[sflag:s4] =	ssyncadd.remote.s32 @!p0 $0x1  }
0xb4: {  	s26 =	simm.s32 $execute0_lowered;
	[smem:$0x3FD2] =	sst s25  }
0xb5: {  	s5 =	sshll.u32 s26, $0x1;
	_ =	strace $0x8000004C;
	[dreg:$0x1] =	wrdreg $0xFFFFFFFF  }
0xb6: {  	s28 =	simm.s32 $_size_execute0_lowered;
	s3 =	sadd.s32 s3, s5;
	[dreg:$0x0] =	wrdreg $0x0  }
0xb7: {  	s5 =	sshll.u32 s28, $0x1;
	[dreg:$0x2] =	wrdreg s3  }
0xb8: {  	[dreg:$0x3] =	wrdreg s5  }
0xb9: {  	[dreg:$0x4] =	wrdreg $0xC0  }
0xba: {  	_ =	task [dreg:s22], $0x5FFFF  }
0xbb: {  	[dreg:$0x1] =	wrdreg $0xFFFFFFFF  }
0xbc: {  	[dreg:$0x0] =	wrdreg $0x60  }
0xbd: {  	[dreg:$0x2] =	wrdreg s24  }
0xbe: {  	[dreg:$0x3] =	wrdreg $0xB  }
0xbf: {  	_ =	task.clear_ibuf [dreg:s22], $0x4FFFF;
	_ =	strace $0x9000004C  }
0xc0: {  	s29 =	simm.s32 $0xB;
	_ =	strace $0x8000004E  }
0xc1: {  	_ =	swait.ge [sflag:s29], $0x1  }
0xc2: {  	[sflag:s29] =	ssyncadd.s32 $0xFFFFFFFF  }
0xc3: {  	_ =	strace $0x9000004E  }
0xc4: {  	_ =	sfence  }
0xc5: {  	s30 =	sld [smem:$0x0];
	_ =	sdelay $0x2  }
0xc6: {  	s31 =	sshll.u32 s1, $0xD;
	s1 =	sshrl.u32 s1, $0x2  }
0xc7: {  	s4 =	sand.u32 $0x4000, s31;
	s1 =	sadd.s32 s1, s30  }
0xc8: {  	s0 =	sor.u32 s4, s0;
	s1 =	sshll.u32 s1, $0x11  }
0xc9: {  	s0 =	sor.u32 s1, s0  }
0xca: {  	s0 =	sadd.s32 $0x8F2B, s0  }
0xcb: {  	[sflag:s0] =	ssyncadd.remote.s32 $0x1  }
0xcc: {  	_ =	sfence.sel $0xFFFF  }
0xcd: {  	[dreg:$0x0] =	wrdreg $0xFFFFFFFF;
	(pc) =	sbr.abs _section_cstart, $3  }
0xce: {  	[dreg:$0x1] =	wrdreg $0xFFFFFFFF  }
0xcf: {  	_ =	task.clear_ibuf [dreg:s22], $0x2FFFF;
	_ =	strace $0x9FFFFFFF  }
0xd0: {  	(tm) =	ssettm $0x7FFFFFFF  }
0xd1: {  	_ =	shalt  }
tec
execute0_lowered:
.L_overlay_start_1:
0x0: {  	(tag) =	ssettag $0x1  }
0x1: {  	s1 =	srdreg.scid  }
0x2: {  	s0 =	stileid.u32;
	s5 =	rddreg [dreg:$0x0];
	s13 =	simm.s32 $0x80  }
0x3: {  	s14 =	simm.s32 $0x100;
	s15 =	simm.s32 $0x8980;
	s16 =	simm.s32 $0x9180  }
0x4: {  	s17 =	simm.s32 $0x9980;
	s18 =	simm.s32 $0xA180;
	s1 =	sand.u32 $0x1, s1  }
0x5: {  	s19 =	simm.s32 $0xA980;
	s2 =	sshll.u32 s0, $0x8;
	s3 =	sshll.u32 s1, $0x7  }
0x6: {  	s20 =	simm.s32 $0xB180;
	s4 =	sor.u32 s3, s2;
	s2 =	simm.s32 $0x0  }
0x7: {  	s21 =	simm.s32 $0xB980;
	s22 =	simm.s32 $0xC180;
	[smem:$0x7FF] =	sst s2  }
0x8: {  	s23 =	simm.s32 $0xC980;
	_ =	strace $0x8000004D;
	[dreg:$0x8] =	wrdreg s13  }
0x9: {  	s24 =	simm.s32 $0xD180;
	s25 =	simm.s32 $0xD980;
	[dreg:$0x9] =	wrdreg s14  }
0xa: {  	s26 =	simm.s32 $0xE180;
	s28 =	simm.s32 $0xF980;
	[dreg:$0xa] =	wrdreg s15  }
0xb: {  	s29 =	simm.s32 $0x1;
	s30 =	simm.s32 $0x3;
	[dreg:$0xb] =	wrdreg s16  }
0xc: {  	s31 =	simm.s32 $0x2;
	s1 =	ssub.s32 $0x2, s1;
	[dreg:$0xc] =	wrdreg s17  }
0xd: {  	s12 =	sshrl.u32 s1, $0x1;
	s3 =	sshrl.u32 s4, $0x3;
	[dreg:$0xd] =	wrdreg s18  }
0xe: {  	s4 =	sshll.u32 s4, $0x5;
	s1 =	ssub.s32 s1, s12;
	[dreg:$0xe] =	wrdreg s19  }
0xf: {  	s12 =	simm.s32 $0x2180;
	s6 =	sadd.s32 s3, s5;
	[dreg:$0xf] =	wrdreg s20  }
0x10: {  	s3 =	sadd.s32 $0x3000, s5;
	s8 =	sadd.s32 s4, s5;
	[dreg:$0x10] =	wrdreg s21  }
0x11: {  	s4 =	sadd.s32 $0xB000, s5;
	s5 =	sadd.s32 $0x13000, s5;
	[dreg:$0x11] =	wrdreg s22  }
0x12: {  	s13 =	simm.s32 $0x2980;
	s14 =	simm.s32 $0x3180;
	[dreg:$0x12] =	wrdreg s23  }
0x13: {  	s15 =	simm.s32 $0x3980;
	s16 =	simm.s32 $0x4180;
	[dreg:$0x13] =	wrdreg s24  }
0x14: {  	s17 =	simm.s32 $0x4980;
	s18 =	simm.s32 $0x5180;
	[dreg:$0x14] =	wrdreg s25  }
0x15: {  	s19 =	simm.s32 $0x5980;
	[dreg:$0x15] =	wrdreg s26;
	s7 =	sadd.s32 $0x4BA00, s6  }
0x16: {  	s20 =	simm.s32 $0x6180;
	s0 =	sadd.s32 $0x4B600, s6;
	[dreg:$0x2] =	wrdreg s7  }
0x17: {  	s21 =	simm.s32 $0x6980;
	s6 =	sadd.s32 $0x4B800, s6;
	[dreg:$0x3] =	wrdreg s0  }
0x18: {  	s22 =	simm.s32 $0x7180;
	s9 =	sadd.s32 $0x4BC00, s8;
	[dreg:$0x4] =	wrdreg s6  }
0x19: {  	s23 =	simm.s32 $0x7980;
	s10 =	sadd.s32 $0x6BC00, s8;
	[dreg:$0x5] =	wrdreg s9  }
0x1a: {  	s24 =	simm.s32 $0x8180;
	s11 =	sadd.s32 $0x8BC00, s8;
	[dreg:$0x6] =	wrdreg s10  }
0x1b: {  	v2 =	vlaneseq.u32;
	s26 =	simm.s32 $0xF180;
	s8 =	simm.s32 $0x180;
	[dreg:$0x7] =	wrdreg s11  }
0x1c: {  	vm0 =	vmmov $0xffff;
	v1 =	vshrl.u32 v2, $0x3;
	s6 =	smax.u32 s1, $0x1;
	s7 =	simm.s32 $0x5;
	s9 =	simm.s32 $0x980  }
0x1d: {  	v0 =	vand.u32 $0x7, v2;
	v2 =	vor.u32 $0x8, v2;
	v1 =	vmul.u32 $0x8, v1;
	s10 =	simm.s32 $0x1180;
	s11 =	simm.s32 $0x1980;
	s1 =	simm.s32 $0x4  }
.LBB2_1:
0x1e: {  	s0 =	rddreg [dreg:$0x2]  }
0x1f: {  	[tilespmem:s2], [sflag:$0x5] =	stream.linear.gather [hbm4b:s0+s2], $0x80, $0x38;
	[tilespmem:$0x10180] =	vst v63  }
0x20: {  	_ =	swait.ge [sflag:s7], $0x80  }
0x21: {  	s0 =	rddreg [dreg:$0x3];
	[sflag:s7] =	ssyncset.done $0x0  }
0x22: {  	s25 =	rddreg [dreg:$0x8];
	[sflag:s7] =	ssyncadd.s32 $0xFFFFFF80  }
0x23: {  	[tilespmem:s25], [sflag:$0x5] =	stream.linear.gather [hbm4b:s0+s2], $0x80, $0x38;
	[tilespmem:$0x10180] =	vst v63  }
0x24: {  	_ =	swait.ge [sflag:s7], $0x80  }
0x25: {  	s0 =	rddreg [dreg:$0x4];
	[sflag:s7] =	ssyncset.done $0x0  }
0x26: {  	s25 =	rddreg [dreg:$0x9];
	[sflag:s7] =	ssyncadd.s32 $0xFFFFFF80  }
0x27: {  	[tilespmem:s25], [sflag:$0x5] =	stream.linear.gather [hbm4b:s0+s2], $0x80, $0x38;
	[tilespmem:$0x10180] =	vst v63  }
0x28: {  	_ =	swait.ge [sflag:s7], $0x80  }
0x29: {  	[sflag:s7] =	ssyncset.done $0x0  }
0x2a: {  	[sflag:s7] =	ssyncadd.s32 $0xFFFFFF80  }
0x2b: {  	v3 =	vld [tilespmem:$0x0];
	_ =	sdelay $0x4  }
0x2c: {  	v4 =	vshll.u32 v3, $0x1  }
0x2d: {  	v3 =	vand.u32 $0x7, v3;
	v4 =	vand.u32 $0xFFFFFFF0, v4  }
0x2e: {  	v3 =	vor.u32 v3, v4  }
0x2f: {  	v4 =	vperm.xlane v3, v0;
	_ =	sdelay $0x1  }
0x30: {  	v3 =	vperm.xlane v3, v2;
	v4 =	vadd.s32 v1, v4;
	_ =	sdelay $0x1  }
0x31: {  	v3 =	vadd.s32 v1, v3;
	_ =	sdelay $0x2  }
0x32: {  	[tilespmem:s8], [sflag:$0x1] =	stream.indirect_vreg.gather [hbm4b:s3+s2], $0x80, v4, vm0, $0xb8;
	[tilespmem:$0x10180] =	vst v63  }
0x33: {  	_ = 	snop  }
0x34: {  	[tilespmem:s9], [sflag:$0x1] =	stream.indirect_vreg.gather [hbm4b:s3+s2], $0x80, v3, vm0, $0xb8;
	[tilespmem:$0x10180] =	vst v63  }
0x35: {  	v3 =	vld [tilespmem:$0x10];
	_ =	sdelay $0x4  }
0x36: {  	v41 =	vshll.u32 v3, $0x1  }
0x37: {  	v3 =	vand.u32 $0x7, v3;
	v4 =	vand.u32 $0xFFFFFFF0, v41  }
0x38: {  	v3 =	vor.u32 v3, v4  }
0x39: {  	v4 =	vperm.xlane v3, v0;
	_ =	sdelay $0x1  }
0x3a: {  	v3 =	vperm.xlane v3, v2;
	v4 =	vadd.s32 v1, v4;
	_ =	sdelay $0x1  }
0x3b: {  	v3 =	vadd.s32 v1, v3;
	_ =	sdelay $0x2  }
0x3c: {  	[tilespmem:s10], [sflag:$0x1] =	stream.indirect_vreg.gather [hbm4b:s3+s2], $0x80, v4, vm0, $0xb8;
	[tilespmem:$0x10180] =	vst v63  }
0x3d: {  	_ = 	snop  }
0x3e: {  	[tilespmem:s11], [sflag:$0x1] =	stream.indirect_vreg.gather [hbm4b:s3+s2], $0x80, v3, vm0, $0xb8;
	[tilespmem:$0x10180] =	vst v63  }
0x3f: {  	v3 =	vld [tilespmem:$0x20];
	_ =	sdelay $0x4  }
0x40: {  	v42 =	vshll.u32 v3, $0x1  }
0x41: {  	v3 =	vand.u32 $0x7, v3;
	v4 =	vand.u32 $0xFFFFFFF0, v42  }
0x42: {  	v3 =	vor.u32 v3, v4  }
0x43: {  	v4 =	vperm.xlane v3, v0;
	_ =	sdelay $0x1  }
0x44: {  	v3 =	vperm.xlane v3, v2;
	v4 =	vadd.s32 v1, v4;
	_ =	sdelay $0x1  }
0x45: {  	v3 =	vadd.s32 v1, v3;
	_ =	sdelay $0x2  }
0x46: {  	[tilespmem:s12], [sflag:$0x1] =	stream.indirect_vreg.gather [hbm4b:s3+s2], $0x80, v4, vm0, $0xb8;
	[tilespmem:$0x10180] =	vst v63  }
0x47: {  	_ = 	snop  }
0x48: {  	[tilespmem:s13], [sflag:$0x1] =	stream.indirect_vreg.gather [hbm4b:s3+s2], $0x80, v3, vm0, $0xb8;
	[tilespmem:$0x10180] =	vst v63  }
0x49: {  	v3 =	vld [tilespmem:$0x30];
	_ =	sdelay $0x4  }
0x4a: {  	v43 =	vshll.u32 v3, $0x1  }
0x4b: {  	v3 =	vand.u32 $0x7, v3;
	v4 =	vand.u32 $0xFFFFFFF0, v43  }
0x4c: {  	v3 =	vor.u32 v3, v4  }
0x4d: {  	v4 =	vperm.xlane v3, v0;
	_ =	sdelay $0x1  }
0x4e: {  	v3 =	vperm.xlane v3, v2;
	v4 =	vadd.s32 v1, v4;
	_ =	sdelay $0x1  }
0x4f: {  	v3 =	vadd.s32 v1, v3;
	_ =	sdelay $0x2  }
0x50: {  	[tilespmem:s14], [sflag:$0x1] =	stream.indirect_vreg.gather [hbm4b:s3+s2], $0x80, v4, vm0, $0xb8;
	[tilespmem:$0x10180] =	vst v63  }
0x51: {  	_ = 	snop  }
0x52: {  	[tilespmem:s15], [sflag:$0x1] =	stream.indirect_vreg.gather [hbm4b:s3+s2], $0x80, v3, vm0, $0xb8;
	[tilespmem:$0x10180] =	vst v63  }
0x53: {  	v3 =	vld [tilespmem:$0x40];
	_ =	sdelay $0x4  }
0x54: {  	v44 =	vshll.u32 v3, $0x1  }
0x55: {  	v3 =	vand.u32 $0x7, v3;
	v4 =	vand.u32 $0xFFFFFFF0, v44  }
0x56: {  	v3 =	vor.u32 v3, v4  }
0x57: {  	v4 =	vperm.xlane v3, v0;
	_ =	sdelay $0x1  }
0x58: {  	v3 =	vperm.xlane v3, v2;
	v4 =	vadd.s32 v1, v4;
	_ =	sdelay $0x1  }
0x59: {  	v3 =	vadd.s32 v1, v3;
	_ =	sdelay $0x2  }
0x5a: {  	[tilespmem:s16], [sflag:$0x1] =	stream.indirect_vreg.gather [hbm4b:s3+s2], $0x80, v4, vm0, $0xb8;
	[tilespmem:$0x10180] =	vst v63  }
0x5b: {  	_ = 	snop  }
0x5c: {  	[tilespmem:s17], [sflag:$0x1] =	stream.indirect_vreg.gather [hbm4b:s3+s2], $0x80, v3, vm0, $0xb8;
	[tilespmem:$0x10180] =	vst v63  }
0x5d: {  	v3 =	vld [tilespmem:$0x50];
	_ =	sdelay $0x4  }
0x5e: {  	v45 =	vshll.u32 v3, $0x1  }
0x5f: {  	v3 =	vand.u32 $0x7, v3;
	v4 =	vand.u32 $0xFFFFFFF0, v45  }
0x60: {  	v3 =	vor.u32 v3, v4  }
0x61: {  	v4 =	vperm.xlane v3, v0;
	_ =	sdelay $0x1  }
0x62: {  	v3 =	vperm.xlane v3, v2;
	v4 =	vadd.s32 v1, v4;
	_ =	sdelay $0x1  }
0x63: {  	v3 =	vadd.s32 v1, v3;
	_ =	sdelay $0x2  }
0x64: {  	[tilespmem:s18], [sflag:$0x1] =	stream.indirect_vreg.gather [hbm4b:s3+s2], $0x80, v4, vm0, $0xb8;
	[tilespmem:$0x10180] =	vst v63  }
0x65: {  	_ = 	snop  }
0x66: {  	[tilespmem:s19], [sflag:$0x1] =	stream.indirect_vreg.gather [hbm4b:s3+s2], $0x80, v3, vm0, $0xb8;
	[tilespmem:$0x10180] =	vst v63  }
0x67: {  	v3 =	vld [tilespmem:$0x60];
	_ =	sdelay $0x4  }
0x68: {  	v46 =	vshll.u32 v3, $0x1  }
0x69: {  	v3 =	vand.u32 $0x7, v3;
	v4 =	vand.u32 $0xFFFFFFF0, v46  }
0x6a: {  	v3 =	vor.u32 v3, v4  }
0x6b: {  	v4 =	vperm.xlane v3, v0;
	_ =	sdelay $0x1  }
0x6c: {  	v3 =	vperm.xlane v3, v2;
	v4 =	vadd.s32 v1, v4;
	_ =	sdelay $0x1  }
0x6d: {  	v3 =	vadd.s32 v1, v3;
	_ =	sdelay $0x2  }
0x6e: {  	[tilespmem:s20], [sflag:$0x1] =	stream.indirect_vreg.gather [hbm4b:s3+s2], $0x80, v4, vm0, $0xb8;
	[tilespmem:$0x10180] =	vst v63  }
0x6f: {  	_ = 	snop  }
0x70: {  	[tilespmem:s21], [sflag:$0x1] =	stream.indirect_vreg.gather [hbm4b:s3+s2], $0x80, v3, vm0, $0xb8;
	[tilespmem:$0x10180] =	vst v63  }
0x71: {  	v3 =	vld [tilespmem:$0x70];
	_ =	sdelay $0x4  }
0x72: {  	v47 =	vshll.u32 v3, $0x1  }
0x73: {  	v3 =	vand.u32 $0x7, v3;
	v4 =	vand.u32 $0xFFFFFFF0, v47  }
0x74: {  	v3 =	vor.u32 v3, v4  }
0x75: {  	v4 =	vperm.xlane v3, v0;
	_ =	sdelay $0x1  }
0x76: {  	v3 =	vperm.xlane v3, v2;
	v4 =	vadd.s32 v1, v4;
	_ =	sdelay $0x1  }
0x77: {  	v3 =	vadd.s32 v1, v3;
	_ =	sdelay $0x2  }
0x78: {  	[tilespmem:s22], [sflag:$0x1] =	stream.indirect_vreg.gather [hbm4b:s3+s2], $0x80, v4, vm0, $0xb8;
	[tilespmem:$0x10180] =	vst v63  }
0x79: {  	_ = 	snop  }
0x7a: {  	[tilespmem:s23], [sflag:$0x1] =	stream.indirect_vreg.gather [hbm4b:s3+s2], $0x80, v3, vm0, $0xb8;
	[tilespmem:$0x10180] =	vst v63  }
0x7b: {  	v3 =	vld [tilespmem:$0x80];
	_ =	sdelay $0x4  }
0x7c: {  	v48 =	vshll.u32 v3, $0x1  }
0x7d: {  	v3 =	vand.u32 $0x7, v3;
	v4 =	vand.u32 $0xFFFFFFF0, v48  }
0x7e: {  	v3 =	vor.u32 v3, v4  }
0x7f: {  	v4 =	vperm.xlane v3, v0;
	_ =	sdelay $0x1  }
0x80: {  	v3 =	vperm.xlane v3, v2;
	v4 =	vadd.s32 v1, v4;
	_ =	sdelay $0x1  }
0x81: {  	v3 =	vadd.s32 v1, v3;
	_ =	sdelay $0x2  }
0x82: {  	[tilespmem:s24], [sflag:$0x2] =	stream.indirect_vreg.gather [hbm4b:s4+s2], $0x80, v4, vm0, $0xb8;
	[tilespmem:$0x10180] =	vst v63  }
0x83: {  	s25 =	rddreg [dreg:$0xa]  }
0x84: {  	[tilespmem:s25], [sflag:$0x2] =	stream.indirect_vreg.gather [hbm4b:s4+s2], $0x80, v3, vm0, $0xb8;
	[tilespmem:$0x10180] =	vst v63  }
0x85: {  	v3 =	vld [tilespmem:$0x90];
	_ =	sdelay $0x4  }
0x86: {  	v49 =	vshll.u32 v3, $0x1  }
0x87: {  	v3 =	vand.u32 $0x7, v3;
	v4 =	vand.u32 $0xFFFFFFF0, v49  }
0x88: {  	v3 =	vor.u32 v3, v4  }
0x89: {  	v4 =	vperm.xlane v3, v0;
	_ =	sdelay $0x1  }
0x8a: {  	v3 =	vperm.xlane v3, v2;
	v4 =	vadd.s32 v1, v4;
	_ =	sdelay $0x1  }
0x8b: {  	v3 =	vadd.s32 v1, v3;
	_ =	sdelay $0x1  }
0x8c: {  	s0 =	rddreg [dreg:$0xb]  }
0x8d: {  	[tilespmem:s0], [sflag:$0x2] =	stream.indirect_vreg.gather [hbm4b:s4+s2], $0x80, v4, vm0, $0xb8;
	[tilespmem:$0x10180] =	vst v63  }
0x8e: {  	s25 =	rddreg [dreg:$0xc]  }
0x8f: {  	[tilespmem:s25], [sflag:$0x2] =	stream.indirect_vreg.gather [hbm4b:s4+s2], $0x80, v3, vm0, $0xb8;
	[tilespmem:$0x10180] =	vst v63  }
0x90: {  	v3 =	vld [tilespmem:$0xA0];
	_ =	sdelay $0x4  }
0x91: {  	v50 =	vshll.u32 v3, $0x1  }
0x92: {  	v3 =	vand.u32 $0x7, v3;
	v4 =	vand.u32 $0xFFFFFFF0, v50  }
0x93: {  	v3 =	vor.u32 v3, v4  }
0x94: {  	v4 =	vperm.xlane v3, v0;
	_ =	sdelay $0x1  }
0x95: {  	v3 =	vperm.xlane v3, v2;
	v4 =	vadd.s32 v1, v4;
	_ =	sdelay $0x1  }
0x96: {  	v3 =	vadd.s32 v1, v3;
	_ =	sdelay $0x1  }
0x97: {  	s0 =	rddreg [dreg:$0xd]  }
0x98: {  	[tilespmem:s0], [sflag:$0x2] =	stream.indirect_vreg.gather [hbm4b:s4+s2], $0x80, v4, vm0, $0xb8;
	[tilespmem:$0x10180] =	vst v63  }
0x99: {  	s25 =	rddreg [dreg:$0xe]  }
0x9a: {  	[tilespmem:s25], [sflag:$0x2] =	stream.indirect_vreg.gather [hbm4b:s4+s2], $0x80, v3, vm0, $0xb8;
	[tilespmem:$0x10180] =	vst v63  }
0x9b: {  	v3 =	vld [tilespmem:$0xB0];
	_ =	sdelay $0x4  }
0x9c: {  	v51 =	vshll.u32 v3, $0x1  }
0x9d: {  	v3 =	vand.u32 $0x7, v3;
	v4 =	vand.u32 $0xFFFFFFF0, v51  }
0x9e: {  	v3 =	vor.u32 v3, v4  }
0x9f: {  	v4 =	vperm.xlane v3, v0;
	_ =	sdelay $0x1  }
0xa0: {  	v3 =	vperm.xlane v3, v2;
	v4 =	vadd.s32 v1, v4;
	_ =	sdelay $0x1  }
0xa1: {  	v3 =	vadd.s32 v1, v3;
	_ =	sdelay $0x1  }
0xa2: {  	s0 =	rddreg [dreg:$0xf]  }
0xa3: {  	[tilespmem:s0], [sflag:$0x2] =	stream.indirect_vreg.gather [hbm4b:s4+s2], $0x80, v4, vm0, $0xb8;
	[tilespmem:$0x10180] =	vst v63  }
0xa4: {  	s25 =	rddreg [dreg:$0x10]  }
0xa5: {  	[tilespmem:s25], [sflag:$0x2] =	stream.indirect_vreg.gather [hbm4b:s4+s2], $0x80, v3, vm0, $0xb8;
	[tilespmem:$0x10180] =	vst v63  }
0xa6: {  	v3 =	vld [tilespmem:$0xC0];
	_ =	sdelay $0x4  }
0xa7: {  	v52 =	vshll.u32 v3, $0x1  }
0xa8: {  	v3 =	vand.u32 $0x7, v3;
	v4 =	vand.u32 $0xFFFFFFF0, v52  }
0xa9: {  	v3 =	vor.u32 v3, v4  }
0xaa: {  	v4 =	vperm.xlane v3, v0;
	_ =	sdelay $0x1  }
0xab: {  	v3 =	vperm.xlane v3, v2;
	v4 =	vadd.s32 v1, v4;
	_ =	sdelay $0x1  }
0xac: {  	v3 =	vadd.s32 v1, v3;
	_ =	sdelay $0x1  }
0xad: {  	s0 =	rddreg [dreg:$0x11]  }
0xae: {  	[tilespmem:s0], [sflag:$0x2] =	stream.indirect_vreg.gather [hbm4b:s4+s2], $0x80, v4, vm0, $0xb8;
	[tilespmem:$0x10180] =	vst v63  }
0xaf: {  	s25 =	rddreg [dreg:$0x12]  }
0xb0: {  	[tilespmem:s25], [sflag:$0x2] =	stream.indirect_vreg.gather [hbm4b:s4+s2], $0x80, v3, vm0, $0xb8;
	[tilespmem:$0x10180] =	vst v63  }
0xb1: {  	v3 =	vld [tilespmem:$0xD0];
	_ =	sdelay $0x4  }
0xb2: {  	v53 =	vshll.u32 v3, $0x1  }
0xb3: {  	v3 =	vand.u32 $0x7, v3;
	v4 =	vand.u32 $0xFFFFFFF0, v53  }
0xb4: {  	v3 =	vor.u32 v3, v4  }
0xb5: {  	v4 =	vperm.xlane v3, v0;
	_ =	sdelay $0x1  }
0xb6: {  	v3 =	vperm.xlane v3, v2;
	v4 =	vadd.s32 v1, v4;
	_ =	sdelay $0x1  }
0xb7: {  	v3 =	vadd.s32 v1, v3;
	_ =	sdelay $0x1  }
0xb8: {  	s0 =	rddreg [dreg:$0x13]  }
0xb9: {  	[tilespmem:s0], [sflag:$0x2] =	stream.indirect_vreg.gather [hbm4b:s4+s2], $0x80, v4, vm0, $0xb8;
	[tilespmem:$0x10180] =	vst v63  }
0xba: {  	s25 =	rddreg [dreg:$0x14]  }
0xbb: {  	[tilespmem:s25], [sflag:$0x2] =	stream.indirect_vreg.gather [hbm4b:s4+s2], $0x80, v3, vm0, $0xb8;
	[tilespmem:$0x10180] =	vst v63  }
0xbc: {  	v3 =	vld [tilespmem:$0xE0];
	_ =	sdelay $0x4  }
0xbd: {  	v54 =	vshll.u32 v3, $0x1  }
0xbe: {  	v3 =	vand.u32 $0x7, v3;
	v4 =	vand.u32 $0xFFFFFFF0, v54  }
0xbf: {  	v3 =	vor.u32 v3, v4  }
0xc0: {  	v4 =	vperm.xlane v3, v0;
	_ =	sdelay $0x1  }
0xc1: {  	v3 =	vperm.xlane v3, v2;
	v4 =	vadd.s32 v1, v4;
	_ =	sdelay $0x1  }
0xc2: {  	v3 =	vadd.s32 v1, v3;
	_ =	sdelay $0x1  }
0xc3: {  	s25 =	rddreg [dreg:$0x15]  }
0xc4: {  	[tilespmem:s25], [sflag:$0x2] =	stream.indirect_vreg.gather [hbm4b:s4+s2], $0x80, v4, vm0, $0xb8;
	[tilespmem:$0x10180] =	vst v63  }
0xc5: {  	s25 =	simm.s32 $0xE980  }
0xc6: {  	[tilespmem:s25], [sflag:$0x2] =	stream.indirect_vreg.gather [hbm4b:s4+s2], $0x80, v3, vm0, $0xb8;
	[tilespmem:$0x10180] =	vst v63  }
0xc7: {  	v3 =	vld [tilespmem:$0xF0];
	_ =	sdelay $0x4  }
0xc8: {  	v55 =	vshll.u32 v3, $0x1  }
0xc9: {  	v3 =	vand.u32 $0x7, v3;
	v4 =	vand.u32 $0xFFFFFFF0, v55  }
0xca: {  	v3 =	vor.u32 v3, v4  }
0xcb: {  	v4 =	vperm.xlane v3, v0;
	_ =	sdelay $0x1  }
0xcc: {  	v3 =	vperm.xlane v3, v2;
	v4 =	vadd.s32 v1, v4;
	_ =	sdelay $0x1  }
0xcd: {  	v3 =	vadd.s32 v1, v3;
	_ =	sdelay $0x2  }
0xce: {  	[tilespmem:s26], [sflag:$0x2] =	stream.indirect_vreg.gather [hbm4b:s4+s2], $0x80, v4, vm0, $0xb8;
	[tilespmem:$0x10180] =	vst v63  }
0xcf: {  	_ = 	snop  }
0xd0: {  	[tilespmem:s28], [sflag:$0x2] =	stream.indirect_vreg.gather [hbm4b:s4+s2], $0x80, v3, vm0, $0xb8;
	[tilespmem:$0x10180] =	vst v63  }
0xd1: {  	_ =	swait.ge [sflag:s29], $0x8000  }
0xd2: {  	[sflag:s29] =	ssyncset.done $0x0  }
0xd3: {  	s25 =	rddreg [dreg:$0x5];
	[sflag:s29] =	ssyncadd.s32 $0xFFFF8000  }
0xd4: {  	[hbm4b:s25+s2] =	stream.linear.scatter [tilespmem:s8], [sflag:$0x3], $0x8000, $0x38;
	[tilespmem:$0x10180] =	vst v63  }
0xd5: {  	_ =	swait.ge [sflag:s30], $0x8000  }
0xd6: {  	[sflag:s30] =	ssyncset.done $0x0  }
0xd7: {  	[sflag:s30] =	ssyncadd.s32 $0xFFFF8000  }
0xd8: {  	v3 =	vld [tilespmem:$0x100];
	_ =	sdelay $0x4  }
0xd9: {  	v56 =	vshll.u32 v3, $0x1  }
0xda: {  	v3 =	vand.u32 $0x7, v3;
	v4 =	vand.u32 $0xFFFFFFF0, v56  }
0xdb: {  	v3 =	vor.u32 v3, v4  }
0xdc: {  	v4 =	vperm.xlane v3, v0;
	_ =	sdelay $0x1  }
0xdd: {  	v3 =	vperm.xlane v3, v2;
	v4 =	vadd.s32 v1, v4;
	_ =	sdelay $0x1  }
0xde: {  	v3 =	vadd.s32 v1, v3;
	_ =	sdelay $0x2  }
0xdf: {  	[tilespmem:s8], [sflag:$0x1] =	stream.indirect_vreg.gather [hbm4b:s5+s2], $0x80, v4, vm0, $0xb8;
	[tilespmem:$0x10180] =	vst v63  }
0xe0: {  	_ = 	snop  }
0xe1: {  	[tilespmem:s9], [sflag:$0x1] =	stream.indirect_vreg.gather [hbm4b:s5+s2], $0x80, v3, vm0, $0xb8;
	[tilespmem:$0x10180] =	vst v63  }
0xe2: {  	v3 =	vld [tilespmem:$0x110];
	_ =	sdelay $0x4  }
0xe3: {  	v57 =	vshll.u32 v3, $0x1  }
0xe4: {  	v3 =	vand.u32 $0x7, v3;
	v4 =	vand.u32 $0xFFFFFFF0, v57  }
0xe5: {  	v3 =	vor.u32 v3, v4  }
0xe6: {  	v4 =	vperm.xlane v3, v0;
	_ =	sdelay $0x1  }
0xe7: {  	v3 =	vperm.xlane v3, v2;
	v4 =	vadd.s32 v1, v4;
	_ =	sdelay $0x1  }
0xe8: {  	v3 =	vadd.s32 v1, v3;
	_ =	sdelay $0x2  }
0xe9: {  	[tilespmem:s10], [sflag:$0x1] =	stream.indirect_vreg.gather [hbm4b:s5+s2], $0x80, v4, vm0, $0xb8;
	[tilespmem:$0x10180] =	vst v63  }
0xea: {  	_ = 	snop  }
0xeb: {  	[tilespmem:s11], [sflag:$0x1] =	stream.indirect_vreg.gather [hbm4b:s5+s2], $0x80, v3, vm0, $0xb8;
	[tilespmem:$0x10180] =	vst v63  }
0xec: {  	v3 =	vld [tilespmem:$0x120];
	_ =	sdelay $0x4  }
0xed: {  	v58 =	vshll.u32 v3, $0x1  }
0xee: {  	v3 =	vand.u32 $0x7, v3;
	v4 =	vand.u32 $0xFFFFFFF0, v58  }
0xef: {  	v3 =	vor.u32 v3, v4  }
0xf0: {  	v4 =	vperm.xlane v3, v0;
	_ =	sdelay $0x1  }
0xf1: {  	v3 =	vperm.xlane v3, v2;
	v4 =	vadd.s32 v1, v4;
	_ =	sdelay $0x1  }
0xf2: {  	v3 =	vadd.s32 v1, v3;
	_ =	sdelay $0x2  }
0xf3: {  	[tilespmem:s12], [sflag:$0x1] =	stream.indirect_vreg.gather [hbm4b:s5+s2], $0x80, v4, vm0, $0xb8;
	[tilespmem:$0x10180] =	vst v63  }
0xf4: {  	_ = 	snop  }
0xf5: {  	[tilespmem:s13], [sflag:$0x1] =	stream.indirect_vreg.gather [hbm4b:s5+s2], $0x80, v3, vm0, $0xb8;
	[tilespmem:$0x10180] =	vst v63  }
0xf6: {  	v3 =	vld [tilespmem:$0x130];
	_ =	sdelay $0x4  }
0xf7: {  	v59 =	vshll.u32 v3, $0x1  }
0xf8: {  	v3 =	vand.u32 $0x7, v3;
	v4 =	vand.u32 $0xFFFFFFF0, v59  }
0xf9: {  	v3 =	vor.u32 v3, v4  }
0xfa: {  	v4 =	vperm.xlane v3, v0;
	_ =	sdelay $0x1  }
0xfb: {  	v3 =	vperm.xlane v3, v2;
	v4 =	vadd.s32 v1, v4;
	_ =	sdelay $0x1  }
0xfc: {  	v3 =	vadd.s32 v1, v3;
	_ =	sdelay $0x2  }
0xfd: {  	[tilespmem:s14], [sflag:$0x1] =	stream.indirect_vreg.gather [hbm4b:s5+s2], $0x80, v4, vm0, $0xb8;
	[tilespmem:$0x10180] =	vst v63  }
0xfe: {  	_ = 	snop  }
0xff: {  	[tilespmem:s15], [sflag:$0x1] =	stream.indirect_vreg.gather [hbm4b:s5+s2], $0x80, v3, vm0, $0xb8;
	[tilespmem:$0x10180] =	vst v63  }
0x100: {  	v3 =	vld [tilespmem:$0x140];
	_ =	sdelay $0x4  }
0x101: {  	v60 =	vshll.u32 v3, $0x1  }
0x102: {  	v3 =	vand.u32 $0x7, v3;
	v4 =	vand.u32 $0xFFFFFFF0, v60  }
0x103: {  	v3 =	vor.u32 v3, v4  }
0x104: {  	v4 =	vperm.xlane v3, v0;
	_ =	sdelay $0x1  }
0x105: {  	v3 =	vperm.xlane v3, v2;
	v4 =	vadd.s32 v1, v4;
	_ =	sdelay $0x1  }
0x106: {  	v3 =	vadd.s32 v1, v3;
	_ =	sdelay $0x2  }
0x107: {  	[tilespmem:s16], [sflag:$0x1] =	stream.indirect_vreg.gather [hbm4b:s5+s2], $0x80, v4, vm0, $0xb8;
	[tilespmem:$0x10180] =	vst v63  }
0x108: {  	_ = 	snop  }
0x109: {  	[tilespmem:s17], [sflag:$0x1] =	stream.indirect_vreg.gather [hbm4b:s5+s2], $0x80, v3, vm0, $0xb8;
	[tilespmem:$0x10180] =	vst v63  }
0x10a: {  	v3 =	vld [tilespmem:$0x150];
	_ =	sdelay $0x4  }
0x10b: {  	v61 =	vshll.u32 v3, $0x1  }
0x10c: {  	v3 =	vand.u32 $0x7, v3;
	v4 =	vand.u32 $0xFFFFFFF0, v61  }
0x10d: {  	v3 =	vor.u32 v3, v4  }
0x10e: {  	v4 =	vperm.xlane v3, v0;
	_ =	sdelay $0x1  }
0x10f: {  	v3 =	vperm.xlane v3, v2;
	v4 =	vadd.s32 v1, v4;
	_ =	sdelay $0x1  }
0x110: {  	v3 =	vadd.s32 v1, v3;
	_ =	sdelay $0x2  }
0x111: {  	[tilespmem:s18], [sflag:$0x1] =	stream.indirect_vreg.gather [hbm4b:s5+s2], $0x80, v4, vm0, $0xb8;
	[tilespmem:$0x10180] =	vst v63  }
0x112: {  	_ = 	snop  }
0x113: {  	[tilespmem:s19], [sflag:$0x1] =	stream.indirect_vreg.gather [hbm4b:s5+s2], $0x80, v3, vm0, $0xb8;
	[tilespmem:$0x10180] =	vst v63  }
0x114: {  	v3 =	vld [tilespmem:$0x160];
	_ =	sdelay $0x4  }
0x115: {  	v62 =	vshll.u32 v3, $0x1  }
0x116: {  	v3 =	vand.u32 $0x7, v3;
	v4 =	vand.u32 $0xFFFFFFF0, v62  }
0x117: {  	v3 =	vor.u32 v3, v4  }
0x118: {  	v4 =	vperm.xlane v3, v0;
	_ =	sdelay $0x1  }
0x119: {  	v3 =	vperm.xlane v3, v2;
	v4 =	vadd.s32 v1, v4;
	_ =	sdelay $0x1  }
0x11a: {  	v3 =	vadd.s32 v1, v3;
	_ =	sdelay $0x2  }
0x11b: {  	[tilespmem:s20], [sflag:$0x1] =	stream.indirect_vreg.gather [hbm4b:s5+s2], $0x80, v4, vm0, $0xb8;
	[tilespmem:$0x10180] =	vst v63  }
0x11c: {  	_ = 	snop  }
0x11d: {  	[tilespmem:s21], [sflag:$0x1] =	stream.indirect_vreg.gather [hbm4b:s5+s2], $0x80, v3, vm0, $0xb8;
	[tilespmem:$0x10180] =	vst v63  }
0x11e: {  	v3 =	vld [tilespmem:$0x170];
	_ =	sdelay $0x4  }
0x11f: {  	v63 =	vshll.u32 v3, $0x1  }
0x120: {  	v3 =	vand.u32 $0x7, v3;
	v4 =	vand.u32 $0xFFFFFFF0, v63  }
0x121: {  	v3 =	vor.u32 v3, v4  }
0x122: {  	v4 =	vperm.xlane v3, v0;
	_ =	sdelay $0x1  }
0x123: {  	v3 =	vperm.xlane v3, v2;
	v4 =	vadd.s32 v1, v4;
	_ =	sdelay $0x1  }
0x124: {  	v3 =	vadd.s32 v1, v3;
	_ =	sdelay $0x2  }
0x125: {  	[tilespmem:s22], [sflag:$0x1] =	stream.indirect_vreg.gather [hbm4b:s5+s2], $0x80, v4, vm0, $0xb8;
	[tilespmem:$0x10180] =	vst v63  }
0x126: {  	_ = 	snop  }
0x127: {  	[tilespmem:s23], [sflag:$0x1] =	stream.indirect_vreg.gather [hbm4b:s5+s2], $0x80, v3, vm0, $0xb8;
	[tilespmem:$0x10180] =	vst v63  }
0x128: {  	_ =	swait.ge [sflag:s31], $0x8000  }
0x129: {  	[sflag:s31] =	ssyncset.done $0x0  }
0x12a: {  	s25 =	rddreg [dreg:$0x6];
	[sflag:s31] =	ssyncadd.s32 $0xFFFF8000  }
0x12b: {  	[hbm4b:s25+s2] =	stream.linear.scatter [tilespmem:s24], [sflag:$0x4], $0x8000, $0x38;
	[tilespmem:$0x10180] =	vst v63  }
0x12c: {  	_ =	swait.ge [sflag:s29], $0x8000  }
0x12d: {  	[sflag:s29] =	ssyncset.done $0x0  }
0x12e: {  	s25 =	rddreg [dreg:$0x7];
	[sflag:s29] =	ssyncadd.s32 $0xFFFF8000  }
0x12f: {  	[hbm4b:s25+s2] =	stream.linear.scatter [tilespmem:s8], [sflag:$0x3], $0x8000, $0x38;
	[tilespmem:$0x10180] =	vst v63  }
0x130: {  	p0 =	sne.s32 s6, $0x1;
	_ =	swait.ge [sflag:s30], $0x8000  }
.Ltmp0:
0x131: {  	[sflag:s30] =	ssyncset.done $0x0;
	(pc) =	sbr.rel @p0 .LBB2_1-.Ltmp0, $4  }
0x132: {  	[sflag:s30] =	ssyncadd.s32 $0xFFFF8000  }
0x133: {  	_ =	swait.ge [sflag:s1], $0x8000  }
0x134: {  	[sflag:s1] =	ssyncset.done $0x0  }
0x135: {  	s6 =	sadd.s32 $0xFFFFFFFF, s6;
	[sflag:s1] =	ssyncadd.s32 $0xFFFF8000  }
0x136: {  	_ =	sfence.sel $0x180000  }
0x137: {  	[bflag:$0x0] =	sbarrier.arrive $0xFFFF  }
0x138: {  	_ =	strace $0x9000004D  }
0x139: {  	s0 =	stileid.u32;
	[bflag:$0x2] =	sbarrier.arrive $0xFFFF  }
0x13a: {  	p0 =	sne.s32 s0, $0x0;
	s0 =	rddreg [dreg:$0x1]  }
0x13b: {  	s0 =	sadd.s32 @!p0 $0x100000, s0  }
0x13c: {  	[sflag:s0] =	ssyncadd.tile.s32 @!p0 $0x1;
	_ =	shalt  }
.Lfunc_end2:
_tile_overlayer_lowered:
.L_overlay_start_2:
0x13d: {  	(tag) =	ssettag $0x2  }
0x13e: {  	s0 =	rddreg [dreg:$0x0];
	s2 =	stileid.u32  }
0x13f: {  	s1 =	rddreg [dreg:$0x1];
	p0 =	sne.s32 s2, $0x0  }
0x140: {  	s3 =	rddreg [dreg:$0x2];
	[bflag:$0x3] =	sbarrier.arrive $0xFFFF;
	s2 =	simm.s32 @!p0 $0x1C05  }
0x141: {  	[timem:s3], [sflag:s2] =	dma.local @!p0 [hbm:s0], s1  }
0x142: {  	s0 =	simm.s32 @!p0 $0x5  }
0x143: {  	_ =	swait.ge @!p0 [sflag:s0], s1  }
0x144: {  	s1 =	ssub.s32 @!p0 $0x0, s1;
	[sflag:s0] =	ssyncset.done @!p0 $0x0  }
0x145: {  	[sflag:s0] =	ssyncadd.s32 @!p0 s1  }
0x146: {  	[bflag:$0x3] =	sbarrier.arrive $0xFFFF  }
0x147: {  	_ =	shalt  }

// kernel: kernel.19.cloned.1.call-start
scs
__scs_entry_jumppad:
0x0: {  	(pc) =	sbr.rel $0x88, $3  }
0x1: {  	(tag) =	ssettag $0x0;
	lr =	simm.s32 $0x1  }
0x2: {  	[smem:$0x3F93] =	sst lr;
	_ =	strace $0xD0000000  }
0x3: {  	_ = 	snop  }
0x4: {  	_ = 	snop  }
0x5: {  	_ = 	snop  }
0x6: {  	_ = 	snop  }
0x7: {  	_ = 	snop  }
__scs_overlays_trampoline_lowered:
0x8: {  	[smem:$0x3FA2] =	sst s0  }
0x9: {  	[smem:$0x3FA3] =	sst s1  }
0xa: {  	[smem:$0x3FA4] =	sst s2  }
0xb: {  	[smem:$0x3FA5] =	sst s3  }
0xc: {  	[smem:$0x3FA6] =	sst s4  }
0xd: {  	[smem:$0x3FA7] =	sst s5  }
0xe: {  	[smem:$0x3FA8] =	sst s6  }
0xf: {  	[smem:$0x3FA9] =	sst s7  }
0x10: {  	[smem:$0x3FAA] =	sst s8  }
0x11: {  	[smem:$0x3FAB] =	sst s9;
	s0 =	simm.s32 @!p0 $0x0  }
0x12: {  	s1 =	sld [smem:$0x3F91];
	s0 =	simm.s32 @p0 $0x1  }
0x13: {  	[smem:$0x3FAC] =	sst s0;
	s0 =	simm.s32 @!p1 $0x0  }
0x14: {  	s2 =	sld [smem:$0x3F90];
	s0 =	simm.s32 @p1 $0x1  }
0x15: {  	[smem:$0x3FAD] =	sst s0;
	s0 =	simm.s32 @!p2 $0x0  }
0x16: {  	s3 =	sld [smem:$0x3FDB];
	s0 =	simm.s32 @p2 $0x1  }
0x17: {  	s4 =	simm.s32 $0x1BF5;
	[smem:$0x3FAF] =	sst s0  }
0x18: {  	s0 =	sld [smem:$0x3F92];
	_ =	swait.ge [sflag:s4], $0x0  }
0x19: {  	s7 =	sld [smem:$0x3F93]  }
0x1a: {  	s8 =	sadd.s32 $0xFFFFE003, lr  }
0x1b: {  	s9 =	sadd.s32 $0xFFFFFEF7, lr;
	s5 =	simm.s32 $0xFFFFFFFF;
	p2 =	slt.u32 s8, $0xFFFFF086  }
0x1c: {  	p1 =	slt.u32 s9, $0xF7A;
	s5 =	simm.s32 @!p2 $0x0  }
0x1d: {  	s5 =	simm.s32 @p1 $0x1;
	p0 =	seq.s32 s7, s2  }
0x1e: {  	s7 =	smul.u32 @!p0 $0xF7A, s2;
	p2 =	seq.s32 @!p0 s5, $0x0  }
0x1f: {  	s9 =	smul.u32 $0xF7A, s1;
	s8 =	simm.s32 @!p0 $0x1BF5;
	p2 =	por !p2, p0  }
0x20: {  	[sflag:s8] =	ssyncset.s32 @!p0 $0xFFFFF086;
	s6 =	sadd.s32 @!p0 s3, s7;
	s7 =	simm.s32 @!p0 $0x108  }
0x21: {  	s3 =	sadd.s32 s3, s9;
	s6 =	sadd.s32 @!p0 $0x88, s6;
	s7 =	simm.s32 @p2 $0x1082  }
0x22: {  	[simem:s7], [sflag:s8] =	dma.local @!p0 [hbm:s6], $0xF7A  }
0x23: {  	s9 =	sor.u32 $0xD0000000, s2;
	s6 =	simm.s32 $0x108;
	_ =	swait.ge @!p0 [sflag:s8], $0x0  }
0x24: {  	s3 =	sadd.s32 $0x88, s3;
	s6 =	simm.s32 @!p1 $0x1082;
	[sflag:s4] =	ssyncset.s32 $0xFFFFF086  }
0x25: {  	[simem:s6], [sflag:s4] =	dma.local [hbm:s3], $0xF7A  }
0x26: {  	[smem:$0x3F93] =	sst s1;
	(tag) =	ssettag s2;
	_ =	strace s9  }
0x27: {  	s1 =	sld [smem:$0x3FA3]  }
0x28: {  	s2 =	sld [smem:$0x3FA4]  }
0x29: {  	s4 =	sld [smem:$0x3FA6]  }
0x2a: {  	p0 =	seq.s32 s5, $0x0;
	s5 =	sld [smem:$0x3FA7]  }
0x2b: {  	s6 =	sld [smem:$0x3FA8]  }
0x2c: {  	s7 =	sld [smem:$0x3FA9]  }
0x2d: {  	s3 =	simm.s32 $0x108;
	s8 =	sld [smem:$0x3FAA]  }
0x2e: {  	s3 =	simm.s32 @!p0 $0x1082;
	s9 =	sld [smem:$0x3FAB]  }
0x2f: {  	lr =	sadd.s32 s0, s3;
	s0 =	sld [smem:$0x3FA2]  }
0x30: {  	s3 =	sld [smem:$0x3FA5]  }
0x31: {  	[smem:$0x3FAE] =	sst s10  }
0x32: {  	s10 =	sld [smem:$0x3FAC];
	_ =	sdelay $0x3  }
0x33: {  	p0 =	seq.s32 s10, $0x1;
	s10 =	sld [smem:$0x3FAE];
	_ =	sdelay $0x3  }
0x34: {  	[smem:$0x3FAE] =	sst s10  }
0x35: {  	s10 =	sld [smem:$0x3FAD];
	_ =	sdelay $0x3  }
0x36: {  	p1 =	seq.s32 s10, $0x1;
	s10 =	sld [smem:$0x3FAE];
	_ =	sdelay $0x3  }
0x37: {  	[smem:$0x3FAE] =	sst s10  }
0x38: {  	s10 =	sld [smem:$0x3FAF]  }
0x39: {  	_ = 	snop;
	(pc) =	sbr.ind lr, $3  }
0x3a: {  	_ = 	snop  }
0x3b: {  	_ = 	snop  }
0x3c: {  	p2 =	seq.s32 s10, $0x1;
	s10 =	sld [smem:$0x3FAE]  }
0x3d: {  	_ =	shalt  }
0x3e: {  	_ =	shalt  }
0x3f: {  	_ =	shalt  }
0x40: {  	_ =	shalt  }
0x41: {  	_ =	shalt  }
0x42: {  	_ =	shalt  }
0x43: {  	_ =	shalt  }
0x44: {  	_ =	shalt  }
0x45: {  	_ =	shalt  }
0x46: {  	_ =	shalt  }
0x47: {  	_ =	shalt  }
0x48: {  	_ =	shalt  }
0x49: {  	_ =	shalt  }
0x4a: {  	_ =	shalt  }
0x4b: {  	_ =	shalt  }
0x4c: {  	_ =	shalt  }
0x4d: {  	_ =	shalt  }
0x4e: {  	_ =	shalt  }
0x4f: {  	_ =	shalt  }
0x50: {  	_ =	shalt  }
0x51: {  	_ =	shalt  }
0x52: {  	_ =	shalt  }
0x53: {  	_ =	shalt  }
0x54: {  	_ =	shalt  }
0x55: {  	_ =	shalt  }
0x56: {  	_ =	shalt  }
0x57: {  	_ =	shalt  }
0x58: {  	_ =	shalt  }
0x59: {  	_ =	shalt  }
0x5a: {  	_ =	shalt  }
0x5b: {  	_ =	shalt  }
0x5c: {  	_ =	shalt  }
0x5d: {  	_ =	shalt  }
0x5e: {  	_ =	shalt  }
0x5f: {  	_ =	shalt  }
0x60: {  	_ =	shalt  }
0x61: {  	_ =	shalt  }
0x62: {  	_ =	shalt  }
0x63: {  	_ =	shalt  }
0x64: {  	_ =	shalt  }
0x65: {  	_ =	shalt  }
0x66: {  	_ =	shalt  }
0x67: {  	_ =	shalt  }
0x68: {  	_ =	shalt  }
0x69: {  	_ =	shalt  }
0x6a: {  	_ =	shalt  }
0x6b: {  	_ =	shalt  }
0x6c: {  	_ =	shalt  }
0x6d: {  	_ =	shalt  }
0x6e: {  	_ =	shalt  }
0x6f: {  	_ =	shalt  }
0x70: {  	_ =	shalt  }
0x71: {  	_ =	shalt  }
0x72: {  	_ =	shalt  }
0x73: {  	_ =	shalt  }
0x74: {  	_ =	shalt  }
0x75: {  	_ =	shalt  }
0x76: {  	_ =	shalt  }
0x77: {  	_ =	shalt  }
0x78: {  	_ =	shalt  }
0x79: {  	_ =	shalt  }
0x7a: {  	_ =	shalt  }
0x7b: {  	_ =	shalt  }
0x7c: {  	_ =	shalt  }
0x7d: {  	_ =	shalt  }
0x7e: {  	_ =	shalt  }
0x7f: {  	_ =	shalt  }
0x80: {  	_ =	shalt  }
0x81: {  	_ =	shalt  }
0x82: {  	_ =	shalt  }
0x83: {  	_ =	shalt  }
0x84: {  	_ =	shalt  }
0x85: {  	_ =	shalt  }
0x86: {  	_ =	shalt  }
0x87: {  	_ =	shalt  }
.Lfunc_end0:
.L_simem_size_0:
called_computation.3_lowered:
.L_overlay_start_0:
0x88: {  	s2 =	sld [smem:$0x3FD9]  }
0x89: {  	s3 =	sld [smem:$0x3FFE];
	_ =	sdelay $0x1  }
0x8a: {  	s1 =	srdreg.scid  }
0x8b: {  	s0 =	sand.u32 $0x1, s1  }
0x8c: {  	s17 =	sshll.u32 s0, $0xA;
	s2 =	sadd.s32 s3, s2  }
0x8d: {  	s2 =	sadd.s32 s2, s17  }
0x8e: {  	[smem:$0x3FBA] =	sst s2  }
0x8f: {  	_ = 	snop  }
0x90: {  	(tm) =	ssettm $0x1  }
0x91: {  	s18 =	sld [smem:$0x3FFB];
	_ =	sdelay $0x3  }
0x92: {  	_ =	strace s18  }
0x93: {  	s2 =	sld [smem:$0x3FFC];
	_ =	sdelay $0x3  }
0x94: {  	_ =	strace s2  }
0x95: {  	s2 =	sld [smem:$0x3FFD];
	_ =	sdelay $0x3  }
0x96: {  	_ =	strace s2  }
0x97: {  	_ =	strace $0x8FFFFFFF  }
0x98: {  	s19 =	sld [smem:$0x3FDB];
	_ =	sdelay $0x1  }
0x99: {  	s20 =	simm.s32 $_scs_section_size  }
0x9a: {  	s4 =	simm.s32 $_size__tile_overlayer_lowered;
	s5 =	simm.s32 $_tile_overlayer_lowered  }
0x9b: {  	s6 =	simm.s32 $0x1BFF;
	s21 =	sshll.u32 s5, $0x1;
	s3 =	sadd.s32 s20, s19  }
0x9c: {  	s22 =	simm.s32 $0x0;
	s4 =	sshll.u32 s4, $0x1;
	s5 =	sadd.s32 s21, s3  }
0x9d: {  	[timem:s22], [sflag:s6] =	dma.local [hbm:s5], s4  }
0x9e: {  	_ =	swait.ge [sflag:s6], s4  }
0x9f: {  	s4 =	ssub.s32 $0x0, s4;
	[sflag:s6] =	ssyncset.done $0x0  }
0xa0: {  	[sflag:s6] =	ssyncadd.s32 s4;
	_ =	sdelay $0x1  }
0xa1: {  	s23 =	simm.s32 $0x1B8B  }
0xa2: {  	_ =	swait.ge [sflag:s23], $0x1  }
0xa3: {  	[sflag:s23] =	ssyncset.done $0x0  }
0xa4: {  	[sflag:s23] =	ssyncadd.s32 $0xFFFFFFFF  }
0xa5: {  	s4 =	sld [smem:$0x0]  }
0xa6: {  	s5 =	sand.u32 $0xFFFFFFFE, s1  }
0xa7: {  	p0 =	sne.s32 s1, s5  }
0xa8: {  	s5 =	sshll.u32 @p0 s5, $0xE  }
0xa9: {  	s5 =	sadd.s32 @p0 $0x11B8D, s5;
	s6 =	sshll.u32 @p0 s4, $0x11  }
0xaa: {  	s5 =	sor.u32 @p0 s6, s5  }
0xab: {  	[sflag:s5] =	ssyncadd.remote.s32 @p0 $0x1;
	_ =	sdelay $0x1  }
0xac: {  	s5 =	simm.s32 @p0 $0x1B8D  }
0xad: {  	_ =	swait.eq @p0 [sflag:s5], $0x1  }
0xae: {  	[sflag:s5] =	ssyncadd.s32 @p0 $0xFFFFFFFF  }
0xaf: {  	s6 =	sshll.u32 @!p0 s1, $0xE  }
0xb0: {  	s6 =	sor.u32 @!p0 $0x4000, s6;
	s5 =	simm.s32 @!p0 $0x1B8D  }
0xb1: {  	s4 =	sshll.u32 @!p0 s4, $0x11;
	s6 =	sadd.s32 @!p0 $0x11B8D, s6;
	_ =	swait.eq @!p0 [sflag:s5], $0x1  }
0xb2: {  	s4 =	sor.u32 @!p0 s4, s6;
	[sflag:s5] =	ssyncadd.s32 @!p0 $0xFFFFFFFF  }
0xb3: {  	s25 =	simm.s32 $0x1B8E;
	s24 =	sld [smem:$0x3FFE];
	[sflag:s4] =	ssyncadd.remote.s32 @!p0 $0x1  }
0xb4: {  	s26 =	simm.s32 $execute0_lowered;
	[smem:$0x3FD2] =	sst s25  }
0xb5: {  	s5 =	sshll.u32 s26, $0x1;
	_ =	strace $0x8000004F;
	[dreg:$0x1] =	wrdreg $0xFFFFFFFF  }
0xb6: {  	s28 =	simm.s32 $_size_execute0_lowered;
	s3 =	sadd.s32 s3, s5;
	[dreg:$0x0] =	wrdreg $0x0  }
0xb7: {  	s5 =	sshll.u32 s28, $0x1;
	[dreg:$0x2] =	wrdreg s3  }
0xb8: {  	[dreg:$0x3] =	wrdreg s5  }
0xb9: {  	[dreg:$0x4] =	wrdreg $0xC0  }
0xba: {  	_ =	task [dreg:s22], $0x5FFFF  }
0xbb: {  	[dreg:$0x1] =	wrdreg $0xFFFFFFFF  }
0xbc: {  	[dreg:$0x0] =	wrdreg $0x60  }
0xbd: {  	[dreg:$0x2] =	wrdreg s24  }
0xbe: {  	[dreg:$0x3] =	wrdreg $0xC  }
0xbf: {  	_ =	task.clear_ibuf [dreg:s22], $0x4FFFF;
	_ =	strace $0x9000004F  }
0xc0: {  	s29 =	simm.s32 $0xC;
	_ =	strace $0x80000051  }
0xc1: {  	_ =	swait.ge [sflag:s29], $0x1  }
0xc2: {  	[sflag:s29] =	ssyncadd.s32 $0xFFFFFFFF  }
0xc3: {  	_ =	strace $0x90000051  }
0xc4: {  	_ =	sfence  }
0xc5: {  	s30 =	sld [smem:$0x0];
	_ =	sdelay $0x2  }
0xc6: {  	s31 =	sshll.u32 s1, $0xD;
	s1 =	sshrl.u32 s1, $0x2  }
0xc7: {  	s4 =	sand.u32 $0x4000, s31;
	s1 =	sadd.s32 s1, s30  }
0xc8: {  	s0 =	sor.u32 s4, s0;
	s1 =	sshll.u32 s1, $0x11  }
0xc9: {  	s0 =	sor.u32 s1, s0  }
0xca: {  	s0 =	sadd.s32 $0x8F2B, s0  }
0xcb: {  	[sflag:s0] =	ssyncadd.remote.s32 $0x1  }
0xcc: {  	_ =	sfence.sel $0xFFFF  }
0xcd: {  	[dreg:$0x0] =	wrdreg $0xFFFFFFFF;
	(pc) =	sbr.abs _section_cstart, $3  }
0xce: {  	[dreg:$0x1] =	wrdreg $0xFFFFFFFF  }
0xcf: {  	_ =	task.clear_ibuf [dreg:s22], $0x2FFFF;
	_ =	strace $0x9FFFFFFF  }
0xd0: {  	(tm) =	ssettm $0x7FFFFFFF  }
0xd1: {  	_ =	shalt  }
tec
execute0_lowered:
.L_overlay_start_1:
0x0: {  	(tag) =	ssettag $0x1  }
0x1: {  	s0 =	srdreg.scid  }
0x2: {  	s1 =	stileid.u32;
	s5 =	rddreg [dreg:$0x0]  }
0x3: {  	s25 =	simm.s32 $0x100;
	s26 =	simm.s32 $0x200;
	s7 =	simm.s32 $0x5  }
0x4: {  	s16 =	simm.s32 $0x1;
	s17 =	simm.s32 $0x3;
	s18 =	simm.s32 $0x2  }
0x5: {  	s28 =	simm.s32 $0x3300;
	s29 =	simm.s32 $0x3B00;
	s30 =	simm.s32 $0x4300  }
0x6: {  	s31 =	simm.s32 $0x4B00;
	s8 =	simm.s32 $0x5B00;
	s9 =	simm.s32 $0x6300  }
0x7: {  	s10 =	simm.s32 $0x6B00;
	s11 =	simm.s32 $0x7300;
	s12 =	simm.s32 $0x7B00  }
0x8: {  	s13 =	simm.s32 $0x8B00;
	s14 =	simm.s32 $0x9300;
	s0 =	sand.u32 $0x1, s0  }
0x9: {  	s15 =	simm.s32 $0x9B00;
	s1 =	sshll.u32 s1, $0x9;
	s2 =	sshll.u32 s0, $0x8  }
0xa: {  	s0 =	ssub.s32 $0x2, s0;
	s1 =	sor.u32 s2, s1;
	s2 =	simm.s32 $0x0  }
0xb: {  	s24 =	sshrl.u32 s0, $0x1;
	s3 =	sshrl.u32 s1, $0x3;
	[smem:$0x7FF] =	sst s2  }
0xc: {  	s3 =	sadd.s32 s3, s5;
	_ =	strace $0x80000050;
	[dreg:$0xb] =	wrdreg s25  }
0xd: {  	s1 =	sshll.u32 s1, $0x5;
	[dreg:$0xc] =	wrdreg s26;
	s4 =	sadd.s32 $0xAC400, s3  }
0xe: {  	s0 =	ssub.s32 s0, s24;
	s19 =	sadd.s32 $0xABC00, s3;
	[dreg:$0x2] =	wrdreg s4  }
0xf: {  	s1 =	sadd.s32 s1, s5;
	s3 =	sadd.s32 $0xAC000, s3;
	[dreg:$0x3] =	wrdreg s19  }
0x10: {  	s24 =	simm.s32 $0x300;
	s20 =	sadd.s32 $0xAC800, s1;
	[dreg:$0x4] =	wrdreg s3  }
0x11: {  	s25 =	simm.s32 $0x2300;
	s21 =	sadd.s32 $0xAD800, s1;
	[dreg:$0x5] =	wrdreg s20  }
0x12: {  	s26 =	simm.s32 $0x2B00;
	s6 =	sadd.s32 $0xEC800, s1;
	[dreg:$0x6] =	wrdreg s21  }
0x13: {  	s22 =	sadd.s32 $0xED800, s1;
	s23 =	sadd.s32 $0x12C800, s1;
	[dreg:$0x7] =	wrdreg s6  }
0x14: {  	s1 =	sadd.s32 $0x12D800, s1;
	s3 =	sadd.s32 $0x3000, s5;
	[dreg:$0x8] =	wrdreg s22  }
0x15: {  	v2 =	vlaneseq.u32;
	s4 =	sadd.s32 $0xB000, s5;
	s5 =	sadd.s32 $0x13000, s5;
	[dreg:$0x9] =	wrdreg s23  }
0x16: {  	vm0 =	vmmov $0xffff;
	v1 =	vshrl.u32 v2, $0x3;
	[dreg:$0xa] =	wrdreg s1;
	s6 =	smax.u32 s0, $0x1;
	s19 =	simm.s32 $0x4  }
0x17: {  	v0 =	vand.u32 $0x7, v2;
	v2 =	vor.u32 $0x8, v2;
	v1 =	vmul.u32 $0x8, v1;
	s22 =	simm.s32 $0x1300;
	s23 =	simm.s32 $0x1B00;
	s0 =	simm.s32 $0x8300  }
.LBB2_1:
0x18: {  	s20 =	rddreg [dreg:$0x2]  }
0x19: {  	[tilespmem:s2], [sflag:$0x5] =	stream.linear.gather [hbm4b:s20+s2], $0x100, $0x38;
	[tilespmem:$0x10300] =	vst v63  }
0x1a: {  	_ =	swait.ge [sflag:s7], $0x100  }
0x1b: {  	s1 =	rddreg [dreg:$0x3];
	[sflag:s7] =	ssyncset.done $0x0  }
0x1c: {  	s21 =	rddreg [dreg:$0xb];
	[sflag:s7] =	ssyncadd.s32 $0xFFFFFF00  }
0x1d: {  	[tilespmem:s21], [sflag:$0x5] =	stream.linear.gather [hbm4b:s1+s2], $0x100, $0x38;
	[tilespmem:$0x10300] =	vst v63  }
0x1e: {  	_ =	swait.ge [sflag:s7], $0x100  }
0x1f: {  	s21 =	rddreg [dreg:$0x4];
	[sflag:s7] =	ssyncset.done $0x0  }
0x20: {  	s1 =	rddreg [dreg:$0xc];
	[sflag:s7] =	ssyncadd.s32 $0xFFFFFF00  }
0x21: {  	[tilespmem:s1], [sflag:$0x5] =	stream.linear.gather [hbm4b:s21+s2], $0x100, $0x38;
	[tilespmem:$0x10300] =	vst v63  }
0x22: {  	_ =	swait.ge [sflag:s7], $0x100  }
0x23: {  	[sflag:s7] =	ssyncset.done $0x0  }
0x24: {  	[sflag:s7] =	ssyncadd.s32 $0xFFFFFF00  }
0x25: {  	v3 =	vld [tilespmem:$0x0];
	_ =	sdelay $0x4  }
0x26: {  	v4 =	vshll.u32 v3, $0x1  }
0x27: {  	v3 =	vand.u32 $0x7, v3;
	v4 =	vand.u32 $0xFFFFFFF0, v4  }
0x28: {  	v3 =	vor.u32 v3, v4  }
0x29: {  	v4 =	vperm.xlane v3, v0;
	_ =	sdelay $0x1  }
0x2a: {  	v3 =	vperm.xlane v3, v2;
	v4 =	vadd.s32 v1, v4;
	_ =	sdelay $0x1  }
0x2b: {  	v3 =	vadd.s32 v1, v3;
	_ =	sdelay $0x2  }
0x2c: {  	[tilespmem:s24], [sflag:$0x1] =	stream.indirect_vreg.gather [hbm4b:s3+s2], $0x80, v4, vm0, $0xb8;
	[tilespmem:$0x10300] =	vst v63  }
0x2d: {  	s21 =	simm.s32 $0xB00  }
0x2e: {  	[tilespmem:s21], [sflag:$0x1] =	stream.indirect_vreg.gather [hbm4b:s3+s2], $0x80, v3, vm0, $0xb8;
	[tilespmem:$0x10300] =	vst v63  }
0x2f: {  	v3 =	vld [tilespmem:$0x10];
	_ =	sdelay $0x4  }
0x30: {  	v17 =	vshll.u32 v3, $0x1  }
0x31: {  	v3 =	vand.u32 $0x7, v3;
	v4 =	vand.u32 $0xFFFFFFF0, v17  }
0x32: {  	v3 =	vor.u32 v3, v4  }
0x33: {  	v4 =	vperm.xlane v3, v0;
	_ =	sdelay $0x1  }
0x34: {  	v3 =	vperm.xlane v3, v2;
	v4 =	vadd.s32 v1, v4;
	_ =	sdelay $0x1  }
0x35: {  	v3 =	vadd.s32 v1, v3;
	_ =	sdelay $0x2  }
0x36: {  	[tilespmem:s22], [sflag:$0x1] =	stream.indirect_vreg.gather [hbm4b:s3+s2], $0x80, v4, vm0, $0xb8;
	[tilespmem:$0x10300] =	vst v63  }
0x37: {  	_ = 	snop  }
0x38: {  	[tilespmem:s23], [sflag:$0x1] =	stream.indirect_vreg.gather [hbm4b:s3+s2], $0x80, v3, vm0, $0xb8;
	[tilespmem:$0x10300] =	vst v63  }
0x39: {  	v3 =	vld [tilespmem:$0x20];
	_ =	sdelay $0x4  }
0x3a: {  	v18 =	vshll.u32 v3, $0x1  }
0x3b: {  	v3 =	vand.u32 $0x7, v3;
	v4 =	vand.u32 $0xFFFFFFF0, v18  }
0x3c: {  	v3 =	vor.u32 v3, v4  }
0x3d: {  	v4 =	vperm.xlane v3, v0;
	_ =	sdelay $0x1  }
0x3e: {  	v3 =	vperm.xlane v3, v2;
	v4 =	vadd.s32 v1, v4;
	_ =	sdelay $0x1  }
0x3f: {  	v3 =	vadd.s32 v1, v3;
	_ =	sdelay $0x2  }
0x40: {  	[tilespmem:s25], [sflag:$0x1] =	stream.indirect_vreg.gather [hbm4b:s3+s2], $0x80, v4, vm0, $0xb8;
	[tilespmem:$0x10300] =	vst v63  }
0x41: {  	_ = 	snop  }
0x42: {  	[tilespmem:s26], [sflag:$0x1] =	stream.indirect_vreg.gather [hbm4b:s3+s2], $0x80, v3, vm0, $0xb8;
	[tilespmem:$0x10300] =	vst v63  }
0x43: {  	v3 =	vld [tilespmem:$0x30];
	_ =	sdelay $0x4  }
0x44: {  	v19 =	vshll.u32 v3, $0x1  }
0x45: {  	v3 =	vand.u32 $0x7, v3;
	v4 =	vand.u32 $0xFFFFFFF0, v19  }
0x46: {  	v3 =	vor.u32 v3, v4  }
0x47: {  	v4 =	vperm.xlane v3, v0;
	_ =	sdelay $0x1  }
0x48: {  	v3 =	vperm.xlane v3, v2;
	v4 =	vadd.s32 v1, v4;
	_ =	sdelay $0x1  }
0x49: {  	v3 =	vadd.s32 v1, v3;
	_ =	sdelay $0x2  }
0x4a: {  	[tilespmem:s28], [sflag:$0x1] =	stream.indirect_vreg.gather [hbm4b:s3+s2], $0x80, v4, vm0, $0xb8;
	[tilespmem:$0x10300] =	vst v63  }
0x4b: {  	_ = 	snop  }
0x4c: {  	[tilespmem:s29], [sflag:$0x1] =	stream.indirect_vreg.gather [hbm4b:s3+s2], $0x80, v3, vm0, $0xb8;
	[tilespmem:$0x10300] =	vst v63  }
0x4d: {  	v3 =	vld [tilespmem:$0x40];
	_ =	sdelay $0x4  }
0x4e: {  	v20 =	vshll.u32 v3, $0x1  }
0x4f: {  	v3 =	vand.u32 $0x7, v3;
	v4 =	vand.u32 $0xFFFFFFF0, v20  }
0x50: {  	v3 =	vor.u32 v3, v4  }
0x51: {  	v4 =	vperm.xlane v3, v0;
	_ =	sdelay $0x1  }
0x52: {  	v3 =	vperm.xlane v3, v2;
	v4 =	vadd.s32 v1, v4;
	_ =	sdelay $0x1  }
0x53: {  	v3 =	vadd.s32 v1, v3;
	_ =	sdelay $0x2  }
0x54: {  	[tilespmem:s30], [sflag:$0x1] =	stream.indirect_vreg.gather [hbm4b:s3+s2], $0x80, v4, vm0, $0xb8;
	[tilespmem:$0x10300] =	vst v63  }
0x55: {  	_ = 	snop  }
0x56: {  	[tilespmem:s31], [sflag:$0x1] =	stream.indirect_vreg.gather [hbm4b:s3+s2], $0x80, v3, vm0, $0xb8;
	[tilespmem:$0x10300] =	vst v63  }
0x57: {  	v3 =	vld [tilespmem:$0x50];
	_ =	sdelay $0x4  }
0x58: {  	v21 =	vshll.u32 v3, $0x1  }
0x59: {  	v3 =	vand.u32 $0x7, v3;
	v4 =	vand.u32 $0xFFFFFFF0, v21  }
0x5a: {  	v3 =	vor.u32 v3, v4  }
0x5b: {  	v4 =	vperm.xlane v3, v0;
	_ =	sdelay $0x1  }
0x5c: {  	v3 =	vperm.xlane v3, v2;
	v4 =	vadd.s32 v1, v4;
	_ =	sdelay $0x1  }
0x5d: {  	v3 =	vadd.s32 v1, v3;
	_ =	sdelay $0x1  }
0x5e: {  	s1 =	simm.s32 $0x5300  }
0x5f: {  	[tilespmem:s1], [sflag:$0x1] =	stream.indirect_vreg.gather [hbm4b:s3+s2], $0x80, v4, vm0, $0xb8;
	[tilespmem:$0x10300] =	vst v63  }
0x60: {  	_ = 	snop  }
0x61: {  	[tilespmem:s8], [sflag:$0x1] =	stream.indirect_vreg.gather [hbm4b:s3+s2], $0x80, v3, vm0, $0xb8;
	[tilespmem:$0x10300] =	vst v63  }
0x62: {  	v3 =	vld [tilespmem:$0x60];
	_ =	sdelay $0x4  }
0x63: {  	v22 =	vshll.u32 v3, $0x1  }
0x64: {  	v3 =	vand.u32 $0x7, v3;
	v4 =	vand.u32 $0xFFFFFFF0, v22  }
0x65: {  	v3 =	vor.u32 v3, v4  }
0x66: {  	v4 =	vperm.xlane v3, v0;
	_ =	sdelay $0x1  }
0x67: {  	v3 =	vperm.xlane v3, v2;
	v4 =	vadd.s32 v1, v4;
	_ =	sdelay $0x1  }
0x68: {  	v3 =	vadd.s32 v1, v3;
	_ =	sdelay $0x2  }
0x69: {  	[tilespmem:s9], [sflag:$0x1] =	stream.indirect_vreg.gather [hbm4b:s3+s2], $0x80, v4, vm0, $0xb8;
	[tilespmem:$0x10300] =	vst v63  }
0x6a: {  	_ = 	snop  }
0x6b: {  	[tilespmem:s10], [sflag:$0x1] =	stream.indirect_vreg.gather [hbm4b:s3+s2], $0x80, v3, vm0, $0xb8;
	[tilespmem:$0x10300] =	vst v63  }
0x6c: {  	v3 =	vld [tilespmem:$0x70];
	_ =	sdelay $0x4  }
0x6d: {  	v23 =	vshll.u32 v3, $0x1  }
0x6e: {  	v3 =	vand.u32 $0x7, v3;
	v4 =	vand.u32 $0xFFFFFFF0, v23  }
0x6f: {  	v3 =	vor.u32 v3, v4  }
0x70: {  	v4 =	vperm.xlane v3, v0;
	_ =	sdelay $0x1  }
0x71: {  	v3 =	vperm.xlane v3, v2;
	v4 =	vadd.s32 v1, v4;
	_ =	sdelay $0x1  }
0x72: {  	v3 =	vadd.s32 v1, v3;
	_ =	sdelay $0x2  }
0x73: {  	[tilespmem:s11], [sflag:$0x1] =	stream.indirect_vreg.gather [hbm4b:s3+s2], $0x80, v4, vm0, $0xb8;
	[tilespmem:$0x10300] =	vst v63  }
0x74: {  	_ = 	snop  }
0x75: {  	[tilespmem:s12], [sflag:$0x1] =	stream.indirect_vreg.gather [hbm4b:s3+s2], $0x80, v3, vm0, $0xb8;
	[tilespmem:$0x10300] =	vst v63  }
0x76: {  	v3 =	vld [tilespmem:$0x80];
	_ =	sdelay $0x4  }
0x77: {  	v24 =	vshll.u32 v3, $0x1  }
0x78: {  	v3 =	vand.u32 $0x7, v3;
	v4 =	vand.u32 $0xFFFFFFF0, v24  }
0x79: {  	v3 =	vor.u32 v3, v4  }
0x7a: {  	v4 =	vperm.xlane v3, v0;
	_ =	sdelay $0x1  }
0x7b: {  	v3 =	vperm.xlane v3, v2;
	v4 =	vadd.s32 v1, v4;
	_ =	sdelay $0x1  }
0x7c: {  	v3 =	vadd.s32 v1, v3;
	_ =	sdelay $0x2  }
0x7d: {  	[tilespmem:s0], [sflag:$0x2] =	stream.indirect_vreg.gather [hbm4b:s3+s2], $0x80, v4, vm0, $0xb8;
	[tilespmem:$0x10300] =	vst v63  }
0x7e: {  	_ = 	snop  }
0x7f: {  	[tilespmem:s13], [sflag:$0x2] =	stream.indirect_vreg.gather [hbm4b:s3+s2], $0x80, v3, vm0, $0xb8;
	[tilespmem:$0x10300] =	vst v63  }
0x80: {  	v3 =	vld [tilespmem:$0x90];
	_ =	sdelay $0x4  }
0x81: {  	v25 =	vshll.u32 v3, $0x1  }
0x82: {  	v3 =	vand.u32 $0x7, v3;
	v4 =	vand.u32 $0xFFFFFFF0, v25  }
0x83: {  	v3 =	vor.u32 v3, v4  }
0x84: {  	v4 =	vperm.xlane v3, v0;
	_ =	sdelay $0x1  }
0x85: {  	v3 =	vperm.xlane v3, v2;
	v4 =	vadd.s32 v1, v4;
	_ =	sdelay $0x1  }
0x86: {  	v3 =	vadd.s32 v1, v3;
	_ =	sdelay $0x2  }
0x87: {  	[tilespmem:s14], [sflag:$0x2] =	stream.indirect_vreg.gather [hbm4b:s3+s2], $0x80, v4, vm0, $0xb8;
	[tilespmem:$0x10300] =	vst v63  }
0x88: {  	_ = 	snop  }
0x89: {  	[tilespmem:s15], [sflag:$0x2] =	stream.indirect_vreg.gather [hbm4b:s3+s2], $0x80, v3, vm0, $0xb8;
	[tilespmem:$0x10300] =	vst v63  }
0x8a: {  	v3 =	vld [tilespmem:$0xA0];
	_ =	sdelay $0x4  }
0x8b: {  	v26 =	vshll.u32 v3, $0x1  }
0x8c: {  	v3 =	vand.u32 $0x7, v3;
	v4 =	vand.u32 $0xFFFFFFF0, v26  }
0x8d: {  	v3 =	vor.u32 v3, v4  }
0x8e: {  	v4 =	vperm.xlane v3, v0;
	_ =	sdelay $0x1  }
0x8f: {  	v3 =	vperm.xlane v3, v2;
	v4 =	vadd.s32 v1, v4;
	_ =	sdelay $0x1  }
0x90: {  	v3 =	vadd.s32 v1, v3;
	_ =	sdelay $0x1  }
0x91: {  	s20 =	simm.s32 $0xA300  }
0x92: {  	[tilespmem:s20], [sflag:$0x2] =	stream.indirect_vreg.gather [hbm4b:s3+s2], $0x80, v4, vm0, $0xb8;
	[tilespmem:$0x10300] =	vst v63  }
0x93: {  	s20 =	simm.s32 $0xAB00  }
0x94: {  	[tilespmem:s20], [sflag:$0x2] =	stream.indirect_vreg.gather [hbm4b:s3+s2], $0x80, v3, vm0, $0xb8;
	[tilespmem:$0x10300] =	vst v63  }
0x95: {  	v3 =	vld [tilespmem:$0xB0];
	_ =	sdelay $0x4  }
0x96: {  	v27 =	vshll.u32 v3, $0x1  }
0x97: {  	v3 =	vand.u32 $0x7, v3;
	v4 =	vand.u32 $0xFFFFFFF0, v27  }
0x98: {  	v3 =	vor.u32 v3, v4  }
0x99: {  	v4 =	vperm.xlane v3, v0;
	_ =	sdelay $0x1  }
0x9a: {  	v3 =	vperm.xlane v3, v2;
	v4 =	vadd.s32 v1, v4;
	_ =	sdelay $0x1  }
0x9b: {  	v3 =	vadd.s32 v1, v3;
	_ =	sdelay $0x1  }
0x9c: {  	s20 =	simm.s32 $0xB300  }
0x9d: {  	[tilespmem:s20], [sflag:$0x2] =	stream.indirect_vreg.gather [hbm4b:s3+s2], $0x80, v4, vm0, $0xb8;
	[tilespmem:$0x10300] =	vst v63  }
0x9e: {  	s20 =	simm.s32 $0xBB00  }
0x9f: {  	[tilespmem:s20], [sflag:$0x2] =	stream.indirect_vreg.gather [hbm4b:s3+s2], $0x80, v3, vm0, $0xb8;
	[tilespmem:$0x10300] =	vst v63  }
0xa0: {  	v3 =	vld [tilespmem:$0xC0];
	_ =	sdelay $0x4  }
0xa1: {  	v28 =	vshll.u32 v3, $0x1  }
0xa2: {  	v3 =	vand.u32 $0x7, v3;
	v4 =	vand.u32 $0xFFFFFFF0, v28  }
0xa3: {  	v3 =	vor.u32 v3, v4  }
0xa4: {  	v4 =	vperm.xlane v3, v0;
	_ =	sdelay $0x1  }
0xa5: {  	v3 =	vperm.xlane v3, v2;
	v4 =	vadd.s32 v1, v4;
	_ =	sdelay $0x1  }
0xa6: {  	v3 =	vadd.s32 v1, v3;
	_ =	sdelay $0x1  }
0xa7: {  	s20 =	simm.s32 $0xC300  }
0xa8: {  	[tilespmem:s20], [sflag:$0x2] =	stream.indirect_vreg.gather [hbm4b:s3+s2], $0x80, v4, vm0, $0xb8;
	[tilespmem:$0x10300] =	vst v63  }
0xa9: {  	s20 =	simm.s32 $0xCB00  }
0xaa: {  	[tilespmem:s20], [sflag:$0x2] =	stream.indirect_vreg.gather [hbm4b:s3+s2], $0x80, v3, vm0, $0xb8;
	[tilespmem:$0x10300] =	vst v63  }
0xab: {  	v3 =	vld [tilespmem:$0xD0];
	_ =	sdelay $0x4  }
0xac: {  	v29 =	vshll.u32 v3, $0x1  }
0xad: {  	v3 =	vand.u32 $0x7, v3;
	v4 =	vand.u32 $0xFFFFFFF0, v29  }
0xae: {  	v3 =	vor.u32 v3, v4  }
0xaf: {  	v4 =	vperm.xlane v3, v0;
	_ =	sdelay $0x1  }
0xb0: {  	v3 =	vperm.xlane v3, v2;
	v4 =	vadd.s32 v1, v4;
	_ =	sdelay $0x1  }
0xb1: {  	v3 =	vadd.s32 v1, v3;
	_ =	sdelay $0x1  }
0xb2: {  	s20 =	simm.s32 $0xD300  }
0xb3: {  	[tilespmem:s20], [sflag:$0x2] =	stream.indirect_vreg.gather [hbm4b:s3+s2], $0x80, v4, vm0, $0xb8;
	[tilespmem:$0x10300] =	vst v63  }
0xb4: {  	s20 =	simm.s32 $0xDB00  }
0xb5: {  	[tilespmem:s20], [sflag:$0x2] =	stream.indirect_vreg.gather [hbm4b:s3+s2], $0x80, v3, vm0, $0xb8;
	[tilespmem:$0x10300] =	vst v63  }
0xb6: {  	v3 =	vld [tilespmem:$0xE0];
	_ =	sdelay $0x4  }
0xb7: {  	v30 =	vshll.u32 v3, $0x1  }
0xb8: {  	v3 =	vand.u32 $0x7, v3;
	v4 =	vand.u32 $0xFFFFFFF0, v30  }
0xb9: {  	v3 =	vor.u32 v3, v4  }
0xba: {  	v4 =	vperm.xlane v3, v0;
	_ =	sdelay $0x1  }
0xbb: {  	v3 =	vperm.xlane v3, v2;
	v4 =	vadd.s32 v1, v4;
	_ =	sdelay $0x1  }
0xbc: {  	v3 =	vadd.s32 v1, v3;
	_ =	sdelay $0x1  }
0xbd: {  	s20 =	simm.s32 $0xE300  }
0xbe: {  	[tilespmem:s20], [sflag:$0x2] =	stream.indirect_vreg.gather [hbm4b:s3+s2], $0x80, v4, vm0, $0xb8;
	[tilespmem:$0x10300] =	vst v63  }
0xbf: {  	s20 =	simm.s32 $0xEB00  }
0xc0: {  	[tilespmem:s20], [sflag:$0x2] =	stream.indirect_vreg.gather [hbm4b:s3+s2], $0x80, v3, vm0, $0xb8;
	[tilespmem:$0x10300] =	vst v63  }
0xc1: {  	v3 =	vld [tilespmem:$0xF0];
	_ =	sdelay $0x4  }
0xc2: {  	v31 =	vshll.u32 v3, $0x1  }
0xc3: {  	v3 =	vand.u32 $0x7, v3;
	v4 =	vand.u32 $0xFFFFFFF0, v31  }
0xc4: {  	v3 =	vor.u32 v3, v4  }
0xc5: {  	v4 =	vperm.xlane v3, v0;
	_ =	sdelay $0x1  }
0xc6: {  	v3 =	vperm.xlane v3, v2;
	v4 =	vadd.s32 v1, v4;
	_ =	sdelay $0x1  }
0xc7: {  	v3 =	vadd.s32 v1, v3;
	_ =	sdelay $0x1  }
0xc8: {  	s20 =	simm.s32 $0xF300  }
0xc9: {  	[tilespmem:s20], [sflag:$0x2] =	stream.indirect_vreg.gather [hbm4b:s3+s2], $0x80, v4, vm0, $0xb8;
	[tilespmem:$0x10300] =	vst v63  }
0xca: {  	s20 =	simm.s32 $0xFB00  }
0xcb: {  	[tilespmem:s20], [sflag:$0x2] =	stream.indirect_vreg.gather [hbm4b:s3+s2], $0x80, v3, vm0, $0xb8;
	[tilespmem:$0x10300] =	vst v63  }
0xcc: {  	_ =	swait.ge [sflag:s16], $0x8000  }
0xcd: {  	[sflag:s16] =	ssyncset.done $0x0  }
0xce: {  	s20 =	rddreg [dreg:$0x5];
	[sflag:s16] =	ssyncadd.s32 $0xFFFF8000  }
0xcf: {  	[hbm4b:s20+s2] =	stream.linear.scatter [tilespmem:s24], [sflag:$0x3], $0x8000, $0x38;
	[tilespmem:$0x10300] =	vst v63  }
0xd0: {  	_ =	swait.ge [sflag:s17], $0x8000  }
0xd1: {  	[sflag:s17] =	ssyncset.done $0x0  }
0xd2: {  	[sflag:s17] =	ssyncadd.s32 $0xFFFF8000  }
0xd3: {  	v3 =	vld [tilespmem:$0x100];
	_ =	sdelay $0x4  }
0xd4: {  	v32 =	vshll.u32 v3, $0x1  }
0xd5: {  	v3 =	vand.u32 $0x7, v3;
	v4 =	vand.u32 $0xFFFFFFF0, v32  }
0xd6: {  	v3 =	vor.u32 v3, v4  }
0xd7: {  	v4 =	vperm.xlane v3, v0;
	_ =	sdelay $0x1  }
0xd8: {  	v3 =	vperm.xlane v3, v2;
	v4 =	vadd.s32 v1, v4;
	_ =	sdelay $0x1  }
0xd9: {  	v3 =	vadd.s32 v1, v3;
	_ =	sdelay $0x2  }
0xda: {  	[tilespmem:s24], [sflag:$0x1] =	stream.indirect_vreg.gather [hbm4b:s4+s2], $0x80, v4, vm0, $0xb8;
	[tilespmem:$0x10300] =	vst v63  }
0xdb: {  	_ = 	snop  }
0xdc: {  	[tilespmem:s21], [sflag:$0x1] =	stream.indirect_vreg.gather [hbm4b:s4+s2], $0x80, v3, vm0, $0xb8;
	[tilespmem:$0x10300] =	vst v63  }
0xdd: {  	v3 =	vld [tilespmem:$0x110];
	_ =	sdelay $0x4  }
0xde: {  	v33 =	vshll.u32 v3, $0x1  }
0xdf: {  	v3 =	vand.u32 $0x7, v3;
	v4 =	vand.u32 $0xFFFFFFF0, v33  }
0xe0: {  	v3 =	vor.u32 v3, v4  }
0xe1: {  	v4 =	vperm.xlane v3, v0;
	_ =	sdelay $0x1  }
0xe2: {  	v3 =	vperm.xlane v3, v2;
	v4 =	vadd.s32 v1, v4;
	_ =	sdelay $0x1  }
0xe3: {  	v3 =	vadd.s32 v1, v3;
	_ =	sdelay $0x2  }
0xe4: {  	[tilespmem:s22], [sflag:$0x1] =	stream.indirect_vreg.gather [hbm4b:s4+s2], $0x80, v4, vm0, $0xb8;
	[tilespmem:$0x10300] =	vst v63  }
0xe5: {  	_ = 	snop  }
0xe6: {  	[tilespmem:s23], [sflag:$0x1] =	stream.indirect_vreg.gather [hbm4b:s4+s2], $0x80, v3, vm0, $0xb8;
	[tilespmem:$0x10300] =	vst v63  }
0xe7: {  	v3 =	vld [tilespmem:$0x120];
	_ =	sdelay $0x4  }
0xe8: {  	v34 =	vshll.u32 v3, $0x1  }
0xe9: {  	v3 =	vand.u32 $0x7, v3;
	v4 =	vand.u32 $0xFFFFFFF0, v34  }
0xea: {  	v3 =	vor.u32 v3, v4  }
0xeb: {  	v4 =	vperm.xlane v3, v0;
	_ =	sdelay $0x1  }
0xec: {  	v3 =	vperm.xlane v3, v2;
	v4 =	vadd.s32 v1, v4;
	_ =	sdelay $0x1  }
0xed: {  	v3 =	vadd.s32 v1, v3;
	_ =	sdelay $0x2  }
0xee: {  	[tilespmem:s25], [sflag:$0x1] =	stream.indirect_vreg.gather [hbm4b:s4+s2], $0x80, v4, vm0, $0xb8;
	[tilespmem:$0x10300] =	vst v63  }
0xef: {  	_ = 	snop  }
0xf0: {  	[tilespmem:s26], [sflag:$0x1] =	stream.indirect_vreg.gather [hbm4b:s4+s2], $0x80, v3, vm0, $0xb8;
	[tilespmem:$0x10300] =	vst v63  }
0xf1: {  	v3 =	vld [tilespmem:$0x130];
	_ =	sdelay $0x4  }
0xf2: {  	v35 =	vshll.u32 v3, $0x1  }
0xf3: {  	v3 =	vand.u32 $0x7, v3;
	v4 =	vand.u32 $0xFFFFFFF0, v35  }
0xf4: {  	v3 =	vor.u32 v3, v4  }
0xf5: {  	v4 =	vperm.xlane v3, v0;
	_ =	sdelay $0x1  }
0xf6: {  	v3 =	vperm.xlane v3, v2;
	v4 =	vadd.s32 v1, v4;
	_ =	sdelay $0x1  }
0xf7: {  	v3 =	vadd.s32 v1, v3;
	_ =	sdelay $0x2  }
0xf8: {  	[tilespmem:s28], [sflag:$0x1] =	stream.indirect_vreg.gather [hbm4b:s4+s2], $0x80, v4, vm0, $0xb8;
	[tilespmem:$0x10300] =	vst v63  }
0xf9: {  	_ = 	snop  }
0xfa: {  	[tilespmem:s29], [sflag:$0x1] =	stream.indirect_vreg.gather [hbm4b:s4+s2], $0x80, v3, vm0, $0xb8;
	[tilespmem:$0x10300] =	vst v63  }
0xfb: {  	v3 =	vld [tilespmem:$0x140];
	_ =	sdelay $0x4  }
0xfc: {  	v36 =	vshll.u32 v3, $0x1  }
0xfd: {  	v3 =	vand.u32 $0x7, v3;
	v4 =	vand.u32 $0xFFFFFFF0, v36  }
0xfe: {  	v3 =	vor.u32 v3, v4  }
0xff: {  	v4 =	vperm.xlane v3, v0;
	_ =	sdelay $0x1  }
0x100: {  	v3 =	vperm.xlane v3, v2;
	v4 =	vadd.s32 v1, v4;
	_ =	sdelay $0x1  }
0x101: {  	v3 =	vadd.s32 v1, v3;
	_ =	sdelay $0x2  }
0x102: {  	[tilespmem:s30], [sflag:$0x1] =	stream.indirect_vreg.gather [hbm4b:s4+s2], $0x80, v4, vm0, $0xb8;
	[tilespmem:$0x10300] =	vst v63  }
0x103: {  	_ = 	snop  }
0x104: {  	[tilespmem:s31], [sflag:$0x1] =	stream.indirect_vreg.gather [hbm4b:s4+s2], $0x80, v3, vm0, $0xb8;
	[tilespmem:$0x10300] =	vst v63  }
0x105: {  	v3 =	vld [tilespmem:$0x150];
	_ =	sdelay $0x4  }
0x106: {  	v37 =	vshll.u32 v3, $0x1  }
0x107: {  	v3 =	vand.u32 $0x7, v3;
	v4 =	vand.u32 $0xFFFFFFF0, v37  }
0x108: {  	v3 =	vor.u32 v3, v4  }
0x109: {  	v4 =	vperm.xlane v3, v0;
	_ =	sdelay $0x1  }
0x10a: {  	v3 =	vperm.xlane v3, v2;
	v4 =	vadd.s32 v1, v4;
	_ =	sdelay $0x1  }
0x10b: {  	v3 =	vadd.s32 v1, v3;
	_ =	sdelay $0x2  }
0x10c: {  	[tilespmem:s1], [sflag:$0x1] =	stream.indirect_vreg.gather [hbm4b:s4+s2], $0x80, v4, vm0, $0xb8;
	[tilespmem:$0x10300] =	vst v63  }
0x10d: {  	_ = 	snop  }
0x10e: {  	[tilespmem:s8], [sflag:$0x1] =	stream.indirect_vreg.gather [hbm4b:s4+s2], $0x80, v3, vm0, $0xb8;
	[tilespmem:$0x10300] =	vst v63  }
0x10f: {  	v3 =	vld [tilespmem:$0x160];
	_ =	sdelay $0x4  }
0x110: {  	v38 =	vshll.u32 v3, $0x1  }
0x111: {  	v3 =	vand.u32 $0x7, v3;
	v4 =	vand.u32 $0xFFFFFFF0, v38  }
0x112: {  	v3 =	vor.u32 v3, v4  }
0x113: {  	v4 =	vperm.xlane v3, v0;
	_ =	sdelay $0x1  }
0x114: {  	v3 =	vperm.xlane v3, v2;
	v4 =	vadd.s32 v1, v4;
	_ =	sdelay $0x1  }
0x115: {  	v3 =	vadd.s32 v1, v3;
	_ =	sdelay $0x2  }
0x116: {  	[tilespmem:s9], [sflag:$0x1] =	stream.indirect_vreg.gather [hbm4b:s4+s2], $0x80, v4, vm0, $0xb8;
	[tilespmem:$0x10300] =	vst v63  }
0x117: {  	_ = 	snop  }
0x118: {  	[tilespmem:s10], [sflag:$0x1] =	stream.indirect_vreg.gather [hbm4b:s4+s2], $0x80, v3, vm0, $0xb8;
	[tilespmem:$0x10300] =	vst v63  }
0x119: {  	v3 =	vld [tilespmem:$0x170];
	_ =	sdelay $0x4  }
0x11a: {  	v39 =	vshll.u32 v3, $0x1  }
0x11b: {  	v3 =	vand.u32 $0x7, v3;
	v4 =	vand.u32 $0xFFFFFFF0, v39  }
0x11c: {  	v3 =	vor.u32 v3, v4  }
0x11d: {  	v4 =	vperm.xlane v3, v0;
	_ =	sdelay $0x1  }
0x11e: {  	v3 =	vperm.xlane v3, v2;
	v4 =	vadd.s32 v1, v4;
	_ =	sdelay $0x1  }
0x11f: {  	v3 =	vadd.s32 v1, v3;
	_ =	sdelay $0x2  }
0x120: {  	[tilespmem:s11], [sflag:$0x1] =	stream.indirect_vreg.gather [hbm4b:s4+s2], $0x80, v4, vm0, $0xb8;
	[tilespmem:$0x10300] =	vst v63  }
0x121: {  	_ = 	snop  }
0x122: {  	[tilespmem:s12], [sflag:$0x1] =	stream.indirect_vreg.gather [hbm4b:s4+s2], $0x80, v3, vm0, $0xb8;
	[tilespmem:$0x10300] =	vst v63  }
0x123: {  	_ =	swait.ge [sflag:s18], $0x8000  }
0x124: {  	[sflag:s18] =	ssyncset.done $0x0  }
0x125: {  	s20 =	rddreg [dreg:$0x6];
	[sflag:s18] =	ssyncadd.s32 $0xFFFF8000  }
0x126: {  	[hbm4b:s20+s2] =	stream.linear.scatter [tilespmem:s0], [sflag:$0x4], $0x8000, $0x38;
	[tilespmem:$0x10300] =	vst v63  }
0x127: {  	_ =	swait.ge [sflag:s19], $0x8000  }
0x128: {  	[sflag:s19] =	ssyncset.done $0x0  }
0x129: {  	[sflag:s19] =	ssyncadd.s32 $0xFFFF8000  }
0x12a: {  	v3 =	vld [tilespmem:$0x180];
	_ =	sdelay $0x4  }
0x12b: {  	v40 =	vshll.u32 v3, $0x1  }
0x12c: {  	v3 =	vand.u32 $0x7, v3;
	v4 =	vand.u32 $0xFFFFFFF0, v40  }
0x12d: {  	v3 =	vor.u32 v3, v4  }
0x12e: {  	v4 =	vperm.xlane v3, v0;
	_ =	sdelay $0x1  }
0x12f: {  	v3 =	vperm.xlane v3, v2;
	v4 =	vadd.s32 v1, v4;
	_ =	sdelay $0x1  }
0x130: {  	v3 =	vadd.s32 v1, v3;
	_ =	sdelay $0x2  }
0x131: {  	[tilespmem:s0], [sflag:$0x2] =	stream.indirect_vreg.gather [hbm4b:s4+s2], $0x80, v4, vm0, $0xb8;
	[tilespmem:$0x10300] =	vst v63  }
0x132: {  	_ = 	snop  }
0x133: {  	[tilespmem:s13], [sflag:$0x2] =	stream.indirect_vreg.gather [hbm4b:s4+s2], $0x80, v3, vm0, $0xb8;
	[tilespmem:$0x10300] =	vst v63  }
0x134: {  	v3 =	vld [tilespmem:$0x190];
	_ =	sdelay $0x4  }
0x135: {  	v41 =	vshll.u32 v3, $0x1  }
0x136: {  	v3 =	vand.u32 $0x7, v3;
	v4 =	vand.u32 $0xFFFFFFF0, v41  }
0x137: {  	v3 =	vor.u32 v3, v4  }
0x138: {  	v4 =	vperm.xlane v3, v0;
	_ =	sdelay $0x1  }
0x139: {  	v3 =	vperm.xlane v3, v2;
	v4 =	vadd.s32 v1, v4;
	_ =	sdelay $0x1  }
0x13a: {  	v3 =	vadd.s32 v1, v3;
	_ =	sdelay $0x2  }
0x13b: {  	[tilespmem:s14], [sflag:$0x2] =	stream.indirect_vreg.gather [hbm4b:s4+s2], $0x80, v4, vm0, $0xb8;
	[tilespmem:$0x10300] =	vst v63  }
0x13c: {  	_ = 	snop  }
0x13d: {  	[tilespmem:s15], [sflag:$0x2] =	stream.indirect_vreg.gather [hbm4b:s4+s2], $0x80, v3, vm0, $0xb8;
	[tilespmem:$0x10300] =	vst v63  }
0x13e: {  	v3 =	vld [tilespmem:$0x1A0];
	_ =	sdelay $0x4  }
0x13f: {  	v42 =	vshll.u32 v3, $0x1  }
0x140: {  	v3 =	vand.u32 $0x7, v3;
	v4 =	vand.u32 $0xFFFFFFF0, v42  }
0x141: {  	v3 =	vor.u32 v3, v4  }
0x142: {  	v4 =	vperm.xlane v3, v0;
	_ =	sdelay $0x1  }
0x143: {  	v3 =	vperm.xlane v3, v2;
	v4 =	vadd.s32 v1, v4;
	_ =	sdelay $0x1  }
0x144: {  	v3 =	vadd.s32 v1, v3;
	_ =	sdelay $0x1  }
0x145: {  	s20 =	simm.s32 $0xA300  }
0x146: {  	[tilespmem:s20], [sflag:$0x2] =	stream.indirect_vreg.gather [hbm4b:s4+s2], $0x80, v4, vm0, $0xb8;
	[tilespmem:$0x10300] =	vst v63  }
0x147: {  	s20 =	simm.s32 $0xAB00  }
0x148: {  	[tilespmem:s20], [sflag:$0x2] =	stream.indirect_vreg.gather [hbm4b:s4+s2], $0x80, v3, vm0, $0xb8;
	[tilespmem:$0x10300] =	vst v63  }
0x149: {  	v3 =	vld [tilespmem:$0x1B0];
	_ =	sdelay $0x4  }
0x14a: {  	v43 =	vshll.u32 v3, $0x1  }
0x14b: {  	v3 =	vand.u32 $0x7, v3;
	v4 =	vand.u32 $0xFFFFFFF0, v43  }
0x14c: {  	v3 =	vor.u32 v3, v4  }
0x14d: {  	v4 =	vperm.xlane v3, v0;
	_ =	sdelay $0x1  }
0x14e: {  	v3 =	vperm.xlane v3, v2;
	v4 =	vadd.s32 v1, v4;
	_ =	sdelay $0x1  }
0x14f: {  	v3 =	vadd.s32 v1, v3;
	_ =	sdelay $0x1  }
0x150: {  	s20 =	simm.s32 $0xB300  }
0x151: {  	[tilespmem:s20], [sflag:$0x2] =	stream.indirect_vreg.gather [hbm4b:s4+s2], $0x80, v4, vm0, $0xb8;
	[tilespmem:$0x10300] =	vst v63  }
0x152: {  	s20 =	simm.s32 $0xBB00  }
0x153: {  	[tilespmem:s20], [sflag:$0x2] =	stream.indirect_vreg.gather [hbm4b:s4+s2], $0x80, v3, vm0, $0xb8;
	[tilespmem:$0x10300] =	vst v63  }
0x154: {  	v3 =	vld [tilespmem:$0x1C0];
	_ =	sdelay $0x4  }
0x155: {  	v44 =	vshll.u32 v3, $0x1  }
0x156: {  	v3 =	vand.u32 $0x7, v3;
	v4 =	vand.u32 $0xFFFFFFF0, v44  }
0x157: {  	v3 =	vor.u32 v3, v4  }
0x158: {  	v4 =	vperm.xlane v3, v0;
	_ =	sdelay $0x1  }
0x159: {  	v3 =	vperm.xlane v3, v2;
	v4 =	vadd.s32 v1, v4;
	_ =	sdelay $0x1  }
0x15a: {  	v3 =	vadd.s32 v1, v3;
	_ =	sdelay $0x1  }
0x15b: {  	s20 =	simm.s32 $0xC300  }
0x15c: {  	[tilespmem:s20], [sflag:$0x2] =	stream.indirect_vreg.gather [hbm4b:s4+s2], $0x80, v4, vm0, $0xb8;
	[tilespmem:$0x10300] =	vst v63  }
0x15d: {  	s20 =	simm.s32 $0xCB00  }
0x15e: {  	[tilespmem:s20], [sflag:$0x2] =	stream.indirect_vreg.gather [hbm4b:s4+s2], $0x80, v3, vm0, $0xb8;
	[tilespmem:$0x10300] =	vst v63  }
0x15f: {  	v3 =	vld [tilespmem:$0x1D0];
	_ =	sdelay $0x4  }
0x160: {  	v45 =	vshll.u32 v3, $0x1  }
0x161: {  	v3 =	vand.u32 $0x7, v3;
	v4 =	vand.u32 $0xFFFFFFF0, v45  }
0x162: {  	v3 =	vor.u32 v3, v4  }
0x163: {  	v4 =	vperm.xlane v3, v0;
	_ =	sdelay $0x1  }
0x164: {  	v3 =	vperm.xlane v3, v2;
	v4 =	vadd.s32 v1, v4;
	_ =	sdelay $0x1  }
0x165: {  	v3 =	vadd.s32 v1, v3;
	_ =	sdelay $0x1  }
0x166: {  	s20 =	simm.s32 $0xD300  }
0x167: {  	[tilespmem:s20], [sflag:$0x2] =	stream.indirect_vreg.gather [hbm4b:s4+s2], $0x80, v4, vm0, $0xb8;
	[tilespmem:$0x10300] =	vst v63  }
0x168: {  	s20 =	simm.s32 $0xDB00  }
0x169: {  	[tilespmem:s20], [sflag:$0x2] =	stream.indirect_vreg.gather [hbm4b:s4+s2], $0x80, v3, vm0, $0xb8;
	[tilespmem:$0x10300] =	vst v63  }
0x16a: {  	v3 =	vld [tilespmem:$0x1E0];
	_ =	sdelay $0x4  }
0x16b: {  	v46 =	vshll.u32 v3, $0x1  }
0x16c: {  	v3 =	vand.u32 $0x7, v3;
	v4 =	vand.u32 $0xFFFFFFF0, v46  }
0x16d: {  	v3 =	vor.u32 v3, v4  }
0x16e: {  	v4 =	vperm.xlane v3, v0;
	_ =	sdelay $0x1  }
0x16f: {  	v3 =	vperm.xlane v3, v2;
	v4 =	vadd.s32 v1, v4;
	_ =	sdelay $0x1  }
0x170: {  	v3 =	vadd.s32 v1, v3;
	_ =	sdelay $0x1  }
0x171: {  	s20 =	simm.s32 $0xE300  }
0x172: {  	[tilespmem:s20], [sflag:$0x2] =	stream.indirect_vreg.gather [hbm4b:s4+s2], $0x80, v4, vm0, $0xb8;
	[tilespmem:$0x10300] =	vst v63  }
0x173: {  	s20 =	simm.s32 $0xEB00  }
0x174: {  	[tilespmem:s20], [sflag:$0x2] =	stream.indirect_vreg.gather [hbm4b:s4+s2], $0x80, v3, vm0, $0xb8;
	[tilespmem:$0x10300] =	vst v63  }
0x175: {  	v3 =	vld [tilespmem:$0x1F0];
	_ =	sdelay $0x4  }
0x176: {  	v47 =	vshll.u32 v3, $0x1  }
0x177: {  	v3 =	vand.u32 $0x7, v3;
	v4 =	vand.u32 $0xFFFFFFF0, v47  }
0x178: {  	v3 =	vor.u32 v3, v4  }
0x179: {  	v4 =	vperm.xlane v3, v0;
	_ =	sdelay $0x1  }
0x17a: {  	v3 =	vperm.xlane v3, v2;
	v4 =	vadd.s32 v1, v4;
	_ =	sdelay $0x1  }
0x17b: {  	v3 =	vadd.s32 v1, v3;
	_ =	sdelay $0x1  }
0x17c: {  	s20 =	simm.s32 $0xF300  }
0x17d: {  	[tilespmem:s20], [sflag:$0x2] =	stream.indirect_vreg.gather [hbm4b:s4+s2], $0x80, v4, vm0, $0xb8;
	[tilespmem:$0x10300] =	vst v63  }
0x17e: {  	s20 =	simm.s32 $0xFB00  }
0x17f: {  	[tilespmem:s20], [sflag:$0x2] =	stream.indirect_vreg.gather [hbm4b:s4+s2], $0x80, v3, vm0, $0xb8;
	[tilespmem:$0x10300] =	vst v63  }
0x180: {  	_ =	swait.ge [sflag:s16], $0x8000  }
0x181: {  	[sflag:s16] =	ssyncset.done $0x0  }
0x182: {  	s20 =	rddreg [dreg:$0x7];
	[sflag:s16] =	ssyncadd.s32 $0xFFFF8000  }
0x183: {  	[hbm4b:s20+s2] =	stream.linear.scatter [tilespmem:s24], [sflag:$0x3], $0x8000, $0x38;
	[tilespmem:$0x10300] =	vst v63  }
0x184: {  	_ =	swait.ge [sflag:s17], $0x8000  }
0x185: {  	[sflag:s17] =	ssyncset.done $0x0  }
0x186: {  	[sflag:s17] =	ssyncadd.s32 $0xFFFF8000  }
0x187: {  	v3 =	vld [tilespmem:$0x200];
	_ =	sdelay $0x4  }
0x188: {  	v48 =	vshll.u32 v3, $0x1  }
0x189: {  	v3 =	vand.u32 $0x7, v3;
	v4 =	vand.u32 $0xFFFFFFF0, v48  }
0x18a: {  	v3 =	vor.u32 v3, v4  }
0x18b: {  	v4 =	vperm.xlane v3, v0;
	_ =	sdelay $0x1  }
0x18c: {  	v3 =	vperm.xlane v3, v2;
	v4 =	vadd.s32 v1, v4;
	_ =	sdelay $0x1  }
0x18d: {  	v3 =	vadd.s32 v1, v3;
	_ =	sdelay $0x2  }
0x18e: {  	[tilespmem:s24], [sflag:$0x1] =	stream.indirect_vreg.gather [hbm4b:s5+s2], $0x80, v4, vm0, $0xb8;
	[tilespmem:$0x10300] =	vst v63  }
0x18f: {  	_ = 	snop  }
0x190: {  	[tilespmem:s21], [sflag:$0x1] =	stream.indirect_vreg.gather [hbm4b:s5+s2], $0x80, v3, vm0, $0xb8;
	[tilespmem:$0x10300] =	vst v63  }
0x191: {  	v3 =	vld [tilespmem:$0x210];
	_ =	sdelay $0x4  }
0x192: {  	v49 =	vshll.u32 v3, $0x1  }
0x193: {  	v3 =	vand.u32 $0x7, v3;
	v4 =	vand.u32 $0xFFFFFFF0, v49  }
0x194: {  	v3 =	vor.u32 v3, v4  }
0x195: {  	v4 =	vperm.xlane v3, v0;
	_ =	sdelay $0x1  }
0x196: {  	v3 =	vperm.xlane v3, v2;
	v4 =	vadd.s32 v1, v4;
	_ =	sdelay $0x1  }
0x197: {  	v3 =	vadd.s32 v1, v3;
	_ =	sdelay $0x2  }
0x198: {  	[tilespmem:s22], [sflag:$0x1] =	stream.indirect_vreg.gather [hbm4b:s5+s2], $0x80, v4, vm0, $0xb8;
	[tilespmem:$0x10300] =	vst v63  }
0x199: {  	_ = 	snop  }
0x19a: {  	[tilespmem:s23], [sflag:$0x1] =	stream.indirect_vreg.gather [hbm4b:s5+s2], $0x80, v3, vm0, $0xb8;
	[tilespmem:$0x10300] =	vst v63  }
0x19b: {  	v3 =	vld [tilespmem:$0x220];
	_ =	sdelay $0x4  }
0x19c: {  	v50 =	vshll.u32 v3, $0x1  }
0x19d: {  	v3 =	vand.u32 $0x7, v3;
	v4 =	vand.u32 $0xFFFFFFF0, v50  }
0x19e: {  	v3 =	vor.u32 v3, v4  }
0x19f: {  	v4 =	vperm.xlane v3, v0;
	_ =	sdelay $0x1  }
0x1a0: {  	v3 =	vperm.xlane v3, v2;
	v4 =	vadd.s32 v1, v4;
	_ =	sdelay $0x1  }
0x1a1: {  	v3 =	vadd.s32 v1, v3;
	_ =	sdelay $0x2  }
0x1a2: {  	[tilespmem:s25], [sflag:$0x1] =	stream.indirect_vreg.gather [hbm4b:s5+s2], $0x80, v4, vm0, $0xb8;
	[tilespmem:$0x10300] =	vst v63  }
0x1a3: {  	_ = 	snop  }
0x1a4: {  	[tilespmem:s26], [sflag:$0x1] =	stream.indirect_vreg.gather [hbm4b:s5+s2], $0x80, v3, vm0, $0xb8;
	[tilespmem:$0x10300] =	vst v63  }
0x1a5: {  	v3 =	vld [tilespmem:$0x230];
	_ =	sdelay $0x4  }
0x1a6: {  	v51 =	vshll.u32 v3, $0x1  }
0x1a7: {  	v3 =	vand.u32 $0x7, v3;
	v4 =	vand.u32 $0xFFFFFFF0, v51  }
0x1a8: {  	v3 =	vor.u32 v3, v4  }
0x1a9: {  	v4 =	vperm.xlane v3, v0;
	_ =	sdelay $0x1  }
0x1aa: {  	v3 =	vperm.xlane v3, v2;
	v4 =	vadd.s32 v1, v4;
	_ =	sdelay $0x1  }
0x1ab: {  	v3 =	vadd.s32 v1, v3;
	_ =	sdelay $0x2  }
0x1ac: {  	[tilespmem:s28], [sflag:$0x1] =	stream.indirect_vreg.gather [hbm4b:s5+s2], $0x80, v4, vm0, $0xb8;
	[tilespmem:$0x10300] =	vst v63  }
0x1ad: {  	_ = 	snop  }
0x1ae: {  	[tilespmem:s29], [sflag:$0x1] =	stream.indirect_vreg.gather [hbm4b:s5+s2], $0x80, v3, vm0, $0xb8;
	[tilespmem:$0x10300] =	vst v63  }
0x1af: {  	v3 =	vld [tilespmem:$0x240];
	_ =	sdelay $0x4  }
0x1b0: {  	v52 =	vshll.u32 v3, $0x1  }
0x1b1: {  	v3 =	vand.u32 $0x7, v3;
	v4 =	vand.u32 $0xFFFFFFF0, v52  }
0x1b2: {  	v3 =	vor.u32 v3, v4  }
0x1b3: {  	v4 =	vperm.xlane v3, v0;
	_ =	sdelay $0x1  }
0x1b4: {  	v3 =	vperm.xlane v3, v2;
	v4 =	vadd.s32 v1, v4;
	_ =	sdelay $0x1  }
0x1b5: {  	v3 =	vadd.s32 v1, v3;
	_ =	sdelay $0x2  }
0x1b6: {  	[tilespmem:s30], [sflag:$0x1] =	stream.indirect_vreg.gather [hbm4b:s5+s2], $0x80, v4, vm0, $0xb8;
	[tilespmem:$0x10300] =	vst v63  }
0x1b7: {  	_ = 	snop  }
0x1b8: {  	[tilespmem:s31], [sflag:$0x1] =	stream.indirect_vreg.gather [hbm4b:s5+s2], $0x80, v3, vm0, $0xb8;
	[tilespmem:$0x10300] =	vst v63  }
0x1b9: {  	v3 =	vld [tilespmem:$0x250];
	_ =	sdelay $0x4  }
0x1ba: {  	v53 =	vshll.u32 v3, $0x1  }
0x1bb: {  	v3 =	vand.u32 $0x7, v3;
	v4 =	vand.u32 $0xFFFFFFF0, v53  }
0x1bc: {  	v3 =	vor.u32 v3, v4  }
0x1bd: {  	v4 =	vperm.xlane v3, v0;
	_ =	sdelay $0x1  }
0x1be: {  	v3 =	vperm.xlane v3, v2;
	v4 =	vadd.s32 v1, v4;
	_ =	sdelay $0x1  }
0x1bf: {  	v3 =	vadd.s32 v1, v3;
	_ =	sdelay $0x2  }
0x1c0: {  	[tilespmem:s1], [sflag:$0x1] =	stream.indirect_vreg.gather [hbm4b:s5+s2], $0x80, v4, vm0, $0xb8;
	[tilespmem:$0x10300] =	vst v63  }
0x1c1: {  	_ = 	snop  }
0x1c2: {  	[tilespmem:s8], [sflag:$0x1] =	stream.indirect_vreg.gather [hbm4b:s5+s2], $0x80, v3, vm0, $0xb8;
	[tilespmem:$0x10300] =	vst v63  }
0x1c3: {  	v3 =	vld [tilespmem:$0x260];
	_ =	sdelay $0x4  }
0x1c4: {  	v54 =	vshll.u32 v3, $0x1  }
0x1c5: {  	v3 =	vand.u32 $0x7, v3;
	v4 =	vand.u32 $0xFFFFFFF0, v54  }
0x1c6: {  	v3 =	vor.u32 v3, v4  }
0x1c7: {  	v4 =	vperm.xlane v3, v0;
	_ =	sdelay $0x1  }
0x1c8: {  	v3 =	vperm.xlane v3, v2;
	v4 =	vadd.s32 v1, v4;
	_ =	sdelay $0x1  }
0x1c9: {  	v3 =	vadd.s32 v1, v3;
	_ =	sdelay $0x2  }
0x1ca: {  	[tilespmem:s9], [sflag:$0x1] =	stream.indirect_vreg.gather [hbm4b:s5+s2], $0x80, v4, vm0, $0xb8;
	[tilespmem:$0x10300] =	vst v63  }
0x1cb: {  	_ = 	snop  }
0x1cc: {  	[tilespmem:s10], [sflag:$0x1] =	stream.indirect_vreg.gather [hbm4b:s5+s2], $0x80, v3, vm0, $0xb8;
	[tilespmem:$0x10300] =	vst v63  }
0x1cd: {  	v3 =	vld [tilespmem:$0x270];
	_ =	sdelay $0x4  }
0x1ce: {  	v55 =	vshll.u32 v3, $0x1  }
0x1cf: {  	v3 =	vand.u32 $0x7, v3;
	v4 =	vand.u32 $0xFFFFFFF0, v55  }
0x1d0: {  	v3 =	vor.u32 v3, v4  }
0x1d1: {  	v4 =	vperm.xlane v3, v0;
	_ =	sdelay $0x1  }
0x1d2: {  	v3 =	vperm.xlane v3, v2;
	v4 =	vadd.s32 v1, v4;
	_ =	sdelay $0x1  }
0x1d3: {  	v3 =	vadd.s32 v1, v3;
	_ =	sdelay $0x2  }
0x1d4: {  	[tilespmem:s11], [sflag:$0x1] =	stream.indirect_vreg.gather [hbm4b:s5+s2], $0x80, v4, vm0, $0xb8;
	[tilespmem:$0x10300] =	vst v63  }
0x1d5: {  	_ = 	snop  }
0x1d6: {  	[tilespmem:s12], [sflag:$0x1] =	stream.indirect_vreg.gather [hbm4b:s5+s2], $0x80, v3, vm0, $0xb8;
	[tilespmem:$0x10300] =	vst v63  }
0x1d7: {  	_ =	swait.ge [sflag:s18], $0x8000  }
0x1d8: {  	[sflag:s18] =	ssyncset.done $0x0  }
0x1d9: {  	s1 =	rddreg [dreg:$0x8];
	[sflag:s18] =	ssyncadd.s32 $0xFFFF8000  }
0x1da: {  	[hbm4b:s1+s2] =	stream.linear.scatter [tilespmem:s0], [sflag:$0x4], $0x8000, $0x38;
	[tilespmem:$0x10300] =	vst v63  }
0x1db: {  	_ =	swait.ge [sflag:s19], $0x8000  }
0x1dc: {  	[sflag:s19] =	ssyncset.done $0x0  }
0x1dd: {  	[sflag:s19] =	ssyncadd.s32 $0xFFFF8000  }
0x1de: {  	v3 =	vld [tilespmem:$0x280];
	_ =	sdelay $0x4  }
0x1df: {  	v56 =	vshll.u32 v3, $0x1  }
0x1e0: {  	v3 =	vand.u32 $0x7, v3;
	v4 =	vand.u32 $0xFFFFFFF0, v56  }
0x1e1: {  	v3 =	vor.u32 v3, v4  }
0x1e2: {  	v4 =	vperm.xlane v3, v0;
	_ =	sdelay $0x1  }
0x1e3: {  	v3 =	vperm.xlane v3, v2;
	v4 =	vadd.s32 v1, v4;
	_ =	sdelay $0x1  }
0x1e4: {  	v3 =	vadd.s32 v1, v3;
	_ =	sdelay $0x2  }
0x1e5: {  	[tilespmem:s0], [sflag:$0x2] =	stream.indirect_vreg.gather [hbm4b:s5+s2], $0x80, v4, vm0, $0xb8;
	[tilespmem:$0x10300] =	vst v63  }
0x1e6: {  	_ = 	snop  }
0x1e7: {  	[tilespmem:s13], [sflag:$0x2] =	stream.indirect_vreg.gather [hbm4b:s5+s2], $0x80, v3, vm0, $0xb8;
	[tilespmem:$0x10300] =	vst v63  }
0x1e8: {  	v3 =	vld [tilespmem:$0x290];
	_ =	sdelay $0x4  }
0x1e9: {  	v57 =	vshll.u32 v3, $0x1  }
0x1ea: {  	v3 =	vand.u32 $0x7, v3;
	v4 =	vand.u32 $0xFFFFFFF0, v57  }
0x1eb: {  	v3 =	vor.u32 v3, v4  }
0x1ec: {  	v4 =	vperm.xlane v3, v0;
	_ =	sdelay $0x1  }
0x1ed: {  	v3 =	vperm.xlane v3, v2;
	v4 =	vadd.s32 v1, v4;
	_ =	sdelay $0x1  }
0x1ee: {  	v3 =	vadd.s32 v1, v3;
	_ =	sdelay $0x2  }
0x1ef: {  	[tilespmem:s14], [sflag:$0x2] =	stream.indirect_vreg.gather [hbm4b:s5+s2], $0x80, v4, vm0, $0xb8;
	[tilespmem:$0x10300] =	vst v63  }
0x1f0: {  	_ = 	snop  }
0x1f1: {  	[tilespmem:s15], [sflag:$0x2] =	stream.indirect_vreg.gather [hbm4b:s5+s2], $0x80, v3, vm0, $0xb8;
	[tilespmem:$0x10300] =	vst v63  }
0x1f2: {  	v3 =	vld [tilespmem:$0x2A0];
	_ =	sdelay $0x4  }
0x1f3: {  	v58 =	vshll.u32 v3, $0x1  }
0x1f4: {  	v3 =	vand.u32 $0x7, v3;
	v4 =	vand.u32 $0xFFFFFFF0, v58  }
0x1f5: {  	v3 =	vor.u32 v3, v4  }
0x1f6: {  	v4 =	vperm.xlane v3, v0;
	_ =	sdelay $0x1  }
0x1f7: {  	v3 =	vperm.xlane v3, v2;
	v4 =	vadd.s32 v1, v4;
	_ =	sdelay $0x1  }
0x1f8: {  	v3 =	vadd.s32 v1, v3;
	_ =	sdelay $0x1  }
0x1f9: {  	s20 =	simm.s32 $0xA300  }
0x1fa: {  	[tilespmem:s20], [sflag:$0x2] =	stream.indirect_vreg.gather [hbm4b:s5+s2], $0x80, v4, vm0, $0xb8;
	[tilespmem:$0x10300] =	vst v63  }
0x1fb: {  	s21 =	simm.s32 $0xAB00  }
0x1fc: {  	[tilespmem:s21], [sflag:$0x2] =	stream.indirect_vreg.gather [hbm4b:s5+s2], $0x80, v3, vm0, $0xb8;
	[tilespmem:$0x10300] =	vst v63  }
0x1fd: {  	v3 =	vld [tilespmem:$0x2B0];
	_ =	sdelay $0x4  }
0x1fe: {  	v59 =	vshll.u32 v3, $0x1  }
0x1ff: {  	v3 =	vand.u32 $0x7, v3;
	v4 =	vand.u32 $0xFFFFFFF0, v59  }
0x200: {  	v3 =	vor.u32 v3, v4  }
0x201: {  	v4 =	vperm.xlane v3, v0;
	_ =	sdelay $0x1  }
0x202: {  	v3 =	vperm.xlane v3, v2;
	v4 =	vadd.s32 v1, v4;
	_ =	sdelay $0x1  }
0x203: {  	v3 =	vadd.s32 v1, v3;
	_ =	sdelay $0x1  }
0x204: {  	s20 =	simm.s32 $0xB300  }
0x205: {  	[tilespmem:s20], [sflag:$0x2] =	stream.indirect_vreg.gather [hbm4b:s5+s2], $0x80, v4, vm0, $0xb8;
	[tilespmem:$0x10300] =	vst v63  }
0x206: {  	s21 =	simm.s32 $0xBB00  }
0x207: {  	[tilespmem:s21], [sflag:$0x2] =	stream.indirect_vreg.gather [hbm4b:s5+s2], $0x80, v3, vm0, $0xb8;
	[tilespmem:$0x10300] =	vst v63  }
0x208: {  	v3 =	vld [tilespmem:$0x2C0];
	_ =	sdelay $0x4  }
0x209: {  	v60 =	vshll.u32 v3, $0x1  }
0x20a: {  	v3 =	vand.u32 $0x7, v3;
	v4 =	vand.u32 $0xFFFFFFF0, v60  }
0x20b: {  	v3 =	vor.u32 v3, v4  }
0x20c: {  	v4 =	vperm.xlane v3, v0;
	_ =	sdelay $0x1  }
0x20d: {  	v3 =	vperm.xlane v3, v2;
	v4 =	vadd.s32 v1, v4;
	_ =	sdelay $0x1  }
0x20e: {  	v3 =	vadd.s32 v1, v3;
	_ =	sdelay $0x1  }
0x20f: {  	s20 =	simm.s32 $0xC300  }
0x210: {  	[tilespmem:s20], [sflag:$0x2] =	stream.indirect_vreg.gather [hbm4b:s5+s2], $0x80, v4, vm0, $0xb8;
	[tilespmem:$0x10300] =	vst v63  }
0x211: {  	s21 =	simm.s32 $0xCB00  }
0x212: {  	[tilespmem:s21], [sflag:$0x2] =	stream.indirect_vreg.gather [hbm4b:s5+s2], $0x80, v3, vm0, $0xb8;
	[tilespmem:$0x10300] =	vst v63  }
0x213: {  	v3 =	vld [tilespmem:$0x2D0];
	_ =	sdelay $0x4  }
0x214: {  	v61 =	vshll.u32 v3, $0x1  }
0x215: {  	v3 =	vand.u32 $0x7, v3;
	v4 =	vand.u32 $0xFFFFFFF0, v61  }
0x216: {  	v3 =	vor.u32 v3, v4  }
0x217: {  	v4 =	vperm.xlane v3, v0;
	_ =	sdelay $0x1  }
0x218: {  	v3 =	vperm.xlane v3, v2;
	v4 =	vadd.s32 v1, v4;
	_ =	sdelay $0x1  }
0x219: {  	v3 =	vadd.s32 v1, v3;
	_ =	sdelay $0x1  }
0x21a: {  	s20 =	simm.s32 $0xD300  }
0x21b: {  	[tilespmem:s20], [sflag:$0x2] =	stream.indirect_vreg.gather [hbm4b:s5+s2], $0x80, v4, vm0, $0xb8;
	[tilespmem:$0x10300] =	vst v63  }
0x21c: {  	s21 =	simm.s32 $0xDB00  }
0x21d: {  	[tilespmem:s21], [sflag:$0x2] =	stream.indirect_vreg.gather [hbm4b:s5+s2], $0x80, v3, vm0, $0xb8;
	[tilespmem:$0x10300] =	vst v63  }
0x21e: {  	v3 =	vld [tilespmem:$0x2E0];
	_ =	sdelay $0x4  }
0x21f: {  	v62 =	vshll.u32 v3, $0x1  }
0x220: {  	v3 =	vand.u32 $0x7, v3;
	v4 =	vand.u32 $0xFFFFFFF0, v62  }
0x221: {  	v3 =	vor.u32 v3, v4  }
0x222: {  	v4 =	vperm.xlane v3, v0;
	_ =	sdelay $0x1  }
0x223: {  	v3 =	vperm.xlane v3, v2;
	v4 =	vadd.s32 v1, v4;
	_ =	sdelay $0x1  }
0x224: {  	v3 =	vadd.s32 v1, v3;
	_ =	sdelay $0x1  }
0x225: {  	s20 =	simm.s32 $0xE300  }
0x226: {  	[tilespmem:s20], [sflag:$0x2] =	stream.indirect_vreg.gather [hbm4b:s5+s2], $0x80, v4, vm0, $0xb8;
	[tilespmem:$0x10300] =	vst v63  }
0x227: {  	s21 =	simm.s32 $0xEB00  }
0x228: {  	[tilespmem:s21], [sflag:$0x2] =	stream.indirect_vreg.gather [hbm4b:s5+s2], $0x80, v3, vm0, $0xb8;
	[tilespmem:$0x10300] =	vst v63  }
0x229: {  	v3 =	vld [tilespmem:$0x2F0];
	_ =	sdelay $0x4  }
0x22a: {  	v63 =	vshll.u32 v3, $0x1  }
0x22b: {  	v3 =	vand.u32 $0x7, v3;
	v4 =	vand.u32 $0xFFFFFFF0, v63  }
0x22c: {  	v3 =	vor.u32 v3, v4  }
0x22d: {  	v4 =	vperm.xlane v3, v0;
	_ =	sdelay $0x1  }
0x22e: {  	v3 =	vperm.xlane v3, v2;
	v4 =	vadd.s32 v1, v4;
	_ =	sdelay $0x1  }
0x22f: {  	v3 =	vadd.s32 v1, v3;
	_ =	sdelay $0x1  }
0x230: {  	s20 =	simm.s32 $0xF300  }
0x231: {  	[tilespmem:s20], [sflag:$0x2] =	stream.indirect_vreg.gather [hbm4b:s5+s2], $0x80, v4, vm0, $0xb8;
	[tilespmem:$0x10300] =	vst v63  }
0x232: {  	s21 =	simm.s32 $0xFB00  }
0x233: {  	[tilespmem:s21], [sflag:$0x2] =	stream.indirect_vreg.gather [hbm4b:s5+s2], $0x80, v3, vm0, $0xb8;
	[tilespmem:$0x10300] =	vst v63  }
0x234: {  	_ =	swait.ge [sflag:s16], $0x8000  }
0x235: {  	[sflag:s16] =	ssyncset.done $0x0  }
0x236: {  	s1 =	rddreg [dreg:$0x9];
	[sflag:s16] =	ssyncadd.s32 $0xFFFF8000  }
0x237: {  	[hbm4b:s1+s2] =	stream.linear.scatter [tilespmem:s24], [sflag:$0x3], $0x8000, $0x38;
	[tilespmem:$0x10300] =	vst v63  }
0x238: {  	_ =	swait.ge [sflag:s18], $0x8000  }
0x239: {  	[sflag:s18] =	ssyncset.done $0x0  }
0x23a: {  	s21 =	rddreg [dreg:$0xa];
	[sflag:s18] =	ssyncadd.s32 $0xFFFF8000  }
0x23b: {  	[hbm4b:s21+s2] =	stream.linear.scatter [tilespmem:s0], [sflag:$0x4], $0x8000, $0x38;
	[tilespmem:$0x10300] =	vst v63  }
0x23c: {  	p0 =	sne.s32 s6, $0x1;
	_ =	swait.ge [sflag:s17], $0x8000  }
.Ltmp0:
0x23d: {  	[sflag:s17] =	ssyncset.done $0x0;
	(pc) =	sbr.rel @p0 .LBB2_1-.Ltmp0, $4  }
0x23e: {  	[sflag:s17] =	ssyncadd.s32 $0xFFFF8000  }
0x23f: {  	_ =	swait.ge [sflag:s19], $0x8000  }
0x240: {  	[sflag:s19] =	ssyncset.done $0x0  }
0x241: {  	s6 =	sadd.s32 $0xFFFFFFFF, s6;
	[sflag:s19] =	ssyncadd.s32 $0xFFFF8000  }
0x242: {  	_ =	sfence.sel $0x180000  }
0x243: {  	[bflag:$0x0] =	sbarrier.arrive $0xFFFF  }
0x244: {  	_ =	strace $0x90000050  }
0x245: {  	s0 =	stileid.u32;
	[bflag:$0x2] =	sbarrier.arrive $0xFFFF  }
0x246: {  	p0 =	sne.s32 s0, $0x0;
	s0 =	rddreg [dreg:$0x1]  }
0x247: {  	s0 =	sadd.s32 @!p0 $0x100000, s0  }
0x248: {  	[sflag:s0] =	ssyncadd.tile.s32 @!p0 $0x1;
	_ =	shalt  }
.Lfunc_end2:
_tile_overlayer_lowered:
.L_overlay_start_2:
0x249: {  	(tag) =	ssettag $0x2  }
0x24a: {  	s0 =	rddreg [dreg:$0x0];
	s2 =	stileid.u32  }
0x24b: {  	s1 =	rddreg [dreg:$0x1];
	p0 =	sne.s32 s2, $0x0  }
0x24c: {  	s3 =	rddreg [dreg:$0x2];
	[bflag:$0x3] =	sbarrier.arrive $0xFFFF;
	s2 =	simm.s32 @!p0 $0x1C05  }
0x24d: {  	[timem:s3], [sflag:s2] =	dma.local @!p0 [hbm:s0], s1  }
0x24e: {  	s0 =	simm.s32 @!p0 $0x5  }
0x24f: {  	_ =	swait.ge @!p0 [sflag:s0], s1  }
0x250: {  	s1 =	ssub.s32 @!p0 $0x0, s1;
	[sflag:s0] =	ssyncset.done @!p0 $0x0  }
0x251: {  	[sflag:s0] =	ssyncadd.s32 @!p0 s1  }
0x252: {  	[bflag:$0x3] =	sbarrier.arrive $0xFFFF  }
0x253: {  	_ =	shalt  }

</sc_bundles>
